<compile_context>
chip_gen: v7x
topology: tpu7x:2x2x1
jax: 0.10.2.dev20260603
libtpu: 0.0.44.dev20260713+nightly
codegen_flags: <defaults>
</compile_context>

<pallas_src>
import functools

import jax
import jax.numpy as jnp
from jax import lax
from jax.experimental import pallas as pl
from jax.experimental.pallas import tpu as pltpu
from jax.experimental.pallas import tpu_sc as plsc

_NC = 2
_NS = 16
_K = 125
_DW = 16
_NBUF = 5


def _make_agg(n, e, h):
    hh = h // _NC
    ept = e // _NS
    nchunk = ept // _K
    ngroup = nchunk // _NBUF
    assert ngroup * _NBUF == nchunk
    rpt = n // _NS
    mesh = plsc.VectorSubcoreMesh(core_axis_name="c", subcore_axis_name="s")

    scratch = [
        pltpu.VMEM((2, nchunk, _K), jnp.int32),
        pltpu.VMEM((_NBUF, _K, hh), jnp.float32),
        pltpu.VMEM_SHARED((n, hh), jnp.float32),
    ] + [pltpu.SemaphoreType.DMA] * (2 * _NBUF)

    @functools.partial(
        pl.kernel, mesh=mesh,
        out_type=jax.ShapeDtypeStruct((n, h), jnp.float32),
        scratch_types=tuple(scratch),
        compiler_params=pltpu.CompilerParams(use_tc_tiling_on_sc=False),
    )
    def agg(z_hbm, ei_hbm, out_hbm, sd, rows, acc_sh, *sems):
        semg = sems[:_NBUF]
        semsc = sems[_NBUF:]
        c = lax.axis_index("c")
        s = lax.axis_index("s")
        r0 = s * rpt
        zc = z_hbm.at[c]

        pltpu.sync_copy(ei_hbm.at[pl.ds(0, 2), s], sd)
        for b in range(_NBUF):
            pltpu.async_copy(zc.at[sd.at[0, b]], rows.at[b], semg[b])
        pltpu.sync_copy(zc.at[pl.ds(r0, rpt)], acc_sh.at[pl.ds(r0, rpt)])
        plsc.subcore_barrier()

        def group(g, carry):
            scats = []
            for b in range(_NBUF):
                ci = g * _NBUF + b
                pltpu.make_async_copy(
                    zc.at[sd.at[0, ci]], rows.at[b], semg[b]).wait()
                scats.append(pltpu.async_copy(
                    rows.at[b], acc_sh.at[sd.at[1, ci]], semsc[b], add=True))
            for b in range(_NBUF):
                scats[b].wait()
                cin = (g + 1) * _NBUF + b

                @pl.when(cin < nchunk)
                def _():
                    pltpu.async_copy(zc.at[sd.at[0, cin]], rows.at[b],
                                     semg[b])
            return carry

        lax.fori_loop(0, ngroup, group, 0)
        plsc.subcore_barrier()
        pltpu.sync_copy(acc_sh.at[pl.ds(r0, rpt)],
                        out_hbm.at[pl.ds(r0, rpt), pl.ds(c * hh, hh)])

    return agg


def _make_deg(n, e):
    ept = e // _NS
    nchunk = ept // _K
    nch = nchunk // _NC
    rpt = n // _NS
    mesh = plsc.VectorSubcoreMesh(core_axis_name="c", subcore_axis_name="s")

    scratch = [
        pltpu.VMEM((nch, _K), jnp.int32),
        pltpu.VMEM((_K, _DW), jnp.float32),
        pltpu.VMEM_SHARED((n, _DW), jnp.float32),
        pltpu.SemaphoreType.DMA,
    ]

    @functools.partial(
        pl.kernel, mesh=mesh,
        out_type=jax.ShapeDtypeStruct((_NC, n, _DW), jnp.float32),
        scratch_types=tuple(scratch),
        compiler_params=pltpu.CompilerParams(use_tc_tiling_on_sc=False),
    )
    def deg(ei_hbm, ones_hbm, half_hbm, out_hbm, didx, ones_v, deg_sh, sem):
        c = lax.axis_index("c")
        s = lax.axis_index("s")
        r0 = s * rpt

        pltpu.sync_copy(ei_hbm.at[1, s, pl.ds(c * nch, nch)], didx)
        pltpu.sync_copy(ones_hbm, ones_v)
        pltpu.sync_copy(half_hbm.at[pl.ds(r0, rpt)],
                        deg_sh.at[pl.ds(r0, rpt)])
        plsc.subcore_barrier()

        def fire(ci, carry):
            pltpu.async_copy(ones_v, deg_sh.at[didx.at[ci]], sem, add=True)
            return carry

        lax.fori_loop(0, nch, fire, 0)

        def drain(ci, carry):
            pltpu.make_async_copy(ones_v, deg_sh.at[didx.at[0]], sem).wait()
            return carry

        lax.fori_loop(0, nch, drain, 0)
        plsc.subcore_barrier()
        pltpu.sync_copy(deg_sh.at[pl.ds(r0, rpt)],
                        out_hbm.at[c, pl.ds(r0, rpt)])

    return deg


_BN = 2000


def _row_spec(d1, bn=_BN):
    return pl.BlockSpec((bn, d1), lambda i: (i, 0))


def _pair_spec(d1, bn=_BN):
    return pl.BlockSpec((_NC, bn, d1), lambda i: (0, i, 0))


def _full_spec(shape):
    nd = len(shape)
    return pl.BlockSpec(shape, lambda i: (0,) * nd)


def _wblk(h, j):
    return pl.BlockSpec((h, h), lambda i, j=j: (j, 0))


def _split_pair(zn_ref, zn, h):
    hh = h // _NC
    zn_ref[0] = zn[:, :hh]
    zn_ref[1] = zn[:, hh:]


def _stage_a(n, d, h):
    def body(x_ref, inw, inb, c0w, tx_ref, z0_ref):
        tx = jnp.maximum(
            jnp.dot(x_ref[...], inw[...],
                    preferred_element_type=jnp.float32) + inb[...], 0.0)
        tx_ref[...] = tx
        z0 = jnp.dot(tx, c0w[...], preferred_element_type=jnp.float32)
        _split_pair(z0_ref, z0, h)

    return pl.pallas_call(
        body,
        grid=(n // _BN,),
        in_specs=[_row_spec(d), _full_spec((d, h)), _full_spec((h,)),
                  _full_spec((h, h))],
        out_specs=[_row_spec(h), _pair_spec(h // _NC)],
        out_shape=[jax.ShapeDtypeStruct((n, h), jnp.float32),
                   jax.ShapeDtypeStruct((_NC, n, h // _NC), jnp.float32)],
    )


def _stage_mid(n, h, first):
    def body(p_ref, d_ref, hp_ref, tx_ref, cb, cmWa, cmWb, cmWc,
             cmb, cnWa, cnWb, h_ref, zn_ref):
        invd = 1.0 / (d_ref[0, :, 0:1] + d_ref[1, :, 0:1])
        a = p_ref[...] * invd + cb[...]
        acc = jnp.dot(hp_ref[...], cmWa[...], preferred_element_type=jnp.float32)
        if not first:
            acc = acc + jnp.dot(tx_ref[...], cmWb[...],
                                preferred_element_type=jnp.float32)
        hcur = jnp.tanh(acc + jnp.dot(a, cmWc[...],
                                      preferred_element_type=jnp.float32)
                        + cmb[...])
        h_ref[...] = hcur
        zn = (jnp.dot(hcur, cnWa[...], preferred_element_type=jnp.float32)
              + jnp.dot(tx_ref[...], cnWb[...],
                        preferred_element_type=jnp.float32))
        _split_pair(zn_ref, zn, h)

    nw_c = 2 if first else 3
    return pl.pallas_call(
        body,
        grid=(n // _BN,),
        in_specs=[_row_spec(h), _pair_spec(_DW), _row_spec(h),
                  _row_spec(h), _full_spec((h,)), _wblk(h, 0),
                  _wblk(h, 1 if not first else 0), _wblk(h, nw_c - 1),
                  _full_spec((h,)), _wblk(h, 0), _wblk(h, 1)],
        out_specs=[_row_spec(h), _pair_spec(h // _NC)],
        out_shape=[jax.ShapeDtypeStruct((n, h), jnp.float32),
                   jax.ShapeDtypeStruct((_NC, n, h // _NC), jnp.float32)],
    )


def _stage_last(n, h, c):
    def body(p_ref, d_ref, hp_ref, tx_ref, cb, cmWa, cmWb, cmWc,
             cmb, clfw, clfb, h_ref, y_ref):
        invd = 1.0 / (d_ref[0, :, 0:1] + d_ref[1, :, 0:1])
        a = p_ref[...] * invd + cb[...]
        hcur = jnp.tanh(
            jnp.dot(hp_ref[...], cmWa[...], preferred_element_type=jnp.float32)
            + jnp.dot(tx_ref[...], cmWb[...], preferred_element_type=jnp.float32)
            + jnp.dot(a, cmWc[...], preferred_element_type=jnp.float32)
            + cmb[...])
        h_ref[...] = hcur
        y_ref[...] = jnp.dot(hcur, clfw[...],
                             preferred_element_type=jnp.float32) + clfb[...]

    return pl.pallas_call(
        body,
        grid=(n // _BN,),
        in_specs=[_row_spec(h), _pair_spec(_DW), _row_spec(h),
                  _row_spec(h), _full_spec((h,)), _wblk(h, 0),
                  _wblk(h, 1), _wblk(h, 2), _full_spec((h,)),
                  _full_spec((h, c)), _full_spec((c,))],
        out_specs=[_row_spec(h), _row_spec(c)],
        out_shape=[jax.ShapeDtypeStruct((n, h), jnp.float32),
                   jax.ShapeDtypeStruct((n, c), jnp.float32)],
    )


def kernel(x, edge_index, in_W, in_b, conv0_W, conv0_b, conv1_W, conv1_b,
           conv2_W, conv2_b, comb0_W, comb0_b, comb1_W, comb1_b,
           comb2_W, comb2_b, clf_W, clf_b):
    n, d = x.shape
    e = edge_index.shape[1]
    h = in_W.shape[1]
    c = clf_W.shape[1]
    assert e % (_NS * _K) == 0 and n % _NS == 0 and n % _BN == 0
    assert (e // _NS // _K) % (_NBUF * _NC) == 0 and h % _NC == 0

    ei = edge_index.reshape(2, _NS, -1, _K)
    ones = jnp.ones((_K, _DW), jnp.float32)
    half = jnp.full((n, _DW), 0.5, jnp.float32)

    agg = _make_agg(n, e, h)

    deg = _make_deg(n, e)(ei, ones, half)
    tx, z0 = _stage_a(n, d, h)(x, in_W, in_b, conv0_W)
    p0 = agg(z0, ei)
    h0, z1 = _stage_mid(n, h, first=True)(
        p0, deg, tx, tx, conv0_b,
        comb0_W, comb0_W, comb0_W, comb0_b,
        conv1_W, conv1_W)
    p1 = agg(z1, ei)
    h1, z2 = _stage_mid(n, h, first=False)(
        p1, deg, h0, tx, conv1_b,
        comb1_W, comb1_W, comb1_W, comb1_b,
        conv2_W, conv2_W)
    p2 = agg(z2, ei)
    h2, y = _stage_last(n, h, c)(
        p2, deg, h1, tx, conv2_b,
        comb2_W, comb2_W, comb2_W, comb2_b,
        clf_W, clf_b)
    return (h0, h1, h2, y)

# --- scband reference (transcript-rebuilt; emitter-appended) ---
"""Pipeline reference for scband-base-dgn-12670153523831 (READ-ONLY COPY).

The authoritative reference and input builder live on the scoring server;
editing this copy changes nothing except your own understanding.
"""

import jax, jax.numpy as jnp
import numpy as np

N = 10000
E = 320000
D = 128
H = 128
C = 40


def setup_inputs(seed: int = 0) -> dict:
    key = jax.random.key(seed)
    ks = jax.random.split(key, 12)

    def lin(k, i, o):
        return (jax.random.normal(k, (i, o), jnp.float32) * (1.0 / np.sqrt(i))).astype(jnp.float32)

    return {
        "x": jax.random.normal(ks[0], (N, D), jnp.float32),
        "edge_index": jax.random.randint(ks[1], (2, E), 0, N, dtype=jnp.int64 if jax.config.jax_enable_x64 else jnp.int32).astype(jnp.int32),
        "in_W": lin(ks[2], D, H), "in_b": jnp.zeros((H,), jnp.float32),
        "conv0_W": lin(ks[3], H, H), "conv0_b": jnp.zeros((H,), jnp.float32),
        "conv1_W": lin(ks[4], 2 * H, H), "conv1_b": jnp.zeros((H,), jnp.float32),
        "conv2_W": lin(ks[5], 2 * H, H), "conv2_b": jnp.zeros((H,), jnp.float32),
        "comb0_W": lin(ks[6], 2 * H, H), "comb0_b": jnp.zeros((H,), jnp.float32),
        "comb1_W": lin(ks[7], 3 * H, H), "comb1_b": jnp.zeros((H,), jnp.float32),
        "comb2_W": lin(ks[8], 3 * H, H), "comb2_b": jnp.zeros((H,), jnp.float32),
        "clf_W": lin(ks[9], H, C), "clf_b": jnp.zeros((C,), jnp.float32),
    }


def _conv(x, src, dst, W, b, n):
    # mean-aggregation graph conv with self loops already appended to src/dst
    msg = jnp.take(x, src, axis=0)
    agg = jnp.zeros((n, x.shape[1]), x.dtype).at[dst].add(msg)
    deg = jnp.zeros((n,), x.dtype).at[dst].add(1.0)
    mean = agg / jnp.clip(deg, 1.0)[:, None]
    return mean @ W + b


def reference(x, edge_index, in_W, in_b, conv0_W, conv0_b, conv1_W, conv1_b,
              conv2_W, conv2_b, comb0_W, comb0_b, comb1_W, comb1_b,
              comb2_W, comb2_b, clf_W, clf_b):
    n = x.shape[0]
    loops = jnp.arange(n, dtype=edge_index.dtype)
    src = jnp.concatenate([edge_index[0], loops])
    dst = jnp.concatenate([edge_index[1], loops])

    # input dropout is identity (p_input_dropout=0.0, eval mode)
    tx = jax.nn.relu(x @ in_W + in_b)
    layer_input = tx
    convs = [(conv0_W, conv0_b), (conv1_W, conv1_b), (conv2_W, conv2_b)]
    combs = [(comb0_W, comb0_b), (comb1_W, comb1_b), (comb2_W, comb2_b)]
    h_list = []
    for i in range(3):
        if i > 0:
            # skip_connections: concat with transformed input
            layer_input = jnp.concatenate([layer_input, tx], axis=1)
        layer_output = _conv(layer_input, src, dst, convs[i][0], convs[i][1], n)
        # concat_ego_neigh_embs combination module
        layer_output = jnp.concatenate([layer_input, layer_output], axis=1) @ combs[i][0] + combs[i][1]
        layer_output = jnp.tanh(layer_output)
        # dropout identity (p_dropout=0.0, eval mode)
        h_list.append(layer_output)
        layer_input = layer_output
    y_pred = h_list[-1] @ clf_W + clf_b
    return (h_list[0], h_list[1], h_list[2], y_pred)

if __name__ == "__main__":
    import jax
    _d = setup_inputs()
    print(jax.jit(kernel)(*tuple(_d.values())))

</pallas_src>

<mosaic_0001>
#map = affine_map<(d0, d1) -> (0, 0, 0, 0)>
#map1 = affine_map<(d0, d1) -> (0, 0)>
#map2 = affine_map<(d0, d1) -> (0, 0, 0)>
module attributes {stable_mosaic.version = 14 : i64} {
  func.func @deg(%arg0: i32, %arg1: i32, %arg2: memref<2x16x160x125xi32, #tpu.memory_space<hbm>>, %arg3: memref<125x16xf32, #tpu.memory_space<hbm>>, %arg4: memref<10000x16xf32, #tpu.memory_space<hbm>>, %arg5: memref<2x10000x16xf32, #tpu.memory_space<hbm>>, %arg6: memref<80x125xi32, #tpu.memory_space<vmem>>, %arg7: memref<125x16xf32, #tpu.memory_space<vmem>>, %arg8: memref<10000x16xf32, #tpu.memory_space<vmem_shared>>, %arg9: memref<!tpu.dma_semaphore, #tpu.memory_space<semaphore_mem>>) attributes {dimension_semantics = [#tpu.dimension_semantics<core_parallel>, #tpu.dimension_semantics<subcore_parallel>], iteration_bounds = array<i64: 2, 16>, scalar_prefetch = 0 : i64, scratch_operands = 4 : i64, tpu.core_type = #tpu.core_type<sc_vector_subcore>, window_params = [{transform_indices = #map}, {transform_indices = #map1}, {transform_indices = #map1}, {transform_indices = #map2}]} {
    %mul3A = arith.constant 625 : i32
    %mul3A_0 = arith.muli %arg1, %mul3A : i32
    %mul3A_1 = arith.constant 80 : i32
    %mul3A_2 = arith.muli %arg0, %mul3A_1 : i32
    %run_scoped3A = arith.constant 1 : i32
    "tpu.region"() ({
      %run_scoped3A_15 = tpu.sem_alloc : memref<!tpu.dma_semaphore, #tpu.memory_space<semaphore_mem>>
      %dma_start3A = arith.constant 0 : i32
      %dma_start3A_16 = tpu.memref_slice %arg2[%run_scoped3A, %arg1, %mul3A_2, %dma_start3A] : memref<2x16x160x125xi32, #tpu.memory_space<hbm>> -> memref<1x1x80x125xi32, #tpu.memory_space<hbm>>
      %dma_start3A_17 = tpu.memref_squeeze %dma_start3A_16 : memref<1x1x80x125xi32, #tpu.memory_space<hbm>> -> memref<80x125xi32, #tpu.memory_space<hbm>>
      %dma_start3A_18 = arith.constant 0 : i32
      %dma_start3A_19 = tpu.memref_slice %arg2[%run_scoped3A, %arg1, %mul3A_2, %dma_start3A_18] : memref<2x16x160x125xi32, #tpu.memory_space<hbm>> -> memref<1x1x80x125xi32, #tpu.memory_space<hbm>>
      %dma_start3A_20 = tpu.memref_squeeze %dma_start3A_19 : memref<1x1x80x125xi32, #tpu.memory_space<hbm>> -> memref<80x125xi32, #tpu.memory_space<hbm>>
      tpu.enqueue_dma source(%dma_start3A_20 : memref<80x125xi32, #tpu.memory_space<hbm>>) target(%arg6 : memref<80x125xi32, #tpu.memory_space<vmem>>) target_semaphore(%run_scoped3A_15 : memref<!tpu.dma_semaphore, #tpu.memory_space<semaphore_mem>>)
      %dma_wait3A = arith.constant 0 : i32
      %dma_wait3A_21 = tpu.memref_slice %arg2[%run_scoped3A, %arg1, %mul3A_2, %dma_wait3A] : memref<2x16x160x125xi32, #tpu.memory_space<hbm>> -> memref<1x1x80x125xi32, #tpu.memory_space<hbm>>
      %dma_wait3A_22 = tpu.memref_squeeze %dma_wait3A_21 : memref<1x1x80x125xi32, #tpu.memory_space<hbm>> -> memref<80x125xi32, #tpu.memory_space<hbm>>
      %dma_wait3A_23 = arith.constant 0 : i32
      %dma_wait3A_24 = tpu.memref_slice %arg2[%run_scoped3A, %arg1, %mul3A_2, %dma_wait3A_23] : memref<2x16x160x125xi32, #tpu.memory_space<hbm>> -> memref<1x1x80x125xi32, #tpu.memory_space<hbm>>
      %dma_wait3A_25 = tpu.memref_squeeze %dma_wait3A_24 : memref<1x1x80x125xi32, #tpu.memory_space<hbm>> -> memref<80x125xi32, #tpu.memory_space<hbm>>
      tpu.wait_dma2 semaphore(%run_scoped3A_15 : memref<!tpu.dma_semaphore, #tpu.memory_space<semaphore_mem>>) src(%dma_wait3A_25 : memref<80x125xi32, #tpu.memory_space<hbm>>) dst(%arg6 : memref<80x125xi32, #tpu.memory_space<vmem>>)
      tpu.yield
    }) : () -> ()
    "tpu.region"() ({
      %run_scoped3A_15 = tpu.sem_alloc : memref<!tpu.dma_semaphore, #tpu.memory_space<semaphore_mem>>
      tpu.enqueue_dma source(%arg3 : memref<125x16xf32, #tpu.memory_space<hbm>>) target(%arg7 : memref<125x16xf32, #tpu.memory_space<vmem>>) target_semaphore(%run_scoped3A_15 : memref<!tpu.dma_semaphore, #tpu.memory_space<semaphore_mem>>)
      tpu.wait_dma2 semaphore(%run_scoped3A_15 : memref<!tpu.dma_semaphore, #tpu.memory_space<semaphore_mem>>) src(%arg3 : memref<125x16xf32, #tpu.memory_space<hbm>>) dst(%arg7 : memref<125x16xf32, #tpu.memory_space<vmem>>)
      tpu.yield
    }) : () -> ()
    "tpu.region"() ({
      %run_scoped3A_15 = tpu.sem_alloc : memref<!tpu.dma_semaphore, #tpu.memory_space<semaphore_mem>>
      %dma_start3A = arith.constant 0 : i32
      %dma_start3A_16 = tpu.memref_slice %arg8[%mul3A_0, %dma_start3A] : memref<10000x16xf32, #tpu.memory_space<vmem_shared>> -> memref<625x16xf32, #tpu.memory_space<vmem_shared>>
      %dma_start3A_17 = arith.constant 0 : i32
      %dma_start3A_18 = tpu.memref_slice %arg4[%mul3A_0, %dma_start3A_17] : memref<10000x16xf32, #tpu.memory_space<hbm>> -> memref<625x16xf32, #tpu.memory_space<hbm>>
      tpu.enqueue_dma source(%dma_start3A_18 : memref<625x16xf32, #tpu.memory_space<hbm>>) target(%dma_start3A_16 : memref<625x16xf32, #tpu.memory_space<vmem_shared>>) target_semaphore(%run_scoped3A_15 : memref<!tpu.dma_semaphore, #tpu.memory_space<semaphore_mem>>)
      %dma_wait3A = arith.constant 0 : i32
      %dma_wait3A_19 = tpu.memref_slice %arg8[%mul3A_0, %dma_wait3A] : memref<10000x16xf32, #tpu.memory_space<vmem_shared>> -> memref<625x16xf32, #tpu.memory_space<vmem_shared>>
      %dma_wait3A_20 = arith.constant 0 : i32
      %dma_wait3A_21 = tpu.memref_slice %arg4[%mul3A_0, %dma_wait3A_20] : memref<10000x16xf32, #tpu.memory_space<hbm>> -> memref<625x16xf32, #tpu.memory_space<hbm>>
      tpu.wait_dma2 semaphore(%run_scoped3A_15 : memref<!tpu.dma_semaphore, #tpu.memory_space<semaphore_mem>>) src(%dma_wait3A_21 : memref<625x16xf32, #tpu.memory_space<hbm>>) dst(%dma_wait3A_19 : memref<625x16xf32, #tpu.memory_space<vmem_shared>>)
      tpu.yield
    }) : () -> ()
    %barrier3A = arith.constant 0 : index
    tpu.barrier barrier_id(%barrier3A)
    %scan3A = arith.constant 0 : i32
    %scan3A_3 = arith.constant 0 : i32
    %scan3A_4 = arith.constant 80 : i32
    %scan3A_5 = arith.addi %scan3A_3, %scan3A_4 : i32
    %scan3A_6 = arith.constant 1 : i32
    scf.for %scan3A_15 = %scan3A_3 to %scan3A_5 step %scan3A_6  : i32 {
      %dma_start3A = arith.constant 0 : i32
      %dma_start3A_16 = tpu.memref_slice %arg6[%scan3A_15, %dma_start3A] : memref<80x125xi32, #tpu.memory_space<vmem>> -> memref<1x125xi32, #tpu.memory_space<vmem>>
      %dma_start3A_17 = tpu.memref_squeeze %dma_start3A_16 : memref<1x125xi32, #tpu.memory_space<vmem>> -> memref<125xi32, #tpu.memory_space<vmem>>
      %dma_start3A_18 = arith.constant 0 : i32
      %dma_start3A_19 = arith.constant 0 : i32
      %dma_start3A_20 = tpu.memref_slice %arg8[%dma_start3A_18, %dma_start3A_19] : memref<10000x16xf32, #tpu.memory_space<vmem_shared>> -> memref<10000x16xf32, #tpu.memory_space<vmem_shared>>
      tpu.enqueue_indirect_dma source(%arg7 : memref<125x16xf32, #tpu.memory_space<vmem>>) target(%dma_start3A_20 : memref<10000x16xf32, #tpu.memory_space<vmem_shared>>) offsets(%dma_start3A_17 : memref<125xi32, #tpu.memory_space<vmem>>) semaphore(%arg9 : memref<!tpu.dma_semaphore, #tpu.memory_space<semaphore_mem>>) {add = true}
    }
    %scan3A_7 = arith.constant 80 : i32
    %scan3A_8 = arith.constant 0 : i32
    %scan3A_9 = arith.constant 0 : i32
    %scan3A_10 = arith.constant 80 : i32
    %scan3A_11 = arith.addi %scan3A_9, %scan3A_10 : i32
    %scan3A_12 = arith.constant 1 : i32
    scf.for %scan3A_15 = %scan3A_9 to %scan3A_11 step %scan3A_12  : i32 {
      %dma_wait3A = arith.constant 0 : i32
      %dma_wait3A_16 = arith.constant 0 : i32
      %dma_wait3A_17 = tpu.memref_slice %arg6[%dma_wait3A, %dma_wait3A_16] : memref<80x125xi32, #tpu.memory_space<vmem>> -> memref<1x125xi32, #tpu.memory_space<vmem>>
      %dma_wait3A_18 = tpu.memref_squeeze %dma_wait3A_17 : memref<1x125xi32, #tpu.memory_space<vmem>> -> memref<125xi32, #tpu.memory_space<vmem>>
      %dma_wait3A_19 = arith.constant 0 : i32
      %dma_wait3A_20 = arith.constant 0 : i32
      %dma_wait3A_21 = tpu.memref_slice %arg8[%dma_wait3A_19, %dma_wait3A_20] : memref<10000x16xf32, #tpu.memory_space<vmem_shared>> -> memref<10000x16xf32, #tpu.memory_space<vmem_shared>>
      tpu.wait_indirect_dma semaphore(%arg9 : memref<!tpu.dma_semaphore, #tpu.memory_space<semaphore_mem>>) src(%arg7 : memref<125x16xf32, #tpu.memory_space<vmem>>) dst(%dma_wait3A_21 : memref<10000x16xf32, #tpu.memory_space<vmem_shared>>)
    }
    %scan3A_13 = arith.constant 80 : i32
    %barrier3A_14 = arith.constant 0 : index
    tpu.barrier barrier_id(%barrier3A_14)
    "tpu.region"() ({
      %run_scoped3A_15 = tpu.sem_alloc : memref<!tpu.dma_semaphore, #tpu.memory_space<semaphore_mem>>
      %dma_start3A = arith.constant 0 : i32
      %dma_start3A_16 = tpu.memref_slice %arg5[%arg0, %mul3A_0, %dma_start3A] : memref<2x10000x16xf32, #tpu.memory_space<hbm>> -> memref<1x625x16xf32, #tpu.memory_space<hbm>>
      %dma_start3A_17 = tpu.memref_squeeze %dma_start3A_16 : memref<1x625x16xf32, #tpu.memory_space<hbm>> -> memref<625x16xf32, #tpu.memory_space<hbm>>
      %dma_start3A_18 = arith.constant 0 : i32
      %dma_start3A_19 = tpu.memref_slice %arg8[%mul3A_0, %dma_start3A_18] : memref<10000x16xf32, #tpu.memory_space<vmem_shared>> -> memref<625x16xf32, #tpu.memory_space<vmem_shared>>
      tpu.enqueue_dma source(%dma_start3A_19 : memref<625x16xf32, #tpu.memory_space<vmem_shared>>) target(%dma_start3A_17 : memref<625x16xf32, #tpu.memory_space<hbm>>) target_semaphore(%run_scoped3A_15 : memref<!tpu.dma_semaphore, #tpu.memory_space<semaphore_mem>>)
      %dma_wait3A = arith.constant 0 : i32
      %dma_wait3A_20 = tpu.memref_slice %arg5[%arg0, %mul3A_0, %dma_wait3A] : memref<2x10000x16xf32, #tpu.memory_space<hbm>> -> memref<1x625x16xf32, #tpu.memory_space<hbm>>
      %dma_wait3A_21 = tpu.memref_squeeze %dma_wait3A_20 : memref<1x625x16xf32, #tpu.memory_space<hbm>> -> memref<625x16xf32, #tpu.memory_space<hbm>>
      %dma_wait3A_22 = arith.constant 0 : i32
      %dma_wait3A_23 = tpu.memref_slice %arg8[%mul3A_0, %dma_wait3A_22] : memref<10000x16xf32, #tpu.memory_space<vmem_shared>> -> memref<625x16xf32, #tpu.memory_space<vmem_shared>>
      tpu.wait_dma2 semaphore(%run_scoped3A_15 : memref<!tpu.dma_semaphore, #tpu.memory_space<semaphore_mem>>) src(%dma_wait3A_23 : memref<625x16xf32, #tpu.memory_space<vmem_shared>>) dst(%dma_wait3A_21 : memref<625x16xf32, #tpu.memory_space<hbm>>)
      tpu.yield
    }) : () -> ()
    return
  }
}

#map = affine_map<(d0, d1) -> (0, 0, 0)>
#map1 = affine_map<(d0, d1) -> (0, 0, 0, 0)>
#map2 = affine_map<(d0, d1) -> (0, 0)>
module attributes {stable_mosaic.version = 14 : i64} {
  func.func @agg(%arg0: i32, %arg1: i32, %arg2: memref<2x10000x64xf32, #tpu.memory_space<hbm>>, %arg3: memref<2x16x160x125xi32, #tpu.memory_space<hbm>>, %arg4: memref<10000x128xf32, #tpu.memory_space<hbm>>, %arg5: memref<2x160x125xi32, #tpu.memory_space<vmem>>, %arg6: memref<5x125x64xf32, #tpu.memory_space<vmem>>, %arg7: memref<10000x64xf32, #tpu.memory_space<vmem_shared>>, %arg8: memref<!tpu.dma_semaphore, #tpu.memory_space<semaphore_mem>>, %arg9: memref<!tpu.dma_semaphore, #tpu.memory_space<semaphore_mem>>, %arg10: memref<!tpu.dma_semaphore, #tpu.memory_space<semaphore_mem>>, %arg11: memref<!tpu.dma_semaphore, #tpu.memory_space<semaphore_mem>>, %arg12: memref<!tpu.dma_semaphore, #tpu.memory_space<semaphore_mem>>, %arg13: memref<!tpu.dma_semaphore, #tpu.memory_space<semaphore_mem>>, %arg14: memref<!tpu.dma_semaphore, #tpu.memory_space<semaphore_mem>>, %arg15: memref<!tpu.dma_semaphore, #tpu.memory_space<semaphore_mem>>, %arg16: memref<!tpu.dma_semaphore, #tpu.memory_space<semaphore_mem>>, %arg17: memref<!tpu.dma_semaphore, #tpu.memory_space<semaphore_mem>>) attributes {dimension_semantics = [#tpu.dimension_semantics<core_parallel>, #tpu.dimension_semantics<subcore_parallel>], iteration_bounds = array<i64: 2, 16>, scalar_prefetch = 0 : i64, scratch_operands = 13 : i64, tpu.core_type = #tpu.core_type<sc_vector_subcore>, window_params = [{transform_indices = #map}, {transform_indices = #map1}, {transform_indices = #map2}]} {
    %mul3A = arith.constant 625 : i32
    %mul3A_0 = arith.muli %arg1, %mul3A : i32
    "tpu.region"() ({
      %run_scoped3A = tpu.sem_alloc : memref<!tpu.dma_semaphore, #tpu.memory_space<semaphore_mem>>
      %dma_start3A_93 = arith.constant 0 : i32
      %dma_start3A_94 = arith.constant 0 : i32
      %dma_start3A_95 = arith.constant 0 : i32
      %dma_start3A_96 = tpu.memref_slice %arg3[%dma_start3A_93, %arg1, %dma_start3A_94, %dma_start3A_95] : memref<2x16x160x125xi32, #tpu.memory_space<hbm>> -> memref<2x1x160x125xi32, #tpu.memory_space<hbm>>
      %dma_start3A_97 = tpu.memref_squeeze %dma_start3A_96 : memref<2x1x160x125xi32, #tpu.memory_space<hbm>> -> memref<2x160x125xi32, #tpu.memory_space<hbm>>
      %dma_start3A_98 = arith.constant 0 : i32
      %dma_start3A_99 = arith.constant 0 : i32
      %dma_start3A_100 = arith.constant 0 : i32
      %dma_start3A_101 = tpu.memref_slice %arg3[%dma_start3A_98, %arg1, %dma_start3A_99, %dma_start3A_100] : memref<2x16x160x125xi32, #tpu.memory_space<hbm>> -> memref<2x1x160x125xi32, #tpu.memory_space<hbm>>
      %dma_start3A_102 = tpu.memref_squeeze %dma_start3A_101 : memref<2x1x160x125xi32, #tpu.memory_space<hbm>> -> memref<2x160x125xi32, #tpu.memory_space<hbm>>
      tpu.enqueue_dma source(%dma_start3A_102 : memref<2x160x125xi32, #tpu.memory_space<hbm>>) target(%arg5 : memref<2x160x125xi32, #tpu.memory_space<vmem>>) target_semaphore(%run_scoped3A : memref<!tpu.dma_semaphore, #tpu.memory_space<semaphore_mem>>)
      %dma_wait3A = arith.constant 0 : i32
      %dma_wait3A_103 = arith.constant 0 : i32
      %dma_wait3A_104 = arith.constant 0 : i32
      %dma_wait3A_105 = tpu.memref_slice %arg3[%dma_wait3A, %arg1, %dma_wait3A_103, %dma_wait3A_104] : memref<2x16x160x125xi32, #tpu.memory_space<hbm>> -> memref<2x1x160x125xi32, #tpu.memory_space<hbm>>
      %dma_wait3A_106 = tpu.memref_squeeze %dma_wait3A_105 : memref<2x1x160x125xi32, #tpu.memory_space<hbm>> -> memref<2x160x125xi32, #tpu.memory_space<hbm>>
      %dma_wait3A_107 = arith.constant 0 : i32
      %dma_wait3A_108 = arith.constant 0 : i32
      %dma_wait3A_109 = arith.constant 0 : i32
      %dma_wait3A_110 = tpu.memref_slice %arg3[%dma_wait3A_107, %arg1, %dma_wait3A_108, %dma_wait3A_109] : memref<2x16x160x125xi32, #tpu.memory_space<hbm>> -> memref<2x1x160x125xi32, #tpu.memory_space<hbm>>
      %dma_wait3A_111 = tpu.memref_squeeze %dma_wait3A_110 : memref<2x1x160x125xi32, #tpu.memory_space<hbm>> -> memref<2x160x125xi32, #tpu.memory_space<hbm>>
      tpu.wait_dma2 semaphore(%run_scoped3A : memref<!tpu.dma_semaphore, #tpu.memory_space<semaphore_mem>>) src(%dma_wait3A_111 : memref<2x160x125xi32, #tpu.memory_space<hbm>>) dst(%arg5 : memref<2x160x125xi32, #tpu.memory_space<vmem>>)
      tpu.yield
    }) : () -> ()
    %dma_start3A = arith.constant 0 : i32
    %dma_start3A_1 = arith.constant 0 : i32
    %dma_start3A_2 = arith.constant 0 : i32
    %dma_start3A_3 = arith.constant 0 : i32
    %dma_start3A_4 = arith.constant 0 : i32
    %dma_start3A_5 = tpu.memref_slice %arg6[%dma_start3A_2, %dma_start3A_3, %dma_start3A_4] : memref<5x125x64xf32, #tpu.memory_space<vmem>> -> memref<1x125x64xf32, #tpu.memory_space<vmem>>
    %dma_start3A_6 = tpu.memref_squeeze %dma_start3A_5 : memref<1x125x64xf32, #tpu.memory_space<vmem>> -> memref<125x64xf32, #tpu.memory_space<vmem>>
    %dma_start3A_7 = arith.constant 0 : i32
    %dma_start3A_8 = tpu.memref_slice %arg5[%dma_start3A, %dma_start3A_1, %dma_start3A_7] : memref<2x160x125xi32, #tpu.memory_space<vmem>> -> memref<1x1x125xi32, #tpu.memory_space<vmem>>
    %dma_start3A_9 = tpu.memref_squeeze %dma_start3A_8 : memref<1x1x125xi32, #tpu.memory_space<vmem>> -> memref<125xi32, #tpu.memory_space<vmem>>
    %dma_start3A_10 = arith.constant 0 : i32
    %dma_start3A_11 = arith.constant 0 : i32
    %dma_start3A_12 = tpu.memref_slice %arg2[%arg0, %dma_start3A_10, %dma_start3A_11] : memref<2x10000x64xf32, #tpu.memory_space<hbm>> -> memref<1x10000x64xf32, #tpu.memory_space<hbm>>
    %dma_start3A_13 = tpu.memref_squeeze %dma_start3A_12 : memref<1x10000x64xf32, #tpu.memory_space<hbm>> -> memref<10000x64xf32, #tpu.memory_space<hbm>>
    %dma_start3A_14 = arith.constant 0 : i32
    %dma_start3A_15 = arith.constant 0 : i32
    %dma_start3A_16 = tpu.memref_slice %dma_start3A_13[%dma_start3A_14, %dma_start3A_15] : memref<10000x64xf32, #tpu.memory_space<hbm>> -> memref<10000x64xf32, #tpu.memory_space<hbm>>
    tpu.enqueue_indirect_dma source(%dma_start3A_16 : memref<10000x64xf32, #tpu.memory_space<hbm>>) target(%dma_start3A_6 : memref<125x64xf32, #tpu.memory_space<vmem>>) offsets(%dma_start3A_9 : memref<125xi32, #tpu.memory_space<vmem>>) semaphore(%arg8 : memref<!tpu.dma_semaphore, #tpu.memory_space<semaphore_mem>>)
    %dma_start3A_17 = arith.constant 0 : i32
    %dma_start3A_18 = arith.constant 1 : i32
    %dma_start3A_19 = arith.constant 1 : i32
    %dma_start3A_20 = arith.constant 0 : i32
    %dma_start3A_21 = arith.constant 0 : i32
    %dma_start3A_22 = tpu.memref_slice %arg6[%dma_start3A_19, %dma_start3A_20, %dma_start3A_21] : memref<5x125x64xf32, #tpu.memory_space<vmem>> -> memref<1x125x64xf32, #tpu.memory_space<vmem>>
    %dma_start3A_23 = tpu.memref_squeeze %dma_start3A_22 : memref<1x125x64xf32, #tpu.memory_space<vmem>> -> memref<125x64xf32, #tpu.memory_space<vmem>>
    %dma_start3A_24 = arith.constant 0 : i32
    %dma_start3A_25 = tpu.memref_slice %arg5[%dma_start3A_17, %dma_start3A_18, %dma_start3A_24] : memref<2x160x125xi32, #tpu.memory_space<vmem>> -> memref<1x1x125xi32, #tpu.memory_space<vmem>>
    %dma_start3A_26 = tpu.memref_squeeze %dma_start3A_25 : memref<1x1x125xi32, #tpu.memory_space<vmem>> -> memref<125xi32, #tpu.memory_space<vmem>>
    %dma_start3A_27 = arith.constant 0 : i32
    %dma_start3A_28 = arith.constant 0 : i32
    %dma_start3A_29 = tpu.memref_slice %arg2[%arg0, %dma_start3A_27, %dma_start3A_28] : memref<2x10000x64xf32, #tpu.memory_space<hbm>> -> memref<1x10000x64xf32, #tpu.memory_space<hbm>>
    %dma_start3A_30 = tpu.memref_squeeze %dma_start3A_29 : memref<1x10000x64xf32, #tpu.memory_space<hbm>> -> memref<10000x64xf32, #tpu.memory_space<hbm>>
    %dma_start3A_31 = arith.constant 0 : i32
    %dma_start3A_32 = arith.constant 0 : i32
    %dma_start3A_33 = tpu.memref_slice %dma_start3A_30[%dma_start3A_31, %dma_start3A_32] : memref<10000x64xf32, #tpu.memory_space<hbm>> -> memref<10000x64xf32, #tpu.memory_space<hbm>>
    tpu.enqueue_indirect_dma source(%dma_start3A_33 : memref<10000x64xf32, #tpu.memory_space<hbm>>) target(%dma_start3A_23 : memref<125x64xf32, #tpu.memory_space<vmem>>) offsets(%dma_start3A_26 : memref<125xi32, #tpu.memory_space<vmem>>) semaphore(%arg9 : memref<!tpu.dma_semaphore, #tpu.memory_space<semaphore_mem>>)
    %dma_start3A_34 = arith.constant 0 : i32
    %dma_start3A_35 = arith.constant 2 : i32
    %dma_start3A_36 = arith.constant 2 : i32
    %dma_start3A_37 = arith.constant 0 : i32
    %dma_start3A_38 = arith.constant 0 : i32
    %dma_start3A_39 = tpu.memref_slice %arg6[%dma_start3A_36, %dma_start3A_37, %dma_start3A_38] : memref<5x125x64xf32, #tpu.memory_space<vmem>> -> memref<1x125x64xf32, #tpu.memory_space<vmem>>
    %dma_start3A_40 = tpu.memref_squeeze %dma_start3A_39 : memref<1x125x64xf32, #tpu.memory_space<vmem>> -> memref<125x64xf32, #tpu.memory_space<vmem>>
    %dma_start3A_41 = arith.constant 0 : i32
    %dma_start3A_42 = tpu.memref_slice %arg5[%dma_start3A_34, %dma_start3A_35, %dma_start3A_41] : memref<2x160x125xi32, #tpu.memory_space<vmem>> -> memref<1x1x125xi32, #tpu.memory_space<vmem>>
    %dma_start3A_43 = tpu.memref_squeeze %dma_start3A_42 : memref<1x1x125xi32, #tpu.memory_space<vmem>> -> memref<125xi32, #tpu.memory_space<vmem>>
    %dma_start3A_44 = arith.constant 0 : i32
    %dma_start3A_45 = arith.constant 0 : i32
    %dma_start3A_46 = tpu.memref_slice %arg2[%arg0, %dma_start3A_44, %dma_start3A_45] : memref<2x10000x64xf32, #tpu.memory_space<hbm>> -> memref<1x10000x64xf32, #tpu.memory_space<hbm>>
    %dma_start3A_47 = tpu.memref_squeeze %dma_start3A_46 : memref<1x10000x64xf32, #tpu.memory_space<hbm>> -> memref<10000x64xf32, #tpu.memory_space<hbm>>
    %dma_start3A_48 = arith.constant 0 : i32
    %dma_start3A_49 = arith.constant 0 : i32
    %dma_start3A_50 = tpu.memref_slice %dma_start3A_47[%dma_start3A_48, %dma_start3A_49] : memref<10000x64xf32, #tpu.memory_space<hbm>> -> memref<10000x64xf32, #tpu.memory_space<hbm>>
    tpu.enqueue_indirect_dma source(%dma_start3A_50 : memref<10000x64xf32, #tpu.memory_space<hbm>>) target(%dma_start3A_40 : memref<125x64xf32, #tpu.memory_space<vmem>>) offsets(%dma_start3A_43 : memref<125xi32, #tpu.memory_space<vmem>>) semaphore(%arg10 : memref<!tpu.dma_semaphore, #tpu.memory_space<semaphore_mem>>)
    %dma_start3A_51 = arith.constant 0 : i32
    %dma_start3A_52 = arith.constant 3 : i32
    %dma_start3A_53 = arith.constant 3 : i32
    %dma_start3A_54 = arith.constant 0 : i32
    %dma_start3A_55 = arith.constant 0 : i32
    %dma_start3A_56 = tpu.memref_slice %arg6[%dma_start3A_53, %dma_start3A_54, %dma_start3A_55] : memref<5x125x64xf32, #tpu.memory_space<vmem>> -> memref<1x125x64xf32, #tpu.memory_space<vmem>>
    %dma_start3A_57 = tpu.memref_squeeze %dma_start3A_56 : memref<1x125x64xf32, #tpu.memory_space<vmem>> -> memref<125x64xf32, #tpu.memory_space<vmem>>
    %dma_start3A_58 = arith.constant 0 : i32
    %dma_start3A_59 = tpu.memref_slice %arg5[%dma_start3A_51, %dma_start3A_52, %dma_start3A_58] : memref<2x160x125xi32, #tpu.memory_space<vmem>> -> memref<1x1x125xi32, #tpu.memory_space<vmem>>
    %dma_start3A_60 = tpu.memref_squeeze %dma_start3A_59 : memref<1x1x125xi32, #tpu.memory_space<vmem>> -> memref<125xi32, #tpu.memory_space<vmem>>
    %dma_start3A_61 = arith.constant 0 : i32
    %dma_start3A_62 = arith.constant 0 : i32
    %dma_start3A_63 = tpu.memref_slice %arg2[%arg0, %dma_start3A_61, %dma_start3A_62] : memref<2x10000x64xf32, #tpu.memory_space<hbm>> -> memref<1x10000x64xf32, #tpu.memory_space<hbm>>
    %dma_start3A_64 = tpu.memref_squeeze %dma_start3A_63 : memref<1x10000x64xf32, #tpu.memory_space<hbm>> -> memref<10000x64xf32, #tpu.memory_space<hbm>>
    %dma_start3A_65 = arith.constant 0 : i32
    %dma_start3A_66 = arith.constant 0 : i32
    %dma_start3A_67 = tpu.memref_slice %dma_start3A_64[%dma_start3A_65, %dma_start3A_66] : memref<10000x64xf32, #tpu.memory_space<hbm>> -> memref<10000x64xf32, #tpu.memory_space<hbm>>
    tpu.enqueue_indirect_dma source(%dma_start3A_67 : memref<10000x64xf32, #tpu.memory_space<hbm>>) target(%dma_start3A_57 : memref<125x64xf32, #tpu.memory_space<vmem>>) offsets(%dma_start3A_60 : memref<125xi32, #tpu.memory_space<vmem>>) semaphore(%arg11 : memref<!tpu.dma_semaphore, #tpu.memory_space<semaphore_mem>>)
    %dma_start3A_68 = arith.constant 0 : i32
    %dma_start3A_69 = arith.constant 4 : i32
    %dma_start3A_70 = arith.constant 4 : i32
    %dma_start3A_71 = arith.constant 0 : i32
    %dma_start3A_72 = arith.constant 0 : i32
    %dma_start3A_73 = tpu.memref_slice %arg6[%dma_start3A_70, %dma_start3A_71, %dma_start3A_72] : memref<5x125x64xf32, #tpu.memory_space<vmem>> -> memref<1x125x64xf32, #tpu.memory_space<vmem>>
    %dma_start3A_74 = tpu.memref_squeeze %dma_start3A_73 : memref<1x125x64xf32, #tpu.memory_space<vmem>> -> memref<125x64xf32, #tpu.memory_space<vmem>>
    %dma_start3A_75 = arith.constant 0 : i32
    %dma_start3A_76 = tpu.memref_slice %arg5[%dma_start3A_68, %dma_start3A_69, %dma_start3A_75] : memref<2x160x125xi32, #tpu.memory_space<vmem>> -> memref<1x1x125xi32, #tpu.memory_space<vmem>>
    %dma_start3A_77 = tpu.memref_squeeze %dma_start3A_76 : memref<1x1x125xi32, #tpu.memory_space<vmem>> -> memref<125xi32, #tpu.memory_space<vmem>>
    %dma_start3A_78 = arith.constant 0 : i32
    %dma_start3A_79 = arith.constant 0 : i32
    %dma_start3A_80 = tpu.memref_slice %arg2[%arg0, %dma_start3A_78, %dma_start3A_79] : memref<2x10000x64xf32, #tpu.memory_space<hbm>> -> memref<1x10000x64xf32, #tpu.memory_space<hbm>>
    %dma_start3A_81 = tpu.memref_squeeze %dma_start3A_80 : memref<1x10000x64xf32, #tpu.memory_space<hbm>> -> memref<10000x64xf32, #tpu.memory_space<hbm>>
    %dma_start3A_82 = arith.constant 0 : i32
    %dma_start3A_83 = arith.constant 0 : i32
    %dma_start3A_84 = tpu.memref_slice %dma_start3A_81[%dma_start3A_82, %dma_start3A_83] : memref<10000x64xf32, #tpu.memory_space<hbm>> -> memref<10000x64xf32, #tpu.memory_space<hbm>>
    tpu.enqueue_indirect_dma source(%dma_start3A_84 : memref<10000x64xf32, #tpu.memory_space<hbm>>) target(%dma_start3A_74 : memref<125x64xf32, #tpu.memory_space<vmem>>) offsets(%dma_start3A_77 : memref<125xi32, #tpu.memory_space<vmem>>) semaphore(%arg12 : memref<!tpu.dma_semaphore, #tpu.memory_space<semaphore_mem>>)
    "tpu.region"() ({
      %run_scoped3A = tpu.sem_alloc : memref<!tpu.dma_semaphore, #tpu.memory_space<semaphore_mem>>
      %dma_start3A_93 = arith.constant 0 : i32
      %dma_start3A_94 = tpu.memref_slice %arg7[%mul3A_0, %dma_start3A_93] : memref<10000x64xf32, #tpu.memory_space<vmem_shared>> -> memref<625x64xf32, #tpu.memory_space<vmem_shared>>
      %dma_start3A_95 = arith.constant 0 : i32
      %dma_start3A_96 = arith.constant 0 : i32
      %dma_start3A_97 = tpu.memref_slice %arg2[%arg0, %dma_start3A_95, %dma_start3A_96] : memref<2x10000x64xf32, #tpu.memory_space<hbm>> -> memref<1x10000x64xf32, #tpu.memory_space<hbm>>
      %dma_start3A_98 = tpu.memref_squeeze %dma_start3A_97 : memref<1x10000x64xf32, #tpu.memory_space<hbm>> -> memref<10000x64xf32, #tpu.memory_space<hbm>>
      %dma_start3A_99 = arith.constant 0 : i32
      %dma_start3A_100 = tpu.memref_slice %dma_start3A_98[%mul3A_0, %dma_start3A_99] : memref<10000x64xf32, #tpu.memory_space<hbm>> -> memref<625x64xf32, #tpu.memory_space<hbm>>
      tpu.enqueue_dma source(%dma_start3A_100 : memref<625x64xf32, #tpu.memory_space<hbm>>) target(%dma_start3A_94 : memref<625x64xf32, #tpu.memory_space<vmem_shared>>) target_semaphore(%run_scoped3A : memref<!tpu.dma_semaphore, #tpu.memory_space<semaphore_mem>>)
      %dma_wait3A = arith.constant 0 : i32
      %dma_wait3A_101 = tpu.memref_slice %arg7[%mul3A_0, %dma_wait3A] : memref<10000x64xf32, #tpu.memory_space<vmem_shared>> -> memref<625x64xf32, #tpu.memory_space<vmem_shared>>
      %dma_wait3A_102 = arith.constant 0 : i32
      %dma_wait3A_103 = arith.constant 0 : i32
      %dma_wait3A_104 = tpu.memref_slice %arg2[%arg0, %dma_wait3A_102, %dma_wait3A_103] : memref<2x10000x64xf32, #tpu.memory_space<hbm>> -> memref<1x10000x64xf32, #tpu.memory_space<hbm>>
      %dma_wait3A_105 = tpu.memref_squeeze %dma_wait3A_104 : memref<1x10000x64xf32, #tpu.memory_space<hbm>> -> memref<10000x64xf32, #tpu.memory_space<hbm>>
      %dma_wait3A_106 = arith.constant 0 : i32
      %dma_wait3A_107 = tpu.memref_slice %dma_wait3A_105[%mul3A_0, %dma_wait3A_106] : memref<10000x64xf32, #tpu.memory_space<hbm>> -> memref<625x64xf32, #tpu.memory_space<hbm>>
      tpu.wait_dma2 semaphore(%run_scoped3A : memref<!tpu.dma_semaphore, #tpu.memory_space<semaphore_mem>>) src(%dma_wait3A_107 : memref<625x64xf32, #tpu.memory_space<hbm>>) dst(%dma_wait3A_101 : memref<625x64xf32, #tpu.memory_space<vmem_shared>>)
      tpu.yield
    }) : () -> ()
    %barrier3A = arith.constant 0 : index
    tpu.barrier barrier_id(%barrier3A)
    %scan3A = arith.constant 0 : i32
    %scan3A_85 = arith.constant 0 : i32
    %scan3A_86 = arith.constant 32 : i32
    %scan3A_87 = arith.addi %scan3A_85, %scan3A_86 : i32
    %scan3A_88 = arith.constant 1 : i32
    scf.for %scan3A_93 = %scan3A_85 to %scan3A_87 step %scan3A_88  : i32 {
      %mul3A_94 = arith.constant 5 : i32
      %mul3A_95 = arith.muli %scan3A_93, %mul3A_94 : i32
      %add3A = arith.constant 0 : i32
      %add3A_96 = arith.addi %mul3A_95, %add3A : i32
      %dma_wait3A = arith.constant 0 : i32
      %dma_wait3A_97 = arith.constant 0 : i32
      %dma_wait3A_98 = arith.constant 0 : i32
      %dma_wait3A_99 = arith.constant 0 : i32
      %dma_wait3A_100 = tpu.memref_slice %arg6[%dma_wait3A_97, %dma_wait3A_98, %dma_wait3A_99] : memref<5x125x64xf32, #tpu.memory_space<vmem>> -> memref<1x125x64xf32, #tpu.memory_space<vmem>>
      %dma_wait3A_101 = tpu.memref_squeeze %dma_wait3A_100 : memref<1x125x64xf32, #tpu.memory_space<vmem>> -> memref<125x64xf32, #tpu.memory_space<vmem>>
      %dma_wait3A_102 = arith.constant 0 : i32
      %dma_wait3A_103 = tpu.memref_slice %arg5[%dma_wait3A, %add3A_96, %dma_wait3A_102] : memref<2x160x125xi32, #tpu.memory_space<vmem>> -> memref<1x1x125xi32, #tpu.memory_space<vmem>>
      %dma_wait3A_104 = tpu.memref_squeeze %dma_wait3A_103 : memref<1x1x125xi32, #tpu.memory_space<vmem>> -> memref<125xi32, #tpu.memory_space<vmem>>
      %dma_wait3A_105 = arith.constant 0 : i32
      %dma_wait3A_106 = arith.constant 0 : i32
      %dma_wait3A_107 = tpu.memref_slice %arg2[%arg0, %dma_wait3A_105, %dma_wait3A_106] : memref<2x10000x64xf32, #tpu.memory_space<hbm>> -> memref<1x10000x64xf32, #tpu.memory_space<hbm>>
      %dma_wait3A_108 = tpu.memref_squeeze %dma_wait3A_107 : memref<1x10000x64xf32, #tpu.memory_space<hbm>> -> memref<10000x64xf32, #tpu.memory_space<hbm>>
      %dma_wait3A_109 = arith.constant 0 : i32
      %dma_wait3A_110 = arith.constant 0 : i32
      %dma_wait3A_111 = tpu.memref_slice %dma_wait3A_108[%dma_wait3A_109, %dma_wait3A_110] : memref<10000x64xf32, #tpu.memory_space<hbm>> -> memref<10000x64xf32, #tpu.memory_space<hbm>>
      tpu.wait_indirect_dma semaphore(%arg8 : memref<!tpu.dma_semaphore, #tpu.memory_space<semaphore_mem>>) src(%dma_wait3A_111 : memref<10000x64xf32, #tpu.memory_space<hbm>>) dst(%dma_wait3A_101 : memref<125x64xf32, #tpu.memory_space<vmem>>)
      %dma_start3A_112 = arith.constant 0 : i32
      %dma_start3A_113 = arith.constant 1 : i32
      %dma_start3A_114 = arith.constant 0 : i32
      %dma_start3A_115 = arith.constant 0 : i32
      %dma_start3A_116 = tpu.memref_slice %arg6[%dma_start3A_112, %dma_start3A_114, %dma_start3A_115] : memref<5x125x64xf32, #tpu.memory_space<vmem>> -> memref<1x125x64xf32, #tpu.memory_space<vmem>>
      %dma_start3A_117 = tpu.memref_squeeze %dma_start3A_116 : memref<1x125x64xf32, #tpu.memory_space<vmem>> -> memref<125x64xf32, #tpu.memory_space<vmem>>
      %dma_start3A_118 = arith.constant 0 : i32
      %dma_start3A_119 = tpu.memref_slice %arg5[%dma_start3A_113, %add3A_96, %dma_start3A_118] : memref<2x160x125xi32, #tpu.memory_space<vmem>> -> memref<1x1x125xi32, #tpu.memory_space<vmem>>
      %dma_start3A_120 = tpu.memref_squeeze %dma_start3A_119 : memref<1x1x125xi32, #tpu.memory_space<vmem>> -> memref<125xi32, #tpu.memory_space<vmem>>
      %dma_start3A_121 = arith.constant 0 : i32
      %dma_start3A_122 = arith.constant 0 : i32
      %dma_start3A_123 = tpu.memref_slice %arg7[%dma_start3A_121, %dma_start3A_122] : memref<10000x64xf32, #tpu.memory_space<vmem_shared>> -> memref<10000x64xf32, #tpu.memory_space<vmem_shared>>
      tpu.enqueue_indirect_dma source(%dma_start3A_117 : memref<125x64xf32, #tpu.memory_space<vmem>>) target(%dma_start3A_123 : memref<10000x64xf32, #tpu.memory_space<vmem_shared>>) offsets(%dma_start3A_120 : memref<125xi32, #tpu.memory_space<vmem>>) semaphore(%arg13 : memref<!tpu.dma_semaphore, #tpu.memory_space<semaphore_mem>>) {add = true}
      %mul3A_124 = arith.constant 5 : i32
      %mul3A_125 = arith.muli %scan3A_93, %mul3A_124 : i32
      %add3A_126 = arith.constant 1 : i32
      %add3A_127 = arith.addi %mul3A_125, %add3A_126 : i32
      %dma_wait3A_128 = arith.constant 0 : i32
      %dma_wait3A_129 = arith.constant 1 : i32
      %dma_wait3A_130 = arith.constant 0 : i32
      %dma_wait3A_131 = arith.constant 0 : i32
      %dma_wait3A_132 = tpu.memref_slice %arg6[%dma_wait3A_129, %dma_wait3A_130, %dma_wait3A_131] : memref<5x125x64xf32, #tpu.memory_space<vmem>> -> memref<1x125x64xf32, #tpu.memory_space<vmem>>
      %dma_wait3A_133 = tpu.memref_squeeze %dma_wait3A_132 : memref<1x125x64xf32, #tpu.memory_space<vmem>> -> memref<125x64xf32, #tpu.memory_space<vmem>>
      %dma_wait3A_134 = arith.constant 0 : i32
      %dma_wait3A_135 = tpu.memref_slice %arg5[%dma_wait3A_128, %add3A_127, %dma_wait3A_134] : memref<2x160x125xi32, #tpu.memory_space<vmem>> -> memref<1x1x125xi32, #tpu.memory_space<vmem>>
      %dma_wait3A_136 = tpu.memref_squeeze %dma_wait3A_135 : memref<1x1x125xi32, #tpu.memory_space<vmem>> -> memref<125xi32, #tpu.memory_space<vmem>>
      %dma_wait3A_137 = arith.constant 0 : i32
      %dma_wait3A_138 = arith.constant 0 : i32
      %dma_wait3A_139 = tpu.memref_slice %arg2[%arg0, %dma_wait3A_137, %dma_wait3A_138] : memref<2x10000x64xf32, #tpu.memory_space<hbm>> -> memref<1x10000x64xf32, #tpu.memory_space<hbm>>
      %dma_wait3A_140 = tpu.memref_squeeze %dma_wait3A_139 : memref<1x10000x64xf32, #tpu.memory_space<hbm>> -> memref<10000x64xf32, #tpu.memory_space<hbm>>
      %dma_wait3A_141 = arith.constant 0 : i32
      %dma_wait3A_142 = arith.constant 0 : i32
      %dma_wait3A_143 = tpu.memref_slice %dma_wait3A_140[%dma_wait3A_141, %dma_wait3A_142] : memref<10000x64xf32, #tpu.memory_space<hbm>> -> memref<10000x64xf32, #tpu.memory_space<hbm>>
      tpu.wait_indirect_dma semaphore(%arg9 : memref<!tpu.dma_semaphore, #tpu.memory_space<semaphore_mem>>) src(%dma_wait3A_143 : memref<10000x64xf32, #tpu.memory_space<hbm>>) dst(%dma_wait3A_133 : memref<125x64xf32, #tpu.memory_space<vmem>>)
      %dma_start3A_144 = arith.constant 1 : i32
      %dma_start3A_145 = arith.constant 1 : i32
      %dma_start3A_146 = arith.constant 0 : i32
      %dma_start3A_147 = arith.constant 0 : i32
      %dma_start3A_148 = tpu.memref_slice %arg6[%dma_start3A_144, %dma_start3A_146, %dma_start3A_147] : memref<5x125x64xf32, #tpu.memory_space<vmem>> -> memref<1x125x64xf32, #tpu.memory_space<vmem>>
      %dma_start3A_149 = tpu.memref_squeeze %dma_start3A_148 : memref<1x125x64xf32, #tpu.memory_space<vmem>> -> memref<125x64xf32, #tpu.memory_space<vmem>>
      %dma_start3A_150 = arith.constant 0 : i32
      %dma_start3A_151 = tpu.memref_slice %arg5[%dma_start3A_145, %add3A_127, %dma_start3A_150] : memref<2x160x125xi32, #tpu.memory_space<vmem>> -> memref<1x1x125xi32, #tpu.memory_space<vmem>>
      %dma_start3A_152 = tpu.memref_squeeze %dma_start3A_151 : memref<1x1x125xi32, #tpu.memory_space<vmem>> -> memref<125xi32, #tpu.memory_space<vmem>>
      %dma_start3A_153 = arith.constant 0 : i32
      %dma_start3A_154 = arith.constant 0 : i32
      %dma_start3A_155 = tpu.memref_slice %arg7[%dma_start3A_153, %dma_start3A_154] : memref<10000x64xf32, #tpu.memory_space<vmem_shared>> -> memref<10000x64xf32, #tpu.memory_space<vmem_shared>>
      tpu.enqueue_indirect_dma source(%dma_start3A_149 : memref<125x64xf32, #tpu.memory_space<vmem>>) target(%dma_start3A_155 : memref<10000x64xf32, #tpu.memory_space<vmem_shared>>) offsets(%dma_start3A_152 : memref<125xi32, #tpu.memory_space<vmem>>) semaphore(%arg14 : memref<!tpu.dma_semaphore, #tpu.memory_space<semaphore_mem>>) {add = true}
      %mul3A_156 = arith.constant 5 : i32
      %mul3A_157 = arith.muli %scan3A_93, %mul3A_156 : i32
      %add3A_158 = arith.constant 2 : i32
      %add3A_159 = arith.addi %mul3A_157, %add3A_158 : i32
      %dma_wait3A_160 = arith.constant 0 : i32
      %dma_wait3A_161 = arith.constant 2 : i32
      %dma_wait3A_162 = arith.constant 0 : i32
      %dma_wait3A_163 = arith.constant 0 : i32
      %dma_wait3A_164 = tpu.memref_slice %arg6[%dma_wait3A_161, %dma_wait3A_162, %dma_wait3A_163] : memref<5x125x64xf32, #tpu.memory_space<vmem>> -> memref<1x125x64xf32, #tpu.memory_space<vmem>>
      %dma_wait3A_165 = tpu.memref_squeeze %dma_wait3A_164 : memref<1x125x64xf32, #tpu.memory_space<vmem>> -> memref<125x64xf32, #tpu.memory_space<vmem>>
      %dma_wait3A_166 = arith.constant 0 : i32
      %dma_wait3A_167 = tpu.memref_slice %arg5[%dma_wait3A_160, %add3A_159, %dma_wait3A_166] : memref<2x160x125xi32, #tpu.memory_space<vmem>> -> memref<1x1x125xi32, #tpu.memory_space<vmem>>
      %dma_wait3A_168 = tpu.memref_squeeze %dma_wait3A_167 : memref<1x1x125xi32, #tpu.memory_space<vmem>> -> memref<125xi32, #tpu.memory_space<vmem>>
      %dma_wait3A_169 = arith.constant 0 : i32
      %dma_wait3A_170 = arith.constant 0 : i32
      %dma_wait3A_171 = tpu.memref_slice %arg2[%arg0, %dma_wait3A_169, %dma_wait3A_170] : memref<2x10000x64xf32, #tpu.memory_space<hbm>> -> memref<1x10000x64xf32, #tpu.memory_space<hbm>>
      %dma_wait3A_172 = tpu.memref_squeeze %dma_wait3A_171 : memref<1x10000x64xf32, #tpu.memory_space<hbm>> -> memref<10000x64xf32, #tpu.memory_space<hbm>>
      %dma_wait3A_173 = arith.constant 0 : i32
      %dma_wait3A_174 = arith.constant 0 : i32
      %dma_wait3A_175 = tpu.memref_slice %dma_wait3A_172[%dma_wait3A_173, %dma_wait3A_174] : memref<10000x64xf32, #tpu.memory_space<hbm>> -> memref<10000x64xf32, #tpu.memory_space<hbm>>
      tpu.wait_indirect_dma semaphore(%arg10 : memref<!tpu.dma_semaphore, #tpu.memory_space<semaphore_mem>>) src(%dma_wait3A_175 : memref<10000x64xf32, #tpu.memory_space<hbm>>) dst(%dma_wait3A_165 : memref<125x64xf32, #tpu.memory_space<vmem>>)
      %dma_start3A_176 = arith.constant 2 : i32
      %dma_start3A_177 = arith.constant 1 : i32
      %dma_start3A_178 = arith.constant 0 : i32
      %dma_start3A_179 = arith.constant 0 : i32
      %dma_start3A_180 = tpu.memref_slice %arg6[%dma_start3A_176, %dma_start3A_178, %dma_start3A_179] : memref<5x125x64xf32, #tpu.memory_space<vmem>> -> memref<1x125x64xf32, #tpu.memory_space<vmem>>
      %dma_start3A_181 = tpu.memref_squeeze %dma_start3A_180 : memref<1x125x64xf32, #tpu.memory_space<vmem>> -> memref<125x64xf32, #tpu.memory_space<vmem>>
      %dma_start3A_182 = arith.constant 0 : i32
      %dma_start3A_183 = tpu.memref_slice %arg5[%dma_start3A_177, %add3A_159, %dma_start3A_182] : memref<2x160x125xi32, #tpu.memory_space<vmem>> -> memref<1x1x125xi32, #tpu.memory_space<vmem>>
      %dma_start3A_184 = tpu.memref_squeeze %dma_start3A_183 : memref<1x1x125xi32, #tpu.memory_space<vmem>> -> memref<125xi32, #tpu.memory_space<vmem>>
      %dma_start3A_185 = arith.constant 0 : i32
      %dma_start3A_186 = arith.constant 0 : i32
      %dma_start3A_187 = tpu.memref_slice %arg7[%dma_start3A_185, %dma_start3A_186] : memref<10000x64xf32, #tpu.memory_space<vmem_shared>> -> memref<10000x64xf32, #tpu.memory_space<vmem_shared>>
      tpu.enqueue_indirect_dma source(%dma_start3A_181 : memref<125x64xf32, #tpu.memory_space<vmem>>) target(%dma_start3A_187 : memref<10000x64xf32, #tpu.memory_space<vmem_shared>>) offsets(%dma_start3A_184 : memref<125xi32, #tpu.memory_space<vmem>>) semaphore(%arg15 : memref<!tpu.dma_semaphore, #tpu.memory_space<semaphore_mem>>) {add = true}
      %mul3A_188 = arith.constant 5 : i32
      %mul3A_189 = arith.muli %scan3A_93, %mul3A_188 : i32
      %add3A_190 = arith.constant 3 : i32
      %add3A_191 = arith.addi %mul3A_189, %add3A_190 : i32
      %dma_wait3A_192 = arith.constant 0 : i32
      %dma_wait3A_193 = arith.constant 3 : i32
      %dma_wait3A_194 = arith.constant 0 : i32
      %dma_wait3A_195 = arith.constant 0 : i32
      %dma_wait3A_196 = tpu.memref_slice %arg6[%dma_wait3A_193, %dma_wait3A_194, %dma_wait3A_195] : memref<5x125x64xf32, #tpu.memory_space<vmem>> -> memref<1x125x64xf32, #tpu.memory_space<vmem>>
      %dma_wait3A_197 = tpu.memref_squeeze %dma_wait3A_196 : memref<1x125x64xf32, #tpu.memory_space<vmem>> -> memref<125x64xf32, #tpu.memory_space<vmem>>
      %dma_wait3A_198 = arith.constant 0 : i32
      %dma_wait3A_199 = tpu.memref_slice %arg5[%dma_wait3A_192, %add3A_191, %dma_wait3A_198] : memref<2x160x125xi32, #tpu.memory_space<vmem>> -> memref<1x1x125xi32, #tpu.memory_space<vmem>>
      %dma_wait3A_200 = tpu.memref_squeeze %dma_wait3A_199 : memref<1x1x125xi32, #tpu.memory_space<vmem>> -> memref<125xi32, #tpu.memory_space<vmem>>
      %dma_wait3A_201 = arith.constant 0 : i32
      %dma_wait3A_202 = arith.constant 0 : i32
      %dma_wait3A_203 = tpu.memref_slice %arg2[%arg0, %dma_wait3A_201, %dma_wait3A_202] : memref<2x10000x64xf32, #tpu.memory_space<hbm>> -> memref<1x10000x64xf32, #tpu.memory_space<hbm>>
      %dma_wait3A_204 = tpu.memref_squeeze %dma_wait3A_203 : memref<1x10000x64xf32, #tpu.memory_space<hbm>> -> memref<10000x64xf32, #tpu.memory_space<hbm>>
      %dma_wait3A_205 = arith.constant 0 : i32
      %dma_wait3A_206 = arith.constant 0 : i32
      %dma_wait3A_207 = tpu.memref_slice %dma_wait3A_204[%dma_wait3A_205, %dma_wait3A_206] : memref<10000x64xf32, #tpu.memory_space<hbm>> -> memref<10000x64xf32, #tpu.memory_space<hbm>>
      tpu.wait_indirect_dma semaphore(%arg11 : memref<!tpu.dma_semaphore, #tpu.memory_space<semaphore_mem>>) src(%dma_wait3A_207 : memref<10000x64xf32, #tpu.memory_space<hbm>>) dst(%dma_wait3A_197 : memref<125x64xf32, #tpu.memory_space<vmem>>)
      %dma_start3A_208 = arith.constant 3 : i32
      %dma_start3A_209 = arith.constant 1 : i32
      %dma_start3A_210 = arith.constant 0 : i32
      %dma_start3A_211 = arith.constant 0 : i32
      %dma_start3A_212 = tpu.memref_slice %arg6[%dma_start3A_208, %dma_start3A_210, %dma_start3A_211] : memref<5x125x64xf32, #tpu.memory_space<vmem>> -> memref<1x125x64xf32, #tpu.memory_space<vmem>>
      %dma_start3A_213 = tpu.memref_squeeze %dma_start3A_212 : memref<1x125x64xf32, #tpu.memory_space<vmem>> -> memref<125x64xf32, #tpu.memory_space<vmem>>
      %dma_start3A_214 = arith.constant 0 : i32
      %dma_start3A_215 = tpu.memref_slice %arg5[%dma_start3A_209, %add3A_191, %dma_start3A_214] : memref<2x160x125xi32, #tpu.memory_space<vmem>> -> memref<1x1x125xi32, #tpu.memory_space<vmem>>
      %dma_start3A_216 = tpu.memref_squeeze %dma_start3A_215 : memref<1x1x125xi32, #tpu.memory_space<vmem>> -> memref<125xi32, #tpu.memory_space<vmem>>
      %dma_start3A_217 = arith.constant 0 : i32
      %dma_start3A_218 = arith.constant 0 : i32
      %dma_start3A_219 = tpu.memref_slice %arg7[%dma_start3A_217, %dma_start3A_218] : memref<10000x64xf32, #tpu.memory_space<vmem_shared>> -> memref<10000x64xf32, #tpu.memory_space<vmem_shared>>
      tpu.enqueue_indirect_dma source(%dma_start3A_213 : memref<125x64xf32, #tpu.memory_space<vmem>>) target(%dma_start3A_219 : memref<10000x64xf32, #tpu.memory_space<vmem_shared>>) offsets(%dma_start3A_216 : memref<125xi32, #tpu.memory_space<vmem>>) semaphore(%arg16 : memref<!tpu.dma_semaphore, #tpu.memory_space<semaphore_mem>>) {add = true}
      %mul3A_220 = arith.constant 5 : i32
      %mul3A_221 = arith.muli %scan3A_93, %mul3A_220 : i32
      %add3A_222 = arith.constant 4 : i32
      %add3A_223 = arith.addi %mul3A_221, %add3A_222 : i32
      %dma_wait3A_224 = arith.constant 0 : i32
      %dma_wait3A_225 = arith.constant 4 : i32
      %dma_wait3A_226 = arith.constant 0 : i32
      %dma_wait3A_227 = arith.constant 0 : i32
      %dma_wait3A_228 = tpu.memref_slice %arg6[%dma_wait3A_225, %dma_wait3A_226, %dma_wait3A_227] : memref<5x125x64xf32, #tpu.memory_space<vmem>> -> memref<1x125x64xf32, #tpu.memory_space<vmem>>
      %dma_wait3A_229 = tpu.memref_squeeze %dma_wait3A_228 : memref<1x125x64xf32, #tpu.memory_space<vmem>> -> memref<125x64xf32, #tpu.memory_space<vmem>>
      %dma_wait3A_230 = arith.constant 0 : i32
      %dma_wait3A_231 = tpu.memref_slice %arg5[%dma_wait3A_224, %add3A_223, %dma_wait3A_230] : memref<2x160x125xi32, #tpu.memory_space<vmem>> -> memref<1x1x125xi32, #tpu.memory_space<vmem>>
      %dma_wait3A_232 = tpu.memref_squeeze %dma_wait3A_231 : memref<1x1x125xi32, #tpu.memory_space<vmem>> -> memref<125xi32, #tpu.memory_space<vmem>>
      %dma_wait3A_233 = arith.constant 0 : i32
      %dma_wait3A_234 = arith.constant 0 : i32
      %dma_wait3A_235 = tpu.memref_slice %arg2[%arg0, %dma_wait3A_233, %dma_wait3A_234] : memref<2x10000x64xf32, #tpu.memory_space<hbm>> -> memref<1x10000x64xf32, #tpu.memory_space<hbm>>
      %dma_wait3A_236 = tpu.memref_squeeze %dma_wait3A_235 : memref<1x10000x64xf32, #tpu.memory_space<hbm>> -> memref<10000x64xf32, #tpu.memory_space<hbm>>
      %dma_wait3A_237 = arith.constant 0 : i32
      %dma_wait3A_238 = arith.constant 0 : i32
      %dma_wait3A_239 = tpu.memref_slice %dma_wait3A_236[%dma_wait3A_237, %dma_wait3A_238] : memref<10000x64xf32, #tpu.memory_space<hbm>> -> memref<10000x64xf32, #tpu.memory_space<hbm>>
      tpu.wait_indirect_dma semaphore(%arg12 : memref<!tpu.dma_semaphore, #tpu.memory_space<semaphore_mem>>) src(%dma_wait3A_239 : memref<10000x64xf32, #tpu.memory_space<hbm>>) dst(%dma_wait3A_229 : memref<125x64xf32, #tpu.memory_space<vmem>>)
      %dma_start3A_240 = arith.constant 4 : i32
      %dma_start3A_241 = arith.constant 1 : i32
      %dma_start3A_242 = arith.constant 0 : i32
      %dma_start3A_243 = arith.constant 0 : i32
      %dma_start3A_244 = tpu.memref_slice %arg6[%dma_start3A_240, %dma_start3A_242, %dma_start3A_243] : memref<5x125x64xf32, #tpu.memory_space<vmem>> -> memref<1x125x64xf32, #tpu.memory_space<vmem>>
      %dma_start3A_245 = tpu.memref_squeeze %dma_start3A_244 : memref<1x125x64xf32, #tpu.memory_space<vmem>> -> memref<125x64xf32, #tpu.memory_space<vmem>>
      %dma_start3A_246 = arith.constant 0 : i32
      %dma_start3A_247 = tpu.memref_slice %arg5[%dma_start3A_241, %add3A_223, %dma_start3A_246] : memref<2x160x125xi32, #tpu.memory_space<vmem>> -> memref<1x1x125xi32, #tpu.memory_space<vmem>>
      %dma_start3A_248 = tpu.memref_squeeze %dma_start3A_247 : memref<1x1x125xi32, #tpu.memory_space<vmem>> -> memref<125xi32, #tpu.memory_space<vmem>>
      %dma_start3A_249 = arith.constant 0 : i32
      %dma_start3A_250 = arith.constant 0 : i32
      %dma_start3A_251 = tpu.memref_slice %arg7[%dma_start3A_249, %dma_start3A_250] : memref<10000x64xf32, #tpu.memory_space<vmem_shared>> -> memref<10000x64xf32, #tpu.memory_space<vmem_shared>>
      tpu.enqueue_indirect_dma source(%dma_start3A_245 : memref<125x64xf32, #tpu.memory_space<vmem>>) target(%dma_start3A_251 : memref<10000x64xf32, #tpu.memory_space<vmem_shared>>) offsets(%dma_start3A_248 : memref<125xi32, #tpu.memory_space<vmem>>) semaphore(%arg17 : memref<!tpu.dma_semaphore, #tpu.memory_space<semaphore_mem>>) {add = true}
      %dma_wait3A_252 = arith.constant 0 : i32
      %dma_wait3A_253 = arith.constant 1 : i32
      %dma_wait3A_254 = arith.constant 0 : i32
      %dma_wait3A_255 = arith.constant 0 : i32
      %dma_wait3A_256 = tpu.memref_slice %arg6[%dma_wait3A_252, %dma_wait3A_254, %dma_wait3A_255] : memref<5x125x64xf32, #tpu.memory_space<vmem>> -> memref<1x125x64xf32, #tpu.memory_space<vmem>>
      %dma_wait3A_257 = tpu.memref_squeeze %dma_wait3A_256 : memref<1x125x64xf32, #tpu.memory_space<vmem>> -> memref<125x64xf32, #tpu.memory_space<vmem>>
      %dma_wait3A_258 = arith.constant 0 : i32
      %dma_wait3A_259 = tpu.memref_slice %arg5[%dma_wait3A_253, %add3A_96, %dma_wait3A_258] : memref<2x160x125xi32, #tpu.memory_space<vmem>> -> memref<1x1x125xi32, #tpu.memory_space<vmem>>
      %dma_wait3A_260 = tpu.memref_squeeze %dma_wait3A_259 : memref<1x1x125xi32, #tpu.memory_space<vmem>> -> memref<125xi32, #tpu.memory_space<vmem>>
      %dma_wait3A_261 = arith.constant 0 : i32
      %dma_wait3A_262 = arith.constant 0 : i32
      %dma_wait3A_263 = tpu.memref_slice %arg7[%dma_wait3A_261, %dma_wait3A_262] : memref<10000x64xf32, #tpu.memory_space<vmem_shared>> -> memref<10000x64xf32, #tpu.memory_space<vmem_shared>>
      tpu.wait_indirect_dma semaphore(%arg13 : memref<!tpu.dma_semaphore, #tpu.memory_space<semaphore_mem>>) src(%dma_wait3A_257 : memref<125x64xf32, #tpu.memory_space<vmem>>) dst(%dma_wait3A_263 : memref<10000x64xf32, #tpu.memory_space<vmem_shared>>)
      %add3A_264 = arith.constant 1 : i32
      %add3A_265 = arith.addi %scan3A_93, %add3A_264 : i32
      %mul3A_266 = arith.constant 5 : i32
      %mul3A_267 = arith.muli %add3A_265, %mul3A_266 : i32
      %add3A_268 = arith.constant 0 : i32
      %add3A_269 = arith.addi %mul3A_267, %add3A_268 : i32
      %lt3A = arith.constant 160 : i32
      %lt3A_270 = arith.cmpi slt, %add3A_269, %lt3A : i32
      %convert_element_type3A = arith.extui %lt3A_270 : i1 to i32
      %cond3A = arith.constant 0 : i32
      %cond3A_271 = arith.cmpi ne, %convert_element_type3A, %cond3A : i32
      scf.if %cond3A_271 {
        %dma_start3A_364 = arith.constant 0 : i32
        %dma_start3A_365 = arith.constant 0 : i32
        %dma_start3A_366 = arith.constant 0 : i32
        %dma_start3A_367 = arith.constant 0 : i32
        %dma_start3A_368 = tpu.memref_slice %arg6[%dma_start3A_365, %dma_start3A_366, %dma_start3A_367] : memref<5x125x64xf32, #tpu.memory_space<vmem>> -> memref<1x125x64xf32, #tpu.memory_space<vmem>>
        %dma_start3A_369 = tpu.memref_squeeze %dma_start3A_368 : memref<1x125x64xf32, #tpu.memory_space<vmem>> -> memref<125x64xf32, #tpu.memory_space<vmem>>
        %dma_start3A_370 = arith.constant 0 : i32
        %dma_start3A_371 = tpu.memref_slice %arg5[%dma_start3A_364, %add3A_269, %dma_start3A_370] : memref<2x160x125xi32, #tpu.memory_space<vmem>> -> memref<1x1x125xi32, #tpu.memory_space<vmem>>
        %dma_start3A_372 = tpu.memref_squeeze %dma_start3A_371 : memref<1x1x125xi32, #tpu.memory_space<vmem>> -> memref<125xi32, #tpu.memory_space<vmem>>
        %dma_start3A_373 = arith.constant 0 : i32
        %dma_start3A_374 = arith.constant 0 : i32
        %dma_start3A_375 = tpu.memref_slice %arg2[%arg0, %dma_start3A_373, %dma_start3A_374] : memref<2x10000x64xf32, #tpu.memory_space<hbm>> -> memref<1x10000x64xf32, #tpu.memory_space<hbm>>
        %dma_start3A_376 = tpu.memref_squeeze %dma_start3A_375 : memref<1x10000x64xf32, #tpu.memory_space<hbm>> -> memref<10000x64xf32, #tpu.memory_space<hbm>>
        %dma_start3A_377 = arith.constant 0 : i32
        %dma_start3A_378 = arith.constant 0 : i32
        %dma_start3A_379 = tpu.memref_slice %dma_start3A_376[%dma_start3A_377, %dma_start3A_378] : memref<10000x64xf32, #tpu.memory_space<hbm>> -> memref<10000x64xf32, #tpu.memory_space<hbm>>
        tpu.enqueue_indirect_dma source(%dma_start3A_379 : memref<10000x64xf32, #tpu.memory_space<hbm>>) target(%dma_start3A_369 : memref<125x64xf32, #tpu.memory_space<vmem>>) offsets(%dma_start3A_372 : memref<125xi32, #tpu.memory_space<vmem>>) semaphore(%arg8 : memref<!tpu.dma_semaphore, #tpu.memory_space<semaphore_mem>>)
      } else {
      }
      %dma_wait3A_272 = arith.constant 1 : i32
      %dma_wait3A_273 = arith.constant 1 : i32
      %dma_wait3A_274 = arith.constant 0 : i32
      %dma_wait3A_275 = arith.constant 0 : i32
      %dma_wait3A_276 = tpu.memref_slice %arg6[%dma_wait3A_272, %dma_wait3A_274, %dma_wait3A_275] : memref<5x125x64xf32, #tpu.memory_space<vmem>> -> memref<1x125x64xf32, #tpu.memory_space<vmem>>
      %dma_wait3A_277 = tpu.memref_squeeze %dma_wait3A_276 : memref<1x125x64xf32, #tpu.memory_space<vmem>> -> memref<125x64xf32, #tpu.memory_space<vmem>>
      %dma_wait3A_278 = arith.constant 0 : i32
      %dma_wait3A_279 = tpu.memref_slice %arg5[%dma_wait3A_273, %add3A_127, %dma_wait3A_278] : memref<2x160x125xi32, #tpu.memory_space<vmem>> -> memref<1x1x125xi32, #tpu.memory_space<vmem>>
      %dma_wait3A_280 = tpu.memref_squeeze %dma_wait3A_279 : memref<1x1x125xi32, #tpu.memory_space<vmem>> -> memref<125xi32, #tpu.memory_space<vmem>>
      %dma_wait3A_281 = arith.constant 0 : i32
      %dma_wait3A_282 = arith.constant 0 : i32
      %dma_wait3A_283 = tpu.memref_slice %arg7[%dma_wait3A_281, %dma_wait3A_282] : memref<10000x64xf32, #tpu.memory_space<vmem_shared>> -> memref<10000x64xf32, #tpu.memory_space<vmem_shared>>
      tpu.wait_indirect_dma semaphore(%arg14 : memref<!tpu.dma_semaphore, #tpu.memory_space<semaphore_mem>>) src(%dma_wait3A_277 : memref<125x64xf32, #tpu.memory_space<vmem>>) dst(%dma_wait3A_283 : memref<10000x64xf32, #tpu.memory_space<vmem_shared>>)
      %add3A_284 = arith.constant 1 : i32
      %add3A_285 = arith.addi %scan3A_93, %add3A_284 : i32
      %mul3A_286 = arith.constant 5 : i32
      %mul3A_287 = arith.muli %add3A_285, %mul3A_286 : i32
      %add3A_288 = arith.constant 1 : i32
      %add3A_289 = arith.addi %mul3A_287, %add3A_288 : i32
      %lt3A_290 = arith.constant 160 : i32
      %lt3A_291 = arith.cmpi slt, %add3A_289, %lt3A_290 : i32
      %convert_element_type3A_292 = arith.extui %lt3A_291 : i1 to i32
      %cond3A_293 = arith.constant 0 : i32
      %cond3A_294 = arith.cmpi ne, %convert_element_type3A_292, %cond3A_293 : i32
      scf.if %cond3A_294 {
        %dma_start3A_364 = arith.constant 0 : i32
        %dma_start3A_365 = arith.constant 1 : i32
        %dma_start3A_366 = arith.constant 0 : i32
        %dma_start3A_367 = arith.constant 0 : i32
        %dma_start3A_368 = tpu.memref_slice %arg6[%dma_start3A_365, %dma_start3A_366, %dma_start3A_367] : memref<5x125x64xf32, #tpu.memory_space<vmem>> -> memref<1x125x64xf32, #tpu.memory_space<vmem>>
        %dma_start3A_369 = tpu.memref_squeeze %dma_start3A_368 : memref<1x125x64xf32, #tpu.memory_space<vmem>> -> memref<125x64xf32, #tpu.memory_space<vmem>>
        %dma_start3A_370 = arith.constant 0 : i32
        %dma_start3A_371 = tpu.memref_slice %arg5[%dma_start3A_364, %add3A_289, %dma_start3A_370] : memref<2x160x125xi32, #tpu.memory_space<vmem>> -> memref<1x1x125xi32, #tpu.memory_space<vmem>>
        %dma_start3A_372 = tpu.memref_squeeze %dma_start3A_371 : memref<1x1x125xi32, #tpu.memory_space<vmem>> -> memref<125xi32, #tpu.memory_space<vmem>>
        %dma_start3A_373 = arith.constant 0 : i32
        %dma_start3A_374 = arith.constant 0 : i32
        %dma_start3A_375 = tpu.memref_slice %arg2[%arg0, %dma_start3A_373, %dma_start3A_374] : memref<2x10000x64xf32, #tpu.memory_space<hbm>> -> memref<1x10000x64xf32, #tpu.memory_space<hbm>>
        %dma_start3A_376 = tpu.memref_squeeze %dma_start3A_375 : memref<1x10000x64xf32, #tpu.memory_space<hbm>> -> memref<10000x64xf32, #tpu.memory_space<hbm>>
        %dma_start3A_377 = arith.constant 0 : i32
        %dma_start3A_378 = arith.constant 0 : i32
        %dma_start3A_379 = tpu.memref_slice %dma_start3A_376[%dma_start3A_377, %dma_start3A_378] : memref<10000x64xf32, #tpu.memory_space<hbm>> -> memref<10000x64xf32, #tpu.memory_space<hbm>>
        tpu.enqueue_indirect_dma source(%dma_start3A_379 : memref<10000x64xf32, #tpu.memory_space<hbm>>) target(%dma_start3A_369 : memref<125x64xf32, #tpu.memory_space<vmem>>) offsets(%dma_start3A_372 : memref<125xi32, #tpu.memory_space<vmem>>) semaphore(%arg9 : memref<!tpu.dma_semaphore, #tpu.memory_space<semaphore_mem>>)
      } else {
      }
      %dma_wait3A_295 = arith.constant 2 : i32
      %dma_wait3A_296 = arith.constant 1 : i32
      %dma_wait3A_297 = arith.constant 0 : i32
      %dma_wait3A_298 = arith.constant 0 : i32
      %dma_wait3A_299 = tpu.memref_slice %arg6[%dma_wait3A_295, %dma_wait3A_297, %dma_wait3A_298] : memref<5x125x64xf32, #tpu.memory_space<vmem>> -> memref<1x125x64xf32, #tpu.memory_space<vmem>>
      %dma_wait3A_300 = tpu.memref_squeeze %dma_wait3A_299 : memref<1x125x64xf32, #tpu.memory_space<vmem>> -> memref<125x64xf32, #tpu.memory_space<vmem>>
      %dma_wait3A_301 = arith.constant 0 : i32
      %dma_wait3A_302 = tpu.memref_slice %arg5[%dma_wait3A_296, %add3A_159, %dma_wait3A_301] : memref<2x160x125xi32, #tpu.memory_space<vmem>> -> memref<1x1x125xi32, #tpu.memory_space<vmem>>
      %dma_wait3A_303 = tpu.memref_squeeze %dma_wait3A_302 : memref<1x1x125xi32, #tpu.memory_space<vmem>> -> memref<125xi32, #tpu.memory_space<vmem>>
      %dma_wait3A_304 = arith.constant 0 : i32
      %dma_wait3A_305 = arith.constant 0 : i32
      %dma_wait3A_306 = tpu.memref_slice %arg7[%dma_wait3A_304, %dma_wait3A_305] : memref<10000x64xf32, #tpu.memory_space<vmem_shared>> -> memref<10000x64xf32, #tpu.memory_space<vmem_shared>>
      tpu.wait_indirect_dma semaphore(%arg15 : memref<!tpu.dma_semaphore, #tpu.memory_space<semaphore_mem>>) src(%dma_wait3A_300 : memref<125x64xf32, #tpu.memory_space<vmem>>) dst(%dma_wait3A_306 : memref<10000x64xf32, #tpu.memory_space<vmem_shared>>)
      %add3A_307 = arith.constant 1 : i32
      %add3A_308 = arith.addi %scan3A_93, %add3A_307 : i32
      %mul3A_309 = arith.constant 5 : i32
      %mul3A_310 = arith.muli %add3A_308, %mul3A_309 : i32
      %add3A_311 = arith.constant 2 : i32
      %add3A_312 = arith.addi %mul3A_310, %add3A_311 : i32
      %lt3A_313 = arith.constant 160 : i32
      %lt3A_314 = arith.cmpi slt, %add3A_312, %lt3A_313 : i32
      %convert_element_type3A_315 = arith.extui %lt3A_314 : i1 to i32
      %cond3A_316 = arith.constant 0 : i32
      %cond3A_317 = arith.cmpi ne, %convert_element_type3A_315, %cond3A_316 : i32
      scf.if %cond3A_317 {
        %dma_start3A_364 = arith.constant 0 : i32
        %dma_start3A_365 = arith.constant 2 : i32
        %dma_start3A_366 = arith.constant 0 : i32
        %dma_start3A_367 = arith.constant 0 : i32
        %dma_start3A_368 = tpu.memref_slice %arg6[%dma_start3A_365, %dma_start3A_366, %dma_start3A_367] : memref<5x125x64xf32, #tpu.memory_space<vmem>> -> memref<1x125x64xf32, #tpu.memory_space<vmem>>
        %dma_start3A_369 = tpu.memref_squeeze %dma_start3A_368 : memref<1x125x64xf32, #tpu.memory_space<vmem>> -> memref<125x64xf32, #tpu.memory_space<vmem>>
        %dma_start3A_370 = arith.constant 0 : i32
        %dma_start3A_371 = tpu.memref_slice %arg5[%dma_start3A_364, %add3A_312, %dma_start3A_370] : memref<2x160x125xi32, #tpu.memory_space<vmem>> -> memref<1x1x125xi32, #tpu.memory_space<vmem>>
        %dma_start3A_372 = tpu.memref_squeeze %dma_start3A_371 : memref<1x1x125xi32, #tpu.memory_space<vmem>> -> memref<125xi32, #tpu.memory_space<vmem>>
        %dma_start3A_373 = arith.constant 0 : i32
        %dma_start3A_374 = arith.constant 0 : i32
        %dma_start3A_375 = tpu.memref_slice %arg2[%arg0, %dma_start3A_373, %dma_start3A_374] : memref<2x10000x64xf32, #tpu.memory_space<hbm>> -> memref<1x10000x64xf32, #tpu.memory_space<hbm>>
        %dma_start3A_376 = tpu.memref_squeeze %dma_start3A_375 : memref<1x10000x64xf32, #tpu.memory_space<hbm>> -> memref<10000x64xf32, #tpu.memory_space<hbm>>
        %dma_start3A_377 = arith.constant 0 : i32
        %dma_start3A_378 = arith.constant 0 : i32
        %dma_start3A_379 = tpu.memref_slice %dma_start3A_376[%dma_start3A_377, %dma_start3A_378] : memref<10000x64xf32, #tpu.memory_space<hbm>> -> memref<10000x64xf32, #tpu.memory_space<hbm>>
        tpu.enqueue_indirect_dma source(%dma_start3A_379 : memref<10000x64xf32, #tpu.memory_space<hbm>>) target(%dma_start3A_369 : memref<125x64xf32, #tpu.memory_space<vmem>>) offsets(%dma_start3A_372 : memref<125xi32, #tpu.memory_space<vmem>>) semaphore(%arg10 : memref<!tpu.dma_semaphore, #tpu.memory_space<semaphore_mem>>)
      } else {
      }
      %dma_wait3A_318 = arith.constant 3 : i32
      %dma_wait3A_319 = arith.constant 1 : i32
      %dma_wait3A_320 = arith.constant 0 : i32
      %dma_wait3A_321 = arith.constant 0 : i32
      %dma_wait3A_322 = tpu.memref_slice %arg6[%dma_wait3A_318, %dma_wait3A_320, %dma_wait3A_321] : memref<5x125x64xf32, #tpu.memory_space<vmem>> -> memref<1x125x64xf32, #tpu.memory_space<vmem>>
      %dma_wait3A_323 = tpu.memref_squeeze %dma_wait3A_322 : memref<1x125x64xf32, #tpu.memory_space<vmem>> -> memref<125x64xf32, #tpu.memory_space<vmem>>
      %dma_wait3A_324 = arith.constant 0 : i32
      %dma_wait3A_325 = tpu.memref_slice %arg5[%dma_wait3A_319, %add3A_191, %dma_wait3A_324] : memref<2x160x125xi32, #tpu.memory_space<vmem>> -> memref<1x1x125xi32, #tpu.memory_space<vmem>>
      %dma_wait3A_326 = tpu.memref_squeeze %dma_wait3A_325 : memref<1x1x125xi32, #tpu.memory_space<vmem>> -> memref<125xi32, #tpu.memory_space<vmem>>
      %dma_wait3A_327 = arith.constant 0 : i32
      %dma_wait3A_328 = arith.constant 0 : i32
      %dma_wait3A_329 = tpu.memref_slice %arg7[%dma_wait3A_327, %dma_wait3A_328] : memref<10000x64xf32, #tpu.memory_space<vmem_shared>> -> memref<10000x64xf32, #tpu.memory_space<vmem_shared>>
      tpu.wait_indirect_dma semaphore(%arg16 : memref<!tpu.dma_semaphore, #tpu.memory_space<semaphore_mem>>) src(%dma_wait3A_323 : memref<125x64xf32, #tpu.memory_space<vmem>>) dst(%dma_wait3A_329 : memref<10000x64xf32, #tpu.memory_space<vmem_shared>>)
      %add3A_330 = arith.constant 1 : i32
      %add3A_331 = arith.addi %scan3A_93, %add3A_330 : i32
      %mul3A_332 = arith.constant 5 : i32
      %mul3A_333 = arith.muli %add3A_331, %mul3A_332 : i32
      %add3A_334 = arith.constant 3 : i32
      %add3A_335 = arith.addi %mul3A_333, %add3A_334 : i32
      %lt3A_336 = arith.constant 160 : i32
      %lt3A_337 = arith.cmpi slt, %add3A_335, %lt3A_336 : i32
      %convert_element_type3A_338 = arith.extui %lt3A_337 : i1 to i32
      %cond3A_339 = arith.constant 0 : i32
      %cond3A_340 = arith.cmpi ne, %convert_element_type3A_338, %cond3A_339 : i32
      scf.if %cond3A_340 {
        %dma_start3A_364 = arith.constant 0 : i32
        %dma_start3A_365 = arith.constant 3 : i32
        %dma_start3A_366 = arith.constant 0 : i32
        %dma_start3A_367 = arith.constant 0 : i32
        %dma_start3A_368 = tpu.memref_slice %arg6[%dma_start3A_365, %dma_start3A_366, %dma_start3A_367] : memref<5x125x64xf32, #tpu.memory_space<vmem>> -> memref<1x125x64xf32, #tpu.memory_space<vmem>>
        %dma_start3A_369 = tpu.memref_squeeze %dma_start3A_368 : memref<1x125x64xf32, #tpu.memory_space<vmem>> -> memref<125x64xf32, #tpu.memory_space<vmem>>
        %dma_start3A_370 = arith.constant 0 : i32
        %dma_start3A_371 = tpu.memref_slice %arg5[%dma_start3A_364, %add3A_335, %dma_start3A_370] : memref<2x160x125xi32, #tpu.memory_space<vmem>> -> memref<1x1x125xi32, #tpu.memory_space<vmem>>
        %dma_start3A_372 = tpu.memref_squeeze %dma_start3A_371 : memref<1x1x125xi32, #tpu.memory_space<vmem>> -> memref<125xi32, #tpu.memory_space<vmem>>
        %dma_start3A_373 = arith.constant 0 : i32
        %dma_start3A_374 = arith.constant 0 : i32
        %dma_start3A_375 = tpu.memref_slice %arg2[%arg0, %dma_start3A_373, %dma_start3A_374] : memref<2x10000x64xf32, #tpu.memory_space<hbm>> -> memref<1x10000x64xf32, #tpu.memory_space<hbm>>
        %dma_start3A_376 = tpu.memref_squeeze %dma_start3A_375 : memref<1x10000x64xf32, #tpu.memory_space<hbm>> -> memref<10000x64xf32, #tpu.memory_space<hbm>>
        %dma_start3A_377 = arith.constant 0 : i32
        %dma_start3A_378 = arith.constant 0 : i32
        %dma_start3A_379 = tpu.memref_slice %dma_start3A_376[%dma_start3A_377, %dma_start3A_378] : memref<10000x64xf32, #tpu.memory_space<hbm>> -> memref<10000x64xf32, #tpu.memory_space<hbm>>
        tpu.enqueue_indirect_dma source(%dma_start3A_379 : memref<10000x64xf32, #tpu.memory_space<hbm>>) target(%dma_start3A_369 : memref<125x64xf32, #tpu.memory_space<vmem>>) offsets(%dma_start3A_372 : memref<125xi32, #tpu.memory_space<vmem>>) semaphore(%arg11 : memref<!tpu.dma_semaphore, #tpu.memory_space<semaphore_mem>>)
      } else {
      }
      %dma_wait3A_341 = arith.constant 4 : i32
      %dma_wait3A_342 = arith.constant 1 : i32
      %dma_wait3A_343 = arith.constant 0 : i32
      %dma_wait3A_344 = arith.constant 0 : i32
      %dma_wait3A_345 = tpu.memref_slice %arg6[%dma_wait3A_341, %dma_wait3A_343, %dma_wait3A_344] : memref<5x125x64xf32, #tpu.memory_space<vmem>> -> memref<1x125x64xf32, #tpu.memory_space<vmem>>
      %dma_wait3A_346 = tpu.memref_squeeze %dma_wait3A_345 : memref<1x125x64xf32, #tpu.memory_space<vmem>> -> memref<125x64xf32, #tpu.memory_space<vmem>>
      %dma_wait3A_347 = arith.constant 0 : i32
      %dma_wait3A_348 = tpu.memref_slice %arg5[%dma_wait3A_342, %add3A_223, %dma_wait3A_347] : memref<2x160x125xi32, #tpu.memory_space<vmem>> -> memref<1x1x125xi32, #tpu.memory_space<vmem>>
      %dma_wait3A_349 = tpu.memref_squeeze %dma_wait3A_348 : memref<1x1x125xi32, #tpu.memory_space<vmem>> -> memref<125xi32, #tpu.memory_space<vmem>>
      %dma_wait3A_350 = arith.constant 0 : i32
      %dma_wait3A_351 = arith.constant 0 : i32
      %dma_wait3A_352 = tpu.memref_slice %arg7[%dma_wait3A_350, %dma_wait3A_351] : memref<10000x64xf32, #tpu.memory_space<vmem_shared>> -> memref<10000x64xf32, #tpu.memory_space<vmem_shared>>
      tpu.wait_indirect_dma semaphore(%arg17 : memref<!tpu.dma_semaphore, #tpu.memory_space<semaphore_mem>>) src(%dma_wait3A_346 : memref<125x64xf32, #tpu.memory_space<vmem>>) dst(%dma_wait3A_352 : memref<10000x64xf32, #tpu.memory_space<vmem_shared>>)
      %add3A_353 = arith.constant 1 : i32
      %add3A_354 = arith.addi %scan3A_93, %add3A_353 : i32
      %mul3A_355 = arith.constant 5 : i32
      %mul3A_356 = arith.muli %add3A_354, %mul3A_355 : i32
      %add3A_357 = arith.constant 4 : i32
      %add3A_358 = arith.addi %mul3A_356, %add3A_357 : i32
      %lt3A_359 = arith.constant 160 : i32
      %lt3A_360 = arith.cmpi slt, %add3A_358, %lt3A_359 : i32
      %convert_element_type3A_361 = arith.extui %lt3A_360 : i1 to i32
      %cond3A_362 = arith.constant 0 : i32
      %cond3A_363 = arith.cmpi ne, %convert_element_type3A_361, %cond3A_362 : i32
      scf.if %cond3A_363 {
        %dma_start3A_364 = arith.constant 0 : i32
        %dma_start3A_365 = arith.constant 4 : i32
        %dma_start3A_366 = arith.constant 0 : i32
        %dma_start3A_367 = arith.constant 0 : i32
        %dma_start3A_368 = tpu.memref_slice %arg6[%dma_start3A_365, %dma_start3A_366, %dma_start3A_367] : memref<5x125x64xf32, #tpu.memory_space<vmem>> -> memref<1x125x64xf32, #tpu.memory_space<vmem>>
        %dma_start3A_369 = tpu.memref_squeeze %dma_start3A_368 : memref<1x125x64xf32, #tpu.memory_space<vmem>> -> memref<125x64xf32, #tpu.memory_space<vmem>>
        %dma_start3A_370 = arith.constant 0 : i32
        %dma_start3A_371 = tpu.memref_slice %arg5[%dma_start3A_364, %add3A_358, %dma_start3A_370] : memref<2x160x125xi32, #tpu.memory_space<vmem>> -> memref<1x1x125xi32, #tpu.memory_space<vmem>>
        %dma_start3A_372 = tpu.memref_squeeze %dma_start3A_371 : memref<1x1x125xi32, #tpu.memory_space<vmem>> -> memref<125xi32, #tpu.memory_space<vmem>>
        %dma_start3A_373 = arith.constant 0 : i32
        %dma_start3A_374 = arith.constant 0 : i32
        %dma_start3A_375 = tpu.memref_slice %arg2[%arg0, %dma_start3A_373, %dma_start3A_374] : memref<2x10000x64xf32, #tpu.memory_space<hbm>> -> memref<1x10000x64xf32, #tpu.memory_space<hbm>>
        %dma_start3A_376 = tpu.memref_squeeze %dma_start3A_375 : memref<1x10000x64xf32, #tpu.memory_space<hbm>> -> memref<10000x64xf32, #tpu.memory_space<hbm>>
        %dma_start3A_377 = arith.constant 0 : i32
        %dma_start3A_378 = arith.constant 0 : i32
        %dma_start3A_379 = tpu.memref_slice %dma_start3A_376[%dma_start3A_377, %dma_start3A_378] : memref<10000x64xf32, #tpu.memory_space<hbm>> -> memref<10000x64xf32, #tpu.memory_space<hbm>>
        tpu.enqueue_indirect_dma source(%dma_start3A_379 : memref<10000x64xf32, #tpu.memory_space<hbm>>) target(%dma_start3A_369 : memref<125x64xf32, #tpu.memory_space<vmem>>) offsets(%dma_start3A_372 : memref<125xi32, #tpu.memory_space<vmem>>) semaphore(%arg12 : memref<!tpu.dma_semaphore, #tpu.memory_space<semaphore_mem>>)
      } else {
      }
    }
    %scan3A_89 = arith.constant 32 : i32
    %barrier3A_90 = arith.constant 0 : index
    tpu.barrier barrier_id(%barrier3A_90)
    %mul3A_91 = arith.constant 64 : i32
    %mul3A_92 = arith.muli %arg0, %mul3A_91 : i32
    "tpu.region"() ({
      %run_scoped3A = tpu.sem_alloc : memref<!tpu.dma_semaphore, #tpu.memory_space<semaphore_mem>>
      %dma_start3A_93 = tpu.memref_slice %arg4[%mul3A_0, %mul3A_92] : memref<10000x128xf32, #tpu.memory_space<hbm>> -> memref<625x64xf32, #tpu.memory_space<hbm>>
      %dma_start3A_94 = arith.constant 0 : i32
      %dma_start3A_95 = tpu.memref_slice %arg7[%mul3A_0, %dma_start3A_94] : memref<10000x64xf32, #tpu.memory_space<vmem_shared>> -> memref<625x64xf32, #tpu.memory_space<vmem_shared>>
      tpu.enqueue_dma source(%dma_start3A_95 : memref<625x64xf32, #tpu.memory_space<vmem_shared>>) target(%dma_start3A_93 : memref<625x64xf32, #tpu.memory_space<hbm>>) target_semaphore(%run_scoped3A : memref<!tpu.dma_semaphore, #tpu.memory_space<semaphore_mem>>)
      %dma_wait3A = tpu.memref_slice %arg4[%mul3A_0, %mul3A_92] : memref<10000x128xf32, #tpu.memory_space<hbm>> -> memref<625x64xf32, #tpu.memory_space<hbm>>
      %dma_wait3A_96 = arith.constant 0 : i32
      %dma_wait3A_97 = tpu.memref_slice %arg7[%mul3A_0, %dma_wait3A_96] : memref<10000x64xf32, #tpu.memory_space<vmem_shared>> -> memref<625x64xf32, #tpu.memory_space<vmem_shared>>
      tpu.wait_dma2 semaphore(%run_scoped3A : memref<!tpu.dma_semaphore, #tpu.memory_space<semaphore_mem>>) src(%dma_wait3A_97 : memref<625x64xf32, #tpu.memory_space<vmem_shared>>) dst(%dma_wait3A : memref<625x64xf32, #tpu.memory_space<hbm>>)
      tpu.yield
    }) : () -> ()
    return
  }
}

#map = affine_map<(d0, d1) -> (0, 0, 0)>
#map1 = affine_map<(d0, d1) -> (0, 0, 0, 0)>
#map2 = affine_map<(d0, d1) -> (0, 0)>
module attributes {stable_mosaic.version = 14 : i64} {
  func.func @agg(%arg0: i32, %arg1: i32, %arg2: memref<2x10000x64xf32, #tpu.memory_space<hbm>>, %arg3: memref<2x16x160x125xi32, #tpu.memory_space<hbm>>, %arg4: memref<10000x128xf32, #tpu.memory_space<hbm>>, %arg5: memref<2x160x125xi32, #tpu.memory_space<vmem>>, %arg6: memref<5x125x64xf32, #tpu.memory_space<vmem>>, %arg7: memref<10000x64xf32, #tpu.memory_space<vmem_shared>>, %arg8: memref<!tpu.dma_semaphore, #tpu.memory_space<semaphore_mem>>, %arg9: memref<!tpu.dma_semaphore, #tpu.memory_space<semaphore_mem>>, %arg10: memref<!tpu.dma_semaphore, #tpu.memory_space<semaphore_mem>>, %arg11: memref<!tpu.dma_semaphore, #tpu.memory_space<semaphore_mem>>, %arg12: memref<!tpu.dma_semaphore, #tpu.memory_space<semaphore_mem>>, %arg13: memref<!tpu.dma_semaphore, #tpu.memory_space<semaphore_mem>>, %arg14: memref<!tpu.dma_semaphore, #tpu.memory_space<semaphore_mem>>, %arg15: memref<!tpu.dma_semaphore, #tpu.memory_space<semaphore_mem>>, %arg16: memref<!tpu.dma_semaphore, #tpu.memory_space<semaphore_mem>>, %arg17: memref<!tpu.dma_semaphore, #tpu.memory_space<semaphore_mem>>) attributes {dimension_semantics = [#tpu.dimension_semantics<core_parallel>, #tpu.dimension_semantics<subcore_parallel>], iteration_bounds = array<i64: 2, 16>, scalar_prefetch = 0 : i64, scratch_operands = 13 : i64, tpu.core_type = #tpu.core_type<sc_vector_subcore>, window_params = [{transform_indices = #map}, {transform_indices = #map1}, {transform_indices = #map2}]} {
    %mul3A = arith.constant 625 : i32
    %mul3A_0 = arith.muli %arg1, %mul3A : i32
    "tpu.region"() ({
      %run_scoped3A = tpu.sem_alloc : memref<!tpu.dma_semaphore, #tpu.memory_space<semaphore_mem>>
      %dma_start3A_93 = arith.constant 0 : i32
      %dma_start3A_94 = arith.constant 0 : i32
      %dma_start3A_95 = arith.constant 0 : i32
      %dma_start3A_96 = tpu.memref_slice %arg3[%dma_start3A_93, %arg1, %dma_start3A_94, %dma_start3A_95] : memref<2x16x160x125xi32, #tpu.memory_space<hbm>> -> memref<2x1x160x125xi32, #tpu.memory_space<hbm>>
      %dma_start3A_97 = tpu.memref_squeeze %dma_start3A_96 : memref<2x1x160x125xi32, #tpu.memory_space<hbm>> -> memref<2x160x125xi32, #tpu.memory_space<hbm>>
      %dma_start3A_98 = arith.constant 0 : i32
      %dma_start3A_99 = arith.constant 0 : i32
      %dma_start3A_100 = arith.constant 0 : i32
      %dma_start3A_101 = tpu.memref_slice %arg3[%dma_start3A_98, %arg1, %dma_start3A_99, %dma_start3A_100] : memref<2x16x160x125xi32, #tpu.memory_space<hbm>> -> memref<2x1x160x125xi32, #tpu.memory_space<hbm>>
      %dma_start3A_102 = tpu.memref_squeeze %dma_start3A_101 : memref<2x1x160x125xi32, #tpu.memory_space<hbm>> -> memref<2x160x125xi32, #tpu.memory_space<hbm>>
      tpu.enqueue_dma source(%dma_start3A_102 : memref<2x160x125xi32, #tpu.memory_space<hbm>>) target(%arg5 : memref<2x160x125xi32, #tpu.memory_space<vmem>>) target_semaphore(%run_scoped3A : memref<!tpu.dma_semaphore, #tpu.memory_space<semaphore_mem>>)
      %dma_wait3A = arith.constant 0 : i32
      %dma_wait3A_103 = arith.constant 0 : i32
      %dma_wait3A_104 = arith.constant 0 : i32
      %dma_wait3A_105 = tpu.memref_slice %arg3[%dma_wait3A, %arg1, %dma_wait3A_103, %dma_wait3A_104] : memref<2x16x160x125xi32, #tpu.memory_space<hbm>> -> memref<2x1x160x125xi32, #tpu.memory_space<hbm>>
      %dma_wait3A_106 = tpu.memref_squeeze %dma_wait3A_105 : memref<2x1x160x125xi32, #tpu.memory_space<hbm>> -> memref<2x160x125xi32, #tpu.memory_space<hbm>>
      %dma_wait3A_107 = arith.constant 0 : i32
      %dma_wait3A_108 = arith.constant 0 : i32
      %dma_wait3A_109 = arith.constant 0 : i32
      %dma_wait3A_110 = tpu.memref_slice %arg3[%dma_wait3A_107, %arg1, %dma_wait3A_108, %dma_wait3A_109] : memref<2x16x160x125xi32, #tpu.memory_space<hbm>> -> memref<2x1x160x125xi32, #tpu.memory_space<hbm>>
      %dma_wait3A_111 = tpu.memref_squeeze %dma_wait3A_110 : memref<2x1x160x125xi32, #tpu.memory_space<hbm>> -> memref<2x160x125xi32, #tpu.memory_space<hbm>>
      tpu.wait_dma2 semaphore(%run_scoped3A : memref<!tpu.dma_semaphore, #tpu.memory_space<semaphore_mem>>) src(%dma_wait3A_111 : memref<2x160x125xi32, #tpu.memory_space<hbm>>) dst(%arg5 : memref<2x160x125xi32, #tpu.memory_space<vmem>>)
      tpu.yield
    }) : () -> ()
    %dma_start3A = arith.constant 0 : i32
    %dma_start3A_1 = arith.constant 0 : i32
    %dma_start3A_2 = arith.constant 0 : i32
    %dma_start3A_3 = arith.constant 0 : i32
    %dma_start3A_4 = arith.constant 0 : i32
    %dma_start3A_5 = tpu.memref_slice %arg6[%dma_start3A_2, %dma_start3A_3, %dma_start3A_4] : memref<5x125x64xf32, #tpu.memory_space<vmem>> -> memref<1x125x64xf32, #tpu.memory_space<vmem>>
    %dma_start3A_6 = tpu.memref_squeeze %dma_start3A_5 : memref<1x125x64xf32, #tpu.memory_space<vmem>> -> memref<125x64xf32, #tpu.memory_space<vmem>>
    %dma_start3A_7 = arith.constant 0 : i32
    %dma_start3A_8 = tpu.memref_slice %arg5[%dma_start3A, %dma_start3A_1, %dma_start3A_7] : memref<2x160x125xi32, #tpu.memory_space<vmem>> -> memref<1x1x125xi32, #tpu.memory_space<vmem>>
    %dma_start3A_9 = tpu.memref_squeeze %dma_start3A_8 : memref<1x1x125xi32, #tpu.memory_space<vmem>> -> memref<125xi32, #tpu.memory_space<vmem>>
    %dma_start3A_10 = arith.constant 0 : i32
    %dma_start3A_11 = arith.constant 0 : i32
    %dma_start3A_12 = tpu.memref_slice %arg2[%arg0, %dma_start3A_10, %dma_start3A_11] : memref<2x10000x64xf32, #tpu.memory_space<hbm>> -> memref<1x10000x64xf32, #tpu.memory_space<hbm>>
    %dma_start3A_13 = tpu.memref_squeeze %dma_start3A_12 : memref<1x10000x64xf32, #tpu.memory_space<hbm>> -> memref<10000x64xf32, #tpu.memory_space<hbm>>
    %dma_start3A_14 = arith.constant 0 : i32
    %dma_start3A_15 = arith.constant 0 : i32
    %dma_start3A_16 = tpu.memref_slice %dma_start3A_13[%dma_start3A_14, %dma_start3A_15] : memref<10000x64xf32, #tpu.memory_space<hbm>> -> memref<10000x64xf32, #tpu.memory_space<hbm>>
    tpu.enqueue_indirect_dma source(%dma_start3A_16 : memref<10000x64xf32, #tpu.memory_space<hbm>>) target(%dma_start3A_6 : memref<125x64xf32, #tpu.memory_space<vmem>>) offsets(%dma_start3A_9 : memref<125xi32, #tpu.memory_space<vmem>>) semaphore(%arg8 : memref<!tpu.dma_semaphore, #tpu.memory_space<semaphore_mem>>)
    %dma_start3A_17 = arith.constant 0 : i32
    %dma_start3A_18 = arith.constant 1 : i32
    %dma_start3A_19 = arith.constant 1 : i32
    %dma_start3A_20 = arith.constant 0 : i32
    %dma_start3A_21 = arith.constant 0 : i32
    %dma_start3A_22 = tpu.memref_slice %arg6[%dma_start3A_19, %dma_start3A_20, %dma_start3A_21] : memref<5x125x64xf32, #tpu.memory_space<vmem>> -> memref<1x125x64xf32, #tpu.memory_space<vmem>>
    %dma_start3A_23 = tpu.memref_squeeze %dma_start3A_22 : memref<1x125x64xf32, #tpu.memory_space<vmem>> -> memref<125x64xf32, #tpu.memory_space<vmem>>
    %dma_start3A_24 = arith.constant 0 : i32
    %dma_start3A_25 = tpu.memref_slice %arg5[%dma_start3A_17, %dma_start3A_18, %dma_start3A_24] : memref<2x160x125xi32, #tpu.memory_space<vmem>> -> memref<1x1x125xi32, #tpu.memory_space<vmem>>
    %dma_start3A_26 = tpu.memref_squeeze %dma_start3A_25 : memref<1x1x125xi32, #tpu.memory_space<vmem>> -> memref<125xi32, #tpu.memory_space<vmem>>
    %dma_start3A_27 = arith.constant 0 : i32
    %dma_start3A_28 = arith.constant 0 : i32
    %dma_start3A_29 = tpu.memref_slice %arg2[%arg0, %dma_start3A_27, %dma_start3A_28] : memref<2x10000x64xf32, #tpu.memory_space<hbm>> -> memref<1x10000x64xf32, #tpu.memory_space<hbm>>
    %dma_start3A_30 = tpu.memref_squeeze %dma_start3A_29 : memref<1x10000x64xf32, #tpu.memory_space<hbm>> -> memref<10000x64xf32, #tpu.memory_space<hbm>>
    %dma_start3A_31 = arith.constant 0 : i32
    %dma_start3A_32 = arith.constant 0 : i32
    %dma_start3A_33 = tpu.memref_slice %dma_start3A_30[%dma_start3A_31, %dma_start3A_32] : memref<10000x64xf32, #tpu.memory_space<hbm>> -> memref<10000x64xf32, #tpu.memory_space<hbm>>
    tpu.enqueue_indirect_dma source(%dma_start3A_33 : memref<10000x64xf32, #tpu.memory_space<hbm>>) target(%dma_start3A_23 : memref<125x64xf32, #tpu.memory_space<vmem>>) offsets(%dma_start3A_26 : memref<125xi32, #tpu.memory_space<vmem>>) semaphore(%arg9 : memref<!tpu.dma_semaphore, #tpu.memory_space<semaphore_mem>>)
    %dma_start3A_34 = arith.constant 0 : i32
    %dma_start3A_35 = arith.constant 2 : i32
    %dma_start3A_36 = arith.constant 2 : i32
    %dma_start3A_37 = arith.constant 0 : i32
    %dma_start3A_38 = arith.constant 0 : i32
    %dma_start3A_39 = tpu.memref_slice %arg6[%dma_start3A_36, %dma_start3A_37, %dma_start3A_38] : memref<5x125x64xf32, #tpu.memory_space<vmem>> -> memref<1x125x64xf32, #tpu.memory_space<vmem>>
    %dma_start3A_40 = tpu.memref_squeeze %dma_start3A_39 : memref<1x125x64xf32, #tpu.memory_space<vmem>> -> memref<125x64xf32, #tpu.memory_space<vmem>>
    %dma_start3A_41 = arith.constant 0 : i32
    %dma_start3A_42 = tpu.memref_slice %arg5[%dma_start3A_34, %dma_start3A_35, %dma_start3A_41] : memref<2x160x125xi32, #tpu.memory_space<vmem>> -> memref<1x1x125xi32, #tpu.memory_space<vmem>>
    %dma_start3A_43 = tpu.memref_squeeze %dma_start3A_42 : memref<1x1x125xi32, #tpu.memory_space<vmem>> -> memref<125xi32, #tpu.memory_space<vmem>>
    %dma_start3A_44 = arith.constant 0 : i32
    %dma_start3A_45 = arith.constant 0 : i32
    %dma_start3A_46 = tpu.memref_slice %arg2[%arg0, %dma_start3A_44, %dma_start3A_45] : memref<2x10000x64xf32, #tpu.memory_space<hbm>> -> memref<1x10000x64xf32, #tpu.memory_space<hbm>>
    %dma_start3A_47 = tpu.memref_squeeze %dma_start3A_46 : memref<1x10000x64xf32, #tpu.memory_space<hbm>> -> memref<10000x64xf32, #tpu.memory_space<hbm>>
    %dma_start3A_48 = arith.constant 0 : i32
    %dma_start3A_49 = arith.constant 0 : i32
    %dma_start3A_50 = tpu.memref_slice %dma_start3A_47[%dma_start3A_48, %dma_start3A_49] : memref<10000x64xf32, #tpu.memory_space<hbm>> -> memref<10000x64xf32, #tpu.memory_space<hbm>>
    tpu.enqueue_indirect_dma source(%dma_start3A_50 : memref<10000x64xf32, #tpu.memory_space<hbm>>) target(%dma_start3A_40 : memref<125x64xf32, #tpu.memory_space<vmem>>) offsets(%dma_start3A_43 : memref<125xi32, #tpu.memory_space<vmem>>) semaphore(%arg10 : memref<!tpu.dma_semaphore, #tpu.memory_space<semaphore_mem>>)
    %dma_start3A_51 = arith.constant 0 : i32
    %dma_start3A_52 = arith.constant 3 : i32
    %dma_start3A_53 = arith.constant 3 : i32
    %dma_start3A_54 = arith.constant 0 : i32
    %dma_start3A_55 = arith.constant 0 : i32
    %dma_start3A_56 = tpu.memref_slice %arg6[%dma_start3A_53, %dma_start3A_54, %dma_start3A_55] : memref<5x125x64xf32, #tpu.memory_space<vmem>> -> memref<1x125x64xf32, #tpu.memory_space<vmem>>
    %dma_start3A_57 = tpu.memref_squeeze %dma_start3A_56 : memref<1x125x64xf32, #tpu.memory_space<vmem>> -> memref<125x64xf32, #tpu.memory_space<vmem>>
    %dma_start3A_58 = arith.constant 0 : i32
    %dma_start3A_59 = tpu.memref_slice %arg5[%dma_start3A_51, %dma_start3A_52, %dma_start3A_58] : memref<2x160x125xi32, #tpu.memory_space<vmem>> -> memref<1x1x125xi32, #tpu.memory_space<vmem>>
    %dma_start3A_60 = tpu.memref_squeeze %dma_start3A_59 : memref<1x1x125xi32, #tpu.memory_space<vmem>> -> memref<125xi32, #tpu.memory_space<vmem>>
    %dma_start3A_61 = arith.constant 0 : i32
    %dma_start3A_62 = arith.constant 0 : i32
    %dma_start3A_63 = tpu.memref_slice %arg2[%arg0, %dma_start3A_61, %dma_start3A_62] : memref<2x10000x64xf32, #tpu.memory_space<hbm>> -> memref<1x10000x64xf32, #tpu.memory_space<hbm>>
    %dma_start3A_64 = tpu.memref_squeeze %dma_start3A_63 : memref<1x10000x64xf32, #tpu.memory_space<hbm>> -> memref<10000x64xf32, #tpu.memory_space<hbm>>
    %dma_start3A_65 = arith.constant 0 : i32
    %dma_start3A_66 = arith.constant 0 : i32
    %dma_start3A_67 = tpu.memref_slice %dma_start3A_64[%dma_start3A_65, %dma_start3A_66] : memref<10000x64xf32, #tpu.memory_space<hbm>> -> memref<10000x64xf32, #tpu.memory_space<hbm>>
    tpu.enqueue_indirect_dma source(%dma_start3A_67 : memref<10000x64xf32, #tpu.memory_space<hbm>>) target(%dma_start3A_57 : memref<125x64xf32, #tpu.memory_space<vmem>>) offsets(%dma_start3A_60 : memref<125xi32, #tpu.memory_space<vmem>>) semaphore(%arg11 : memref<!tpu.dma_semaphore, #tpu.memory_space<semaphore_mem>>)
    %dma_start3A_68 = arith.constant 0 : i32
    %dma_start3A_69 = arith.constant 4 : i32
    %dma_start3A_70 = arith.constant 4 : i32
    %dma_start3A_71 = arith.constant 0 : i32
    %dma_start3A_72 = arith.constant 0 : i32
    %dma_start3A_73 = tpu.memref_slice %arg6[%dma_start3A_70, %dma_start3A_71, %dma_start3A_72] : memref<5x125x64xf32, #tpu.memory_space<vmem>> -> memref<1x125x64xf32, #tpu.memory_space<vmem>>
    %dma_start3A_74 = tpu.memref_squeeze %dma_start3A_73 : memref<1x125x64xf32, #tpu.memory_space<vmem>> -> memref<125x64xf32, #tpu.memory_space<vmem>>
    %dma_start3A_75 = arith.constant 0 : i32
    %dma_start3A_76 = tpu.memref_slice %arg5[%dma_start3A_68, %dma_start3A_69, %dma_start3A_75] : memref<2x160x125xi32, #tpu.memory_space<vmem>> -> memref<1x1x125xi32, #tpu.memory_space<vmem>>
    %dma_start3A_77 = tpu.memref_squeeze %dma_start3A_76 : memref<1x1x125xi32, #tpu.memory_space<vmem>> -> memref<125xi32, #tpu.memory_space<vmem>>
    %dma_start3A_78 = arith.constant 0 : i32
    %dma_start3A_79 = arith.constant 0 : i32
    %dma_start3A_80 = tpu.memref_slice %arg2[%arg0, %dma_start3A_78, %dma_start3A_79] : memref<2x10000x64xf32, #tpu.memory_space<hbm>> -> memref<1x10000x64xf32, #tpu.memory_space<hbm>>
    %dma_start3A_81 = tpu.memref_squeeze %dma_start3A_80 : memref<1x10000x64xf32, #tpu.memory_space<hbm>> -> memref<10000x64xf32, #tpu.memory_space<hbm>>
    %dma_start3A_82 = arith.constant 0 : i32
    %dma_start3A_83 = arith.constant 0 : i32
    %dma_start3A_84 = tpu.memref_slice %dma_start3A_81[%dma_start3A_82, %dma_start3A_83] : memref<10000x64xf32, #tpu.memory_space<hbm>> -> memref<10000x64xf32, #tpu.memory_space<hbm>>
    tpu.enqueue_indirect_dma source(%dma_start3A_84 : memref<10000x64xf32, #tpu.memory_space<hbm>>) target(%dma_start3A_74 : memref<125x64xf32, #tpu.memory_space<vmem>>) offsets(%dma_start3A_77 : memref<125xi32, #tpu.memory_space<vmem>>) semaphore(%arg12 : memref<!tpu.dma_semaphore, #tpu.memory_space<semaphore_mem>>)
    "tpu.region"() ({
      %run_scoped3A = tpu.sem_alloc : memref<!tpu.dma_semaphore, #tpu.memory_space<semaphore_mem>>
      %dma_start3A_93 = arith.constant 0 : i32
      %dma_start3A_94 = tpu.memref_slice %arg7[%mul3A_0, %dma_start3A_93] : memref<10000x64xf32, #tpu.memory_space<vmem_shared>> -> memref<625x64xf32, #tpu.memory_space<vmem_shared>>
      %dma_start3A_95 = arith.constant 0 : i32
      %dma_start3A_96 = arith.constant 0 : i32
      %dma_start3A_97 = tpu.memref_slice %arg2[%arg0, %dma_start3A_95, %dma_start3A_96] : memref<2x10000x64xf32, #tpu.memory_space<hbm>> -> memref<1x10000x64xf32, #tpu.memory_space<hbm>>
      %dma_start3A_98 = tpu.memref_squeeze %dma_start3A_97 : memref<1x10000x64xf32, #tpu.memory_space<hbm>> -> memref<10000x64xf32, #tpu.memory_space<hbm>>
      %dma_start3A_99 = arith.constant 0 : i32
      %dma_start3A_100 = tpu.memref_slice %dma_start3A_98[%mul3A_0, %dma_start3A_99] : memref<10000x64xf32, #tpu.memory_space<hbm>> -> memref<625x64xf32, #tpu.memory_space<hbm>>
      tpu.enqueue_dma source(%dma_start3A_100 : memref<625x64xf32, #tpu.memory_space<hbm>>) target(%dma_start3A_94 : memref<625x64xf32, #tpu.memory_space<vmem_shared>>) target_semaphore(%run_scoped3A : memref<!tpu.dma_semaphore, #tpu.memory_space<semaphore_mem>>)
      %dma_wait3A = arith.constant 0 : i32
      %dma_wait3A_101 = tpu.memref_slice %arg7[%mul3A_0, %dma_wait3A] : memref<10000x64xf32, #tpu.memory_space<vmem_shared>> -> memref<625x64xf32, #tpu.memory_space<vmem_shared>>
      %dma_wait3A_102 = arith.constant 0 : i32
      %dma_wait3A_103 = arith.constant 0 : i32
      %dma_wait3A_104 = tpu.memref_slice %arg2[%arg0, %dma_wait3A_102, %dma_wait3A_103] : memref<2x10000x64xf32, #tpu.memory_space<hbm>> -> memref<1x10000x64xf32, #tpu.memory_space<hbm>>
      %dma_wait3A_105 = tpu.memref_squeeze %dma_wait3A_104 : memref<1x10000x64xf32, #tpu.memory_space<hbm>> -> memref<10000x64xf32, #tpu.memory_space<hbm>>
      %dma_wait3A_106 = arith.constant 0 : i32
      %dma_wait3A_107 = tpu.memref_slice %dma_wait3A_105[%mul3A_0, %dma_wait3A_106] : memref<10000x64xf32, #tpu.memory_space<hbm>> -> memref<625x64xf32, #tpu.memory_space<hbm>>
      tpu.wait_dma2 semaphore(%run_scoped3A : memref<!tpu.dma_semaphore, #tpu.memory_space<semaphore_mem>>) src(%dma_wait3A_107 : memref<625x64xf32, #tpu.memory_space<hbm>>) dst(%dma_wait3A_101 : memref<625x64xf32, #tpu.memory_space<vmem_shared>>)
      tpu.yield
    }) : () -> ()
    %barrier3A = arith.constant 0 : index
    tpu.barrier barrier_id(%barrier3A)
    %scan3A = arith.constant 0 : i32
    %scan3A_85 = arith.constant 0 : i32
    %scan3A_86 = arith.constant 32 : i32
    %scan3A_87 = arith.addi %scan3A_85, %scan3A_86 : i32
    %scan3A_88 = arith.constant 1 : i32
    scf.for %scan3A_93 = %scan3A_85 to %scan3A_87 step %scan3A_88  : i32 {
      %mul3A_94 = arith.constant 5 : i32
      %mul3A_95 = arith.muli %scan3A_93, %mul3A_94 : i32
      %add3A = arith.constant 0 : i32
      %add3A_96 = arith.addi %mul3A_95, %add3A : i32
      %dma_wait3A = arith.constant 0 : i32
      %dma_wait3A_97 = arith.constant 0 : i32
      %dma_wait3A_98 = arith.constant 0 : i32
      %dma_wait3A_99 = arith.constant 0 : i32
      %dma_wait3A_100 = tpu.memref_slice %arg6[%dma_wait3A_97, %dma_wait3A_98, %dma_wait3A_99] : memref<5x125x64xf32, #tpu.memory_space<vmem>> -> memref<1x125x64xf32, #tpu.memory_space<vmem>>
      %dma_wait3A_101 = tpu.memref_squeeze %dma_wait3A_100 : memref<1x125x64xf32, #tpu.memory_space<vmem>> -> memref<125x64xf32, #tpu.memory_space<vmem>>
      %dma_wait3A_102 = arith.constant 0 : i32
      %dma_wait3A_103 = tpu.memref_slice %arg5[%dma_wait3A, %add3A_96, %dma_wait3A_102] : memref<2x160x125xi32, #tpu.memory_space<vmem>> -> memref<1x1x125xi32, #tpu.memory_space<vmem>>
      %dma_wait3A_104 = tpu.memref_squeeze %dma_wait3A_103 : memref<1x1x125xi32, #tpu.memory_space<vmem>> -> memref<125xi32, #tpu.memory_space<vmem>>
      %dma_wait3A_105 = arith.constant 0 : i32
      %dma_wait3A_106 = arith.constant 0 : i32
      %dma_wait3A_107 = tpu.memref_slice %arg2[%arg0, %dma_wait3A_105, %dma_wait3A_106] : memref<2x10000x64xf32, #tpu.memory_space<hbm>> -> memref<1x10000x64xf32, #tpu.memory_space<hbm>>
      %dma_wait3A_108 = tpu.memref_squeeze %dma_wait3A_107 : memref<1x10000x64xf32, #tpu.memory_space<hbm>> -> memref<10000x64xf32, #tpu.memory_space<hbm>>
      %dma_wait3A_109 = arith.constant 0 : i32
      %dma_wait3A_110 = arith.constant 0 : i32
      %dma_wait3A_111 = tpu.memref_slice %dma_wait3A_108[%dma_wait3A_109, %dma_wait3A_110] : memref<10000x64xf32, #tpu.memory_space<hbm>> -> memref<10000x64xf32, #tpu.memory_space<hbm>>
      tpu.wait_indirect_dma semaphore(%arg8 : memref<!tpu.dma_semaphore, #tpu.memory_space<semaphore_mem>>) src(%dma_wait3A_111 : memref<10000x64xf32, #tpu.memory_space<hbm>>) dst(%dma_wait3A_101 : memref<125x64xf32, #tpu.memory_space<vmem>>)
      %dma_start3A_112 = arith.constant 0 : i32
      %dma_start3A_113 = arith.constant 1 : i32
      %dma_start3A_114 = arith.constant 0 : i32
      %dma_start3A_115 = arith.constant 0 : i32
      %dma_start3A_116 = tpu.memref_slice %arg6[%dma_start3A_112, %dma_start3A_114, %dma_start3A_115] : memref<5x125x64xf32, #tpu.memory_space<vmem>> -> memref<1x125x64xf32, #tpu.memory_space<vmem>>
      %dma_start3A_117 = tpu.memref_squeeze %dma_start3A_116 : memref<1x125x64xf32, #tpu.memory_space<vmem>> -> memref<125x64xf32, #tpu.memory_space<vmem>>
      %dma_start3A_118 = arith.constant 0 : i32
      %dma_start3A_119 = tpu.memref_slice %arg5[%dma_start3A_113, %add3A_96, %dma_start3A_118] : memref<2x160x125xi32, #tpu.memory_space<vmem>> -> memref<1x1x125xi32, #tpu.memory_space<vmem>>
      %dma_start3A_120 = tpu.memref_squeeze %dma_start3A_119 : memref<1x1x125xi32, #tpu.memory_space<vmem>> -> memref<125xi32, #tpu.memory_space<vmem>>
      %dma_start3A_121 = arith.constant 0 : i32
      %dma_start3A_122 = arith.constant 0 : i32
      %dma_start3A_123 = tpu.memref_slice %arg7[%dma_start3A_121, %dma_start3A_122] : memref<10000x64xf32, #tpu.memory_space<vmem_shared>> -> memref<10000x64xf32, #tpu.memory_space<vmem_shared>>
      tpu.enqueue_indirect_dma source(%dma_start3A_117 : memref<125x64xf32, #tpu.memory_space<vmem>>) target(%dma_start3A_123 : memref<10000x64xf32, #tpu.memory_space<vmem_shared>>) offsets(%dma_start3A_120 : memref<125xi32, #tpu.memory_space<vmem>>) semaphore(%arg13 : memref<!tpu.dma_semaphore, #tpu.memory_space<semaphore_mem>>) {add = true}
      %mul3A_124 = arith.constant 5 : i32
      %mul3A_125 = arith.muli %scan3A_93, %mul3A_124 : i32
      %add3A_126 = arith.constant 1 : i32
      %add3A_127 = arith.addi %mul3A_125, %add3A_126 : i32
      %dma_wait3A_128 = arith.constant 0 : i32
      %dma_wait3A_129 = arith.constant 1 : i32
      %dma_wait3A_130 = arith.constant 0 : i32
      %dma_wait3A_131 = arith.constant 0 : i32
      %dma_wait3A_132 = tpu.memref_slice %arg6[%dma_wait3A_129, %dma_wait3A_130, %dma_wait3A_131] : memref<5x125x64xf32, #tpu.memory_space<vmem>> -> memref<1x125x64xf32, #tpu.memory_space<vmem>>
      %dma_wait3A_133 = tpu.memref_squeeze %dma_wait3A_132 : memref<1x125x64xf32, #tpu.memory_space<vmem>> -> memref<125x64xf32, #tpu.memory_space<vmem>>
      %dma_wait3A_134 = arith.constant 0 : i32
      %dma_wait3A_135 = tpu.memref_slice %arg5[%dma_wait3A_128, %add3A_127, %dma_wait3A_134] : memref<2x160x125xi32, #tpu.memory_space<vmem>> -> memref<1x1x125xi32, #tpu.memory_space<vmem>>
      %dma_wait3A_136 = tpu.memref_squeeze %dma_wait3A_135 : memref<1x1x125xi32, #tpu.memory_space<vmem>> -> memref<125xi32, #tpu.memory_space<vmem>>
      %dma_wait3A_137 = arith.constant 0 : i32
      %dma_wait3A_138 = arith.constant 0 : i32
      %dma_wait3A_139 = tpu.memref_slice %arg2[%arg0, %dma_wait3A_137, %dma_wait3A_138] : memref<2x10000x64xf32, #tpu.memory_space<hbm>> -> memref<1x10000x64xf32, #tpu.memory_space<hbm>>
      %dma_wait3A_140 = tpu.memref_squeeze %dma_wait3A_139 : memref<1x10000x64xf32, #tpu.memory_space<hbm>> -> memref<10000x64xf32, #tpu.memory_space<hbm>>
      %dma_wait3A_141 = arith.constant 0 : i32
      %dma_wait3A_142 = arith.constant 0 : i32
      %dma_wait3A_143 = tpu.memref_slice %dma_wait3A_140[%dma_wait3A_141, %dma_wait3A_142] : memref<10000x64xf32, #tpu.memory_space<hbm>> -> memref<10000x64xf32, #tpu.memory_space<hbm>>
      tpu.wait_indirect_dma semaphore(%arg9 : memref<!tpu.dma_semaphore, #tpu.memory_space<semaphore_mem>>) src(%dma_wait3A_143 : memref<10000x64xf32, #tpu.memory_space<hbm>>) dst(%dma_wait3A_133 : memref<125x64xf32, #tpu.memory_space<vmem>>)
      %dma_start3A_144 = arith.constant 1 : i32
      %dma_start3A_145 = arith.constant 1 : i32
      %dma_start3A_146 = arith.constant 0 : i32
      %dma_start3A_147 = arith.constant 0 : i32
      %dma_start3A_148 = tpu.memref_slice %arg6[%dma_start3A_144, %dma_start3A_146, %dma_start3A_147] : memref<5x125x64xf32, #tpu.memory_space<vmem>> -> memref<1x125x64xf32, #tpu.memory_space<vmem>>
      %dma_start3A_149 = tpu.memref_squeeze %dma_start3A_148 : memref<1x125x64xf32, #tpu.memory_space<vmem>> -> memref<125x64xf32, #tpu.memory_space<vmem>>
      %dma_start3A_150 = arith.constant 0 : i32
      %dma_start3A_151 = tpu.memref_slice %arg5[%dma_start3A_145, %add3A_127, %dma_start3A_150] : memref<2x160x125xi32, #tpu.memory_space<vmem>> -> memref<1x1x125xi32, #tpu.memory_space<vmem>>
      %dma_start3A_152 = tpu.memref_squeeze %dma_start3A_151 : memref<1x1x125xi32, #tpu.memory_space<vmem>> -> memref<125xi32, #tpu.memory_space<vmem>>
      %dma_start3A_153 = arith.constant 0 : i32
      %dma_start3A_154 = arith.constant 0 : i32
      %dma_start3A_155 = tpu.memref_slice %arg7[%dma_start3A_153, %dma_start3A_154] : memref<10000x64xf32, #tpu.memory_space<vmem_shared>> -> memref<10000x64xf32, #tpu.memory_space<vmem_shared>>
      tpu.enqueue_indirect_dma source(%dma_start3A_149 : memref<125x64xf32, #tpu.memory_space<vmem>>) target(%dma_start3A_155 : memref<10000x64xf32, #tpu.memory_space<vmem_shared>>) offsets(%dma_start3A_152 : memref<125xi32, #tpu.memory_space<vmem>>) semaphore(%arg14 : memref<!tpu.dma_semaphore, #tpu.memory_space<semaphore_mem>>) {add = true}
      %mul3A_156 = arith.constant 5 : i32
      %mul3A_157 = arith.muli %scan3A_93, %mul3A_156 : i32
      %add3A_158 = arith.constant 2 : i32
      %add3A_159 = arith.addi %mul3A_157, %add3A_158 : i32
      %dma_wait3A_160 = arith.constant 0 : i32
      %dma_wait3A_161 = arith.constant 2 : i32
      %dma_wait3A_162 = arith.constant 0 : i32
      %dma_wait3A_163 = arith.constant 0 : i32
      %dma_wait3A_164 = tpu.memref_slice %arg6[%dma_wait3A_161, %dma_wait3A_162, %dma_wait3A_163] : memref<5x125x64xf32, #tpu.memory_space<vmem>> -> memref<1x125x64xf32, #tpu.memory_space<vmem>>
      %dma_wait3A_165 = tpu.memref_squeeze %dma_wait3A_164 : memref<1x125x64xf32, #tpu.memory_space<vmem>> -> memref<125x64xf32, #tpu.memory_space<vmem>>
      %dma_wait3A_166 = arith.constant 0 : i32
      %dma_wait3A_167 = tpu.memref_slice %arg5[%dma_wait3A_160, %add3A_159, %dma_wait3A_166] : memref<2x160x125xi32, #tpu.memory_space<vmem>> -> memref<1x1x125xi32, #tpu.memory_space<vmem>>
      %dma_wait3A_168 = tpu.memref_squeeze %dma_wait3A_167 : memref<1x1x125xi32, #tpu.memory_space<vmem>> -> memref<125xi32, #tpu.memory_space<vmem>>
      %dma_wait3A_169 = arith.constant 0 : i32
      %dma_wait3A_170 = arith.constant 0 : i32
      %dma_wait3A_171 = tpu.memref_slice %arg2[%arg0, %dma_wait3A_169, %dma_wait3A_170] : memref<2x10000x64xf32, #tpu.memory_space<hbm>> -> memref<1x10000x64xf32, #tpu.memory_space<hbm>>
      %dma_wait3A_172 = tpu.memref_squeeze %dma_wait3A_171 : memref<1x10000x64xf32, #tpu.memory_space<hbm>> -> memref<10000x64xf32, #tpu.memory_space<hbm>>
      %dma_wait3A_173 = arith.constant 0 : i32
      %dma_wait3A_174 = arith.constant 0 : i32
      %dma_wait3A_175 = tpu.memref_slice %dma_wait3A_172[%dma_wait3A_173, %dma_wait3A_174] : memref<10000x64xf32, #tpu.memory_space<hbm>> -> memref<10000x64xf32, #tpu.memory_space<hbm>>
      tpu.wait_indirect_dma semaphore(%arg10 : memref<!tpu.dma_semaphore, #tpu.memory_space<semaphore_mem>>) src(%dma_wait3A_175 : memref<10000x64xf32, #tpu.memory_space<hbm>>) dst(%dma_wait3A_165 : memref<125x64xf32, #tpu.memory_space<vmem>>)
      %dma_start3A_176 = arith.constant 2 : i32
      %dma_start3A_177 = arith.constant 1 : i32
      %dma_start3A_178 = arith.constant 0 : i32
      %dma_start3A_179 = arith.constant 0 : i32
      %dma_start3A_180 = tpu.memref_slice %arg6[%dma_start3A_176, %dma_start3A_178, %dma_start3A_179] : memref<5x125x64xf32, #tpu.memory_space<vmem>> -> memref<1x125x64xf32, #tpu.memory_space<vmem>>
      %dma_start3A_181 = tpu.memref_squeeze %dma_start3A_180 : memref<1x125x64xf32, #tpu.memory_space<vmem>> -> memref<125x64xf32, #tpu.memory_space<vmem>>
      %dma_start3A_182 = arith.constant 0 : i32
      %dma_start3A_183 = tpu.memref_slice %arg5[%dma_start3A_177, %add3A_159, %dma_start3A_182] : memref<2x160x125xi32, #tpu.memory_space<vmem>> -> memref<1x1x125xi32, #tpu.memory_space<vmem>>
      %dma_start3A_184 = tpu.memref_squeeze %dma_start3A_183 : memref<1x1x125xi32, #tpu.memory_space<vmem>> -> memref<125xi32, #tpu.memory_space<vmem>>
      %dma_start3A_185 = arith.constant 0 : i32
      %dma_start3A_186 = arith.constant 0 : i32
      %dma_start3A_187 = tpu.memref_slice %arg7[%dma_start3A_185, %dma_start3A_186] : memref<10000x64xf32, #tpu.memory_space<vmem_shared>> -> memref<10000x64xf32, #tpu.memory_space<vmem_shared>>
      tpu.enqueue_indirect_dma source(%dma_start3A_181 : memref<125x64xf32, #tpu.memory_space<vmem>>) target(%dma_start3A_187 : memref<10000x64xf32, #tpu.memory_space<vmem_shared>>) offsets(%dma_start3A_184 : memref<125xi32, #tpu.memory_space<vmem>>) semaphore(%arg15 : memref<!tpu.dma_semaphore, #tpu.memory_space<semaphore_mem>>) {add = true}
      %mul3A_188 = arith.constant 5 : i32
      %mul3A_189 = arith.muli %scan3A_93, %mul3A_188 : i32
      %add3A_190 = arith.constant 3 : i32
      %add3A_191 = arith.addi %mul3A_189, %add3A_190 : i32
      %dma_wait3A_192 = arith.constant 0 : i32
      %dma_wait3A_193 = arith.constant 3 : i32
      %dma_wait3A_194 = arith.constant 0 : i32
      %dma_wait3A_195 = arith.constant 0 : i32
      %dma_wait3A_196 = tpu.memref_slice %arg6[%dma_wait3A_193, %dma_wait3A_194, %dma_wait3A_195] : memref<5x125x64xf32, #tpu.memory_space<vmem>> -> memref<1x125x64xf32, #tpu.memory_space<vmem>>
      %dma_wait3A_197 = tpu.memref_squeeze %dma_wait3A_196 : memref<1x125x64xf32, #tpu.memory_space<vmem>> -> memref<125x64xf32, #tpu.memory_space<vmem>>
      %dma_wait3A_198 = arith.constant 0 : i32
      %dma_wait3A_199 = tpu.memref_slice %arg5[%dma_wait3A_192, %add3A_191, %dma_wait3A_198] : memref<2x160x125xi32, #tpu.memory_space<vmem>> -> memref<1x1x125xi32, #tpu.memory_space<vmem>>
      %dma_wait3A_200 = tpu.memref_squeeze %dma_wait3A_199 : memref<1x1x125xi32, #tpu.memory_space<vmem>> -> memref<125xi32, #tpu.memory_space<vmem>>
      %dma_wait3A_201 = arith.constant 0 : i32
      %dma_wait3A_202 = arith.constant 0 : i32
      %dma_wait3A_203 = tpu.memref_slice %arg2[%arg0, %dma_wait3A_201, %dma_wait3A_202] : memref<2x10000x64xf32, #tpu.memory_space<hbm>> -> memref<1x10000x64xf32, #tpu.memory_space<hbm>>
      %dma_wait3A_204 = tpu.memref_squeeze %dma_wait3A_203 : memref<1x10000x64xf32, #tpu.memory_space<hbm>> -> memref<10000x64xf32, #tpu.memory_space<hbm>>
      %dma_wait3A_205 = arith.constant 0 : i32
      %dma_wait3A_206 = arith.constant 0 : i32
      %dma_wait3A_207 = tpu.memref_slice %dma_wait3A_204[%dma_wait3A_205, %dma_wait3A_206] : memref<10000x64xf32, #tpu.memory_space<hbm>> -> memref<10000x64xf32, #tpu.memory_space<hbm>>
      tpu.wait_indirect_dma semaphore(%arg11 : memref<!tpu.dma_semaphore, #tpu.memory_space<semaphore_mem>>) src(%dma_wait3A_207 : memref<10000x64xf32, #tpu.memory_space<hbm>>) dst(%dma_wait3A_197 : memref<125x64xf32, #tpu.memory_space<vmem>>)
      %dma_start3A_208 = arith.constant 3 : i32
      %dma_start3A_209 = arith.constant 1 : i32
      %dma_start3A_210 = arith.constant 0 : i32
      %dma_start3A_211 = arith.constant 0 : i32
      %dma_start3A_212 = tpu.memref_slice %arg6[%dma_start3A_208, %dma_start3A_210, %dma_start3A_211] : memref<5x125x64xf32, #tpu.memory_space<vmem>> -> memref<1x125x64xf32, #tpu.memory_space<vmem>>
      %dma_start3A_213 = tpu.memref_squeeze %dma_start3A_212 : memref<1x125x64xf32, #tpu.memory_space<vmem>> -> memref<125x64xf32, #tpu.memory_space<vmem>>
      %dma_start3A_214 = arith.constant 0 : i32
      %dma_start3A_215 = tpu.memref_slice %arg5[%dma_start3A_209, %add3A_191, %dma_start3A_214] : memref<2x160x125xi32, #tpu.memory_space<vmem>> -> memref<1x1x125xi32, #tpu.memory_space<vmem>>
      %dma_start3A_216 = tpu.memref_squeeze %dma_start3A_215 : memref<1x1x125xi32, #tpu.memory_space<vmem>> -> memref<125xi32, #tpu.memory_space<vmem>>
      %dma_start3A_217 = arith.constant 0 : i32
      %dma_start3A_218 = arith.constant 0 : i32
      %dma_start3A_219 = tpu.memref_slice %arg7[%dma_start3A_217, %dma_start3A_218] : memref<10000x64xf32, #tpu.memory_space<vmem_shared>> -> memref<10000x64xf32, #tpu.memory_space<vmem_shared>>
      tpu.enqueue_indirect_dma source(%dma_start3A_213 : memref<125x64xf32, #tpu.memory_space<vmem>>) target(%dma_start3A_219 : memref<10000x64xf32, #tpu.memory_space<vmem_shared>>) offsets(%dma_start3A_216 : memref<125xi32, #tpu.memory_space<vmem>>) semaphore(%arg16 : memref<!tpu.dma_semaphore, #tpu.memory_space<semaphore_mem>>) {add = true}
      %mul3A_220 = arith.constant 5 : i32
      %mul3A_221 = arith.muli %scan3A_93, %mul3A_220 : i32
      %add3A_222 = arith.constant 4 : i32
      %add3A_223 = arith.addi %mul3A_221, %add3A_222 : i32
      %dma_wait3A_224 = arith.constant 0 : i32
      %dma_wait3A_225 = arith.constant 4 : i32
      %dma_wait3A_226 = arith.constant 0 : i32
      %dma_wait3A_227 = arith.constant 0 : i32
      %dma_wait3A_228 = tpu.memref_slice %arg6[%dma_wait3A_225, %dma_wait3A_226, %dma_wait3A_227] : memref<5x125x64xf32, #tpu.memory_space<vmem>> -> memref<1x125x64xf32, #tpu.memory_space<vmem>>
      %dma_wait3A_229 = tpu.memref_squeeze %dma_wait3A_228 : memref<1x125x64xf32, #tpu.memory_space<vmem>> -> memref<125x64xf32, #tpu.memory_space<vmem>>
      %dma_wait3A_230 = arith.constant 0 : i32
      %dma_wait3A_231 = tpu.memref_slice %arg5[%dma_wait3A_224, %add3A_223, %dma_wait3A_230] : memref<2x160x125xi32, #tpu.memory_space<vmem>> -> memref<1x1x125xi32, #tpu.memory_space<vmem>>
      %dma_wait3A_232 = tpu.memref_squeeze %dma_wait3A_231 : memref<1x1x125xi32, #tpu.memory_space<vmem>> -> memref<125xi32, #tpu.memory_space<vmem>>
      %dma_wait3A_233 = arith.constant 0 : i32
      %dma_wait3A_234 = arith.constant 0 : i32
      %dma_wait3A_235 = tpu.memref_slice %arg2[%arg0, %dma_wait3A_233, %dma_wait3A_234] : memref<2x10000x64xf32, #tpu.memory_space<hbm>> -> memref<1x10000x64xf32, #tpu.memory_space<hbm>>
      %dma_wait3A_236 = tpu.memref_squeeze %dma_wait3A_235 : memref<1x10000x64xf32, #tpu.memory_space<hbm>> -> memref<10000x64xf32, #tpu.memory_space<hbm>>
      %dma_wait3A_237 = arith.constant 0 : i32
      %dma_wait3A_238 = arith.constant 0 : i32
      %dma_wait3A_239 = tpu.memref_slice %dma_wait3A_236[%dma_wait3A_237, %dma_wait3A_238] : memref<10000x64xf32, #tpu.memory_space<hbm>> -> memref<10000x64xf32, #tpu.memory_space<hbm>>
      tpu.wait_indirect_dma semaphore(%arg12 : memref<!tpu.dma_semaphore, #tpu.memory_space<semaphore_mem>>) src(%dma_wait3A_239 : memref<10000x64xf32, #tpu.memory_space<hbm>>) dst(%dma_wait3A_229 : memref<125x64xf32, #tpu.memory_space<vmem>>)
      %dma_start3A_240 = arith.constant 4 : i32
      %dma_start3A_241 = arith.constant 1 : i32
      %dma_start3A_242 = arith.constant 0 : i32
      %dma_start3A_243 = arith.constant 0 : i32
      %dma_start3A_244 = tpu.memref_slice %arg6[%dma_start3A_240, %dma_start3A_242, %dma_start3A_243] : memref<5x125x64xf32, #tpu.memory_space<vmem>> -> memref<1x125x64xf32, #tpu.memory_space<vmem>>
      %dma_start3A_245 = tpu.memref_squeeze %dma_start3A_244 : memref<1x125x64xf32, #tpu.memory_space<vmem>> -> memref<125x64xf32, #tpu.memory_space<vmem>>
      %dma_start3A_246 = arith.constant 0 : i32
      %dma_start3A_247 = tpu.memref_slice %arg5[%dma_start3A_241, %add3A_223, %dma_start3A_246] : memref<2x160x125xi32, #tpu.memory_space<vmem>> -> memref<1x1x125xi32, #tpu.memory_space<vmem>>
      %dma_start3A_248 = tpu.memref_squeeze %dma_start3A_247 : memref<1x1x125xi32, #tpu.memory_space<vmem>> -> memref<125xi32, #tpu.memory_space<vmem>>
      %dma_start3A_249 = arith.constant 0 : i32
      %dma_start3A_250 = arith.constant 0 : i32
      %dma_start3A_251 = tpu.memref_slice %arg7[%dma_start3A_249, %dma_start3A_250] : memref<10000x64xf32, #tpu.memory_space<vmem_shared>> -> memref<10000x64xf32, #tpu.memory_space<vmem_shared>>
      tpu.enqueue_indirect_dma source(%dma_start3A_245 : memref<125x64xf32, #tpu.memory_space<vmem>>) target(%dma_start3A_251 : memref<10000x64xf32, #tpu.memory_space<vmem_shared>>) offsets(%dma_start3A_248 : memref<125xi32, #tpu.memory_space<vmem>>) semaphore(%arg17 : memref<!tpu.dma_semaphore, #tpu.memory_space<semaphore_mem>>) {add = true}
      %dma_wait3A_252 = arith.constant 0 : i32
      %dma_wait3A_253 = arith.constant 1 : i32
      %dma_wait3A_254 = arith.constant 0 : i32
      %dma_wait3A_255 = arith.constant 0 : i32
      %dma_wait3A_256 = tpu.memref_slice %arg6[%dma_wait3A_252, %dma_wait3A_254, %dma_wait3A_255] : memref<5x125x64xf32, #tpu.memory_space<vmem>> -> memref<1x125x64xf32, #tpu.memory_space<vmem>>
      %dma_wait3A_257 = tpu.memref_squeeze %dma_wait3A_256 : memref<1x125x64xf32, #tpu.memory_space<vmem>> -> memref<125x64xf32, #tpu.memory_space<vmem>>
      %dma_wait3A_258 = arith.constant 0 : i32
      %dma_wait3A_259 = tpu.memref_slice %arg5[%dma_wait3A_253, %add3A_96, %dma_wait3A_258] : memref<2x160x125xi32, #tpu.memory_space<vmem>> -> memref<1x1x125xi32, #tpu.memory_space<vmem>>
      %dma_wait3A_260 = tpu.memref_squeeze %dma_wait3A_259 : memref<1x1x125xi32, #tpu.memory_space<vmem>> -> memref<125xi32, #tpu.memory_space<vmem>>
      %dma_wait3A_261 = arith.constant 0 : i32
      %dma_wait3A_262 = arith.constant 0 : i32
      %dma_wait3A_263 = tpu.memref_slice %arg7[%dma_wait3A_261, %dma_wait3A_262] : memref<10000x64xf32, #tpu.memory_space<vmem_shared>> -> memref<10000x64xf32, #tpu.memory_space<vmem_shared>>
      tpu.wait_indirect_dma semaphore(%arg13 : memref<!tpu.dma_semaphore, #tpu.memory_space<semaphore_mem>>) src(%dma_wait3A_257 : memref<125x64xf32, #tpu.memory_space<vmem>>) dst(%dma_wait3A_263 : memref<10000x64xf32, #tpu.memory_space<vmem_shared>>)
      %add3A_264 = arith.constant 1 : i32
      %add3A_265 = arith.addi %scan3A_93, %add3A_264 : i32
      %mul3A_266 = arith.constant 5 : i32
      %mul3A_267 = arith.muli %add3A_265, %mul3A_266 : i32
      %add3A_268 = arith.constant 0 : i32
      %add3A_269 = arith.addi %mul3A_267, %add3A_268 : i32
      %lt3A = arith.constant 160 : i32
      %lt3A_270 = arith.cmpi slt, %add3A_269, %lt3A : i32
      %convert_element_type3A = arith.extui %lt3A_270 : i1 to i32
      %cond3A = arith.constant 0 : i32
      %cond3A_271 = arith.cmpi ne, %convert_element_type3A, %cond3A : i32
      scf.if %cond3A_271 {
        %dma_start3A_364 = arith.constant 0 : i32
        %dma_start3A_365 = arith.constant 0 : i32
        %dma_start3A_366 = arith.constant 0 : i32
        %dma_start3A_367 = arith.constant 0 : i32
        %dma_start3A_368 = tpu.memref_slice %arg6[%dma_start3A_365, %dma_start3A_366, %dma_start3A_367] : memref<5x125x64xf32, #tpu.memory_space<vmem>> -> memref<1x125x64xf32, #tpu.memory_space<vmem>>
        %dma_start3A_369 = tpu.memref_squeeze %dma_start3A_368 : memref<1x125x64xf32, #tpu.memory_space<vmem>> -> memref<125x64xf32, #tpu.memory_space<vmem>>
        %dma_start3A_370 = arith.constant 0 : i32
        %dma_start3A_371 = tpu.memref_slice %arg5[%dma_start3A_364, %add3A_269, %dma_start3A_370] : memref<2x160x125xi32, #tpu.memory_space<vmem>> -> memref<1x1x125xi32, #tpu.memory_space<vmem>>
        %dma_start3A_372 = tpu.memref_squeeze %dma_start3A_371 : memref<1x1x125xi32, #tpu.memory_space<vmem>> -> memref<125xi32, #tpu.memory_space<vmem>>
        %dma_start3A_373 = arith.constant 0 : i32
        %dma_start3A_374 = arith.constant 0 : i32
        %dma_start3A_375 = tpu.memref_slice %arg2[%arg0, %dma_start3A_373, %dma_start3A_374] : memref<2x10000x64xf32, #tpu.memory_space<hbm>> -> memref<1x10000x64xf32, #tpu.memory_space<hbm>>
        %dma_start3A_376 = tpu.memref_squeeze %dma_start3A_375 : memref<1x10000x64xf32, #tpu.memory_space<hbm>> -> memref<10000x64xf32, #tpu.memory_space<hbm>>
        %dma_start3A_377 = arith.constant 0 : i32
        %dma_start3A_378 = arith.constant 0 : i32
        %dma_start3A_379 = tpu.memref_slice %dma_start3A_376[%dma_start3A_377, %dma_start3A_378] : memref<10000x64xf32, #tpu.memory_space<hbm>> -> memref<10000x64xf32, #tpu.memory_space<hbm>>
        tpu.enqueue_indirect_dma source(%dma_start3A_379 : memref<10000x64xf32, #tpu.memory_space<hbm>>) target(%dma_start3A_369 : memref<125x64xf32, #tpu.memory_space<vmem>>) offsets(%dma_start3A_372 : memref<125xi32, #tpu.memory_space<vmem>>) semaphore(%arg8 : memref<!tpu.dma_semaphore, #tpu.memory_space<semaphore_mem>>)
      } else {
      }
      %dma_wait3A_272 = arith.constant 1 : i32
      %dma_wait3A_273 = arith.constant 1 : i32
      %dma_wait3A_274 = arith.constant 0 : i32
      %dma_wait3A_275 = arith.constant 0 : i32
      %dma_wait3A_276 = tpu.memref_slice %arg6[%dma_wait3A_272, %dma_wait3A_274, %dma_wait3A_275] : memref<5x125x64xf32, #tpu.memory_space<vmem>> -> memref<1x125x64xf32, #tpu.memory_space<vmem>>
      %dma_wait3A_277 = tpu.memref_squeeze %dma_wait3A_276 : memref<1x125x64xf32, #tpu.memory_space<vmem>> -> memref<125x64xf32, #tpu.memory_space<vmem>>
      %dma_wait3A_278 = arith.constant 0 : i32
      %dma_wait3A_279 = tpu.memref_slice %arg5[%dma_wait3A_273, %add3A_127, %dma_wait3A_278] : memref<2x160x125xi32, #tpu.memory_space<vmem>> -> memref<1x1x125xi32, #tpu.memory_space<vmem>>
      %dma_wait3A_280 = tpu.memref_squeeze %dma_wait3A_279 : memref<1x1x125xi32, #tpu.memory_space<vmem>> -> memref<125xi32, #tpu.memory_space<vmem>>
      %dma_wait3A_281 = arith.constant 0 : i32
      %dma_wait3A_282 = arith.constant 0 : i32
      %dma_wait3A_283 = tpu.memref_slice %arg7[%dma_wait3A_281, %dma_wait3A_282] : memref<10000x64xf32, #tpu.memory_space<vmem_shared>> -> memref<10000x64xf32, #tpu.memory_space<vmem_shared>>
      tpu.wait_indirect_dma semaphore(%arg14 : memref<!tpu.dma_semaphore, #tpu.memory_space<semaphore_mem>>) src(%dma_wait3A_277 : memref<125x64xf32, #tpu.memory_space<vmem>>) dst(%dma_wait3A_283 : memref<10000x64xf32, #tpu.memory_space<vmem_shared>>)
      %add3A_284 = arith.constant 1 : i32
      %add3A_285 = arith.addi %scan3A_93, %add3A_284 : i32
      %mul3A_286 = arith.constant 5 : i32
      %mul3A_287 = arith.muli %add3A_285, %mul3A_286 : i32
      %add3A_288 = arith.constant 1 : i32
      %add3A_289 = arith.addi %mul3A_287, %add3A_288 : i32
      %lt3A_290 = arith.constant 160 : i32
      %lt3A_291 = arith.cmpi slt, %add3A_289, %lt3A_290 : i32
      %convert_element_type3A_292 = arith.extui %lt3A_291 : i1 to i32
      %cond3A_293 = arith.constant 0 : i32
      %cond3A_294 = arith.cmpi ne, %convert_element_type3A_292, %cond3A_293 : i32
      scf.if %cond3A_294 {
        %dma_start3A_364 = arith.constant 0 : i32
        %dma_start3A_365 = arith.constant 1 : i32
        %dma_start3A_366 = arith.constant 0 : i32
        %dma_start3A_367 = arith.constant 0 : i32
        %dma_start3A_368 = tpu.memref_slice %arg6[%dma_start3A_365, %dma_start3A_366, %dma_start3A_367] : memref<5x125x64xf32, #tpu.memory_space<vmem>> -> memref<1x125x64xf32, #tpu.memory_space<vmem>>
        %dma_start3A_369 = tpu.memref_squeeze %dma_start3A_368 : memref<1x125x64xf32, #tpu.memory_space<vmem>> -> memref<125x64xf32, #tpu.memory_space<vmem>>
        %dma_start3A_370 = arith.constant 0 : i32
        %dma_start3A_371 = tpu.memref_slice %arg5[%dma_start3A_364, %add3A_289, %dma_start3A_370] : memref<2x160x125xi32, #tpu.memory_space<vmem>> -> memref<1x1x125xi32, #tpu.memory_space<vmem>>
        %dma_start3A_372 = tpu.memref_squeeze %dma_start3A_371 : memref<1x1x125xi32, #tpu.memory_space<vmem>> -> memref<125xi32, #tpu.memory_space<vmem>>
        %dma_start3A_373 = arith.constant 0 : i32
        %dma_start3A_374 = arith.constant 0 : i32
        %dma_start3A_375 = tpu.memref_slice %arg2[%arg0, %dma_start3A_373, %dma_start3A_374] : memref<2x10000x64xf32, #tpu.memory_space<hbm>> -> memref<1x10000x64xf32, #tpu.memory_space<hbm>>
        %dma_start3A_376 = tpu.memref_squeeze %dma_start3A_375 : memref<1x10000x64xf32, #tpu.memory_space<hbm>> -> memref<10000x64xf32, #tpu.memory_space<hbm>>
        %dma_start3A_377 = arith.constant 0 : i32
        %dma_start3A_378 = arith.constant 0 : i32
        %dma_start3A_379 = tpu.memref_slice %dma_start3A_376[%dma_start3A_377, %dma_start3A_378] : memref<10000x64xf32, #tpu.memory_space<hbm>> -> memref<10000x64xf32, #tpu.memory_space<hbm>>
        tpu.enqueue_indirect_dma source(%dma_start3A_379 : memref<10000x64xf32, #tpu.memory_space<hbm>>) target(%dma_start3A_369 : memref<125x64xf32, #tpu.memory_space<vmem>>) offsets(%dma_start3A_372 : memref<125xi32, #tpu.memory_space<vmem>>) semaphore(%arg9 : memref<!tpu.dma_semaphore, #tpu.memory_space<semaphore_mem>>)
      } else {
      }
      %dma_wait3A_295 = arith.constant 2 : i32
      %dma_wait3A_296 = arith.constant 1 : i32
      %dma_wait3A_297 = arith.constant 0 : i32
      %dma_wait3A_298 = arith.constant 0 : i32
      %dma_wait3A_299 = tpu.memref_slice %arg6[%dma_wait3A_295, %dma_wait3A_297, %dma_wait3A_298] : memref<5x125x64xf32, #tpu.memory_space<vmem>> -> memref<1x125x64xf32, #tpu.memory_space<vmem>>
      %dma_wait3A_300 = tpu.memref_squeeze %dma_wait3A_299 : memref<1x125x64xf32, #tpu.memory_space<vmem>> -> memref<125x64xf32, #tpu.memory_space<vmem>>
      %dma_wait3A_301 = arith.constant 0 : i32
      %dma_wait3A_302 = tpu.memref_slice %arg5[%dma_wait3A_296, %add3A_159, %dma_wait3A_301] : memref<2x160x125xi32, #tpu.memory_space<vmem>> -> memref<1x1x125xi32, #tpu.memory_space<vmem>>
      %dma_wait3A_303 = tpu.memref_squeeze %dma_wait3A_302 : memref<1x1x125xi32, #tpu.memory_space<vmem>> -> memref<125xi32, #tpu.memory_space<vmem>>
      %dma_wait3A_304 = arith.constant 0 : i32
      %dma_wait3A_305 = arith.constant 0 : i32
      %dma_wait3A_306 = tpu.memref_slice %arg7[%dma_wait3A_304, %dma_wait3A_305] : memref<10000x64xf32, #tpu.memory_space<vmem_shared>> -> memref<10000x64xf32, #tpu.memory_space<vmem_shared>>
      tpu.wait_indirect_dma semaphore(%arg15 : memref<!tpu.dma_semaphore, #tpu.memory_space<semaphore_mem>>) src(%dma_wait3A_300 : memref<125x64xf32, #tpu.memory_space<vmem>>) dst(%dma_wait3A_306 : memref<10000x64xf32, #tpu.memory_space<vmem_shared>>)
      %add3A_307 = arith.constant 1 : i32
      %add3A_308 = arith.addi %scan3A_93, %add3A_307 : i32
      %mul3A_309 = arith.constant 5 : i32
      %mul3A_310 = arith.muli %add3A_308, %mul3A_309 : i32
      %add3A_311 = arith.constant 2 : i32
      %add3A_312 = arith.addi %mul3A_310, %add3A_311 : i32
      %lt3A_313 = arith.constant 160 : i32
      %lt3A_314 = arith.cmpi slt, %add3A_312, %lt3A_313 : i32
      %convert_element_type3A_315 = arith.extui %lt3A_314 : i1 to i32
      %cond3A_316 = arith.constant 0 : i32
      %cond3A_317 = arith.cmpi ne, %convert_element_type3A_315, %cond3A_316 : i32
      scf.if %cond3A_317 {
        %dma_start3A_364 = arith.constant 0 : i32
        %dma_start3A_365 = arith.constant 2 : i32
        %dma_start3A_366 = arith.constant 0 : i32
        %dma_start3A_367 = arith.constant 0 : i32
        %dma_start3A_368 = tpu.memref_slice %arg6[%dma_start3A_365, %dma_start3A_366, %dma_start3A_367] : memref<5x125x64xf32, #tpu.memory_space<vmem>> -> memref<1x125x64xf32, #tpu.memory_space<vmem>>
        %dma_start3A_369 = tpu.memref_squeeze %dma_start3A_368 : memref<1x125x64xf32, #tpu.memory_space<vmem>> -> memref<125x64xf32, #tpu.memory_space<vmem>>
        %dma_start3A_370 = arith.constant 0 : i32
        %dma_start3A_371 = tpu.memref_slice %arg5[%dma_start3A_364, %add3A_312, %dma_start3A_370] : memref<2x160x125xi32, #tpu.memory_space<vmem>> -> memref<1x1x125xi32, #tpu.memory_space<vmem>>
        %dma_start3A_372 = tpu.memref_squeeze %dma_start3A_371 : memref<1x1x125xi32, #tpu.memory_space<vmem>> -> memref<125xi32, #tpu.memory_space<vmem>>
        %dma_start3A_373 = arith.constant 0 : i32
        %dma_start3A_374 = arith.constant 0 : i32
        %dma_start3A_375 = tpu.memref_slice %arg2[%arg0, %dma_start3A_373, %dma_start3A_374] : memref<2x10000x64xf32, #tpu.memory_space<hbm>> -> memref<1x10000x64xf32, #tpu.memory_space<hbm>>
        %dma_start3A_376 = tpu.memref_squeeze %dma_start3A_375 : memref<1x10000x64xf32, #tpu.memory_space<hbm>> -> memref<10000x64xf32, #tpu.memory_space<hbm>>
        %dma_start3A_377 = arith.constant 0 : i32
        %dma_start3A_378 = arith.constant 0 : i32
        %dma_start3A_379 = tpu.memref_slice %dma_start3A_376[%dma_start3A_377, %dma_start3A_378] : memref<10000x64xf32, #tpu.memory_space<hbm>> -> memref<10000x64xf32, #tpu.memory_space<hbm>>
        tpu.enqueue_indirect_dma source(%dma_start3A_379 : memref<10000x64xf32, #tpu.memory_space<hbm>>) target(%dma_start3A_369 : memref<125x64xf32, #tpu.memory_space<vmem>>) offsets(%dma_start3A_372 : memref<125xi32, #tpu.memory_space<vmem>>) semaphore(%arg10 : memref<!tpu.dma_semaphore, #tpu.memory_space<semaphore_mem>>)
      } else {
      }
      %dma_wait3A_318 = arith.constant 3 : i32
      %dma_wait3A_319 = arith.constant 1 : i32
      %dma_wait3A_320 = arith.constant 0 : i32
      %dma_wait3A_321 = arith.constant 0 : i32
      %dma_wait3A_322 = tpu.memref_slice %arg6[%dma_wait3A_318, %dma_wait3A_320, %dma_wait3A_321] : memref<5x125x64xf32, #tpu.memory_space<vmem>> -> memref<1x125x64xf32, #tpu.memory_space<vmem>>
      %dma_wait3A_323 = tpu.memref_squeeze %dma_wait3A_322 : memref<1x125x64xf32, #tpu.memory_space<vmem>> -> memref<125x64xf32, #tpu.memory_space<vmem>>
      %dma_wait3A_324 = arith.constant 0 : i32
      %dma_wait3A_325 = tpu.memref_slice %arg5[%dma_wait3A_319, %add3A_191, %dma_wait3A_324] : memref<2x160x125xi32, #tpu.memory_space<vmem>> -> memref<1x1x125xi32, #tpu.memory_space<vmem>>
      %dma_wait3A_326 = tpu.memref_squeeze %dma_wait3A_325 : memref<1x1x125xi32, #tpu.memory_space<vmem>> -> memref<125xi32, #tpu.memory_space<vmem>>
      %dma_wait3A_327 = arith.constant 0 : i32
      %dma_wait3A_328 = arith.constant 0 : i32
      %dma_wait3A_329 = tpu.memref_slice %arg7[%dma_wait3A_327, %dma_wait3A_328] : memref<10000x64xf32, #tpu.memory_space<vmem_shared>> -> memref<10000x64xf32, #tpu.memory_space<vmem_shared>>
      tpu.wait_indirect_dma semaphore(%arg16 : memref<!tpu.dma_semaphore, #tpu.memory_space<semaphore_mem>>) src(%dma_wait3A_323 : memref<125x64xf32, #tpu.memory_space<vmem>>) dst(%dma_wait3A_329 : memref<10000x64xf32, #tpu.memory_space<vmem_shared>>)
      %add3A_330 = arith.constant 1 : i32
      %add3A_331 = arith.addi %scan3A_93, %add3A_330 : i32
      %mul3A_332 = arith.constant 5 : i32
      %mul3A_333 = arith.muli %add3A_331, %mul3A_332 : i32
      %add3A_334 = arith.constant 3 : i32
      %add3A_335 = arith.addi %mul3A_333, %add3A_334 : i32
      %lt3A_336 = arith.constant 160 : i32
      %lt3A_337 = arith.cmpi slt, %add3A_335, %lt3A_336 : i32
      %convert_element_type3A_338 = arith.extui %lt3A_337 : i1 to i32
      %cond3A_339 = arith.constant 0 : i32
      %cond3A_340 = arith.cmpi ne, %convert_element_type3A_338, %cond3A_339 : i32
      scf.if %cond3A_340 {
        %dma_start3A_364 = arith.constant 0 : i32
        %dma_start3A_365 = arith.constant 3 : i32
        %dma_start3A_366 = arith.constant 0 : i32
        %dma_start3A_367 = arith.constant 0 : i32
        %dma_start3A_368 = tpu.memref_slice %arg6[%dma_start3A_365, %dma_start3A_366, %dma_start3A_367] : memref<5x125x64xf32, #tpu.memory_space<vmem>> -> memref<1x125x64xf32, #tpu.memory_space<vmem>>
        %dma_start3A_369 = tpu.memref_squeeze %dma_start3A_368 : memref<1x125x64xf32, #tpu.memory_space<vmem>> -> memref<125x64xf32, #tpu.memory_space<vmem>>
        %dma_start3A_370 = arith.constant 0 : i32
        %dma_start3A_371 = tpu.memref_slice %arg5[%dma_start3A_364, %add3A_335, %dma_start3A_370] : memref<2x160x125xi32, #tpu.memory_space<vmem>> -> memref<1x1x125xi32, #tpu.memory_space<vmem>>
        %dma_start3A_372 = tpu.memref_squeeze %dma_start3A_371 : memref<1x1x125xi32, #tpu.memory_space<vmem>> -> memref<125xi32, #tpu.memory_space<vmem>>
        %dma_start3A_373 = arith.constant 0 : i32
        %dma_start3A_374 = arith.constant 0 : i32
        %dma_start3A_375 = tpu.memref_slice %arg2[%arg0, %dma_start3A_373, %dma_start3A_374] : memref<2x10000x64xf32, #tpu.memory_space<hbm>> -> memref<1x10000x64xf32, #tpu.memory_space<hbm>>
        %dma_start3A_376 = tpu.memref_squeeze %dma_start3A_375 : memref<1x10000x64xf32, #tpu.memory_space<hbm>> -> memref<10000x64xf32, #tpu.memory_space<hbm>>
        %dma_start3A_377 = arith.constant 0 : i32
        %dma_start3A_378 = arith.constant 0 : i32
        %dma_start3A_379 = tpu.memref_slice %dma_start3A_376[%dma_start3A_377, %dma_start3A_378] : memref<10000x64xf32, #tpu.memory_space<hbm>> -> memref<10000x64xf32, #tpu.memory_space<hbm>>
        tpu.enqueue_indirect_dma source(%dma_start3A_379 : memref<10000x64xf32, #tpu.memory_space<hbm>>) target(%dma_start3A_369 : memref<125x64xf32, #tpu.memory_space<vmem>>) offsets(%dma_start3A_372 : memref<125xi32, #tpu.memory_space<vmem>>) semaphore(%arg11 : memref<!tpu.dma_semaphore, #tpu.memory_space<semaphore_mem>>)
      } else {
      }
      %dma_wait3A_341 = arith.constant 4 : i32
      %dma_wait3A_342 = arith.constant 1 : i32
      %dma_wait3A_343 = arith.constant 0 : i32
      %dma_wait3A_344 = arith.constant 0 : i32
      %dma_wait3A_345 = tpu.memref_slice %arg6[%dma_wait3A_341, %dma_wait3A_343, %dma_wait3A_344] : memref<5x125x64xf32, #tpu.memory_space<vmem>> -> memref<1x125x64xf32, #tpu.memory_space<vmem>>
      %dma_wait3A_346 = tpu.memref_squeeze %dma_wait3A_345 : memref<1x125x64xf32, #tpu.memory_space<vmem>> -> memref<125x64xf32, #tpu.memory_space<vmem>>
      %dma_wait3A_347 = arith.constant 0 : i32
      %dma_wait3A_348 = tpu.memref_slice %arg5[%dma_wait3A_342, %add3A_223, %dma_wait3A_347] : memref<2x160x125xi32, #tpu.memory_space<vmem>> -> memref<1x1x125xi32, #tpu.memory_space<vmem>>
      %dma_wait3A_349 = tpu.memref_squeeze %dma_wait3A_348 : memref<1x1x125xi32, #tpu.memory_space<vmem>> -> memref<125xi32, #tpu.memory_space<vmem>>
      %dma_wait3A_350 = arith.constant 0 : i32
      %dma_wait3A_351 = arith.constant 0 : i32
      %dma_wait3A_352 = tpu.memref_slice %arg7[%dma_wait3A_350, %dma_wait3A_351] : memref<10000x64xf32, #tpu.memory_space<vmem_shared>> -> memref<10000x64xf32, #tpu.memory_space<vmem_shared>>
      tpu.wait_indirect_dma semaphore(%arg17 : memref<!tpu.dma_semaphore, #tpu.memory_space<semaphore_mem>>) src(%dma_wait3A_346 : memref<125x64xf32, #tpu.memory_space<vmem>>) dst(%dma_wait3A_352 : memref<10000x64xf32, #tpu.memory_space<vmem_shared>>)
      %add3A_353 = arith.constant 1 : i32
      %add3A_354 = arith.addi %scan3A_93, %add3A_353 : i32
      %mul3A_355 = arith.constant 5 : i32
      %mul3A_356 = arith.muli %add3A_354, %mul3A_355 : i32
      %add3A_357 = arith.constant 4 : i32
      %add3A_358 = arith.addi %mul3A_356, %add3A_357 : i32
      %lt3A_359 = arith.constant 160 : i32
      %lt3A_360 = arith.cmpi slt, %add3A_358, %lt3A_359 : i32
      %convert_element_type3A_361 = arith.extui %lt3A_360 : i1 to i32
      %cond3A_362 = arith.constant 0 : i32
      %cond3A_363 = arith.cmpi ne, %convert_element_type3A_361, %cond3A_362 : i32
      scf.if %cond3A_363 {
        %dma_start3A_364 = arith.constant 0 : i32
        %dma_start3A_365 = arith.constant 4 : i32
        %dma_start3A_366 = arith.constant 0 : i32
        %dma_start3A_367 = arith.constant 0 : i32
        %dma_start3A_368 = tpu.memref_slice %arg6[%dma_start3A_365, %dma_start3A_366, %dma_start3A_367] : memref<5x125x64xf32, #tpu.memory_space<vmem>> -> memref<1x125x64xf32, #tpu.memory_space<vmem>>
        %dma_start3A_369 = tpu.memref_squeeze %dma_start3A_368 : memref<1x125x64xf32, #tpu.memory_space<vmem>> -> memref<125x64xf32, #tpu.memory_space<vmem>>
        %dma_start3A_370 = arith.constant 0 : i32
        %dma_start3A_371 = tpu.memref_slice %arg5[%dma_start3A_364, %add3A_358, %dma_start3A_370] : memref<2x160x125xi32, #tpu.memory_space<vmem>> -> memref<1x1x125xi32, #tpu.memory_space<vmem>>
        %dma_start3A_372 = tpu.memref_squeeze %dma_start3A_371 : memref<1x1x125xi32, #tpu.memory_space<vmem>> -> memref<125xi32, #tpu.memory_space<vmem>>
        %dma_start3A_373 = arith.constant 0 : i32
        %dma_start3A_374 = arith.constant 0 : i32
        %dma_start3A_375 = tpu.memref_slice %arg2[%arg0, %dma_start3A_373, %dma_start3A_374] : memref<2x10000x64xf32, #tpu.memory_space<hbm>> -> memref<1x10000x64xf32, #tpu.memory_space<hbm>>
        %dma_start3A_376 = tpu.memref_squeeze %dma_start3A_375 : memref<1x10000x64xf32, #tpu.memory_space<hbm>> -> memref<10000x64xf32, #tpu.memory_space<hbm>>
        %dma_start3A_377 = arith.constant 0 : i32
        %dma_start3A_378 = arith.constant 0 : i32
        %dma_start3A_379 = tpu.memref_slice %dma_start3A_376[%dma_start3A_377, %dma_start3A_378] : memref<10000x64xf32, #tpu.memory_space<hbm>> -> memref<10000x64xf32, #tpu.memory_space<hbm>>
        tpu.enqueue_indirect_dma source(%dma_start3A_379 : memref<10000x64xf32, #tpu.memory_space<hbm>>) target(%dma_start3A_369 : memref<125x64xf32, #tpu.memory_space<vmem>>) offsets(%dma_start3A_372 : memref<125xi32, #tpu.memory_space<vmem>>) semaphore(%arg12 : memref<!tpu.dma_semaphore, #tpu.memory_space<semaphore_mem>>)
      } else {
      }
    }
    %scan3A_89 = arith.constant 32 : i32
    %barrier3A_90 = arith.constant 0 : index
    tpu.barrier barrier_id(%barrier3A_90)
    %mul3A_91 = arith.constant 64 : i32
    %mul3A_92 = arith.muli %arg0, %mul3A_91 : i32
    "tpu.region"() ({
      %run_scoped3A = tpu.sem_alloc : memref<!tpu.dma_semaphore, #tpu.memory_space<semaphore_mem>>
      %dma_start3A_93 = tpu.memref_slice %arg4[%mul3A_0, %mul3A_92] : memref<10000x128xf32, #tpu.memory_space<hbm>> -> memref<625x64xf32, #tpu.memory_space<hbm>>
      %dma_start3A_94 = arith.constant 0 : i32
      %dma_start3A_95 = tpu.memref_slice %arg7[%mul3A_0, %dma_start3A_94] : memref<10000x64xf32, #tpu.memory_space<vmem_shared>> -> memref<625x64xf32, #tpu.memory_space<vmem_shared>>
      tpu.enqueue_dma source(%dma_start3A_95 : memref<625x64xf32, #tpu.memory_space<vmem_shared>>) target(%dma_start3A_93 : memref<625x64xf32, #tpu.memory_space<hbm>>) target_semaphore(%run_scoped3A : memref<!tpu.dma_semaphore, #tpu.memory_space<semaphore_mem>>)
      %dma_wait3A = tpu.memref_slice %arg4[%mul3A_0, %mul3A_92] : memref<10000x128xf32, #tpu.memory_space<hbm>> -> memref<625x64xf32, #tpu.memory_space<hbm>>
      %dma_wait3A_96 = arith.constant 0 : i32
      %dma_wait3A_97 = tpu.memref_slice %arg7[%mul3A_0, %dma_wait3A_96] : memref<10000x64xf32, #tpu.memory_space<vmem_shared>> -> memref<625x64xf32, #tpu.memory_space<vmem_shared>>
      tpu.wait_dma2 semaphore(%run_scoped3A : memref<!tpu.dma_semaphore, #tpu.memory_space<semaphore_mem>>) src(%dma_wait3A_97 : memref<625x64xf32, #tpu.memory_space<vmem_shared>>) dst(%dma_wait3A : memref<625x64xf32, #tpu.memory_space<hbm>>)
      tpu.yield
    }) : () -> ()
    return
  }
}

#map = affine_map<(d0, d1) -> (0, 0, 0)>
#map1 = affine_map<(d0, d1) -> (0, 0, 0, 0)>
#map2 = affine_map<(d0, d1) -> (0, 0)>
module attributes {stable_mosaic.version = 14 : i64} {
  func.func @agg(%arg0: i32, %arg1: i32, %arg2: memref<2x10000x64xf32, #tpu.memory_space<hbm>>, %arg3: memref<2x16x160x125xi32, #tpu.memory_space<hbm>>, %arg4: memref<10000x128xf32, #tpu.memory_space<hbm>>, %arg5: memref<2x160x125xi32, #tpu.memory_space<vmem>>, %arg6: memref<5x125x64xf32, #tpu.memory_space<vmem>>, %arg7: memref<10000x64xf32, #tpu.memory_space<vmem_shared>>, %arg8: memref<!tpu.dma_semaphore, #tpu.memory_space<semaphore_mem>>, %arg9: memref<!tpu.dma_semaphore, #tpu.memory_space<semaphore_mem>>, %arg10: memref<!tpu.dma_semaphore, #tpu.memory_space<semaphore_mem>>, %arg11: memref<!tpu.dma_semaphore, #tpu.memory_space<semaphore_mem>>, %arg12: memref<!tpu.dma_semaphore, #tpu.memory_space<semaphore_mem>>, %arg13: memref<!tpu.dma_semaphore, #tpu.memory_space<semaphore_mem>>, %arg14: memref<!tpu.dma_semaphore, #tpu.memory_space<semaphore_mem>>, %arg15: memref<!tpu.dma_semaphore, #tpu.memory_space<semaphore_mem>>, %arg16: memref<!tpu.dma_semaphore, #tpu.memory_space<semaphore_mem>>, %arg17: memref<!tpu.dma_semaphore, #tpu.memory_space<semaphore_mem>>) attributes {dimension_semantics = [#tpu.dimension_semantics<core_parallel>, #tpu.dimension_semantics<subcore_parallel>], iteration_bounds = array<i64: 2, 16>, scalar_prefetch = 0 : i64, scratch_operands = 13 : i64, tpu.core_type = #tpu.core_type<sc_vector_subcore>, window_params = [{transform_indices = #map}, {transform_indices = #map1}, {transform_indices = #map2}]} {
    %mul3A = arith.constant 625 : i32
    %mul3A_0 = arith.muli %arg1, %mul3A : i32
    "tpu.region"() ({
      %run_scoped3A = tpu.sem_alloc : memref<!tpu.dma_semaphore, #tpu.memory_space<semaphore_mem>>
      %dma_start3A_93 = arith.constant 0 : i32
      %dma_start3A_94 = arith.constant 0 : i32
      %dma_start3A_95 = arith.constant 0 : i32
      %dma_start3A_96 = tpu.memref_slice %arg3[%dma_start3A_93, %arg1, %dma_start3A_94, %dma_start3A_95] : memref<2x16x160x125xi32, #tpu.memory_space<hbm>> -> memref<2x1x160x125xi32, #tpu.memory_space<hbm>>
      %dma_start3A_97 = tpu.memref_squeeze %dma_start3A_96 : memref<2x1x160x125xi32, #tpu.memory_space<hbm>> -> memref<2x160x125xi32, #tpu.memory_space<hbm>>
      %dma_start3A_98 = arith.constant 0 : i32
      %dma_start3A_99 = arith.constant 0 : i32
      %dma_start3A_100 = arith.constant 0 : i32
      %dma_start3A_101 = tpu.memref_slice %arg3[%dma_start3A_98, %arg1, %dma_start3A_99, %dma_start3A_100] : memref<2x16x160x125xi32, #tpu.memory_space<hbm>> -> memref<2x1x160x125xi32, #tpu.memory_space<hbm>>
      %dma_start3A_102 = tpu.memref_squeeze %dma_start3A_101 : memref<2x1x160x125xi32, #tpu.memory_space<hbm>> -> memref<2x160x125xi32, #tpu.memory_space<hbm>>
      tpu.enqueue_dma source(%dma_start3A_102 : memref<2x160x125xi32, #tpu.memory_space<hbm>>) target(%arg5 : memref<2x160x125xi32, #tpu.memory_space<vmem>>) target_semaphore(%run_scoped3A : memref<!tpu.dma_semaphore, #tpu.memory_space<semaphore_mem>>)
      %dma_wait3A = arith.constant 0 : i32
      %dma_wait3A_103 = arith.constant 0 : i32
      %dma_wait3A_104 = arith.constant 0 : i32
      %dma_wait3A_105 = tpu.memref_slice %arg3[%dma_wait3A, %arg1, %dma_wait3A_103, %dma_wait3A_104] : memref<2x16x160x125xi32, #tpu.memory_space<hbm>> -> memref<2x1x160x125xi32, #tpu.memory_space<hbm>>
      %dma_wait3A_106 = tpu.memref_squeeze %dma_wait3A_105 : memref<2x1x160x125xi32, #tpu.memory_space<hbm>> -> memref<2x160x125xi32, #tpu.memory_space<hbm>>
      %dma_wait3A_107 = arith.constant 0 : i32
      %dma_wait3A_108 = arith.constant 0 : i32
      %dma_wait3A_109 = arith.constant 0 : i32
      %dma_wait3A_110 = tpu.memref_slice %arg3[%dma_wait3A_107, %arg1, %dma_wait3A_108, %dma_wait3A_109] : memref<2x16x160x125xi32, #tpu.memory_space<hbm>> -> memref<2x1x160x125xi32, #tpu.memory_space<hbm>>
      %dma_wait3A_111 = tpu.memref_squeeze %dma_wait3A_110 : memref<2x1x160x125xi32, #tpu.memory_space<hbm>> -> memref<2x160x125xi32, #tpu.memory_space<hbm>>
      tpu.wait_dma2 semaphore(%run_scoped3A : memref<!tpu.dma_semaphore, #tpu.memory_space<semaphore_mem>>) src(%dma_wait3A_111 : memref<2x160x125xi32, #tpu.memory_space<hbm>>) dst(%arg5 : memref<2x160x125xi32, #tpu.memory_space<vmem>>)
      tpu.yield
    }) : () -> ()
    %dma_start3A = arith.constant 0 : i32
    %dma_start3A_1 = arith.constant 0 : i32
    %dma_start3A_2 = arith.constant 0 : i32
    %dma_start3A_3 = arith.constant 0 : i32
    %dma_start3A_4 = arith.constant 0 : i32
    %dma_start3A_5 = tpu.memref_slice %arg6[%dma_start3A_2, %dma_start3A_3, %dma_start3A_4] : memref<5x125x64xf32, #tpu.memory_space<vmem>> -> memref<1x125x64xf32, #tpu.memory_space<vmem>>
    %dma_start3A_6 = tpu.memref_squeeze %dma_start3A_5 : memref<1x125x64xf32, #tpu.memory_space<vmem>> -> memref<125x64xf32, #tpu.memory_space<vmem>>
    %dma_start3A_7 = arith.constant 0 : i32
    %dma_start3A_8 = tpu.memref_slice %arg5[%dma_start3A, %dma_start3A_1, %dma_start3A_7] : memref<2x160x125xi32, #tpu.memory_space<vmem>> -> memref<1x1x125xi32, #tpu.memory_space<vmem>>
    %dma_start3A_9 = tpu.memref_squeeze %dma_start3A_8 : memref<1x1x125xi32, #tpu.memory_space<vmem>> -> memref<125xi32, #tpu.memory_space<vmem>>
    %dma_start3A_10 = arith.constant 0 : i32
    %dma_start3A_11 = arith.constant 0 : i32
    %dma_start3A_12 = tpu.memref_slice %arg2[%arg0, %dma_start3A_10, %dma_start3A_11] : memref<2x10000x64xf32, #tpu.memory_space<hbm>> -> memref<1x10000x64xf32, #tpu.memory_space<hbm>>
    %dma_start3A_13 = tpu.memref_squeeze %dma_start3A_12 : memref<1x10000x64xf32, #tpu.memory_space<hbm>> -> memref<10000x64xf32, #tpu.memory_space<hbm>>
    %dma_start3A_14 = arith.constant 0 : i32
    %dma_start3A_15 = arith.constant 0 : i32
    %dma_start3A_16 = tpu.memref_slice %dma_start3A_13[%dma_start3A_14, %dma_start3A_15] : memref<10000x64xf32, #tpu.memory_space<hbm>> -> memref<10000x64xf32, #tpu.memory_space<hbm>>
    tpu.enqueue_indirect_dma source(%dma_start3A_16 : memref<10000x64xf32, #tpu.memory_space<hbm>>) target(%dma_start3A_6 : memref<125x64xf32, #tpu.memory_space<vmem>>) offsets(%dma_start3A_9 : memref<125xi32, #tpu.memory_space<vmem>>) semaphore(%arg8 : memref<!tpu.dma_semaphore, #tpu.memory_space<semaphore_mem>>)
    %dma_start3A_17 = arith.constant 0 : i32
    %dma_start3A_18 = arith.constant 1 : i32
    %dma_start3A_19 = arith.constant 1 : i32
    %dma_start3A_20 = arith.constant 0 : i32
    %dma_start3A_21 = arith.constant 0 : i32
    %dma_start3A_22 = tpu.memref_slice %arg6[%dma_start3A_19, %dma_start3A_20, %dma_start3A_21] : memref<5x125x64xf32, #tpu.memory_space<vmem>> -> memref<1x125x64xf32, #tpu.memory_space<vmem>>
    %dma_start3A_23 = tpu.memref_squeeze %dma_start3A_22 : memref<1x125x64xf32, #tpu.memory_space<vmem>> -> memref<125x64xf32, #tpu.memory_space<vmem>>
    %dma_start3A_24 = arith.constant 0 : i32
    %dma_start3A_25 = tpu.memref_slice %arg5[%dma_start3A_17, %dma_start3A_18, %dma_start3A_24] : memref<2x160x125xi32, #tpu.memory_space<vmem>> -> memref<1x1x125xi32, #tpu.memory_space<vmem>>
    %dma_start3A_26 = tpu.memref_squeeze %dma_start3A_25 : memref<1x1x125xi32, #tpu.memory_space<vmem>> -> memref<125xi32, #tpu.memory_space<vmem>>
    %dma_start3A_27 = arith.constant 0 : i32
    %dma_start3A_28 = arith.constant 0 : i32
    %dma_start3A_29 = tpu.memref_slice %arg2[%arg0, %dma_start3A_27, %dma_start3A_28] : memref<2x10000x64xf32, #tpu.memory_space<hbm>> -> memref<1x10000x64xf32, #tpu.memory_space<hbm>>
    %dma_start3A_30 = tpu.memref_squeeze %dma_start3A_29 : memref<1x10000x64xf32, #tpu.memory_space<hbm>> -> memref<10000x64xf32, #tpu.memory_space<hbm>>
    %dma_start3A_31 = arith.constant 0 : i32
    %dma_start3A_32 = arith.constant 0 : i32
    %dma_start3A_33 = tpu.memref_slice %dma_start3A_30[%dma_start3A_31, %dma_start3A_32] : memref<10000x64xf32, #tpu.memory_space<hbm>> -> memref<10000x64xf32, #tpu.memory_space<hbm>>
    tpu.enqueue_indirect_dma source(%dma_start3A_33 : memref<10000x64xf32, #tpu.memory_space<hbm>>) target(%dma_start3A_23 : memref<125x64xf32, #tpu.memory_space<vmem>>) offsets(%dma_start3A_26 : memref<125xi32, #tpu.memory_space<vmem>>) semaphore(%arg9 : memref<!tpu.dma_semaphore, #tpu.memory_space<semaphore_mem>>)
    %dma_start3A_34 = arith.constant 0 : i32
    %dma_start3A_35 = arith.constant 2 : i32
    %dma_start3A_36 = arith.constant 2 : i32
    %dma_start3A_37 = arith.constant 0 : i32
    %dma_start3A_38 = arith.constant 0 : i32
    %dma_start3A_39 = tpu.memref_slice %arg6[%dma_start3A_36, %dma_start3A_37, %dma_start3A_38] : memref<5x125x64xf32, #tpu.memory_space<vmem>> -> memref<1x125x64xf32, #tpu.memory_space<vmem>>
    %dma_start3A_40 = tpu.memref_squeeze %dma_start3A_39 : memref<1x125x64xf32, #tpu.memory_space<vmem>> -> memref<125x64xf32, #tpu.memory_space<vmem>>
    %dma_start3A_41 = arith.constant 0 : i32
    %dma_start3A_42 = tpu.memref_slice %arg5[%dma_start3A_34, %dma_start3A_35, %dma_start3A_41] : memref<2x160x125xi32, #tpu.memory_space<vmem>> -> memref<1x1x125xi32, #tpu.memory_space<vmem>>
    %dma_start3A_43 = tpu.memref_squeeze %dma_start3A_42 : memref<1x1x125xi32, #tpu.memory_space<vmem>> -> memref<125xi32, #tpu.memory_space<vmem>>
    %dma_start3A_44 = arith.constant 0 : i32
    %dma_start3A_45 = arith.constant 0 : i32
    %dma_start3A_46 = tpu.memref_slice %arg2[%arg0, %dma_start3A_44, %dma_start3A_45] : memref<2x10000x64xf32, #tpu.memory_space<hbm>> -> memref<1x10000x64xf32, #tpu.memory_space<hbm>>
    %dma_start3A_47 = tpu.memref_squeeze %dma_start3A_46 : memref<1x10000x64xf32, #tpu.memory_space<hbm>> -> memref<10000x64xf32, #tpu.memory_space<hbm>>
    %dma_start3A_48 = arith.constant 0 : i32
    %dma_start3A_49 = arith.constant 0 : i32
    %dma_start3A_50 = tpu.memref_slice %dma_start3A_47[%dma_start3A_48, %dma_start3A_49] : memref<10000x64xf32, #tpu.memory_space<hbm>> -> memref<10000x64xf32, #tpu.memory_space<hbm>>
    tpu.enqueue_indirect_dma source(%dma_start3A_50 : memref<10000x64xf32, #tpu.memory_space<hbm>>) target(%dma_start3A_40 : memref<125x64xf32, #tpu.memory_space<vmem>>) offsets(%dma_start3A_43 : memref<125xi32, #tpu.memory_space<vmem>>) semaphore(%arg10 : memref<!tpu.dma_semaphore, #tpu.memory_space<semaphore_mem>>)
    %dma_start3A_51 = arith.constant 0 : i32
    %dma_start3A_52 = arith.constant 3 : i32
    %dma_start3A_53 = arith.constant 3 : i32
    %dma_start3A_54 = arith.constant 0 : i32
    %dma_start3A_55 = arith.constant 0 : i32
    %dma_start3A_56 = tpu.memref_slice %arg6[%dma_start3A_53, %dma_start3A_54, %dma_start3A_55] : memref<5x125x64xf32, #tpu.memory_space<vmem>> -> memref<1x125x64xf32, #tpu.memory_space<vmem>>
    %dma_start3A_57 = tpu.memref_squeeze %dma_start3A_56 : memref<1x125x64xf32, #tpu.memory_space<vmem>> -> memref<125x64xf32, #tpu.memory_space<vmem>>
    %dma_start3A_58 = arith.constant 0 : i32
    %dma_start3A_59 = tpu.memref_slice %arg5[%dma_start3A_51, %dma_start3A_52, %dma_start3A_58] : memref<2x160x125xi32, #tpu.memory_space<vmem>> -> memref<1x1x125xi32, #tpu.memory_space<vmem>>
    %dma_start3A_60 = tpu.memref_squeeze %dma_start3A_59 : memref<1x1x125xi32, #tpu.memory_space<vmem>> -> memref<125xi32, #tpu.memory_space<vmem>>
    %dma_start3A_61 = arith.constant 0 : i32
    %dma_start3A_62 = arith.constant 0 : i32
    %dma_start3A_63 = tpu.memref_slice %arg2[%arg0, %dma_start3A_61, %dma_start3A_62] : memref<2x10000x64xf32, #tpu.memory_space<hbm>> -> memref<1x10000x64xf32, #tpu.memory_space<hbm>>
    %dma_start3A_64 = tpu.memref_squeeze %dma_start3A_63 : memref<1x10000x64xf32, #tpu.memory_space<hbm>> -> memref<10000x64xf32, #tpu.memory_space<hbm>>
    %dma_start3A_65 = arith.constant 0 : i32
    %dma_start3A_66 = arith.constant 0 : i32
    %dma_start3A_67 = tpu.memref_slice %dma_start3A_64[%dma_start3A_65, %dma_start3A_66] : memref<10000x64xf32, #tpu.memory_space<hbm>> -> memref<10000x64xf32, #tpu.memory_space<hbm>>
    tpu.enqueue_indirect_dma source(%dma_start3A_67 : memref<10000x64xf32, #tpu.memory_space<hbm>>) target(%dma_start3A_57 : memref<125x64xf32, #tpu.memory_space<vmem>>) offsets(%dma_start3A_60 : memref<125xi32, #tpu.memory_space<vmem>>) semaphore(%arg11 : memref<!tpu.dma_semaphore, #tpu.memory_space<semaphore_mem>>)
    %dma_start3A_68 = arith.constant 0 : i32
    %dma_start3A_69 = arith.constant 4 : i32
    %dma_start3A_70 = arith.constant 4 : i32
    %dma_start3A_71 = arith.constant 0 : i32
    %dma_start3A_72 = arith.constant 0 : i32
    %dma_start3A_73 = tpu.memref_slice %arg6[%dma_start3A_70, %dma_start3A_71, %dma_start3A_72] : memref<5x125x64xf32, #tpu.memory_space<vmem>> -> memref<1x125x64xf32, #tpu.memory_space<vmem>>
    %dma_start3A_74 = tpu.memref_squeeze %dma_start3A_73 : memref<1x125x64xf32, #tpu.memory_space<vmem>> -> memref<125x64xf32, #tpu.memory_space<vmem>>
    %dma_start3A_75 = arith.constant 0 : i32
    %dma_start3A_76 = tpu.memref_slice %arg5[%dma_start3A_68, %dma_start3A_69, %dma_start3A_75] : memref<2x160x125xi32, #tpu.memory_space<vmem>> -> memref<1x1x125xi32, #tpu.memory_space<vmem>>
    %dma_start3A_77 = tpu.memref_squeeze %dma_start3A_76 : memref<1x1x125xi32, #tpu.memory_space<vmem>> -> memref<125xi32, #tpu.memory_space<vmem>>
    %dma_start3A_78 = arith.constant 0 : i32
    %dma_start3A_79 = arith.constant 0 : i32
    %dma_start3A_80 = tpu.memref_slice %arg2[%arg0, %dma_start3A_78, %dma_start3A_79] : memref<2x10000x64xf32, #tpu.memory_space<hbm>> -> memref<1x10000x64xf32, #tpu.memory_space<hbm>>
    %dma_start3A_81 = tpu.memref_squeeze %dma_start3A_80 : memref<1x10000x64xf32, #tpu.memory_space<hbm>> -> memref<10000x64xf32, #tpu.memory_space<hbm>>
    %dma_start3A_82 = arith.constant 0 : i32
    %dma_start3A_83 = arith.constant 0 : i32
    %dma_start3A_84 = tpu.memref_slice %dma_start3A_81[%dma_start3A_82, %dma_start3A_83] : memref<10000x64xf32, #tpu.memory_space<hbm>> -> memref<10000x64xf32, #tpu.memory_space<hbm>>
    tpu.enqueue_indirect_dma source(%dma_start3A_84 : memref<10000x64xf32, #tpu.memory_space<hbm>>) target(%dma_start3A_74 : memref<125x64xf32, #tpu.memory_space<vmem>>) offsets(%dma_start3A_77 : memref<125xi32, #tpu.memory_space<vmem>>) semaphore(%arg12 : memref<!tpu.dma_semaphore, #tpu.memory_space<semaphore_mem>>)
    "tpu.region"() ({
      %run_scoped3A = tpu.sem_alloc : memref<!tpu.dma_semaphore, #tpu.memory_space<semaphore_mem>>
      %dma_start3A_93 = arith.constant 0 : i32
      %dma_start3A_94 = tpu.memref_slice %arg7[%mul3A_0, %dma_start3A_93] : memref<10000x64xf32, #tpu.memory_space<vmem_shared>> -> memref<625x64xf32, #tpu.memory_space<vmem_shared>>
      %dma_start3A_95 = arith.constant 0 : i32
      %dma_start3A_96 = arith.constant 0 : i32
      %dma_start3A_97 = tpu.memref_slice %arg2[%arg0, %dma_start3A_95, %dma_start3A_96] : memref<2x10000x64xf32, #tpu.memory_space<hbm>> -> memref<1x10000x64xf32, #tpu.memory_space<hbm>>
      %dma_start3A_98 = tpu.memref_squeeze %dma_start3A_97 : memref<1x10000x64xf32, #tpu.memory_space<hbm>> -> memref<10000x64xf32, #tpu.memory_space<hbm>>
      %dma_start3A_99 = arith.constant 0 : i32
      %dma_start3A_100 = tpu.memref_slice %dma_start3A_98[%mul3A_0, %dma_start3A_99] : memref<10000x64xf32, #tpu.memory_space<hbm>> -> memref<625x64xf32, #tpu.memory_space<hbm>>
      tpu.enqueue_dma source(%dma_start3A_100 : memref<625x64xf32, #tpu.memory_space<hbm>>) target(%dma_start3A_94 : memref<625x64xf32, #tpu.memory_space<vmem_shared>>) target_semaphore(%run_scoped3A : memref<!tpu.dma_semaphore, #tpu.memory_space<semaphore_mem>>)
      %dma_wait3A = arith.constant 0 : i32
      %dma_wait3A_101 = tpu.memref_slice %arg7[%mul3A_0, %dma_wait3A] : memref<10000x64xf32, #tpu.memory_space<vmem_shared>> -> memref<625x64xf32, #tpu.memory_space<vmem_shared>>
      %dma_wait3A_102 = arith.constant 0 : i32
      %dma_wait3A_103 = arith.constant 0 : i32
      %dma_wait3A_104 = tpu.memref_slice %arg2[%arg0, %dma_wait3A_102, %dma_wait3A_103] : memref<2x10000x64xf32, #tpu.memory_space<hbm>> -> memref<1x10000x64xf32, #tpu.memory_space<hbm>>
      %dma_wait3A_105 = tpu.memref_squeeze %dma_wait3A_104 : memref<1x10000x64xf32, #tpu.memory_space<hbm>> -> memref<10000x64xf32, #tpu.memory_space<hbm>>
      %dma_wait3A_106 = arith.constant 0 : i32
      %dma_wait3A_107 = tpu.memref_slice %dma_wait3A_105[%mul3A_0, %dma_wait3A_106] : memref<10000x64xf32, #tpu.memory_space<hbm>> -> memref<625x64xf32, #tpu.memory_space<hbm>>
      tpu.wait_dma2 semaphore(%run_scoped3A : memref<!tpu.dma_semaphore, #tpu.memory_space<semaphore_mem>>) src(%dma_wait3A_107 : memref<625x64xf32, #tpu.memory_space<hbm>>) dst(%dma_wait3A_101 : memref<625x64xf32, #tpu.memory_space<vmem_shared>>)
      tpu.yield
    }) : () -> ()
    %barrier3A = arith.constant 0 : index
    tpu.barrier barrier_id(%barrier3A)
    %scan3A = arith.constant 0 : i32
    %scan3A_85 = arith.constant 0 : i32
    %scan3A_86 = arith.constant 32 : i32
    %scan3A_87 = arith.addi %scan3A_85, %scan3A_86 : i32
    %scan3A_88 = arith.constant 1 : i32
    scf.for %scan3A_93 = %scan3A_85 to %scan3A_87 step %scan3A_88  : i32 {
      %mul3A_94 = arith.constant 5 : i32
      %mul3A_95 = arith.muli %scan3A_93, %mul3A_94 : i32
      %add3A = arith.constant 0 : i32
      %add3A_96 = arith.addi %mul3A_95, %add3A : i32
      %dma_wait3A = arith.constant 0 : i32
      %dma_wait3A_97 = arith.constant 0 : i32
      %dma_wait3A_98 = arith.constant 0 : i32
      %dma_wait3A_99 = arith.constant 0 : i32
      %dma_wait3A_100 = tpu.memref_slice %arg6[%dma_wait3A_97, %dma_wait3A_98, %dma_wait3A_99] : memref<5x125x64xf32, #tpu.memory_space<vmem>> -> memref<1x125x64xf32, #tpu.memory_space<vmem>>
      %dma_wait3A_101 = tpu.memref_squeeze %dma_wait3A_100 : memref<1x125x64xf32, #tpu.memory_space<vmem>> -> memref<125x64xf32, #tpu.memory_space<vmem>>
      %dma_wait3A_102 = arith.constant 0 : i32
      %dma_wait3A_103 = tpu.memref_slice %arg5[%dma_wait3A, %add3A_96, %dma_wait3A_102] : memref<2x160x125xi32, #tpu.memory_space<vmem>> -> memref<1x1x125xi32, #tpu.memory_space<vmem>>
      %dma_wait3A_104 = tpu.memref_squeeze %dma_wait3A_103 : memref<1x1x125xi32, #tpu.memory_space<vmem>> -> memref<125xi32, #tpu.memory_space<vmem>>
      %dma_wait3A_105 = arith.constant 0 : i32
      %dma_wait3A_106 = arith.constant 0 : i32
      %dma_wait3A_107 = tpu.memref_slice %arg2[%arg0, %dma_wait3A_105, %dma_wait3A_106] : memref<2x10000x64xf32, #tpu.memory_space<hbm>> -> memref<1x10000x64xf32, #tpu.memory_space<hbm>>
      %dma_wait3A_108 = tpu.memref_squeeze %dma_wait3A_107 : memref<1x10000x64xf32, #tpu.memory_space<hbm>> -> memref<10000x64xf32, #tpu.memory_space<hbm>>
      %dma_wait3A_109 = arith.constant 0 : i32
      %dma_wait3A_110 = arith.constant 0 : i32
      %dma_wait3A_111 = tpu.memref_slice %dma_wait3A_108[%dma_wait3A_109, %dma_wait3A_110] : memref<10000x64xf32, #tpu.memory_space<hbm>> -> memref<10000x64xf32, #tpu.memory_space<hbm>>
      tpu.wait_indirect_dma semaphore(%arg8 : memref<!tpu.dma_semaphore, #tpu.memory_space<semaphore_mem>>) src(%dma_wait3A_111 : memref<10000x64xf32, #tpu.memory_space<hbm>>) dst(%dma_wait3A_101 : memref<125x64xf32, #tpu.memory_space<vmem>>)
      %dma_start3A_112 = arith.constant 0 : i32
      %dma_start3A_113 = arith.constant 1 : i32
      %dma_start3A_114 = arith.constant 0 : i32
      %dma_start3A_115 = arith.constant 0 : i32
      %dma_start3A_116 = tpu.memref_slice %arg6[%dma_start3A_112, %dma_start3A_114, %dma_start3A_115] : memref<5x125x64xf32, #tpu.memory_space<vmem>> -> memref<1x125x64xf32, #tpu.memory_space<vmem>>
      %dma_start3A_117 = tpu.memref_squeeze %dma_start3A_116 : memref<1x125x64xf32, #tpu.memory_space<vmem>> -> memref<125x64xf32, #tpu.memory_space<vmem>>
      %dma_start3A_118 = arith.constant 0 : i32
      %dma_start3A_119 = tpu.memref_slice %arg5[%dma_start3A_113, %add3A_96, %dma_start3A_118] : memref<2x160x125xi32, #tpu.memory_space<vmem>> -> memref<1x1x125xi32, #tpu.memory_space<vmem>>
      %dma_start3A_120 = tpu.memref_squeeze %dma_start3A_119 : memref<1x1x125xi32, #tpu.memory_space<vmem>> -> memref<125xi32, #tpu.memory_space<vmem>>
      %dma_start3A_121 = arith.constant 0 : i32
      %dma_start3A_122 = arith.constant 0 : i32
      %dma_start3A_123 = tpu.memref_slice %arg7[%dma_start3A_121, %dma_start3A_122] : memref<10000x64xf32, #tpu.memory_space<vmem_shared>> -> memref<10000x64xf32, #tpu.memory_space<vmem_shared>>
      tpu.enqueue_indirect_dma source(%dma_start3A_117 : memref<125x64xf32, #tpu.memory_space<vmem>>) target(%dma_start3A_123 : memref<10000x64xf32, #tpu.memory_space<vmem_shared>>) offsets(%dma_start3A_120 : memref<125xi32, #tpu.memory_space<vmem>>) semaphore(%arg13 : memref<!tpu.dma_semaphore, #tpu.memory_space<semaphore_mem>>) {add = true}
      %mul3A_124 = arith.constant 5 : i32
      %mul3A_125 = arith.muli %scan3A_93, %mul3A_124 : i32
      %add3A_126 = arith.constant 1 : i32
      %add3A_127 = arith.addi %mul3A_125, %add3A_126 : i32
      %dma_wait3A_128 = arith.constant 0 : i32
      %dma_wait3A_129 = arith.constant 1 : i32
      %dma_wait3A_130 = arith.constant 0 : i32
      %dma_wait3A_131 = arith.constant 0 : i32
      %dma_wait3A_132 = tpu.memref_slice %arg6[%dma_wait3A_129, %dma_wait3A_130, %dma_wait3A_131] : memref<5x125x64xf32, #tpu.memory_space<vmem>> -> memref<1x125x64xf32, #tpu.memory_space<vmem>>
      %dma_wait3A_133 = tpu.memref_squeeze %dma_wait3A_132 : memref<1x125x64xf32, #tpu.memory_space<vmem>> -> memref<125x64xf32, #tpu.memory_space<vmem>>
      %dma_wait3A_134 = arith.constant 0 : i32
      %dma_wait3A_135 = tpu.memref_slice %arg5[%dma_wait3A_128, %add3A_127, %dma_wait3A_134] : memref<2x160x125xi32, #tpu.memory_space<vmem>> -> memref<1x1x125xi32, #tpu.memory_space<vmem>>
      %dma_wait3A_136 = tpu.memref_squeeze %dma_wait3A_135 : memref<1x1x125xi32, #tpu.memory_space<vmem>> -> memref<125xi32, #tpu.memory_space<vmem>>
      %dma_wait3A_137 = arith.constant 0 : i32
      %dma_wait3A_138 = arith.constant 0 : i32
      %dma_wait3A_139 = tpu.memref_slice %arg2[%arg0, %dma_wait3A_137, %dma_wait3A_138] : memref<2x10000x64xf32, #tpu.memory_space<hbm>> -> memref<1x10000x64xf32, #tpu.memory_space<hbm>>
      %dma_wait3A_140 = tpu.memref_squeeze %dma_wait3A_139 : memref<1x10000x64xf32, #tpu.memory_space<hbm>> -> memref<10000x64xf32, #tpu.memory_space<hbm>>
      %dma_wait3A_141 = arith.constant 0 : i32
      %dma_wait3A_142 = arith.constant 0 : i32
      %dma_wait3A_143 = tpu.memref_slice %dma_wait3A_140[%dma_wait3A_141, %dma_wait3A_142] : memref<10000x64xf32, #tpu.memory_space<hbm>> -> memref<10000x64xf32, #tpu.memory_space<hbm>>
      tpu.wait_indirect_dma semaphore(%arg9 : memref<!tpu.dma_semaphore, #tpu.memory_space<semaphore_mem>>) src(%dma_wait3A_143 : memref<10000x64xf32, #tpu.memory_space<hbm>>) dst(%dma_wait3A_133 : memref<125x64xf32, #tpu.memory_space<vmem>>)
      %dma_start3A_144 = arith.constant 1 : i32
      %dma_start3A_145 = arith.constant 1 : i32
      %dma_start3A_146 = arith.constant 0 : i32
      %dma_start3A_147 = arith.constant 0 : i32
      %dma_start3A_148 = tpu.memref_slice %arg6[%dma_start3A_144, %dma_start3A_146, %dma_start3A_147] : memref<5x125x64xf32, #tpu.memory_space<vmem>> -> memref<1x125x64xf32, #tpu.memory_space<vmem>>
      %dma_start3A_149 = tpu.memref_squeeze %dma_start3A_148 : memref<1x125x64xf32, #tpu.memory_space<vmem>> -> memref<125x64xf32, #tpu.memory_space<vmem>>
      %dma_start3A_150 = arith.constant 0 : i32
      %dma_start3A_151 = tpu.memref_slice %arg5[%dma_start3A_145, %add3A_127, %dma_start3A_150] : memref<2x160x125xi32, #tpu.memory_space<vmem>> -> memref<1x1x125xi32, #tpu.memory_space<vmem>>
      %dma_start3A_152 = tpu.memref_squeeze %dma_start3A_151 : memref<1x1x125xi32, #tpu.memory_space<vmem>> -> memref<125xi32, #tpu.memory_space<vmem>>
      %dma_start3A_153 = arith.constant 0 : i32
      %dma_start3A_154 = arith.constant 0 : i32
      %dma_start3A_155 = tpu.memref_slice %arg7[%dma_start3A_153, %dma_start3A_154] : memref<10000x64xf32, #tpu.memory_space<vmem_shared>> -> memref<10000x64xf32, #tpu.memory_space<vmem_shared>>
      tpu.enqueue_indirect_dma source(%dma_start3A_149 : memref<125x64xf32, #tpu.memory_space<vmem>>) target(%dma_start3A_155 : memref<10000x64xf32, #tpu.memory_space<vmem_shared>>) offsets(%dma_start3A_152 : memref<125xi32, #tpu.memory_space<vmem>>) semaphore(%arg14 : memref<!tpu.dma_semaphore, #tpu.memory_space<semaphore_mem>>) {add = true}
      %mul3A_156 = arith.constant 5 : i32
      %mul3A_157 = arith.muli %scan3A_93, %mul3A_156 : i32
      %add3A_158 = arith.constant 2 : i32
      %add3A_159 = arith.addi %mul3A_157, %add3A_158 : i32
      %dma_wait3A_160 = arith.constant 0 : i32
      %dma_wait3A_161 = arith.constant 2 : i32
      %dma_wait3A_162 = arith.constant 0 : i32
      %dma_wait3A_163 = arith.constant 0 : i32
      %dma_wait3A_164 = tpu.memref_slice %arg6[%dma_wait3A_161, %dma_wait3A_162, %dma_wait3A_163] : memref<5x125x64xf32, #tpu.memory_space<vmem>> -> memref<1x125x64xf32, #tpu.memory_space<vmem>>
      %dma_wait3A_165 = tpu.memref_squeeze %dma_wait3A_164 : memref<1x125x64xf32, #tpu.memory_space<vmem>> -> memref<125x64xf32, #tpu.memory_space<vmem>>
      %dma_wait3A_166 = arith.constant 0 : i32
      %dma_wait3A_167 = tpu.memref_slice %arg5[%dma_wait3A_160, %add3A_159, %dma_wait3A_166] : memref<2x160x125xi32, #tpu.memory_space<vmem>> -> memref<1x1x125xi32, #tpu.memory_space<vmem>>
      %dma_wait3A_168 = tpu.memref_squeeze %dma_wait3A_167 : memref<1x1x125xi32, #tpu.memory_space<vmem>> -> memref<125xi32, #tpu.memory_space<vmem>>
      %dma_wait3A_169 = arith.constant 0 : i32
      %dma_wait3A_170 = arith.constant 0 : i32
      %dma_wait3A_171 = tpu.memref_slice %arg2[%arg0, %dma_wait3A_169, %dma_wait3A_170] : memref<2x10000x64xf32, #tpu.memory_space<hbm>> -> memref<1x10000x64xf32, #tpu.memory_space<hbm>>
      %dma_wait3A_172 = tpu.memref_squeeze %dma_wait3A_171 : memref<1x10000x64xf32, #tpu.memory_space<hbm>> -> memref<10000x64xf32, #tpu.memory_space<hbm>>
      %dma_wait3A_173 = arith.constant 0 : i32
      %dma_wait3A_174 = arith.constant 0 : i32
      %dma_wait3A_175 = tpu.memref_slice %dma_wait3A_172[%dma_wait3A_173, %dma_wait3A_174] : memref<10000x64xf32, #tpu.memory_space<hbm>> -> memref<10000x64xf32, #tpu.memory_space<hbm>>
      tpu.wait_indirect_dma semaphore(%arg10 : memref<!tpu.dma_semaphore, #tpu.memory_space<semaphore_mem>>) src(%dma_wait3A_175 : memref<10000x64xf32, #tpu.memory_space<hbm>>) dst(%dma_wait3A_165 : memref<125x64xf32, #tpu.memory_space<vmem>>)
      %dma_start3A_176 = arith.constant 2 : i32
      %dma_start3A_177 = arith.constant 1 : i32
      %dma_start3A_178 = arith.constant 0 : i32
      %dma_start3A_179 = arith.constant 0 : i32
      %dma_start3A_180 = tpu.memref_slice %arg6[%dma_start3A_176, %dma_start3A_178, %dma_start3A_179] : memref<5x125x64xf32, #tpu.memory_space<vmem>> -> memref<1x125x64xf32, #tpu.memory_space<vmem>>
      %dma_start3A_181 = tpu.memref_squeeze %dma_start3A_180 : memref<1x125x64xf32, #tpu.memory_space<vmem>> -> memref<125x64xf32, #tpu.memory_space<vmem>>
      %dma_start3A_182 = arith.constant 0 : i32
      %dma_start3A_183 = tpu.memref_slice %arg5[%dma_start3A_177, %add3A_159, %dma_start3A_182] : memref<2x160x125xi32, #tpu.memory_space<vmem>> -> memref<1x1x125xi32, #tpu.memory_space<vmem>>
      %dma_start3A_184 = tpu.memref_squeeze %dma_start3A_183 : memref<1x1x125xi32, #tpu.memory_space<vmem>> -> memref<125xi32, #tpu.memory_space<vmem>>
      %dma_start3A_185 = arith.constant 0 : i32
      %dma_start3A_186 = arith.constant 0 : i32
      %dma_start3A_187 = tpu.memref_slice %arg7[%dma_start3A_185, %dma_start3A_186] : memref<10000x64xf32, #tpu.memory_space<vmem_shared>> -> memref<10000x64xf32, #tpu.memory_space<vmem_shared>>
      tpu.enqueue_indirect_dma source(%dma_start3A_181 : memref<125x64xf32, #tpu.memory_space<vmem>>) target(%dma_start3A_187 : memref<10000x64xf32, #tpu.memory_space<vmem_shared>>) offsets(%dma_start3A_184 : memref<125xi32, #tpu.memory_space<vmem>>) semaphore(%arg15 : memref<!tpu.dma_semaphore, #tpu.memory_space<semaphore_mem>>) {add = true}
      %mul3A_188 = arith.constant 5 : i32
      %mul3A_189 = arith.muli %scan3A_93, %mul3A_188 : i32
      %add3A_190 = arith.constant 3 : i32
      %add3A_191 = arith.addi %mul3A_189, %add3A_190 : i32
      %dma_wait3A_192 = arith.constant 0 : i32
      %dma_wait3A_193 = arith.constant 3 : i32
      %dma_wait3A_194 = arith.constant 0 : i32
      %dma_wait3A_195 = arith.constant 0 : i32
      %dma_wait3A_196 = tpu.memref_slice %arg6[%dma_wait3A_193, %dma_wait3A_194, %dma_wait3A_195] : memref<5x125x64xf32, #tpu.memory_space<vmem>> -> memref<1x125x64xf32, #tpu.memory_space<vmem>>
      %dma_wait3A_197 = tpu.memref_squeeze %dma_wait3A_196 : memref<1x125x64xf32, #tpu.memory_space<vmem>> -> memref<125x64xf32, #tpu.memory_space<vmem>>
      %dma_wait3A_198 = arith.constant 0 : i32
      %dma_wait3A_199 = tpu.memref_slice %arg5[%dma_wait3A_192, %add3A_191, %dma_wait3A_198] : memref<2x160x125xi32, #tpu.memory_space<vmem>> -> memref<1x1x125xi32, #tpu.memory_space<vmem>>
      %dma_wait3A_200 = tpu.memref_squeeze %dma_wait3A_199 : memref<1x1x125xi32, #tpu.memory_space<vmem>> -> memref<125xi32, #tpu.memory_space<vmem>>
      %dma_wait3A_201 = arith.constant 0 : i32
      %dma_wait3A_202 = arith.constant 0 : i32
      %dma_wait3A_203 = tpu.memref_slice %arg2[%arg0, %dma_wait3A_201, %dma_wait3A_202] : memref<2x10000x64xf32, #tpu.memory_space<hbm>> -> memref<1x10000x64xf32, #tpu.memory_space<hbm>>
      %dma_wait3A_204 = tpu.memref_squeeze %dma_wait3A_203 : memref<1x10000x64xf32, #tpu.memory_space<hbm>> -> memref<10000x64xf32, #tpu.memory_space<hbm>>
      %dma_wait3A_205 = arith.constant 0 : i32
      %dma_wait3A_206 = arith.constant 0 : i32
      %dma_wait3A_207 = tpu.memref_slice %dma_wait3A_204[%dma_wait3A_205, %dma_wait3A_206] : memref<10000x64xf32, #tpu.memory_space<hbm>> -> memref<10000x64xf32, #tpu.memory_space<hbm>>
      tpu.wait_indirect_dma semaphore(%arg11 : memref<!tpu.dma_semaphore, #tpu.memory_space<semaphore_mem>>) src(%dma_wait3A_207 : memref<10000x64xf32, #tpu.memory_space<hbm>>) dst(%dma_wait3A_197 : memref<125x64xf32, #tpu.memory_space<vmem>>)
      %dma_start3A_208 = arith.constant 3 : i32
      %dma_start3A_209 = arith.constant 1 : i32
      %dma_start3A_210 = arith.constant 0 : i32
      %dma_start3A_211 = arith.constant 0 : i32
      %dma_start3A_212 = tpu.memref_slice %arg6[%dma_start3A_208, %dma_start3A_210, %dma_start3A_211] : memref<5x125x64xf32, #tpu.memory_space<vmem>> -> memref<1x125x64xf32, #tpu.memory_space<vmem>>
      %dma_start3A_213 = tpu.memref_squeeze %dma_start3A_212 : memref<1x125x64xf32, #tpu.memory_space<vmem>> -> memref<125x64xf32, #tpu.memory_space<vmem>>
      %dma_start3A_214 = arith.constant 0 : i32
      %dma_start3A_215 = tpu.memref_slice %arg5[%dma_start3A_209, %add3A_191, %dma_start3A_214] : memref<2x160x125xi32, #tpu.memory_space<vmem>> -> memref<1x1x125xi32, #tpu.memory_space<vmem>>
      %dma_start3A_216 = tpu.memref_squeeze %dma_start3A_215 : memref<1x1x125xi32, #tpu.memory_space<vmem>> -> memref<125xi32, #tpu.memory_space<vmem>>
      %dma_start3A_217 = arith.constant 0 : i32
      %dma_start3A_218 = arith.constant 0 : i32
      %dma_start3A_219 = tpu.memref_slice %arg7[%dma_start3A_217, %dma_start3A_218] : memref<10000x64xf32, #tpu.memory_space<vmem_shared>> -> memref<10000x64xf32, #tpu.memory_space<vmem_shared>>
      tpu.enqueue_indirect_dma source(%dma_start3A_213 : memref<125x64xf32, #tpu.memory_space<vmem>>) target(%dma_start3A_219 : memref<10000x64xf32, #tpu.memory_space<vmem_shared>>) offsets(%dma_start3A_216 : memref<125xi32, #tpu.memory_space<vmem>>) semaphore(%arg16 : memref<!tpu.dma_semaphore, #tpu.memory_space<semaphore_mem>>) {add = true}
      %mul3A_220 = arith.constant 5 : i32
      %mul3A_221 = arith.muli %scan3A_93, %mul3A_220 : i32
      %add3A_222 = arith.constant 4 : i32
      %add3A_223 = arith.addi %mul3A_221, %add3A_222 : i32
      %dma_wait3A_224 = arith.constant 0 : i32
      %dma_wait3A_225 = arith.constant 4 : i32
      %dma_wait3A_226 = arith.constant 0 : i32
      %dma_wait3A_227 = arith.constant 0 : i32
      %dma_wait3A_228 = tpu.memref_slice %arg6[%dma_wait3A_225, %dma_wait3A_226, %dma_wait3A_227] : memref<5x125x64xf32, #tpu.memory_space<vmem>> -> memref<1x125x64xf32, #tpu.memory_space<vmem>>
      %dma_wait3A_229 = tpu.memref_squeeze %dma_wait3A_228 : memref<1x125x64xf32, #tpu.memory_space<vmem>> -> memref<125x64xf32, #tpu.memory_space<vmem>>
      %dma_wait3A_230 = arith.constant 0 : i32
      %dma_wait3A_231 = tpu.memref_slice %arg5[%dma_wait3A_224, %add3A_223, %dma_wait3A_230] : memref<2x160x125xi32, #tpu.memory_space<vmem>> -> memref<1x1x125xi32, #tpu.memory_space<vmem>>
      %dma_wait3A_232 = tpu.memref_squeeze %dma_wait3A_231 : memref<1x1x125xi32, #tpu.memory_space<vmem>> -> memref<125xi32, #tpu.memory_space<vmem>>
      %dma_wait3A_233 = arith.constant 0 : i32
      %dma_wait3A_234 = arith.constant 0 : i32
      %dma_wait3A_235 = tpu.memref_slice %arg2[%arg0, %dma_wait3A_233, %dma_wait3A_234] : memref<2x10000x64xf32, #tpu.memory_space<hbm>> -> memref<1x10000x64xf32, #tpu.memory_space<hbm>>
      %dma_wait3A_236 = tpu.memref_squeeze %dma_wait3A_235 : memref<1x10000x64xf32, #tpu.memory_space<hbm>> -> memref<10000x64xf32, #tpu.memory_space<hbm>>
      %dma_wait3A_237 = arith.constant 0 : i32
      %dma_wait3A_238 = arith.constant 0 : i32
      %dma_wait3A_239 = tpu.memref_slice %dma_wait3A_236[%dma_wait3A_237, %dma_wait3A_238] : memref<10000x64xf32, #tpu.memory_space<hbm>> -> memref<10000x64xf32, #tpu.memory_space<hbm>>
      tpu.wait_indirect_dma semaphore(%arg12 : memref<!tpu.dma_semaphore, #tpu.memory_space<semaphore_mem>>) src(%dma_wait3A_239 : memref<10000x64xf32, #tpu.memory_space<hbm>>) dst(%dma_wait3A_229 : memref<125x64xf32, #tpu.memory_space<vmem>>)
      %dma_start3A_240 = arith.constant 4 : i32
      %dma_start3A_241 = arith.constant 1 : i32
      %dma_start3A_242 = arith.constant 0 : i32
      %dma_start3A_243 = arith.constant 0 : i32
      %dma_start3A_244 = tpu.memref_slice %arg6[%dma_start3A_240, %dma_start3A_242, %dma_start3A_243] : memref<5x125x64xf32, #tpu.memory_space<vmem>> -> memref<1x125x64xf32, #tpu.memory_space<vmem>>
      %dma_start3A_245 = tpu.memref_squeeze %dma_start3A_244 : memref<1x125x64xf32, #tpu.memory_space<vmem>> -> memref<125x64xf32, #tpu.memory_space<vmem>>
      %dma_start3A_246 = arith.constant 0 : i32
      %dma_start3A_247 = tpu.memref_slice %arg5[%dma_start3A_241, %add3A_223, %dma_start3A_246] : memref<2x160x125xi32, #tpu.memory_space<vmem>> -> memref<1x1x125xi32, #tpu.memory_space<vmem>>
      %dma_start3A_248 = tpu.memref_squeeze %dma_start3A_247 : memref<1x1x125xi32, #tpu.memory_space<vmem>> -> memref<125xi32, #tpu.memory_space<vmem>>
      %dma_start3A_249 = arith.constant 0 : i32
      %dma_start3A_250 = arith.constant 0 : i32
      %dma_start3A_251 = tpu.memref_slice %arg7[%dma_start3A_249, %dma_start3A_250] : memref<10000x64xf32, #tpu.memory_space<vmem_shared>> -> memref<10000x64xf32, #tpu.memory_space<vmem_shared>>
      tpu.enqueue_indirect_dma source(%dma_start3A_245 : memref<125x64xf32, #tpu.memory_space<vmem>>) target(%dma_start3A_251 : memref<10000x64xf32, #tpu.memory_space<vmem_shared>>) offsets(%dma_start3A_248 : memref<125xi32, #tpu.memory_space<vmem>>) semaphore(%arg17 : memref<!tpu.dma_semaphore, #tpu.memory_space<semaphore_mem>>) {add = true}
      %dma_wait3A_252 = arith.constant 0 : i32
      %dma_wait3A_253 = arith.constant 1 : i32
      %dma_wait3A_254 = arith.constant 0 : i32
      %dma_wait3A_255 = arith.constant 0 : i32
      %dma_wait3A_256 = tpu.memref_slice %arg6[%dma_wait3A_252, %dma_wait3A_254, %dma_wait3A_255] : memref<5x125x64xf32, #tpu.memory_space<vmem>> -> memref<1x125x64xf32, #tpu.memory_space<vmem>>
      %dma_wait3A_257 = tpu.memref_squeeze %dma_wait3A_256 : memref<1x125x64xf32, #tpu.memory_space<vmem>> -> memref<125x64xf32, #tpu.memory_space<vmem>>
      %dma_wait3A_258 = arith.constant 0 : i32
      %dma_wait3A_259 = tpu.memref_slice %arg5[%dma_wait3A_253, %add3A_96, %dma_wait3A_258] : memref<2x160x125xi32, #tpu.memory_space<vmem>> -> memref<1x1x125xi32, #tpu.memory_space<vmem>>
      %dma_wait3A_260 = tpu.memref_squeeze %dma_wait3A_259 : memref<1x1x125xi32, #tpu.memory_space<vmem>> -> memref<125xi32, #tpu.memory_space<vmem>>
      %dma_wait3A_261 = arith.constant 0 : i32
      %dma_wait3A_262 = arith.constant 0 : i32
      %dma_wait3A_263 = tpu.memref_slice %arg7[%dma_wait3A_261, %dma_wait3A_262] : memref<10000x64xf32, #tpu.memory_space<vmem_shared>> -> memref<10000x64xf32, #tpu.memory_space<vmem_shared>>
      tpu.wait_indirect_dma semaphore(%arg13 : memref<!tpu.dma_semaphore, #tpu.memory_space<semaphore_mem>>) src(%dma_wait3A_257 : memref<125x64xf32, #tpu.memory_space<vmem>>) dst(%dma_wait3A_263 : memref<10000x64xf32, #tpu.memory_space<vmem_shared>>)
      %add3A_264 = arith.constant 1 : i32
      %add3A_265 = arith.addi %scan3A_93, %add3A_264 : i32
      %mul3A_266 = arith.constant 5 : i32
      %mul3A_267 = arith.muli %add3A_265, %mul3A_266 : i32
      %add3A_268 = arith.constant 0 : i32
      %add3A_269 = arith.addi %mul3A_267, %add3A_268 : i32
      %lt3A = arith.constant 160 : i32
      %lt3A_270 = arith.cmpi slt, %add3A_269, %lt3A : i32
      %convert_element_type3A = arith.extui %lt3A_270 : i1 to i32
      %cond3A = arith.constant 0 : i32
      %cond3A_271 = arith.cmpi ne, %convert_element_type3A, %cond3A : i32
      scf.if %cond3A_271 {
        %dma_start3A_364 = arith.constant 0 : i32
        %dma_start3A_365 = arith.constant 0 : i32
        %dma_start3A_366 = arith.constant 0 : i32
        %dma_start3A_367 = arith.constant 0 : i32
        %dma_start3A_368 = tpu.memref_slice %arg6[%dma_start3A_365, %dma_start3A_366, %dma_start3A_367] : memref<5x125x64xf32, #tpu.memory_space<vmem>> -> memref<1x125x64xf32, #tpu.memory_space<vmem>>
        %dma_start3A_369 = tpu.memref_squeeze %dma_start3A_368 : memref<1x125x64xf32, #tpu.memory_space<vmem>> -> memref<125x64xf32, #tpu.memory_space<vmem>>
        %dma_start3A_370 = arith.constant 0 : i32
        %dma_start3A_371 = tpu.memref_slice %arg5[%dma_start3A_364, %add3A_269, %dma_start3A_370] : memref<2x160x125xi32, #tpu.memory_space<vmem>> -> memref<1x1x125xi32, #tpu.memory_space<vmem>>
        %dma_start3A_372 = tpu.memref_squeeze %dma_start3A_371 : memref<1x1x125xi32, #tpu.memory_space<vmem>> -> memref<125xi32, #tpu.memory_space<vmem>>
        %dma_start3A_373 = arith.constant 0 : i32
        %dma_start3A_374 = arith.constant 0 : i32
        %dma_start3A_375 = tpu.memref_slice %arg2[%arg0, %dma_start3A_373, %dma_start3A_374] : memref<2x10000x64xf32, #tpu.memory_space<hbm>> -> memref<1x10000x64xf32, #tpu.memory_space<hbm>>
        %dma_start3A_376 = tpu.memref_squeeze %dma_start3A_375 : memref<1x10000x64xf32, #tpu.memory_space<hbm>> -> memref<10000x64xf32, #tpu.memory_space<hbm>>
        %dma_start3A_377 = arith.constant 0 : i32
        %dma_start3A_378 = arith.constant 0 : i32
        %dma_start3A_379 = tpu.memref_slice %dma_start3A_376[%dma_start3A_377, %dma_start3A_378] : memref<10000x64xf32, #tpu.memory_space<hbm>> -> memref<10000x64xf32, #tpu.memory_space<hbm>>
        tpu.enqueue_indirect_dma source(%dma_start3A_379 : memref<10000x64xf32, #tpu.memory_space<hbm>>) target(%dma_start3A_369 : memref<125x64xf32, #tpu.memory_space<vmem>>) offsets(%dma_start3A_372 : memref<125xi32, #tpu.memory_space<vmem>>) semaphore(%arg8 : memref<!tpu.dma_semaphore, #tpu.memory_space<semaphore_mem>>)
      } else {
      }
      %dma_wait3A_272 = arith.constant 1 : i32
      %dma_wait3A_273 = arith.constant 1 : i32
      %dma_wait3A_274 = arith.constant 0 : i32
      %dma_wait3A_275 = arith.constant 0 : i32
      %dma_wait3A_276 = tpu.memref_slice %arg6[%dma_wait3A_272, %dma_wait3A_274, %dma_wait3A_275] : memref<5x125x64xf32, #tpu.memory_space<vmem>> -> memref<1x125x64xf32, #tpu.memory_space<vmem>>
      %dma_wait3A_277 = tpu.memref_squeeze %dma_wait3A_276 : memref<1x125x64xf32, #tpu.memory_space<vmem>> -> memref<125x64xf32, #tpu.memory_space<vmem>>
      %dma_wait3A_278 = arith.constant 0 : i32
      %dma_wait3A_279 = tpu.memref_slice %arg5[%dma_wait3A_273, %add3A_127, %dma_wait3A_278] : memref<2x160x125xi32, #tpu.memory_space<vmem>> -> memref<1x1x125xi32, #tpu.memory_space<vmem>>
      %dma_wait3A_280 = tpu.memref_squeeze %dma_wait3A_279 : memref<1x1x125xi32, #tpu.memory_space<vmem>> -> memref<125xi32, #tpu.memory_space<vmem>>
      %dma_wait3A_281 = arith.constant 0 : i32
      %dma_wait3A_282 = arith.constant 0 : i32
      %dma_wait3A_283 = tpu.memref_slice %arg7[%dma_wait3A_281, %dma_wait3A_282] : memref<10000x64xf32, #tpu.memory_space<vmem_shared>> -> memref<10000x64xf32, #tpu.memory_space<vmem_shared>>
      tpu.wait_indirect_dma semaphore(%arg14 : memref<!tpu.dma_semaphore, #tpu.memory_space<semaphore_mem>>) src(%dma_wait3A_277 : memref<125x64xf32, #tpu.memory_space<vmem>>) dst(%dma_wait3A_283 : memref<10000x64xf32, #tpu.memory_space<vmem_shared>>)
      %add3A_284 = arith.constant 1 : i32
      %add3A_285 = arith.addi %scan3A_93, %add3A_284 : i32
      %mul3A_286 = arith.constant 5 : i32
      %mul3A_287 = arith.muli %add3A_285, %mul3A_286 : i32
      %add3A_288 = arith.constant 1 : i32
      %add3A_289 = arith.addi %mul3A_287, %add3A_288 : i32
      %lt3A_290 = arith.constant 160 : i32
      %lt3A_291 = arith.cmpi slt, %add3A_289, %lt3A_290 : i32
      %convert_element_type3A_292 = arith.extui %lt3A_291 : i1 to i32
      %cond3A_293 = arith.constant 0 : i32
      %cond3A_294 = arith.cmpi ne, %convert_element_type3A_292, %cond3A_293 : i32
      scf.if %cond3A_294 {
        %dma_start3A_364 = arith.constant 0 : i32
        %dma_start3A_365 = arith.constant 1 : i32
        %dma_start3A_366 = arith.constant 0 : i32
        %dma_start3A_367 = arith.constant 0 : i32
        %dma_start3A_368 = tpu.memref_slice %arg6[%dma_start3A_365, %dma_start3A_366, %dma_start3A_367] : memref<5x125x64xf32, #tpu.memory_space<vmem>> -> memref<1x125x64xf32, #tpu.memory_space<vmem>>
        %dma_start3A_369 = tpu.memref_squeeze %dma_start3A_368 : memref<1x125x64xf32, #tpu.memory_space<vmem>> -> memref<125x64xf32, #tpu.memory_space<vmem>>
        %dma_start3A_370 = arith.constant 0 : i32
        %dma_start3A_371 = tpu.memref_slice %arg5[%dma_start3A_364, %add3A_289, %dma_start3A_370] : memref<2x160x125xi32, #tpu.memory_space<vmem>> -> memref<1x1x125xi32, #tpu.memory_space<vmem>>
        %dma_start3A_372 = tpu.memref_squeeze %dma_start3A_371 : memref<1x1x125xi32, #tpu.memory_space<vmem>> -> memref<125xi32, #tpu.memory_space<vmem>>
        %dma_start3A_373 = arith.constant 0 : i32
        %dma_start3A_374 = arith.constant 0 : i32
        %dma_start3A_375 = tpu.memref_slice %arg2[%arg0, %dma_start3A_373, %dma_start3A_374] : memref<2x10000x64xf32, #tpu.memory_space<hbm>> -> memref<1x10000x64xf32, #tpu.memory_space<hbm>>
        %dma_start3A_376 = tpu.memref_squeeze %dma_start3A_375 : memref<1x10000x64xf32, #tpu.memory_space<hbm>> -> memref<10000x64xf32, #tpu.memory_space<hbm>>
        %dma_start3A_377 = arith.constant 0 : i32
        %dma_start3A_378 = arith.constant 0 : i32
        %dma_start3A_379 = tpu.memref_slice %dma_start3A_376[%dma_start3A_377, %dma_start3A_378] : memref<10000x64xf32, #tpu.memory_space<hbm>> -> memref<10000x64xf32, #tpu.memory_space<hbm>>
        tpu.enqueue_indirect_dma source(%dma_start3A_379 : memref<10000x64xf32, #tpu.memory_space<hbm>>) target(%dma_start3A_369 : memref<125x64xf32, #tpu.memory_space<vmem>>) offsets(%dma_start3A_372 : memref<125xi32, #tpu.memory_space<vmem>>) semaphore(%arg9 : memref<!tpu.dma_semaphore, #tpu.memory_space<semaphore_mem>>)
      } else {
      }
      %dma_wait3A_295 = arith.constant 2 : i32
      %dma_wait3A_296 = arith.constant 1 : i32
      %dma_wait3A_297 = arith.constant 0 : i32
      %dma_wait3A_298 = arith.constant 0 : i32
      %dma_wait3A_299 = tpu.memref_slice %arg6[%dma_wait3A_295, %dma_wait3A_297, %dma_wait3A_298] : memref<5x125x64xf32, #tpu.memory_space<vmem>> -> memref<1x125x64xf32, #tpu.memory_space<vmem>>
      %dma_wait3A_300 = tpu.memref_squeeze %dma_wait3A_299 : memref<1x125x64xf32, #tpu.memory_space<vmem>> -> memref<125x64xf32, #tpu.memory_space<vmem>>
      %dma_wait3A_301 = arith.constant 0 : i32
      %dma_wait3A_302 = tpu.memref_slice %arg5[%dma_wait3A_296, %add3A_159, %dma_wait3A_301] : memref<2x160x125xi32, #tpu.memory_space<vmem>> -> memref<1x1x125xi32, #tpu.memory_space<vmem>>
      %dma_wait3A_303 = tpu.memref_squeeze %dma_wait3A_302 : memref<1x1x125xi32, #tpu.memory_space<vmem>> -> memref<125xi32, #tpu.memory_space<vmem>>
      %dma_wait3A_304 = arith.constant 0 : i32
      %dma_wait3A_305 = arith.constant 0 : i32
      %dma_wait3A_306 = tpu.memref_slice %arg7[%dma_wait3A_304, %dma_wait3A_305] : memref<10000x64xf32, #tpu.memory_space<vmem_shared>> -> memref<10000x64xf32, #tpu.memory_space<vmem_shared>>
      tpu.wait_indirect_dma semaphore(%arg15 : memref<!tpu.dma_semaphore, #tpu.memory_space<semaphore_mem>>) src(%dma_wait3A_300 : memref<125x64xf32, #tpu.memory_space<vmem>>) dst(%dma_wait3A_306 : memref<10000x64xf32, #tpu.memory_space<vmem_shared>>)
      %add3A_307 = arith.constant 1 : i32
      %add3A_308 = arith.addi %scan3A_93, %add3A_307 : i32
      %mul3A_309 = arith.constant 5 : i32
      %mul3A_310 = arith.muli %add3A_308, %mul3A_309 : i32
      %add3A_311 = arith.constant 2 : i32
      %add3A_312 = arith.addi %mul3A_310, %add3A_311 : i32
      %lt3A_313 = arith.constant 160 : i32
      %lt3A_314 = arith.cmpi slt, %add3A_312, %lt3A_313 : i32
      %convert_element_type3A_315 = arith.extui %lt3A_314 : i1 to i32
      %cond3A_316 = arith.constant 0 : i32
      %cond3A_317 = arith.cmpi ne, %convert_element_type3A_315, %cond3A_316 : i32
      scf.if %cond3A_317 {
        %dma_start3A_364 = arith.constant 0 : i32
        %dma_start3A_365 = arith.constant 2 : i32
        %dma_start3A_366 = arith.constant 0 : i32
        %dma_start3A_367 = arith.constant 0 : i32
        %dma_start3A_368 = tpu.memref_slice %arg6[%dma_start3A_365, %dma_start3A_366, %dma_start3A_367] : memref<5x125x64xf32, #tpu.memory_space<vmem>> -> memref<1x125x64xf32, #tpu.memory_space<vmem>>
        %dma_start3A_369 = tpu.memref_squeeze %dma_start3A_368 : memref<1x125x64xf32, #tpu.memory_space<vmem>> -> memref<125x64xf32, #tpu.memory_space<vmem>>
        %dma_start3A_370 = arith.constant 0 : i32
        %dma_start3A_371 = tpu.memref_slice %arg5[%dma_start3A_364, %add3A_312, %dma_start3A_370] : memref<2x160x125xi32, #tpu.memory_space<vmem>> -> memref<1x1x125xi32, #tpu.memory_space<vmem>>
        %dma_start3A_372 = tpu.memref_squeeze %dma_start3A_371 : memref<1x1x125xi32, #tpu.memory_space<vmem>> -> memref<125xi32, #tpu.memory_space<vmem>>
        %dma_start3A_373 = arith.constant 0 : i32
        %dma_start3A_374 = arith.constant 0 : i32
        %dma_start3A_375 = tpu.memref_slice %arg2[%arg0, %dma_start3A_373, %dma_start3A_374] : memref<2x10000x64xf32, #tpu.memory_space<hbm>> -> memref<1x10000x64xf32, #tpu.memory_space<hbm>>
        %dma_start3A_376 = tpu.memref_squeeze %dma_start3A_375 : memref<1x10000x64xf32, #tpu.memory_space<hbm>> -> memref<10000x64xf32, #tpu.memory_space<hbm>>
        %dma_start3A_377 = arith.constant 0 : i32
        %dma_start3A_378 = arith.constant 0 : i32
        %dma_start3A_379 = tpu.memref_slice %dma_start3A_376[%dma_start3A_377, %dma_start3A_378] : memref<10000x64xf32, #tpu.memory_space<hbm>> -> memref<10000x64xf32, #tpu.memory_space<hbm>>
        tpu.enqueue_indirect_dma source(%dma_start3A_379 : memref<10000x64xf32, #tpu.memory_space<hbm>>) target(%dma_start3A_369 : memref<125x64xf32, #tpu.memory_space<vmem>>) offsets(%dma_start3A_372 : memref<125xi32, #tpu.memory_space<vmem>>) semaphore(%arg10 : memref<!tpu.dma_semaphore, #tpu.memory_space<semaphore_mem>>)
      } else {
      }
      %dma_wait3A_318 = arith.constant 3 : i32
      %dma_wait3A_319 = arith.constant 1 : i32
      %dma_wait3A_320 = arith.constant 0 : i32
      %dma_wait3A_321 = arith.constant 0 : i32
      %dma_wait3A_322 = tpu.memref_slice %arg6[%dma_wait3A_318, %dma_wait3A_320, %dma_wait3A_321] : memref<5x125x64xf32, #tpu.memory_space<vmem>> -> memref<1x125x64xf32, #tpu.memory_space<vmem>>
      %dma_wait3A_323 = tpu.memref_squeeze %dma_wait3A_322 : memref<1x125x64xf32, #tpu.memory_space<vmem>> -> memref<125x64xf32, #tpu.memory_space<vmem>>
      %dma_wait3A_324 = arith.constant 0 : i32
      %dma_wait3A_325 = tpu.memref_slice %arg5[%dma_wait3A_319, %add3A_191, %dma_wait3A_324] : memref<2x160x125xi32, #tpu.memory_space<vmem>> -> memref<1x1x125xi32, #tpu.memory_space<vmem>>
      %dma_wait3A_326 = tpu.memref_squeeze %dma_wait3A_325 : memref<1x1x125xi32, #tpu.memory_space<vmem>> -> memref<125xi32, #tpu.memory_space<vmem>>
      %dma_wait3A_327 = arith.constant 0 : i32
      %dma_wait3A_328 = arith.constant 0 : i32
      %dma_wait3A_329 = tpu.memref_slice %arg7[%dma_wait3A_327, %dma_wait3A_328] : memref<10000x64xf32, #tpu.memory_space<vmem_shared>> -> memref<10000x64xf32, #tpu.memory_space<vmem_shared>>
      tpu.wait_indirect_dma semaphore(%arg16 : memref<!tpu.dma_semaphore, #tpu.memory_space<semaphore_mem>>) src(%dma_wait3A_323 : memref<125x64xf32, #tpu.memory_space<vmem>>) dst(%dma_wait3A_329 : memref<10000x64xf32, #tpu.memory_space<vmem_shared>>)
      %add3A_330 = arith.constant 1 : i32
      %add3A_331 = arith.addi %scan3A_93, %add3A_330 : i32
      %mul3A_332 = arith.constant 5 : i32
      %mul3A_333 = arith.muli %add3A_331, %mul3A_332 : i32
      %add3A_334 = arith.constant 3 : i32
      %add3A_335 = arith.addi %mul3A_333, %add3A_334 : i32
      %lt3A_336 = arith.constant 160 : i32
      %lt3A_337 = arith.cmpi slt, %add3A_335, %lt3A_336 : i32
      %convert_element_type3A_338 = arith.extui %lt3A_337 : i1 to i32
      %cond3A_339 = arith.constant 0 : i32
      %cond3A_340 = arith.cmpi ne, %convert_element_type3A_338, %cond3A_339 : i32
      scf.if %cond3A_340 {
        %dma_start3A_364 = arith.constant 0 : i32
        %dma_start3A_365 = arith.constant 3 : i32
        %dma_start3A_366 = arith.constant 0 : i32
        %dma_start3A_367 = arith.constant 0 : i32
        %dma_start3A_368 = tpu.memref_slice %arg6[%dma_start3A_365, %dma_start3A_366, %dma_start3A_367] : memref<5x125x64xf32, #tpu.memory_space<vmem>> -> memref<1x125x64xf32, #tpu.memory_space<vmem>>
        %dma_start3A_369 = tpu.memref_squeeze %dma_start3A_368 : memref<1x125x64xf32, #tpu.memory_space<vmem>> -> memref<125x64xf32, #tpu.memory_space<vmem>>
        %dma_start3A_370 = arith.constant 0 : i32
        %dma_start3A_371 = tpu.memref_slice %arg5[%dma_start3A_364, %add3A_335, %dma_start3A_370] : memref<2x160x125xi32, #tpu.memory_space<vmem>> -> memref<1x1x125xi32, #tpu.memory_space<vmem>>
        %dma_start3A_372 = tpu.memref_squeeze %dma_start3A_371 : memref<1x1x125xi32, #tpu.memory_space<vmem>> -> memref<125xi32, #tpu.memory_space<vmem>>
        %dma_start3A_373 = arith.constant 0 : i32
        %dma_start3A_374 = arith.constant 0 : i32
        %dma_start3A_375 = tpu.memref_slice %arg2[%arg0, %dma_start3A_373, %dma_start3A_374] : memref<2x10000x64xf32, #tpu.memory_space<hbm>> -> memref<1x10000x64xf32, #tpu.memory_space<hbm>>
        %dma_start3A_376 = tpu.memref_squeeze %dma_start3A_375 : memref<1x10000x64xf32, #tpu.memory_space<hbm>> -> memref<10000x64xf32, #tpu.memory_space<hbm>>
        %dma_start3A_377 = arith.constant 0 : i32
        %dma_start3A_378 = arith.constant 0 : i32
        %dma_start3A_379 = tpu.memref_slice %dma_start3A_376[%dma_start3A_377, %dma_start3A_378] : memref<10000x64xf32, #tpu.memory_space<hbm>> -> memref<10000x64xf32, #tpu.memory_space<hbm>>
        tpu.enqueue_indirect_dma source(%dma_start3A_379 : memref<10000x64xf32, #tpu.memory_space<hbm>>) target(%dma_start3A_369 : memref<125x64xf32, #tpu.memory_space<vmem>>) offsets(%dma_start3A_372 : memref<125xi32, #tpu.memory_space<vmem>>) semaphore(%arg11 : memref<!tpu.dma_semaphore, #tpu.memory_space<semaphore_mem>>)
      } else {
      }
      %dma_wait3A_341 = arith.constant 4 : i32
      %dma_wait3A_342 = arith.constant 1 : i32
      %dma_wait3A_343 = arith.constant 0 : i32
      %dma_wait3A_344 = arith.constant 0 : i32
      %dma_wait3A_345 = tpu.memref_slice %arg6[%dma_wait3A_341, %dma_wait3A_343, %dma_wait3A_344] : memref<5x125x64xf32, #tpu.memory_space<vmem>> -> memref<1x125x64xf32, #tpu.memory_space<vmem>>
      %dma_wait3A_346 = tpu.memref_squeeze %dma_wait3A_345 : memref<1x125x64xf32, #tpu.memory_space<vmem>> -> memref<125x64xf32, #tpu.memory_space<vmem>>
      %dma_wait3A_347 = arith.constant 0 : i32
      %dma_wait3A_348 = tpu.memref_slice %arg5[%dma_wait3A_342, %add3A_223, %dma_wait3A_347] : memref<2x160x125xi32, #tpu.memory_space<vmem>> -> memref<1x1x125xi32, #tpu.memory_space<vmem>>
      %dma_wait3A_349 = tpu.memref_squeeze %dma_wait3A_348 : memref<1x1x125xi32, #tpu.memory_space<vmem>> -> memref<125xi32, #tpu.memory_space<vmem>>
      %dma_wait3A_350 = arith.constant 0 : i32
      %dma_wait3A_351 = arith.constant 0 : i32
      %dma_wait3A_352 = tpu.memref_slice %arg7[%dma_wait3A_350, %dma_wait3A_351] : memref<10000x64xf32, #tpu.memory_space<vmem_shared>> -> memref<10000x64xf32, #tpu.memory_space<vmem_shared>>
      tpu.wait_indirect_dma semaphore(%arg17 : memref<!tpu.dma_semaphore, #tpu.memory_space<semaphore_mem>>) src(%dma_wait3A_346 : memref<125x64xf32, #tpu.memory_space<vmem>>) dst(%dma_wait3A_352 : memref<10000x64xf32, #tpu.memory_space<vmem_shared>>)
      %add3A_353 = arith.constant 1 : i32
      %add3A_354 = arith.addi %scan3A_93, %add3A_353 : i32
      %mul3A_355 = arith.constant 5 : i32
      %mul3A_356 = arith.muli %add3A_354, %mul3A_355 : i32
      %add3A_357 = arith.constant 4 : i32
      %add3A_358 = arith.addi %mul3A_356, %add3A_357 : i32
      %lt3A_359 = arith.constant 160 : i32
      %lt3A_360 = arith.cmpi slt, %add3A_358, %lt3A_359 : i32
      %convert_element_type3A_361 = arith.extui %lt3A_360 : i1 to i32
      %cond3A_362 = arith.constant 0 : i32
      %cond3A_363 = arith.cmpi ne, %convert_element_type3A_361, %cond3A_362 : i32
      scf.if %cond3A_363 {
        %dma_start3A_364 = arith.constant 0 : i32
        %dma_start3A_365 = arith.constant 4 : i32
        %dma_start3A_366 = arith.constant 0 : i32
        %dma_start3A_367 = arith.constant 0 : i32
        %dma_start3A_368 = tpu.memref_slice %arg6[%dma_start3A_365, %dma_start3A_366, %dma_start3A_367] : memref<5x125x64xf32, #tpu.memory_space<vmem>> -> memref<1x125x64xf32, #tpu.memory_space<vmem>>
        %dma_start3A_369 = tpu.memref_squeeze %dma_start3A_368 : memref<1x125x64xf32, #tpu.memory_space<vmem>> -> memref<125x64xf32, #tpu.memory_space<vmem>>
        %dma_start3A_370 = arith.constant 0 : i32
        %dma_start3A_371 = tpu.memref_slice %arg5[%dma_start3A_364, %add3A_358, %dma_start3A_370] : memref<2x160x125xi32, #tpu.memory_space<vmem>> -> memref<1x1x125xi32, #tpu.memory_space<vmem>>
        %dma_start3A_372 = tpu.memref_squeeze %dma_start3A_371 : memref<1x1x125xi32, #tpu.memory_space<vmem>> -> memref<125xi32, #tpu.memory_space<vmem>>
        %dma_start3A_373 = arith.constant 0 : i32
        %dma_start3A_374 = arith.constant 0 : i32
        %dma_start3A_375 = tpu.memref_slice %arg2[%arg0, %dma_start3A_373, %dma_start3A_374] : memref<2x10000x64xf32, #tpu.memory_space<hbm>> -> memref<1x10000x64xf32, #tpu.memory_space<hbm>>
        %dma_start3A_376 = tpu.memref_squeeze %dma_start3A_375 : memref<1x10000x64xf32, #tpu.memory_space<hbm>> -> memref<10000x64xf32, #tpu.memory_space<hbm>>
        %dma_start3A_377 = arith.constant 0 : i32
        %dma_start3A_378 = arith.constant 0 : i32
        %dma_start3A_379 = tpu.memref_slice %dma_start3A_376[%dma_start3A_377, %dma_start3A_378] : memref<10000x64xf32, #tpu.memory_space<hbm>> -> memref<10000x64xf32, #tpu.memory_space<hbm>>
        tpu.enqueue_indirect_dma source(%dma_start3A_379 : memref<10000x64xf32, #tpu.memory_space<hbm>>) target(%dma_start3A_369 : memref<125x64xf32, #tpu.memory_space<vmem>>) offsets(%dma_start3A_372 : memref<125xi32, #tpu.memory_space<vmem>>) semaphore(%arg12 : memref<!tpu.dma_semaphore, #tpu.memory_space<semaphore_mem>>)
      } else {
      }
    }
    %scan3A_89 = arith.constant 32 : i32
    %barrier3A_90 = arith.constant 0 : index
    tpu.barrier barrier_id(%barrier3A_90)
    %mul3A_91 = arith.constant 64 : i32
    %mul3A_92 = arith.muli %arg0, %mul3A_91 : i32
    "tpu.region"() ({
      %run_scoped3A = tpu.sem_alloc : memref<!tpu.dma_semaphore, #tpu.memory_space<semaphore_mem>>
      %dma_start3A_93 = tpu.memref_slice %arg4[%mul3A_0, %mul3A_92] : memref<10000x128xf32, #tpu.memory_space<hbm>> -> memref<625x64xf32, #tpu.memory_space<hbm>>
      %dma_start3A_94 = arith.constant 0 : i32
      %dma_start3A_95 = tpu.memref_slice %arg7[%mul3A_0, %dma_start3A_94] : memref<10000x64xf32, #tpu.memory_space<vmem_shared>> -> memref<625x64xf32, #tpu.memory_space<vmem_shared>>
      tpu.enqueue_dma source(%dma_start3A_95 : memref<625x64xf32, #tpu.memory_space<vmem_shared>>) target(%dma_start3A_93 : memref<625x64xf32, #tpu.memory_space<hbm>>) target_semaphore(%run_scoped3A : memref<!tpu.dma_semaphore, #tpu.memory_space<semaphore_mem>>)
      %dma_wait3A = tpu.memref_slice %arg4[%mul3A_0, %mul3A_92] : memref<10000x128xf32, #tpu.memory_space<hbm>> -> memref<625x64xf32, #tpu.memory_space<hbm>>
      %dma_wait3A_96 = arith.constant 0 : i32
      %dma_wait3A_97 = tpu.memref_slice %arg7[%mul3A_0, %dma_wait3A_96] : memref<10000x64xf32, #tpu.memory_space<vmem_shared>> -> memref<625x64xf32, #tpu.memory_space<vmem_shared>>
      tpu.wait_dma2 semaphore(%run_scoped3A : memref<!tpu.dma_semaphore, #tpu.memory_space<semaphore_mem>>) src(%dma_wait3A_97 : memref<625x64xf32, #tpu.memory_space<vmem_shared>>) dst(%dma_wait3A : memref<625x64xf32, #tpu.memory_space<hbm>>)
      tpu.yield
    }) : () -> ()
    return
  }
}

module attributes {stable_mosaic.version = 14 : i64} {
  func.func @body(%arg0: i32, %arg1: memref<2000x128xf32, #tpu.memory_space<vmem>>, %arg2: memref<128x128xf32, #tpu.memory_space<vmem>>, %arg3: memref<128xf32, #tpu.memory_space<vmem>>, %arg4: memref<128x128xf32, #tpu.memory_space<vmem>>, %arg5: memref<2000x128xf32, #tpu.memory_space<vmem>>, %arg6: memref<2x2000x64xf32, #tpu.memory_space<vmem>>) attributes {dimension_semantics = [#tpu.dimension_semantics<arbitrary>], iteration_bounds = array<i64: 5>, scalar_prefetch = 0 : i64, scratch_operands = 0 : i64, tpu.core_type = #tpu.core_type<tc>, window_params = [{transform_indices = @transform_0, window_bounds = array<i64: 2000, 128>}, {pipeline_mode = #tpu.pipeline_mode<synchronous>, transform_indices = @transform_1, window_bounds = array<i64: 128, 128>}, {pipeline_mode = #tpu.pipeline_mode<synchronous>, transform_indices = @transform_2, window_bounds = array<i64: 128>}, {pipeline_mode = #tpu.pipeline_mode<synchronous>, transform_indices = @transform_3, window_bounds = array<i64: 128, 128>}, {transform_indices = @transform_4, window_bounds = array<i64: 2000, 128>}, {transform_indices = @transform_5, window_bounds = array<i64: 2, 2000, 64>}]} {
    %get3A = arith.constant 0 : index
    %get3A_0 = arith.constant 0 : index
    %get3A_1 = vector.load %arg1[%get3A, %get3A_0] : memref<2000x128xf32, #tpu.memory_space<vmem>>, vector<2000x128xf32>
    %get3A_2 = arith.constant 0 : index
    %get3A_3 = arith.constant 0 : index
    %get3A_4 = vector.load %arg2[%get3A_2, %get3A_3] : memref<128x128xf32, #tpu.memory_space<vmem>>, vector<128x128xf32>
    %dot_general3A = arith.constant dense<0.000000e+00> : vector<2000x128xf32>
    %dot_general3A_5 = tpu.matmul %get3A_1, %get3A_4, %dot_general3A {dimension_numbers = #tpu.dot_dimension_numbers<[1], [0], [0], [1], [0, 0, 1, 1], [], []>, transpose_lhs_hint = false} : vector<2000x128xf32>, vector<128x128xf32>, vector<2000x128xf32> -> vector<2000x128xf32>
    %get3A_6 = arith.constant 0 : index
    %get3A_7 = vector.load %arg3[%get3A_6] : memref<128xf32, #tpu.memory_space<vmem>>, vector<128xf32>
    %broadcast_in_dim3A = vector.shape_cast %get3A_7 : vector<128xf32> to vector<1x128xf32>
    %add3A = vector.broadcast %broadcast_in_dim3A : vector<1x128xf32> to vector<2000x128xf32>
    %add3A_8 = arith.addf %dot_general3A_5, %add3A : vector<2000x128xf32>
    %max3A = arith.constant 0.000000e+00 : f32
    %max3A_9 = vector.broadcast %max3A : f32 to vector<2000x128xf32>
    %max3A_10 = arith.maximumf %add3A_8, %max3A_9 : vector<2000x128xf32>
    %swap3A = arith.constant 0 : index
    %swap3A_11 = arith.constant 0 : index
    %swap3A_12 = vector.load %arg5[%swap3A, %swap3A_11] : memref<2000x128xf32, #tpu.memory_space<vmem>>, vector<2000x128xf32>
    tpu.vector_store %arg5[%swap3A, %swap3A_11], %max3A_10 {strides = array<i32>} : memref<2000x128xf32, #tpu.memory_space<vmem>>, vector<2000x128xf32>,
    %get3A_13 = arith.constant 0 : index
    %get3A_14 = arith.constant 0 : index
    %get3A_15 = vector.load %arg4[%get3A_13, %get3A_14] : memref<128x128xf32, #tpu.memory_space<vmem>>, vector<128x128xf32>
    %dot_general3A_16 = arith.constant dense<0.000000e+00> : vector<2000x128xf32>
    %dot_general3A_17 = tpu.matmul %max3A_10, %get3A_15, %dot_general3A_16 {dimension_numbers = #tpu.dot_dimension_numbers<[1], [0], [0], [1], [0, 0, 1, 1], [], []>, transpose_lhs_hint = false} : vector<2000x128xf32>, vector<128x128xf32>, vector<2000x128xf32> -> vector<2000x128xf32>
    %slice3A = vector.extract_strided_slice %dot_general3A_17 {offsets = [0, 0], sizes = [2000, 64], strides = [1, 1]} : vector<2000x128xf32> to vector<2000x64xf32>
    %swap3A_18 = arith.constant 0 : index
    %swap3A_19 = arith.constant 0 : index
    %swap3A_20 = arith.constant 0 : index
    %swap3A_21 = vector.load %arg6[%swap3A_18, %swap3A_19, %swap3A_20] : memref<2x2000x64xf32, #tpu.memory_space<vmem>>, vector<1x2000x64xf32>
    %swap3A_22 = vector.shape_cast %swap3A_21 : vector<1x2000x64xf32> to vector<2000x64xf32>
    %swap3A_23 = vector.shape_cast %slice3A : vector<2000x64xf32> to vector<1x2000x64xf32>
    tpu.vector_store %arg6[%swap3A_18, %swap3A_19, %swap3A_20], %swap3A_23 {strides = array<i32>} : memref<2x2000x64xf32, #tpu.memory_space<vmem>>, vector<1x2000x64xf32>,
    %slice3A_24 = vector.extract_strided_slice %dot_general3A_17 {offsets = [0, 64], sizes = [2000, 64], strides = [1, 1]} : vector<2000x128xf32> to vector<2000x64xf32>
    %swap3A_25 = arith.constant 1 : index
    %swap3A_26 = arith.constant 0 : index
    %swap3A_27 = arith.constant 0 : index
    %swap3A_28 = vector.load %arg6[%swap3A_25, %swap3A_26, %swap3A_27] : memref<2x2000x64xf32, #tpu.memory_space<vmem>>, vector<1x2000x64xf32>
    %swap3A_29 = vector.shape_cast %swap3A_28 : vector<1x2000x64xf32> to vector<2000x64xf32>
    %swap3A_30 = vector.shape_cast %slice3A_24 : vector<2000x64xf32> to vector<1x2000x64xf32>
    tpu.vector_store %arg6[%swap3A_25, %swap3A_26, %swap3A_27], %swap3A_30 {strides = array<i32>} : memref<2x2000x64xf32, #tpu.memory_space<vmem>>, vector<1x2000x64xf32>,
    return
  }
  func.func @transform_0(%arg0: i32) -> (i32, i32) {
    %c0_i32 = arith.constant 0 : i32
    %c0_i32_0 = arith.constant 0 : i32
    return %arg0, %c0_i32 : i32, i32
  }
  func.func @transform_1(%arg0: i32) -> (i32, i32) {
    %c0_i32 = arith.constant 0 : i32
    %c0_i32_0 = arith.constant 0 : i32
    %c0_i32_1 = arith.constant 0 : i32
    return %c0_i32, %c0_i32_0 : i32, i32
  }
  func.func @transform_2(%arg0: i32) -> i32 {
    %c0_i32 = arith.constant 0 : i32
    %c0_i32_0 = arith.constant 0 : i32
    return %c0_i32 : i32
  }
  func.func @transform_3(%arg0: i32) -> (i32, i32) {
    %c0_i32 = arith.constant 0 : i32
    %c0_i32_0 = arith.constant 0 : i32
    %c0_i32_1 = arith.constant 0 : i32
    return %c0_i32, %c0_i32_0 : i32, i32
  }
  func.func @transform_4(%arg0: i32) -> (i32, i32) {
    %c0_i32 = arith.constant 0 : i32
    %c0_i32_0 = arith.constant 0 : i32
    return %arg0, %c0_i32 : i32, i32
  }
  func.func @transform_5(%arg0: i32) -> (i32, i32, i32) {
    %c0_i32 = arith.constant 0 : i32
    %c0_i32_0 = arith.constant 0 : i32
    %c0_i32_1 = arith.constant 0 : i32
    return %c0_i32, %arg0, %c0_i32_0 : i32, i32, i32
  }
}

module attributes {stable_mosaic.version = 14 : i64} {
  func.func @body(%arg0: i32, %arg1: memref<2000x128xf32, #tpu.memory_space<vmem>>, %arg2: memref<2x2000x16xf32, #tpu.memory_space<vmem>>, %arg3: memref<2000x128xf32, #tpu.memory_space<vmem>>, %arg4: memref<2000x128xf32, #tpu.memory_space<vmem>>, %arg5: memref<128xf32, #tpu.memory_space<vmem>>, %arg6: memref<128x128xf32, #tpu.memory_space<vmem>>, %arg7: memref<128x128xf32, #tpu.memory_space<vmem>>, %arg8: memref<128x128xf32, #tpu.memory_space<vmem>>, %arg9: memref<128xf32, #tpu.memory_space<vmem>>, %arg10: memref<128x128xf32, #tpu.memory_space<vmem>>, %arg11: memref<128x128xf32, #tpu.memory_space<vmem>>, %arg12: memref<2000x128xf32, #tpu.memory_space<vmem>>, %arg13: memref<2x2000x64xf32, #tpu.memory_space<vmem>>) attributes {dimension_semantics = [#tpu.dimension_semantics<arbitrary>], iteration_bounds = array<i64: 5>, scalar_prefetch = 0 : i64, scratch_operands = 0 : i64, tpu.core_type = #tpu.core_type<tc>, window_params = [{transform_indices = @transform_0, window_bounds = array<i64: 2000, 128>}, {transform_indices = @transform_1, window_bounds = array<i64: 2, 2000, 16>}, {transform_indices = @transform_2, window_bounds = array<i64: 2000, 128>}, {transform_indices = @transform_3, window_bounds = array<i64: 2000, 128>}, {pipeline_mode = #tpu.pipeline_mode<synchronous>, transform_indices = @transform_4, window_bounds = array<i64: 128>}, {transform_indices = @transform_5, window_bounds = array<i64: 128, 128>}, {transform_indices = @transform_6, window_bounds = array<i64: 128, 128>}, {transform_indices = @transform_7, window_bounds = array<i64: 128, 128>}, {pipeline_mode = #tpu.pipeline_mode<synchronous>, transform_indices = @transform_8, window_bounds = array<i64: 128>}, {transform_indices = @transform_9, window_bounds = array<i64: 128, 128>}, {transform_indices = @transform_10, window_bounds = array<i64: 128, 128>}, {transform_indices = @transform_11, window_bounds = array<i64: 2000, 128>}, {transform_indices = @transform_12, window_bounds = array<i64: 2, 2000, 64>}]} {
    %get3A = arith.constant 0 : index
    %get3A_0 = arith.constant 0 : index
    %get3A_1 = arith.constant 0 : index
    %get3A_2 = vector.load %arg2[%get3A, %get3A_0, %get3A_1] : memref<2x2000x16xf32, #tpu.memory_space<vmem>>, vector<1x2000x1xf32>
    %get3A_3 = vector.shape_cast %get3A_2 : vector<1x2000x1xf32> to vector<2000x1xf32>
    %get3A_4 = arith.constant 1 : index
    %get3A_5 = arith.constant 0 : index
    %get3A_6 = arith.constant 0 : index
    %get3A_7 = vector.load %arg2[%get3A_4, %get3A_5, %get3A_6] : memref<2x2000x16xf32, #tpu.memory_space<vmem>>, vector<1x2000x1xf32>
    %get3A_8 = vector.shape_cast %get3A_7 : vector<1x2000x1xf32> to vector<2000x1xf32>
    %add3A = arith.addf %get3A_3, %get3A_8 : vector<2000x1xf32>
    %div3A = arith.constant 1.000000e+00 : f32
    %div3A_9 = vector.broadcast %div3A : f32 to vector<2000x1xf32>
    %div3A_10 = arith.divf %div3A_9, %add3A : vector<2000x1xf32>
    %get3A_11 = arith.constant 0 : index
    %get3A_12 = arith.constant 0 : index
    %get3A_13 = vector.load %arg1[%get3A_11, %get3A_12] : memref<2000x128xf32, #tpu.memory_space<vmem>>, vector<2000x128xf32>
    %mul3A = vector.broadcast %div3A_10 : vector<2000x1xf32> to vector<2000x128xf32>
    %mul3A_14 = arith.mulf %get3A_13, %mul3A : vector<2000x128xf32>
    %get3A_15 = arith.constant 0 : index
    %get3A_16 = vector.load %arg5[%get3A_15] : memref<128xf32, #tpu.memory_space<vmem>>, vector<128xf32>
    %broadcast_in_dim3A = vector.shape_cast %get3A_16 : vector<128xf32> to vector<1x128xf32>
    %add3A_17 = vector.broadcast %broadcast_in_dim3A : vector<1x128xf32> to vector<2000x128xf32>
    %add3A_18 = arith.addf %mul3A_14, %add3A_17 : vector<2000x128xf32>
    %get3A_19 = arith.constant 0 : index
    %get3A_20 = arith.constant 0 : index
    %get3A_21 = vector.load %arg3[%get3A_19, %get3A_20] : memref<2000x128xf32, #tpu.memory_space<vmem>>, vector<2000x128xf32>
    %get3A_22 = arith.constant 0 : index
    %get3A_23 = arith.constant 0 : index
    %get3A_24 = vector.load %arg6[%get3A_22, %get3A_23] : memref<128x128xf32, #tpu.memory_space<vmem>>, vector<128x128xf32>
    %dot_general3A = arith.constant dense<0.000000e+00> : vector<2000x128xf32>
    %dot_general3A_25 = tpu.matmul %get3A_21, %get3A_24, %dot_general3A {dimension_numbers = #tpu.dot_dimension_numbers<[1], [0], [0], [1], [0, 0, 1, 1], [], []>, transpose_lhs_hint = false} : vector<2000x128xf32>, vector<128x128xf32>, vector<2000x128xf32> -> vector<2000x128xf32>
    %get3A_26 = arith.constant 0 : index
    %get3A_27 = arith.constant 0 : index
    %get3A_28 = vector.load %arg8[%get3A_26, %get3A_27] : memref<128x128xf32, #tpu.memory_space<vmem>>, vector<128x128xf32>
    %dot_general3A_29 = arith.constant dense<0.000000e+00> : vector<2000x128xf32>
    %dot_general3A_30 = tpu.matmul %add3A_18, %get3A_28, %dot_general3A_29 {dimension_numbers = #tpu.dot_dimension_numbers<[1], [0], [0], [1], [0, 0, 1, 1], [], []>, transpose_lhs_hint = false} : vector<2000x128xf32>, vector<128x128xf32>, vector<2000x128xf32> -> vector<2000x128xf32>
    %add3A_31 = arith.addf %dot_general3A_25, %dot_general3A_30 : vector<2000x128xf32>
    %get3A_32 = arith.constant 0 : index
    %get3A_33 = vector.load %arg9[%get3A_32] : memref<128xf32, #tpu.memory_space<vmem>>, vector<128xf32>
    %broadcast_in_dim3A_34 = vector.shape_cast %get3A_33 : vector<128xf32> to vector<1x128xf32>
    %add3A_35 = vector.broadcast %broadcast_in_dim3A_34 : vector<1x128xf32> to vector<2000x128xf32>
    %add3A_36 = arith.addf %add3A_31, %add3A_35 : vector<2000x128xf32>
    %tanh3A = math.tanh %add3A_36 : vector<2000x128xf32>
    %swap3A = arith.constant 0 : index
    %swap3A_37 = arith.constant 0 : index
    %swap3A_38 = vector.load %arg12[%swap3A, %swap3A_37] : memref<2000x128xf32, #tpu.memory_space<vmem>>, vector<2000x128xf32>
    tpu.vector_store %arg12[%swap3A, %swap3A_37], %tanh3A {strides = array<i32>} : memref<2000x128xf32, #tpu.memory_space<vmem>>, vector<2000x128xf32>,
    %get3A_39 = arith.constant 0 : index
    %get3A_40 = arith.constant 0 : index
    %get3A_41 = vector.load %arg10[%get3A_39, %get3A_40] : memref<128x128xf32, #tpu.memory_space<vmem>>, vector<128x128xf32>
    %dot_general3A_42 = arith.constant dense<0.000000e+00> : vector<2000x128xf32>
    %dot_general3A_43 = tpu.matmul %tanh3A, %get3A_41, %dot_general3A_42 {dimension_numbers = #tpu.dot_dimension_numbers<[1], [0], [0], [1], [0, 0, 1, 1], [], []>, transpose_lhs_hint = false} : vector<2000x128xf32>, vector<128x128xf32>, vector<2000x128xf32> -> vector<2000x128xf32>
    %get3A_44 = arith.constant 0 : index
    %get3A_45 = arith.constant 0 : index
    %get3A_46 = vector.load %arg4[%get3A_44, %get3A_45] : memref<2000x128xf32, #tpu.memory_space<vmem>>, vector<2000x128xf32>
    %get3A_47 = arith.constant 0 : index
    %get3A_48 = arith.constant 0 : index
    %get3A_49 = vector.load %arg11[%get3A_47, %get3A_48] : memref<128x128xf32, #tpu.memory_space<vmem>>, vector<128x128xf32>
    %dot_general3A_50 = arith.constant dense<0.000000e+00> : vector<2000x128xf32>
    %dot_general3A_51 = tpu.matmul %get3A_46, %get3A_49, %dot_general3A_50 {dimension_numbers = #tpu.dot_dimension_numbers<[1], [0], [0], [1], [0, 0, 1, 1], [], []>, transpose_lhs_hint = false} : vector<2000x128xf32>, vector<128x128xf32>, vector<2000x128xf32> -> vector<2000x128xf32>
    %add3A_52 = arith.addf %dot_general3A_43, %dot_general3A_51 : vector<2000x128xf32>
    %slice3A = vector.extract_strided_slice %add3A_52 {offsets = [0, 0], sizes = [2000, 64], strides = [1, 1]} : vector<2000x128xf32> to vector<2000x64xf32>
    %swap3A_53 = arith.constant 0 : index
    %swap3A_54 = arith.constant 0 : index
    %swap3A_55 = arith.constant 0 : index
    %swap3A_56 = vector.load %arg13[%swap3A_53, %swap3A_54, %swap3A_55] : memref<2x2000x64xf32, #tpu.memory_space<vmem>>, vector<1x2000x64xf32>
    %swap3A_57 = vector.shape_cast %swap3A_56 : vector<1x2000x64xf32> to vector<2000x64xf32>
    %swap3A_58 = vector.shape_cast %slice3A : vector<2000x64xf32> to vector<1x2000x64xf32>
    tpu.vector_store %arg13[%swap3A_53, %swap3A_54, %swap3A_55], %swap3A_58 {strides = array<i32>} : memref<2x2000x64xf32, #tpu.memory_space<vmem>>, vector<1x2000x64xf32>,
    %slice3A_59 = vector.extract_strided_slice %add3A_52 {offsets = [0, 64], sizes = [2000, 64], strides = [1, 1]} : vector<2000x128xf32> to vector<2000x64xf32>
    %swap3A_60 = arith.constant 1 : index
    %swap3A_61 = arith.constant 0 : index
    %swap3A_62 = arith.constant 0 : index
    %swap3A_63 = vector.load %arg13[%swap3A_60, %swap3A_61, %swap3A_62] : memref<2x2000x64xf32, #tpu.memory_space<vmem>>, vector<1x2000x64xf32>
    %swap3A_64 = vector.shape_cast %swap3A_63 : vector<1x2000x64xf32> to vector<2000x64xf32>
    %swap3A_65 = vector.shape_cast %slice3A_59 : vector<2000x64xf32> to vector<1x2000x64xf32>
    tpu.vector_store %arg13[%swap3A_60, %swap3A_61, %swap3A_62], %swap3A_65 {strides = array<i32>} : memref<2x2000x64xf32, #tpu.memory_space<vmem>>, vector<1x2000x64xf32>,
    return
  }
  func.func @transform_0(%arg0: i32) -> (i32, i32) {
    %c0_i32 = arith.constant 0 : i32
    %c0_i32_0 = arith.constant 0 : i32
    return %arg0, %c0_i32 : i32, i32
  }
  func.func @transform_1(%arg0: i32) -> (i32, i32, i32) {
    %c0_i32 = arith.constant 0 : i32
    %c0_i32_0 = arith.constant 0 : i32
    %c0_i32_1 = arith.constant 0 : i32
    return %c0_i32, %arg0, %c0_i32_0 : i32, i32, i32
  }
  func.func @transform_2(%arg0: i32) -> (i32, i32) {
    %c0_i32 = arith.constant 0 : i32
    %c0_i32_0 = arith.constant 0 : i32
    return %arg0, %c0_i32 : i32, i32
  }
  func.func @transform_3(%arg0: i32) -> (i32, i32) {
    %c0_i32 = arith.constant 0 : i32
    %c0_i32_0 = arith.constant 0 : i32
    return %arg0, %c0_i32 : i32, i32
  }
  func.func @transform_4(%arg0: i32) -> i32 {
    %c0_i32 = arith.constant 0 : i32
    %c0_i32_0 = arith.constant 0 : i32
    return %c0_i32 : i32
  }
  func.func @transform_5(%arg0: i32) -> (i32, i32) {
    %c0_i32 = arith.constant 0 : i32
    %c0_i32_0 = arith.constant 0 : i32
    %c0_i32_1 = arith.constant 0 : i32
    return %c0_i32, %c0_i32_0 : i32, i32
  }
  func.func @transform_6(%arg0: i32) -> (i32, i32) {
    %c0_i32 = arith.constant 0 : i32
    %c0_i32_0 = arith.constant 0 : i32
    %c0_i32_1 = arith.constant 0 : i32
    return %c0_i32, %c0_i32_0 : i32, i32
  }
  func.func @transform_7(%arg0: i32) -> (i32, i32) {
    %c1_i32 = arith.constant 1 : i32
    %c0_i32 = arith.constant 0 : i32
    %c0_i32_0 = arith.constant 0 : i32
    return %c1_i32, %c0_i32 : i32, i32
  }
  func.func @transform_8(%arg0: i32) -> i32 {
    %c0_i32 = arith.constant 0 : i32
    %c0_i32_0 = arith.constant 0 : i32
    return %c0_i32 : i32
  }
  func.func @transform_9(%arg0: i32) -> (i32, i32) {
    %c0_i32 = arith.constant 0 : i32
    %c0_i32_0 = arith.constant 0 : i32
    %c0_i32_1 = arith.constant 0 : i32
    return %c0_i32, %c0_i32_0 : i32, i32
  }
  func.func @transform_10(%arg0: i32) -> (i32, i32) {
    %c1_i32 = arith.constant 1 : i32
    %c0_i32 = arith.constant 0 : i32
    %c0_i32_0 = arith.constant 0 : i32
    return %c1_i32, %c0_i32 : i32, i32
  }
  func.func @transform_11(%arg0: i32) -> (i32, i32) {
    %c0_i32 = arith.constant 0 : i32
    %c0_i32_0 = arith.constant 0 : i32
    return %arg0, %c0_i32 : i32, i32
  }
  func.func @transform_12(%arg0: i32) -> (i32, i32, i32) {
    %c0_i32 = arith.constant 0 : i32
    %c0_i32_0 = arith.constant 0 : i32
    %c0_i32_1 = arith.constant 0 : i32
    return %c0_i32, %arg0, %c0_i32_0 : i32, i32, i32
  }
}

module attributes {stable_mosaic.version = 14 : i64} {
  func.func @body(%arg0: i32, %arg1: memref<2000x128xf32, #tpu.memory_space<vmem>>, %arg2: memref<2x2000x16xf32, #tpu.memory_space<vmem>>, %arg3: memref<2000x128xf32, #tpu.memory_space<vmem>>, %arg4: memref<2000x128xf32, #tpu.memory_space<vmem>>, %arg5: memref<128xf32, #tpu.memory_space<vmem>>, %arg6: memref<128x128xf32, #tpu.memory_space<vmem>>, %arg7: memref<128x128xf32, #tpu.memory_space<vmem>>, %arg8: memref<128x128xf32, #tpu.memory_space<vmem>>, %arg9: memref<128xf32, #tpu.memory_space<vmem>>, %arg10: memref<128x128xf32, #tpu.memory_space<vmem>>, %arg11: memref<128x128xf32, #tpu.memory_space<vmem>>, %arg12: memref<2000x128xf32, #tpu.memory_space<vmem>>, %arg13: memref<2x2000x64xf32, #tpu.memory_space<vmem>>) attributes {dimension_semantics = [#tpu.dimension_semantics<arbitrary>], iteration_bounds = array<i64: 5>, scalar_prefetch = 0 : i64, scratch_operands = 0 : i64, tpu.core_type = #tpu.core_type<tc>, window_params = [{transform_indices = @transform_0, window_bounds = array<i64: 2000, 128>}, {transform_indices = @transform_1, window_bounds = array<i64: 2, 2000, 16>}, {transform_indices = @transform_2, window_bounds = array<i64: 2000, 128>}, {transform_indices = @transform_3, window_bounds = array<i64: 2000, 128>}, {pipeline_mode = #tpu.pipeline_mode<synchronous>, transform_indices = @transform_4, window_bounds = array<i64: 128>}, {transform_indices = @transform_5, window_bounds = array<i64: 128, 128>}, {transform_indices = @transform_6, window_bounds = array<i64: 128, 128>}, {transform_indices = @transform_7, window_bounds = array<i64: 128, 128>}, {pipeline_mode = #tpu.pipeline_mode<synchronous>, transform_indices = @transform_8, window_bounds = array<i64: 128>}, {transform_indices = @transform_9, window_bounds = array<i64: 128, 128>}, {transform_indices = @transform_10, window_bounds = array<i64: 128, 128>}, {transform_indices = @transform_11, window_bounds = array<i64: 2000, 128>}, {transform_indices = @transform_12, window_bounds = array<i64: 2, 2000, 64>}]} {
    %get3A = arith.constant 0 : index
    %get3A_0 = arith.constant 0 : index
    %get3A_1 = arith.constant 0 : index
    %get3A_2 = vector.load %arg2[%get3A, %get3A_0, %get3A_1] : memref<2x2000x16xf32, #tpu.memory_space<vmem>>, vector<1x2000x1xf32>
    %get3A_3 = vector.shape_cast %get3A_2 : vector<1x2000x1xf32> to vector<2000x1xf32>
    %get3A_4 = arith.constant 1 : index
    %get3A_5 = arith.constant 0 : index
    %get3A_6 = arith.constant 0 : index
    %get3A_7 = vector.load %arg2[%get3A_4, %get3A_5, %get3A_6] : memref<2x2000x16xf32, #tpu.memory_space<vmem>>, vector<1x2000x1xf32>
    %get3A_8 = vector.shape_cast %get3A_7 : vector<1x2000x1xf32> to vector<2000x1xf32>
    %add3A = arith.addf %get3A_3, %get3A_8 : vector<2000x1xf32>
    %div3A = arith.constant 1.000000e+00 : f32
    %div3A_9 = vector.broadcast %div3A : f32 to vector<2000x1xf32>
    %div3A_10 = arith.divf %div3A_9, %add3A : vector<2000x1xf32>
    %get3A_11 = arith.constant 0 : index
    %get3A_12 = arith.constant 0 : index
    %get3A_13 = vector.load %arg1[%get3A_11, %get3A_12] : memref<2000x128xf32, #tpu.memory_space<vmem>>, vector<2000x128xf32>
    %mul3A = vector.broadcast %div3A_10 : vector<2000x1xf32> to vector<2000x128xf32>
    %mul3A_14 = arith.mulf %get3A_13, %mul3A : vector<2000x128xf32>
    %get3A_15 = arith.constant 0 : index
    %get3A_16 = vector.load %arg5[%get3A_15] : memref<128xf32, #tpu.memory_space<vmem>>, vector<128xf32>
    %broadcast_in_dim3A = vector.shape_cast %get3A_16 : vector<128xf32> to vector<1x128xf32>
    %add3A_17 = vector.broadcast %broadcast_in_dim3A : vector<1x128xf32> to vector<2000x128xf32>
    %add3A_18 = arith.addf %mul3A_14, %add3A_17 : vector<2000x128xf32>
    %get3A_19 = arith.constant 0 : index
    %get3A_20 = arith.constant 0 : index
    %get3A_21 = vector.load %arg3[%get3A_19, %get3A_20] : memref<2000x128xf32, #tpu.memory_space<vmem>>, vector<2000x128xf32>
    %get3A_22 = arith.constant 0 : index
    %get3A_23 = arith.constant 0 : index
    %get3A_24 = vector.load %arg6[%get3A_22, %get3A_23] : memref<128x128xf32, #tpu.memory_space<vmem>>, vector<128x128xf32>
    %dot_general3A = arith.constant dense<0.000000e+00> : vector<2000x128xf32>
    %dot_general3A_25 = tpu.matmul %get3A_21, %get3A_24, %dot_general3A {dimension_numbers = #tpu.dot_dimension_numbers<[1], [0], [0], [1], [0, 0, 1, 1], [], []>, transpose_lhs_hint = false} : vector<2000x128xf32>, vector<128x128xf32>, vector<2000x128xf32> -> vector<2000x128xf32>
    %get3A_26 = arith.constant 0 : index
    %get3A_27 = arith.constant 0 : index
    %get3A_28 = vector.load %arg4[%get3A_26, %get3A_27] : memref<2000x128xf32, #tpu.memory_space<vmem>>, vector<2000x128xf32>
    %get3A_29 = arith.constant 0 : index
    %get3A_30 = arith.constant 0 : index
    %get3A_31 = vector.load %arg7[%get3A_29, %get3A_30] : memref<128x128xf32, #tpu.memory_space<vmem>>, vector<128x128xf32>
    %dot_general3A_32 = arith.constant dense<0.000000e+00> : vector<2000x128xf32>
    %dot_general3A_33 = tpu.matmul %get3A_28, %get3A_31, %dot_general3A_32 {dimension_numbers = #tpu.dot_dimension_numbers<[1], [0], [0], [1], [0, 0, 1, 1], [], []>, transpose_lhs_hint = false} : vector<2000x128xf32>, vector<128x128xf32>, vector<2000x128xf32> -> vector<2000x128xf32>
    %add3A_34 = arith.addf %dot_general3A_25, %dot_general3A_33 : vector<2000x128xf32>
    %get3A_35 = arith.constant 0 : index
    %get3A_36 = arith.constant 0 : index
    %get3A_37 = vector.load %arg8[%get3A_35, %get3A_36] : memref<128x128xf32, #tpu.memory_space<vmem>>, vector<128x128xf32>
    %dot_general3A_38 = arith.constant dense<0.000000e+00> : vector<2000x128xf32>
    %dot_general3A_39 = tpu.matmul %add3A_18, %get3A_37, %dot_general3A_38 {dimension_numbers = #tpu.dot_dimension_numbers<[1], [0], [0], [1], [0, 0, 1, 1], [], []>, transpose_lhs_hint = false} : vector<2000x128xf32>, vector<128x128xf32>, vector<2000x128xf32> -> vector<2000x128xf32>
    %add3A_40 = arith.addf %add3A_34, %dot_general3A_39 : vector<2000x128xf32>
    %get3A_41 = arith.constant 0 : index
    %get3A_42 = vector.load %arg9[%get3A_41] : memref<128xf32, #tpu.memory_space<vmem>>, vector<128xf32>
    %broadcast_in_dim3A_43 = vector.shape_cast %get3A_42 : vector<128xf32> to vector<1x128xf32>
    %add3A_44 = vector.broadcast %broadcast_in_dim3A_43 : vector<1x128xf32> to vector<2000x128xf32>
    %add3A_45 = arith.addf %add3A_40, %add3A_44 : vector<2000x128xf32>
    %tanh3A = math.tanh %add3A_45 : vector<2000x128xf32>
    %swap3A = arith.constant 0 : index
    %swap3A_46 = arith.constant 0 : index
    %swap3A_47 = vector.load %arg12[%swap3A, %swap3A_46] : memref<2000x128xf32, #tpu.memory_space<vmem>>, vector<2000x128xf32>
    tpu.vector_store %arg12[%swap3A, %swap3A_46], %tanh3A {strides = array<i32>} : memref<2000x128xf32, #tpu.memory_space<vmem>>, vector<2000x128xf32>,
    %get3A_48 = arith.constant 0 : index
    %get3A_49 = arith.constant 0 : index
    %get3A_50 = vector.load %arg10[%get3A_48, %get3A_49] : memref<128x128xf32, #tpu.memory_space<vmem>>, vector<128x128xf32>
    %dot_general3A_51 = arith.constant dense<0.000000e+00> : vector<2000x128xf32>
    %dot_general3A_52 = tpu.matmul %tanh3A, %get3A_50, %dot_general3A_51 {dimension_numbers = #tpu.dot_dimension_numbers<[1], [0], [0], [1], [0, 0, 1, 1], [], []>, transpose_lhs_hint = false} : vector<2000x128xf32>, vector<128x128xf32>, vector<2000x128xf32> -> vector<2000x128xf32>
    %get3A_53 = arith.constant 0 : index
    %get3A_54 = arith.constant 0 : index
    %get3A_55 = vector.load %arg4[%get3A_53, %get3A_54] : memref<2000x128xf32, #tpu.memory_space<vmem>>, vector<2000x128xf32>
    %get3A_56 = arith.constant 0 : index
    %get3A_57 = arith.constant 0 : index
    %get3A_58 = vector.load %arg11[%get3A_56, %get3A_57] : memref<128x128xf32, #tpu.memory_space<vmem>>, vector<128x128xf32>
    %dot_general3A_59 = arith.constant dense<0.000000e+00> : vector<2000x128xf32>
    %dot_general3A_60 = tpu.matmul %get3A_55, %get3A_58, %dot_general3A_59 {dimension_numbers = #tpu.dot_dimension_numbers<[1], [0], [0], [1], [0, 0, 1, 1], [], []>, transpose_lhs_hint = false} : vector<2000x128xf32>, vector<128x128xf32>, vector<2000x128xf32> -> vector<2000x128xf32>
    %add3A_61 = arith.addf %dot_general3A_52, %dot_general3A_60 : vector<2000x128xf32>
    %slice3A = vector.extract_strided_slice %add3A_61 {offsets = [0, 0], sizes = [2000, 64], strides = [1, 1]} : vector<2000x128xf32> to vector<2000x64xf32>
    %swap3A_62 = arith.constant 0 : index
    %swap3A_63 = arith.constant 0 : index
    %swap3A_64 = arith.constant 0 : index
    %swap3A_65 = vector.load %arg13[%swap3A_62, %swap3A_63, %swap3A_64] : memref<2x2000x64xf32, #tpu.memory_space<vmem>>, vector<1x2000x64xf32>
    %swap3A_66 = vector.shape_cast %swap3A_65 : vector<1x2000x64xf32> to vector<2000x64xf32>
    %swap3A_67 = vector.shape_cast %slice3A : vector<2000x64xf32> to vector<1x2000x64xf32>
    tpu.vector_store %arg13[%swap3A_62, %swap3A_63, %swap3A_64], %swap3A_67 {strides = array<i32>} : memref<2x2000x64xf32, #tpu.memory_space<vmem>>, vector<1x2000x64xf32>,
    %slice3A_68 = vector.extract_strided_slice %add3A_61 {offsets = [0, 64], sizes = [2000, 64], strides = [1, 1]} : vector<2000x128xf32> to vector<2000x64xf32>
    %swap3A_69 = arith.constant 1 : index
    %swap3A_70 = arith.constant 0 : index
    %swap3A_71 = arith.constant 0 : index
    %swap3A_72 = vector.load %arg13[%swap3A_69, %swap3A_70, %swap3A_71] : memref<2x2000x64xf32, #tpu.memory_space<vmem>>, vector<1x2000x64xf32>
    %swap3A_73 = vector.shape_cast %swap3A_72 : vector<1x2000x64xf32> to vector<2000x64xf32>
    %swap3A_74 = vector.shape_cast %slice3A_68 : vector<2000x64xf32> to vector<1x2000x64xf32>
    tpu.vector_store %arg13[%swap3A_69, %swap3A_70, %swap3A_71], %swap3A_74 {strides = array<i32>} : memref<2x2000x64xf32, #tpu.memory_space<vmem>>, vector<1x2000x64xf32>,
    return
  }
  func.func @transform_0(%arg0: i32) -> (i32, i32) {
    %c0_i32 = arith.constant 0 : i32
    %c0_i32_0 = arith.constant 0 : i32
    return %arg0, %c0_i32 : i32, i32
  }
  func.func @transform_1(%arg0: i32) -> (i32, i32, i32) {
    %c0_i32 = arith.constant 0 : i32
    %c0_i32_0 = arith.constant 0 : i32
    %c0_i32_1 = arith.constant 0 : i32
    return %c0_i32, %arg0, %c0_i32_0 : i32, i32, i32
  }
  func.func @transform_2(%arg0: i32) -> (i32, i32) {
    %c0_i32 = arith.constant 0 : i32
    %c0_i32_0 = arith.constant 0 : i32
    return %arg0, %c0_i32 : i32, i32
  }
  func.func @transform_3(%arg0: i32) -> (i32, i32) {
    %c0_i32 = arith.constant 0 : i32
    %c0_i32_0 = arith.constant 0 : i32
    return %arg0, %c0_i32 : i32, i32
  }
  func.func @transform_4(%arg0: i32) -> i32 {
    %c0_i32 = arith.constant 0 : i32
    %c0_i32_0 = arith.constant 0 : i32
    return %c0_i32 : i32
  }
  func.func @transform_5(%arg0: i32) -> (i32, i32) {
    %c0_i32 = arith.constant 0 : i32
    %c0_i32_0 = arith.constant 0 : i32
    %c0_i32_1 = arith.constant 0 : i32
    return %c0_i32, %c0_i32_0 : i32, i32
  }
  func.func @transform_6(%arg0: i32) -> (i32, i32) {
    %c1_i32 = arith.constant 1 : i32
    %c0_i32 = arith.constant 0 : i32
    %c0_i32_0 = arith.constant 0 : i32
    return %c1_i32, %c0_i32 : i32, i32
  }
  func.func @transform_7(%arg0: i32) -> (i32, i32) {
    %c2_i32 = arith.constant 2 : i32
    %c0_i32 = arith.constant 0 : i32
    %c0_i32_0 = arith.constant 0 : i32
    return %c2_i32, %c0_i32 : i32, i32
  }
  func.func @transform_8(%arg0: i32) -> i32 {
    %c0_i32 = arith.constant 0 : i32
    %c0_i32_0 = arith.constant 0 : i32
    return %c0_i32 : i32
  }
  func.func @transform_9(%arg0: i32) -> (i32, i32) {
    %c0_i32 = arith.constant 0 : i32
    %c0_i32_0 = arith.constant 0 : i32
    %c0_i32_1 = arith.constant 0 : i32
    return %c0_i32, %c0_i32_0 : i32, i32
  }
  func.func @transform_10(%arg0: i32) -> (i32, i32) {
    %c1_i32 = arith.constant 1 : i32
    %c0_i32 = arith.constant 0 : i32
    %c0_i32_0 = arith.constant 0 : i32
    return %c1_i32, %c0_i32 : i32, i32
  }
  func.func @transform_11(%arg0: i32) -> (i32, i32) {
    %c0_i32 = arith.constant 0 : i32
    %c0_i32_0 = arith.constant 0 : i32
    return %arg0, %c0_i32 : i32, i32
  }
  func.func @transform_12(%arg0: i32) -> (i32, i32, i32) {
    %c0_i32 = arith.constant 0 : i32
    %c0_i32_0 = arith.constant 0 : i32
    %c0_i32_1 = arith.constant 0 : i32
    return %c0_i32, %arg0, %c0_i32_0 : i32, i32, i32
  }
}

module attributes {stable_mosaic.version = 14 : i64} {
  func.func @body(%arg0: i32, %arg1: memref<2000x128xf32, #tpu.memory_space<vmem>>, %arg2: memref<2x2000x16xf32, #tpu.memory_space<vmem>>, %arg3: memref<2000x128xf32, #tpu.memory_space<vmem>>, %arg4: memref<2000x128xf32, #tpu.memory_space<vmem>>, %arg5: memref<128xf32, #tpu.memory_space<vmem>>, %arg6: memref<128x128xf32, #tpu.memory_space<vmem>>, %arg7: memref<128x128xf32, #tpu.memory_space<vmem>>, %arg8: memref<128x128xf32, #tpu.memory_space<vmem>>, %arg9: memref<128xf32, #tpu.memory_space<vmem>>, %arg10: memref<128x40xf32, #tpu.memory_space<vmem>>, %arg11: memref<40xf32, #tpu.memory_space<vmem>>, %arg12: memref<2000x128xf32, #tpu.memory_space<vmem>>, %arg13: memref<2000x40xf32, #tpu.memory_space<vmem>>) attributes {dimension_semantics = [#tpu.dimension_semantics<arbitrary>], iteration_bounds = array<i64: 5>, scalar_prefetch = 0 : i64, scratch_operands = 0 : i64, tpu.core_type = #tpu.core_type<tc>, window_params = [{transform_indices = @transform_0, window_bounds = array<i64: 2000, 128>}, {transform_indices = @transform_1, window_bounds = array<i64: 2, 2000, 16>}, {transform_indices = @transform_2, window_bounds = array<i64: 2000, 128>}, {transform_indices = @transform_3, window_bounds = array<i64: 2000, 128>}, {pipeline_mode = #tpu.pipeline_mode<synchronous>, transform_indices = @transform_4, window_bounds = array<i64: 128>}, {transform_indices = @transform_5, window_bounds = array<i64: 128, 128>}, {transform_indices = @transform_6, window_bounds = array<i64: 128, 128>}, {transform_indices = @transform_7, window_bounds = array<i64: 128, 128>}, {pipeline_mode = #tpu.pipeline_mode<synchronous>, transform_indices = @transform_8, window_bounds = array<i64: 128>}, {pipeline_mode = #tpu.pipeline_mode<synchronous>, transform_indices = @transform_9, window_bounds = array<i64: 128, 40>}, {pipeline_mode = #tpu.pipeline_mode<synchronous>, transform_indices = @transform_10, window_bounds = array<i64: 40>}, {transform_indices = @transform_11, window_bounds = array<i64: 2000, 128>}, {transform_indices = @transform_12, window_bounds = array<i64: 2000, 40>}]} {
    %get3A = arith.constant 0 : index
    %get3A_0 = arith.constant 0 : index
    %get3A_1 = arith.constant 0 : index
    %get3A_2 = vector.load %arg2[%get3A, %get3A_0, %get3A_1] : memref<2x2000x16xf32, #tpu.memory_space<vmem>>, vector<1x2000x1xf32>
    %get3A_3 = vector.shape_cast %get3A_2 : vector<1x2000x1xf32> to vector<2000x1xf32>
    %get3A_4 = arith.constant 1 : index
    %get3A_5 = arith.constant 0 : index
    %get3A_6 = arith.constant 0 : index
    %get3A_7 = vector.load %arg2[%get3A_4, %get3A_5, %get3A_6] : memref<2x2000x16xf32, #tpu.memory_space<vmem>>, vector<1x2000x1xf32>
    %get3A_8 = vector.shape_cast %get3A_7 : vector<1x2000x1xf32> to vector<2000x1xf32>
    %add3A = arith.addf %get3A_3, %get3A_8 : vector<2000x1xf32>
    %div3A = arith.constant 1.000000e+00 : f32
    %div3A_9 = vector.broadcast %div3A : f32 to vector<2000x1xf32>
    %div3A_10 = arith.divf %div3A_9, %add3A : vector<2000x1xf32>
    %get3A_11 = arith.constant 0 : index
    %get3A_12 = arith.constant 0 : index
    %get3A_13 = vector.load %arg1[%get3A_11, %get3A_12] : memref<2000x128xf32, #tpu.memory_space<vmem>>, vector<2000x128xf32>
    %mul3A = vector.broadcast %div3A_10 : vector<2000x1xf32> to vector<2000x128xf32>
    %mul3A_14 = arith.mulf %get3A_13, %mul3A : vector<2000x128xf32>
    %get3A_15 = arith.constant 0 : index
    %get3A_16 = vector.load %arg5[%get3A_15] : memref<128xf32, #tpu.memory_space<vmem>>, vector<128xf32>
    %broadcast_in_dim3A = vector.shape_cast %get3A_16 : vector<128xf32> to vector<1x128xf32>
    %add3A_17 = vector.broadcast %broadcast_in_dim3A : vector<1x128xf32> to vector<2000x128xf32>
    %add3A_18 = arith.addf %mul3A_14, %add3A_17 : vector<2000x128xf32>
    %get3A_19 = arith.constant 0 : index
    %get3A_20 = arith.constant 0 : index
    %get3A_21 = vector.load %arg3[%get3A_19, %get3A_20] : memref<2000x128xf32, #tpu.memory_space<vmem>>, vector<2000x128xf32>
    %get3A_22 = arith.constant 0 : index
    %get3A_23 = arith.constant 0 : index
    %get3A_24 = vector.load %arg6[%get3A_22, %get3A_23] : memref<128x128xf32, #tpu.memory_space<vmem>>, vector<128x128xf32>
    %dot_general3A = arith.constant dense<0.000000e+00> : vector<2000x128xf32>
    %dot_general3A_25 = tpu.matmul %get3A_21, %get3A_24, %dot_general3A {dimension_numbers = #tpu.dot_dimension_numbers<[1], [0], [0], [1], [0, 0, 1, 1], [], []>, transpose_lhs_hint = false} : vector<2000x128xf32>, vector<128x128xf32>, vector<2000x128xf32> -> vector<2000x128xf32>
    %get3A_26 = arith.constant 0 : index
    %get3A_27 = arith.constant 0 : index
    %get3A_28 = vector.load %arg4[%get3A_26, %get3A_27] : memref<2000x128xf32, #tpu.memory_space<vmem>>, vector<2000x128xf32>
    %get3A_29 = arith.constant 0 : index
    %get3A_30 = arith.constant 0 : index
    %get3A_31 = vector.load %arg7[%get3A_29, %get3A_30] : memref<128x128xf32, #tpu.memory_space<vmem>>, vector<128x128xf32>
    %dot_general3A_32 = arith.constant dense<0.000000e+00> : vector<2000x128xf32>
    %dot_general3A_33 = tpu.matmul %get3A_28, %get3A_31, %dot_general3A_32 {dimension_numbers = #tpu.dot_dimension_numbers<[1], [0], [0], [1], [0, 0, 1, 1], [], []>, transpose_lhs_hint = false} : vector<2000x128xf32>, vector<128x128xf32>, vector<2000x128xf32> -> vector<2000x128xf32>
    %add3A_34 = arith.addf %dot_general3A_25, %dot_general3A_33 : vector<2000x128xf32>
    %get3A_35 = arith.constant 0 : index
    %get3A_36 = arith.constant 0 : index
    %get3A_37 = vector.load %arg8[%get3A_35, %get3A_36] : memref<128x128xf32, #tpu.memory_space<vmem>>, vector<128x128xf32>
    %dot_general3A_38 = arith.constant dense<0.000000e+00> : vector<2000x128xf32>
    %dot_general3A_39 = tpu.matmul %add3A_18, %get3A_37, %dot_general3A_38 {dimension_numbers = #tpu.dot_dimension_numbers<[1], [0], [0], [1], [0, 0, 1, 1], [], []>, transpose_lhs_hint = false} : vector<2000x128xf32>, vector<128x128xf32>, vector<2000x128xf32> -> vector<2000x128xf32>
    %add3A_40 = arith.addf %add3A_34, %dot_general3A_39 : vector<2000x128xf32>
    %get3A_41 = arith.constant 0 : index
    %get3A_42 = vector.load %arg9[%get3A_41] : memref<128xf32, #tpu.memory_space<vmem>>, vector<128xf32>
    %broadcast_in_dim3A_43 = vector.shape_cast %get3A_42 : vector<128xf32> to vector<1x128xf32>
    %add3A_44 = vector.broadcast %broadcast_in_dim3A_43 : vector<1x128xf32> to vector<2000x128xf32>
    %add3A_45 = arith.addf %add3A_40, %add3A_44 : vector<2000x128xf32>
    %tanh3A = math.tanh %add3A_45 : vector<2000x128xf32>
    %swap3A = arith.constant 0 : index
    %swap3A_46 = arith.constant 0 : index
    %swap3A_47 = vector.load %arg12[%swap3A, %swap3A_46] : memref<2000x128xf32, #tpu.memory_space<vmem>>, vector<2000x128xf32>
    tpu.vector_store %arg12[%swap3A, %swap3A_46], %tanh3A {strides = array<i32>} : memref<2000x128xf32, #tpu.memory_space<vmem>>, vector<2000x128xf32>,
    %get3A_48 = arith.constant 0 : index
    %get3A_49 = arith.constant 0 : index
    %get3A_50 = vector.load %arg10[%get3A_48, %get3A_49] : memref<128x40xf32, #tpu.memory_space<vmem>>, vector<128x40xf32>
    %dot_general3A_51 = arith.constant dense<0.000000e+00> : vector<2000x40xf32>
    %dot_general3A_52 = tpu.matmul %tanh3A, %get3A_50, %dot_general3A_51 {dimension_numbers = #tpu.dot_dimension_numbers<[1], [0], [0], [1], [0, 0, 1, 1], [], []>, transpose_lhs_hint = false} : vector<2000x128xf32>, vector<128x40xf32>, vector<2000x40xf32> -> vector<2000x40xf32>
    %get3A_53 = arith.constant 0 : index
    %get3A_54 = vector.load %arg11[%get3A_53] : memref<40xf32, #tpu.memory_space<vmem>>, vector<40xf32>
    %broadcast_in_dim3A_55 = vector.shape_cast %get3A_54 : vector<40xf32> to vector<1x40xf32>
    %add3A_56 = vector.broadcast %broadcast_in_dim3A_55 : vector<1x40xf32> to vector<2000x40xf32>
    %add3A_57 = arith.addf %dot_general3A_52, %add3A_56 : vector<2000x40xf32>
    %swap3A_58 = arith.constant 0 : index
    %swap3A_59 = arith.constant 0 : index
    %swap3A_60 = vector.load %arg13[%swap3A_58, %swap3A_59] : memref<2000x40xf32, #tpu.memory_space<vmem>>, vector<2000x40xf32>
    tpu.vector_store %arg13[%swap3A_58, %swap3A_59], %add3A_57 {strides = array<i32>} : memref<2000x40xf32, #tpu.memory_space<vmem>>, vector<2000x40xf32>,
    return
  }
  func.func @transform_0(%arg0: i32) -> (i32, i32) {
    %c0_i32 = arith.constant 0 : i32
    %c0_i32_0 = arith.constant 0 : i32
    return %arg0, %c0_i32 : i32, i32
  }
  func.func @transform_1(%arg0: i32) -> (i32, i32, i32) {
    %c0_i32 = arith.constant 0 : i32
    %c0_i32_0 = arith.constant 0 : i32
    %c0_i32_1 = arith.constant 0 : i32
    return %c0_i32, %arg0, %c0_i32_0 : i32, i32, i32
  }
  func.func @transform_2(%arg0: i32) -> (i32, i32) {
    %c0_i32 = arith.constant 0 : i32
    %c0_i32_0 = arith.constant 0 : i32
    return %arg0, %c0_i32 : i32, i32
  }
  func.func @transform_3(%arg0: i32) -> (i32, i32) {
    %c0_i32 = arith.constant 0 : i32
    %c0_i32_0 = arith.constant 0 : i32
    return %arg0, %c0_i32 : i32, i32
  }
  func.func @transform_4(%arg0: i32) -> i32 {
    %c0_i32 = arith.constant 0 : i32
    %c0_i32_0 = arith.constant 0 : i32
    return %c0_i32 : i32
  }
  func.func @transform_5(%arg0: i32) -> (i32, i32) {
    %c0_i32 = arith.constant 0 : i32
    %c0_i32_0 = arith.constant 0 : i32
    %c0_i32_1 = arith.constant 0 : i32
    return %c0_i32, %c0_i32_0 : i32, i32
  }
  func.func @transform_6(%arg0: i32) -> (i32, i32) {
    %c1_i32 = arith.constant 1 : i32
    %c0_i32 = arith.constant 0 : i32
    %c0_i32_0 = arith.constant 0 : i32
    return %c1_i32, %c0_i32 : i32, i32
  }
  func.func @transform_7(%arg0: i32) -> (i32, i32) {
    %c2_i32 = arith.constant 2 : i32
    %c0_i32 = arith.constant 0 : i32
    %c0_i32_0 = arith.constant 0 : i32
    return %c2_i32, %c0_i32 : i32, i32
  }
  func.func @transform_8(%arg0: i32) -> i32 {
    %c0_i32 = arith.constant 0 : i32
    %c0_i32_0 = arith.constant 0 : i32
    return %c0_i32 : i32
  }
  func.func @transform_9(%arg0: i32) -> (i32, i32) {
    %c0_i32 = arith.constant 0 : i32
    %c0_i32_0 = arith.constant 0 : i32
    %c0_i32_1 = arith.constant 0 : i32
    return %c0_i32, %c0_i32_0 : i32, i32
  }
  func.func @transform_10(%arg0: i32) -> i32 {
    %c0_i32 = arith.constant 0 : i32
    %c0_i32_0 = arith.constant 0 : i32
    return %c0_i32 : i32
  }
  func.func @transform_11(%arg0: i32) -> (i32, i32) {
    %c0_i32 = arith.constant 0 : i32
    %c0_i32_0 = arith.constant 0 : i32
    return %arg0, %c0_i32 : i32, i32
  }
  func.func @transform_12(%arg0: i32) -> (i32, i32) {
    %c0_i32 = arith.constant 0 : i32
    %c0_i32_0 = arith.constant 0 : i32
    return %arg0, %c0_i32 : i32, i32
  }
}

</mosaic_0001>

<sc_bundles>
// kernel: kernel.10.cloned.1.call-start
scs
__scs_entry_jumppad:
0x0: {  	(pc) =	sbr.rel $0x88, $3  }
0x1: {  	(tag) =	ssettag $0x0;
	lr =	simm.s32 $0x1  }
0x2: {  	[smem:$0x3F8F] =	sst lr;
	_ =	strace $0xD0000000  }
0x3: {  	_ = 	snop  }
0x4: {  	_ = 	snop  }
0x5: {  	_ = 	snop  }
0x6: {  	_ = 	snop  }
0x7: {  	_ = 	snop  }
__scs_overlays_trampoline_lowered:
0x8: {  	[smem:$0x3F9E] =	sst s0  }
0x9: {  	[smem:$0x3F9F] =	sst s1  }
0xa: {  	[smem:$0x3FA0] =	sst s2  }
0xb: {  	[smem:$0x3FA1] =	sst s3  }
0xc: {  	[smem:$0x3FA2] =	sst s4  }
0xd: {  	[smem:$0x3FA3] =	sst s5  }
0xe: {  	[smem:$0x3FA4] =	sst s6  }
0xf: {  	[smem:$0x3FA5] =	sst s7  }
0x10: {  	[smem:$0x3FA6] =	sst s8  }
0x11: {  	[smem:$0x3FA7] =	sst s9;
	s0 =	simm.s32 @!p0 $0x0  }
0x12: {  	s1 =	sld [smem:$0x3F8D];
	s0 =	simm.s32 @p0 $0x1  }
0x13: {  	[smem:$0x3FA8] =	sst s0;
	s0 =	simm.s32 @!p1 $0x0  }
0x14: {  	s2 =	sld [smem:$0x3F8C];
	s0 =	simm.s32 @p1 $0x1  }
0x15: {  	[smem:$0x3FA9] =	sst s0;
	s0 =	simm.s32 @!p2 $0x0  }
0x16: {  	s3 =	sld [smem:$0x3FDB];
	s0 =	simm.s32 @p2 $0x1  }
0x17: {  	s4 =	simm.s32 $0x1BF5;
	[smem:$0x3FAB] =	sst s0  }
0x18: {  	s0 =	sld [smem:$0x3F8E];
	_ =	swait.ge [sflag:s4], $0x0  }
0x19: {  	s7 =	sld [smem:$0x3F8F]  }
0x1a: {  	s8 =	sadd.s32 $0xFFFFE003, lr  }
0x1b: {  	s9 =	sadd.s32 $0xFFFFFEF7, lr;
	s5 =	simm.s32 $0xFFFFFFFF;
	p2 =	slt.u32 s8, $0xFFFFF086  }
0x1c: {  	p1 =	slt.u32 s9, $0xF7A;
	s5 =	simm.s32 @!p2 $0x0  }
0x1d: {  	s5 =	simm.s32 @p1 $0x1;
	p0 =	seq.s32 s7, s2  }
0x1e: {  	s7 =	smul.u32 @!p0 $0xF7A, s2;
	p2 =	seq.s32 @!p0 s5, $0x0  }
0x1f: {  	s9 =	smul.u32 $0xF7A, s1;
	s8 =	simm.s32 @!p0 $0x1BF5;
	p2 =	por !p2, p0  }
0x20: {  	[sflag:s8] =	ssyncset.s32 @!p0 $0xFFFFF086;
	s6 =	sadd.s32 @!p0 s3, s7;
	s7 =	simm.s32 @!p0 $0x108  }
0x21: {  	s3 =	sadd.s32 s3, s9;
	s6 =	sadd.s32 @!p0 $0x88, s6;
	s7 =	simm.s32 @p2 $0x1082  }
0x22: {  	[simem:s7], [sflag:s8] =	dma.local @!p0 [hbm:s6], $0xF7A  }
0x23: {  	s9 =	sor.u32 $0xD0000000, s2;
	s6 =	simm.s32 $0x108;
	_ =	swait.ge @!p0 [sflag:s8], $0x0  }
0x24: {  	s3 =	sadd.s32 $0x88, s3;
	s6 =	simm.s32 @!p1 $0x1082;
	[sflag:s4] =	ssyncset.s32 $0xFFFFF086  }
0x25: {  	[simem:s6], [sflag:s4] =	dma.local [hbm:s3], $0xF7A  }
0x26: {  	[smem:$0x3F8F] =	sst s1;
	(tag) =	ssettag s2;
	_ =	strace s9  }
0x27: {  	s1 =	sld [smem:$0x3F9F]  }
0x28: {  	s2 =	sld [smem:$0x3FA0]  }
0x29: {  	s4 =	sld [smem:$0x3FA2]  }
0x2a: {  	p0 =	seq.s32 s5, $0x0;
	s5 =	sld [smem:$0x3FA3]  }
0x2b: {  	s6 =	sld [smem:$0x3FA4]  }
0x2c: {  	s7 =	sld [smem:$0x3FA5]  }
0x2d: {  	s3 =	simm.s32 $0x108;
	s8 =	sld [smem:$0x3FA6]  }
0x2e: {  	s3 =	simm.s32 @!p0 $0x1082;
	s9 =	sld [smem:$0x3FA7]  }
0x2f: {  	lr =	sadd.s32 s0, s3;
	s0 =	sld [smem:$0x3F9E]  }
0x30: {  	s3 =	sld [smem:$0x3FA1]  }
0x31: {  	[smem:$0x3FAA] =	sst s10  }
0x32: {  	s10 =	sld [smem:$0x3FA8];
	_ =	sdelay $0x3  }
0x33: {  	p0 =	seq.s32 s10, $0x1;
	s10 =	sld [smem:$0x3FAA];
	_ =	sdelay $0x3  }
0x34: {  	[smem:$0x3FAA] =	sst s10  }
0x35: {  	s10 =	sld [smem:$0x3FA9];
	_ =	sdelay $0x3  }
0x36: {  	p1 =	seq.s32 s10, $0x1;
	s10 =	sld [smem:$0x3FAA];
	_ =	sdelay $0x3  }
0x37: {  	[smem:$0x3FAA] =	sst s10  }
0x38: {  	s10 =	sld [smem:$0x3FAB]  }
0x39: {  	_ = 	snop;
	(pc) =	sbr.ind lr, $3  }
0x3a: {  	_ = 	snop  }
0x3b: {  	_ = 	snop  }
0x3c: {  	p2 =	seq.s32 s10, $0x1;
	s10 =	sld [smem:$0x3FAA]  }
0x3d: {  	_ =	shalt  }
0x3e: {  	_ =	shalt  }
0x3f: {  	_ =	shalt  }
0x40: {  	_ =	shalt  }
0x41: {  	_ =	shalt  }
0x42: {  	_ =	shalt  }
0x43: {  	_ =	shalt  }
0x44: {  	_ =	shalt  }
0x45: {  	_ =	shalt  }
0x46: {  	_ =	shalt  }
0x47: {  	_ =	shalt  }
0x48: {  	_ =	shalt  }
0x49: {  	_ =	shalt  }
0x4a: {  	_ =	shalt  }
0x4b: {  	_ =	shalt  }
0x4c: {  	_ =	shalt  }
0x4d: {  	_ =	shalt  }
0x4e: {  	_ =	shalt  }
0x4f: {  	_ =	shalt  }
0x50: {  	_ =	shalt  }
0x51: {  	_ =	shalt  }
0x52: {  	_ =	shalt  }
0x53: {  	_ =	shalt  }
0x54: {  	_ =	shalt  }
0x55: {  	_ =	shalt  }
0x56: {  	_ =	shalt  }
0x57: {  	_ =	shalt  }
0x58: {  	_ =	shalt  }
0x59: {  	_ =	shalt  }
0x5a: {  	_ =	shalt  }
0x5b: {  	_ =	shalt  }
0x5c: {  	_ =	shalt  }
0x5d: {  	_ =	shalt  }
0x5e: {  	_ =	shalt  }
0x5f: {  	_ =	shalt  }
0x60: {  	_ =	shalt  }
0x61: {  	_ =	shalt  }
0x62: {  	_ =	shalt  }
0x63: {  	_ =	shalt  }
0x64: {  	_ =	shalt  }
0x65: {  	_ =	shalt  }
0x66: {  	_ =	shalt  }
0x67: {  	_ =	shalt  }
0x68: {  	_ =	shalt  }
0x69: {  	_ =	shalt  }
0x6a: {  	_ =	shalt  }
0x6b: {  	_ =	shalt  }
0x6c: {  	_ =	shalt  }
0x6d: {  	_ =	shalt  }
0x6e: {  	_ =	shalt  }
0x6f: {  	_ =	shalt  }
0x70: {  	_ =	shalt  }
0x71: {  	_ =	shalt  }
0x72: {  	_ =	shalt  }
0x73: {  	_ =	shalt  }
0x74: {  	_ =	shalt  }
0x75: {  	_ =	shalt  }
0x76: {  	_ =	shalt  }
0x77: {  	_ =	shalt  }
0x78: {  	_ =	shalt  }
0x79: {  	_ =	shalt  }
0x7a: {  	_ =	shalt  }
0x7b: {  	_ =	shalt  }
0x7c: {  	_ =	shalt  }
0x7d: {  	_ =	shalt  }
0x7e: {  	_ =	shalt  }
0x7f: {  	_ =	shalt  }
0x80: {  	_ =	shalt  }
0x81: {  	_ =	shalt  }
0x82: {  	_ =	shalt  }
0x83: {  	_ =	shalt  }
0x84: {  	_ =	shalt  }
0x85: {  	_ =	shalt  }
0x86: {  	_ =	shalt  }
0x87: {  	_ =	shalt  }
.Lfunc_end0:
.L_simem_size_0:
called_computation_lowered:
.L_overlay_start_0:
0x88: {  	s2 =	sld [smem:$0x3FD9]  }
0x89: {  	s3 =	sld [smem:$0x3FFE];
	_ =	sdelay $0x1  }
0x8a: {  	s1 =	srdreg.scid  }
0x8b: {  	s0 =	sand.u32 $0x1, s1  }
0x8c: {  	s14 =	sshll.u32 s0, $0xA;
	s2 =	sadd.s32 s3, s2  }
0x8d: {  	s2 =	sadd.s32 s2, s14  }
0x8e: {  	[smem:$0x3FB6] =	sst s2  }
0x8f: {  	_ = 	snop  }
0x90: {  	s2 =	sld [smem:$0x3FD0];
	_ =	sdelay $0x2  }
0x91: {  	s15 =	simm.s32 $0xB;
	s4 =	simm.s32 $0x10  }
0x92: {  	[smem:s4], [sflag:s15] =	dma.local [hbm:s2], $0x1  }
0x93: {  	_ =	swait.eq [sflag:s15], $0x1  }
0x94: {  	[sflag:s15] =	ssyncset.done $0x0  }
0x95: {  	s16 =	sld [smem:$0x10];
	[sflag:s15] =	ssyncadd.s32 $0xFFFFFFFF  }
0x96: {  	s17 =	sld [smem:$0x13];
	(tm) =	ssettm $0x1  }
0x97: {  	s18 =	sld [smem:$0x3FFB];
	_ =	sdelay $0x3  }
0x98: {  	_ =	strace s18  }
0x99: {  	s4 =	sld [smem:$0x3FFC];
	_ =	sdelay $0x3  }
0x9a: {  	_ =	strace s4  }
0x9b: {  	s4 =	sld [smem:$0x3FFD];
	_ =	sdelay $0x3  }
0x9c: {  	_ =	strace s4  }
0x9d: {  	_ =	strace $0x8FFFFFFF  }
0x9e: {  	s19 =	sld [smem:$0x3FDB];
	_ =	sdelay $0x1  }
0x9f: {  	s5 =	simm.s32 $_scs_section_size  }
0xa0: {  	s6 =	simm.s32 $_size__tile_overlayer_lowered;
	s7 =	simm.s32 $_tile_overlayer_lowered  }
0xa1: {  	s22 =	simm.s32 $0x1BFF;
	s21 =	sshll.u32 s7, $0x1;
	s4 =	sadd.s32 s5, s19  }
0xa2: {  	s8 =	simm.s32 $0x0;
	s20 =	sshll.u32 s6, $0x1;
	s6 =	sadd.s32 s21, s4  }
0xa3: {  	[timem:s8], [sflag:s22] =	dma.local [hbm:s6], s20  }
0xa4: {  	_ =	swait.ge [sflag:s22], s20  }
0xa5: {  	s5 =	ssub.s32 $0x0, s20;
	[sflag:s22] =	ssyncset.done $0x0  }
0xa6: {  	[sflag:s22] =	ssyncadd.s32 s5;
	_ =	sdelay $0x1  }
0xa7: {  	s23 =	simm.s32 $0x1B8B  }
0xa8: {  	_ =	swait.ge [sflag:s23], $0x1  }
0xa9: {  	[sflag:s23] =	ssyncset.done $0x0  }
0xaa: {  	s25 =	simm.s32 $0x1B8E;
	s24 =	sld [smem:$0x3FFE];
	[sflag:s23] =	ssyncadd.s32 $0xFFFFFFFF  }
0xab: {  	s26 =	simm.s32 $execute0_lowered;
	[smem:$0x3FD2] =	sst s25  }
0xac: {  	s6 =	sshll.u32 s26, $0x1;
	_ =	strace $0x80000046;
	[dreg:$0x1] =	wrdreg $0xFFFFFFFF  }
0xad: {  	s28 =	simm.s32 $_size_execute0_lowered;
	s4 =	sadd.s32 s4, s6;
	[dreg:$0x0] =	wrdreg $0x0  }
0xae: {  	s6 =	sshll.u32 s28, $0x1;
	[dreg:$0x2] =	wrdreg s4  }
0xaf: {  	[dreg:$0x3] =	wrdreg s6  }
0xb0: {  	[dreg:$0x4] =	wrdreg $0xC0  }
0xb1: {  	_ =	task [dreg:s8], $0x5FFFF  }
0xb2: {  	[dreg:$0x1] =	wrdreg $0xFFFFFFFF  }
0xb3: {  	[dreg:$0x0] =	wrdreg $0x60  }
0xb4: {  	[dreg:$0x2] =	wrdreg s24  }
0xb5: {  	[dreg:$0x3] =	wrdreg s16  }
0xb6: {  	[dreg:$0x4] =	wrdreg s17  }
0xb7: {  	[dreg:$0x5] =	wrdreg $0x2FD00  }
0xb8: {  	[dreg:$0x6] =	wrdreg $0x9  }
0xb9: {  	_ =	task.clear_ibuf [dreg:s8], $0x7FFFF;
	_ =	strace $0x90000046  }
0xba: {  	s29 =	simm.s32 $0x9;
	_ =	strace $0x80000048  }
0xbb: {  	_ =	swait.ge [sflag:s29], $0x1  }
0xbc: {  	[sflag:s29] =	ssyncadd.s32 $0xFFFFFFFF  }
0xbd: {  	_ =	strace $0x90000048  }
0xbe: {  	_ =	sfence  }
0xbf: {  	s30 =	sld [smem:$0x0];
	_ =	sdelay $0x2  }
0xc0: {  	s31 =	sshll.u32 s1, $0xD;
	s1 =	sshrl.u32 s1, $0x2  }
0xc1: {  	s3 =	sand.u32 $0x4000, s31;
	s1 =	sadd.s32 s1, s30  }
0xc2: {  	s0 =	sor.u32 s3, s0;
	s1 =	sshll.u32 s1, $0x11  }
0xc3: {  	s0 =	sor.u32 s1, s0  }
0xc4: {  	s0 =	sadd.s32 $0x8F2B, s0  }
0xc5: {  	[sflag:s0] =	ssyncadd.remote.s32 $0x1  }
0xc6: {  	_ =	sfence.sel $0xFFFF  }
0xc7: {  	[dreg:$0x0] =	wrdreg $0xFFFFFFFF;
	(pc) =	sbr.abs _section_cstart, $3  }
0xc8: {  	[dreg:$0x1] =	wrdreg $0xFFFFFFFF  }
0xc9: {  	_ =	task.clear_ibuf [dreg:s8], $0x2FFFF;
	_ =	strace $0x9FFFFFFF  }
0xca: {  	(tm) =	ssettm $0x7FFFFFFF  }
0xcb: {  	_ =	shalt  }
tec
execute0_lowered:
.L_overlay_start_1:
0x0: {  	(tag) =	ssettag $0x1  }
0x1: {  	s4 =	rddreg [dreg:$0x0]  }
0x2: {  	s6 =	rddreg [dreg:$0x1]  }
0x3: {  	s1 =	srdreg.scid;
	s8 =	rddreg [dreg:$0x2]  }
0x4: {  	s0 =	stileid.u32;
	s2 =	rddreg [dreg:$0x3]  }
0x5: {  	s3 =	simm.s32 $0x0;
	s13 =	simm.s32 $0x7D;
	s14 =	simm.s32 $0x1  }
0x6: {  	s5 =	sand.u32 $0x1, s1;
	s7 =	smul.u32 $0x5000, s0;
	s1 =	rddreg [dreg:$0x4]  }
0x7: {  	s15 =	simm.s32 $0x0;
	[smem:$0x7FF] =	sst s3;
	s28 =	smul.u32 $0x2710, s0  }
0x8: {  	s31 =	sshll.u32 s0, $0x6;
	s9 =	smul.u32 $0x2800, s5;
	s10 =	ssub.s32 $0x2, s5  }
0x9: {  	s5 =	smul.u32 $0x27100, s5;
	_ =	strace $0x80000047;
	s11 =	sshrl.u32 s10, $0x1  }
0xa: {  	s30 =	sshrl.u32 s28, $0x3;
	s12 =	sadd.s32 s28, s2;
	s7 =	sadd.s32 s9, s7  }
0xb: {  	s10 =	ssub.s32 s10, s11;
	s29 =	sadd.s32 s28, s5;
	s7 =	sadd.s32 $0x50000, s7  }
0xc: {  	s6 =	sadd.s32 s6, s30;
	s9 =	simm.s32 $0x2;
	s7 =	sshrl.u32 s7, $0x3  }
0xd: {  	s12 =	sshrl.u32 s12, $0x3;
	s11 =	sshrl.u32 s29, $0x3;
	s7 =	sadd.s32 s7, s4  }
0xe: {  	s4 =	sadd.s32 $0x19600, s4;
	s5 =	sadd.s32 $0x5600, s7;
	s7 =	sadd.s32 s8, s11  }
0xf: {  	s8 =	smax.u32 s10, $0x1;
	s10 =	simm.s32 $0x2800;
	s11 =	sor.u32 $0x1C02, s31  }
.LBB2_1:
0x10: {  	[tilespmem:s3], [sflag:$0x2] =	stream.linear.gather [hbm4b:s5+s3], $0x2800, $0x38;
	[tilespmem:$0x56E0] =	vst v63  }
0x11: {  	_ =	swait.ge [sflag:s9], $0x2800  }
0x12: {  	[sflag:s9] =	ssyncset.done $0x0  }
0x13: {  	[sflag:s9] =	ssyncadd.s32 $0xFFFFD800  }
0x14: {  	[tilespmem:s10], [sflag:$0x2] =	stream.linear.gather [hbm4b:s4+s3], $0x7D0, $0x38;
	[tilespmem:$0x56E0] =	vst v63  }
0x15: {  	_ =	swait.ge [sflag:s9], $0x7D0  }
0x16: {  	[sflag:s9] =	ssyncset.done $0x0  }
0x17: {  	[sflag:s9] =	ssyncadd.s32 $0xFFFFF830  }
0x18: {  	[spmem:s12], [sflag:s11] =	dma.local [hbm:s6], $0x4E2  }
0x19: {  	_ =	swait.ge [sflag:s9], $0x4E2  }
0x1a: {  	[sflag:s9] =	ssyncset.done $0x0  }
0x1b: {  	[sflag:s9] =	ssyncadd.s32 $0xFFFFFB1E  }
0x1c: {  	s16 =	simm.s32 $0x0;
	[bflag:$0x0] =	sbarrier.arrive $0xFFFF  }
.LBB2_2:
0x1d: {  	p0 =	sne.s32 s16, $0x9E00  }
.Ltmp0:
0x1e: {  	_ = 	snop;
	(pc) =	sbr.rel @p0 .LBB2_2-.Ltmp0, $3  }
0x1f: {  	_ =	sdelay $0x1  }
0x20: {  	s17 =	sshra.s32 s16, $0x2;
	s16 =	sadd.s32 $0x200, s16  }
0x21: {  	[spmem:s2] =	stream.indirect.scatter.add.f32 [tilespmem:s10], [sflag:$0x1], $0x10, s17, s13, $0xb8;
	[tilespmem:$0x56E0] =	vst v63  }
0x22: {  	_ =	swait.ge [sflag:s14], $0x7D0  }
0x23: {  	s16 =	simm.s32 $0x4F;
	[sflag:s14] =	ssyncset.done $0x0  }
.LBB2_4:
0x24: {  	p0 =	sne.s32 s16, $0x1;
	s16 =	sadd.s32 $0xFFFFFFFF, s16;
	[sflag:s14] =	ssyncadd.s32 $0xFFFFF830  }
.Ltmp1:
0x25: {  	(pc) =	sbr.rel @p0 .LBB2_4-.Ltmp1, $3  }
0x26: {  	_ =	sdelay $0x1  }
0x27: {  	_ =	swait.ge [sflag:s14], $0x7D0  }
0x28: {  	[sflag:s14] =	ssyncset.done $0x0  }
0x29: {  	s15 =	sadd.s32 $0x1, s15  }
0x2a: {  	[sflag:s14] =	ssyncadd.s32 $0xFFFFF830;
	p0 =	sne.s32 s15, s8  }
.Ltmp2:
0x2b: {  	[bflag:$0x0] =	sbarrier.arrive $0xFFFF;
	(pc) =	sbr.rel @p0 .LBB2_1-.Ltmp2, $4  }
0x2c: {  	[hbm:s7], [sflag:s11] =	dma.local [spmem:s12], $0x4E2  }
0x2d: {  	_ =	swait.ge [sflag:s9], $0x4E2  }
0x2e: {  	[sflag:s9] =	ssyncset.done $0x0  }
0x2f: {  	[sflag:s9] =	ssyncadd.s32 $0xFFFFFB1E  }
0x30: {  	_ =	sfence.sel $0x180000  }
0x31: {  	[bflag:$0x0] =	sbarrier.arrive $0xFFFF  }
0x32: {  	p0 =	sne.s32 s0, $0x0;
	_ =	strace $0x90000047  }
0x33: {  	s0 =	sadd.s32 @!p0 $0x100000, s1;
	[bflag:$0x2] =	sbarrier.arrive $0xFFFF  }
0x34: {  	[sflag:s0] =	ssyncadd.tile.s32 @!p0 $0x1;
	_ =	shalt  }
.Lfunc_end2:
_tile_overlayer_lowered:
.L_overlay_start_2:
0x35: {  	(tag) =	ssettag $0x2  }
0x36: {  	s0 =	rddreg [dreg:$0x0];
	s2 =	stileid.u32  }
0x37: {  	s1 =	rddreg [dreg:$0x1];
	p0 =	sne.s32 s2, $0x0  }
0x38: {  	s3 =	rddreg [dreg:$0x2];
	[bflag:$0x3] =	sbarrier.arrive $0xFFFF;
	s2 =	simm.s32 @!p0 $0x1C02  }
0x39: {  	[timem:s3], [sflag:s2] =	dma.local @!p0 [hbm:s0], s1  }
0x3a: {  	s0 =	simm.s32 @!p0 $0x2  }
0x3b: {  	_ =	swait.ge @!p0 [sflag:s0], s1  }
0x3c: {  	s1 =	ssub.s32 @!p0 $0x0, s1;
	[sflag:s0] =	ssyncset.done @!p0 $0x0  }
0x3d: {  	[sflag:s0] =	ssyncadd.s32 @!p0 s1  }
0x3e: {  	[bflag:$0x3] =	sbarrier.arrive $0xFFFF  }
0x3f: {  	_ =	shalt  }

// kernel: kernel.13.cloned.1.call-start
scs
__scs_entry_jumppad:
0x0: {  	(pc) =	sbr.rel $0x88, $3  }
0x1: {  	(tag) =	ssettag $0x0;
	lr =	simm.s32 $0x1  }
0x2: {  	[smem:$0x3F8F] =	sst lr;
	_ =	strace $0xD0000000  }
0x3: {  	_ = 	snop  }
0x4: {  	_ = 	snop  }
0x5: {  	_ = 	snop  }
0x6: {  	_ = 	snop  }
0x7: {  	_ = 	snop  }
__scs_overlays_trampoline_lowered:
0x8: {  	[smem:$0x3F9E] =	sst s0  }
0x9: {  	[smem:$0x3F9F] =	sst s1  }
0xa: {  	[smem:$0x3FA0] =	sst s2  }
0xb: {  	[smem:$0x3FA1] =	sst s3  }
0xc: {  	[smem:$0x3FA2] =	sst s4  }
0xd: {  	[smem:$0x3FA3] =	sst s5  }
0xe: {  	[smem:$0x3FA4] =	sst s6  }
0xf: {  	[smem:$0x3FA5] =	sst s7  }
0x10: {  	[smem:$0x3FA6] =	sst s8  }
0x11: {  	[smem:$0x3FA7] =	sst s9;
	s0 =	simm.s32 @!p0 $0x0  }
0x12: {  	s1 =	sld [smem:$0x3F8D];
	s0 =	simm.s32 @p0 $0x1  }
0x13: {  	[smem:$0x3FA8] =	sst s0;
	s0 =	simm.s32 @!p1 $0x0  }
0x14: {  	s2 =	sld [smem:$0x3F8C];
	s0 =	simm.s32 @p1 $0x1  }
0x15: {  	[smem:$0x3FA9] =	sst s0;
	s0 =	simm.s32 @!p2 $0x0  }
0x16: {  	s3 =	sld [smem:$0x3FDB];
	s0 =	simm.s32 @p2 $0x1  }
0x17: {  	s4 =	simm.s32 $0x1BF5;
	[smem:$0x3FAB] =	sst s0  }
0x18: {  	s0 =	sld [smem:$0x3F8E];
	_ =	swait.ge [sflag:s4], $0x0  }
0x19: {  	s7 =	sld [smem:$0x3F8F]  }
0x1a: {  	s8 =	sadd.s32 $0xFFFFE003, lr  }
0x1b: {  	s9 =	sadd.s32 $0xFFFFFEF7, lr;
	s5 =	simm.s32 $0xFFFFFFFF;
	p2 =	slt.u32 s8, $0xFFFFF086  }
0x1c: {  	p1 =	slt.u32 s9, $0xF7A;
	s5 =	simm.s32 @!p2 $0x0  }
0x1d: {  	s5 =	simm.s32 @p1 $0x1;
	p0 =	seq.s32 s7, s2  }
0x1e: {  	s7 =	smul.u32 @!p0 $0xF7A, s2;
	p2 =	seq.s32 @!p0 s5, $0x0  }
0x1f: {  	s9 =	smul.u32 $0xF7A, s1;
	s8 =	simm.s32 @!p0 $0x1BF5;
	p2 =	por !p2, p0  }
0x20: {  	[sflag:s8] =	ssyncset.s32 @!p0 $0xFFFFF086;
	s6 =	sadd.s32 @!p0 s3, s7;
	s7 =	simm.s32 @!p0 $0x108  }
0x21: {  	s3 =	sadd.s32 s3, s9;
	s6 =	sadd.s32 @!p0 $0x88, s6;
	s7 =	simm.s32 @p2 $0x1082  }
0x22: {  	[simem:s7], [sflag:s8] =	dma.local @!p0 [hbm:s6], $0xF7A  }
0x23: {  	s9 =	sor.u32 $0xD0000000, s2;
	s6 =	simm.s32 $0x108;
	_ =	swait.ge @!p0 [sflag:s8], $0x0  }
0x24: {  	s3 =	sadd.s32 $0x88, s3;
	s6 =	simm.s32 @!p1 $0x1082;
	[sflag:s4] =	ssyncset.s32 $0xFFFFF086  }
0x25: {  	[simem:s6], [sflag:s4] =	dma.local [hbm:s3], $0xF7A  }
0x26: {  	[smem:$0x3F8F] =	sst s1;
	(tag) =	ssettag s2;
	_ =	strace s9  }
0x27: {  	s1 =	sld [smem:$0x3F9F]  }
0x28: {  	s2 =	sld [smem:$0x3FA0]  }
0x29: {  	s4 =	sld [smem:$0x3FA2]  }
0x2a: {  	p0 =	seq.s32 s5, $0x0;
	s5 =	sld [smem:$0x3FA3]  }
0x2b: {  	s6 =	sld [smem:$0x3FA4]  }
0x2c: {  	s7 =	sld [smem:$0x3FA5]  }
0x2d: {  	s3 =	simm.s32 $0x108;
	s8 =	sld [smem:$0x3FA6]  }
0x2e: {  	s3 =	simm.s32 @!p0 $0x1082;
	s9 =	sld [smem:$0x3FA7]  }
0x2f: {  	lr =	sadd.s32 s0, s3;
	s0 =	sld [smem:$0x3F9E]  }
0x30: {  	s3 =	sld [smem:$0x3FA1]  }
0x31: {  	[smem:$0x3FAA] =	sst s10  }
0x32: {  	s10 =	sld [smem:$0x3FA8];
	_ =	sdelay $0x3  }
0x33: {  	p0 =	seq.s32 s10, $0x1;
	s10 =	sld [smem:$0x3FAA];
	_ =	sdelay $0x3  }
0x34: {  	[smem:$0x3FAA] =	sst s10  }
0x35: {  	s10 =	sld [smem:$0x3FA9];
	_ =	sdelay $0x3  }
0x36: {  	p1 =	seq.s32 s10, $0x1;
	s10 =	sld [smem:$0x3FAA];
	_ =	sdelay $0x3  }
0x37: {  	[smem:$0x3FAA] =	sst s10  }
0x38: {  	s10 =	sld [smem:$0x3FAB]  }
0x39: {  	_ = 	snop;
	(pc) =	sbr.ind lr, $3  }
0x3a: {  	_ = 	snop  }
0x3b: {  	_ = 	snop  }
0x3c: {  	p2 =	seq.s32 s10, $0x1;
	s10 =	sld [smem:$0x3FAA]  }
0x3d: {  	_ =	shalt  }
0x3e: {  	_ =	shalt  }
0x3f: {  	_ =	shalt  }
0x40: {  	_ =	shalt  }
0x41: {  	_ =	shalt  }
0x42: {  	_ =	shalt  }
0x43: {  	_ =	shalt  }
0x44: {  	_ =	shalt  }
0x45: {  	_ =	shalt  }
0x46: {  	_ =	shalt  }
0x47: {  	_ =	shalt  }
0x48: {  	_ =	shalt  }
0x49: {  	_ =	shalt  }
0x4a: {  	_ =	shalt  }
0x4b: {  	_ =	shalt  }
0x4c: {  	_ =	shalt  }
0x4d: {  	_ =	shalt  }
0x4e: {  	_ =	shalt  }
0x4f: {  	_ =	shalt  }
0x50: {  	_ =	shalt  }
0x51: {  	_ =	shalt  }
0x52: {  	_ =	shalt  }
0x53: {  	_ =	shalt  }
0x54: {  	_ =	shalt  }
0x55: {  	_ =	shalt  }
0x56: {  	_ =	shalt  }
0x57: {  	_ =	shalt  }
0x58: {  	_ =	shalt  }
0x59: {  	_ =	shalt  }
0x5a: {  	_ =	shalt  }
0x5b: {  	_ =	shalt  }
0x5c: {  	_ =	shalt  }
0x5d: {  	_ =	shalt  }
0x5e: {  	_ =	shalt  }
0x5f: {  	_ =	shalt  }
0x60: {  	_ =	shalt  }
0x61: {  	_ =	shalt  }
0x62: {  	_ =	shalt  }
0x63: {  	_ =	shalt  }
0x64: {  	_ =	shalt  }
0x65: {  	_ =	shalt  }
0x66: {  	_ =	shalt  }
0x67: {  	_ =	shalt  }
0x68: {  	_ =	shalt  }
0x69: {  	_ =	shalt  }
0x6a: {  	_ =	shalt  }
0x6b: {  	_ =	shalt  }
0x6c: {  	_ =	shalt  }
0x6d: {  	_ =	shalt  }
0x6e: {  	_ =	shalt  }
0x6f: {  	_ =	shalt  }
0x70: {  	_ =	shalt  }
0x71: {  	_ =	shalt  }
0x72: {  	_ =	shalt  }
0x73: {  	_ =	shalt  }
0x74: {  	_ =	shalt  }
0x75: {  	_ =	shalt  }
0x76: {  	_ =	shalt  }
0x77: {  	_ =	shalt  }
0x78: {  	_ =	shalt  }
0x79: {  	_ =	shalt  }
0x7a: {  	_ =	shalt  }
0x7b: {  	_ =	shalt  }
0x7c: {  	_ =	shalt  }
0x7d: {  	_ =	shalt  }
0x7e: {  	_ =	shalt  }
0x7f: {  	_ =	shalt  }
0x80: {  	_ =	shalt  }
0x81: {  	_ =	shalt  }
0x82: {  	_ =	shalt  }
0x83: {  	_ =	shalt  }
0x84: {  	_ =	shalt  }
0x85: {  	_ =	shalt  }
0x86: {  	_ =	shalt  }
0x87: {  	_ =	shalt  }
.Lfunc_end0:
.L_simem_size_0:
called_computation.1_lowered:
.L_overlay_start_0:
0x88: {  	s2 =	sld [smem:$0x3FD9]  }
0x89: {  	s3 =	sld [smem:$0x3FFE];
	_ =	sdelay $0x1  }
0x8a: {  	s1 =	srdreg.scid  }
0x8b: {  	s0 =	sand.u32 $0x1, s1  }
0x8c: {  	s15 =	sshll.u32 s0, $0xA;
	s2 =	sadd.s32 s3, s2  }
0x8d: {  	s2 =	sadd.s32 s2, s15  }
0x8e: {  	[smem:$0x3FB6] =	sst s2  }
0x8f: {  	_ = 	snop  }
0x90: {  	s2 =	sld [smem:$0x3FD0];
	_ =	sdelay $0x2  }
0x91: {  	s4 =	simm.s32 $0xB;
	s16 =	simm.s32 $0x10  }
0x92: {  	[smem:s16], [sflag:s4] =	dma.local [hbm:s2], $0x1  }
0x93: {  	_ =	swait.eq [sflag:s4], $0x1  }
0x94: {  	[sflag:s4] =	ssyncset.done $0x0  }
0x95: {  	s17 =	sld [smem:$0x11];
	[sflag:s4] =	ssyncadd.s32 $0xFFFFFFFF  }
0x96: {  	s18 =	sld [smem:$0x12];
	(tm) =	ssettm $0x1  }
0x97: {  	s19 =	sld [smem:$0x3FFB];
	_ =	sdelay $0x3  }
0x98: {  	_ =	strace s19  }
0x99: {  	s2 =	sld [smem:$0x3FFC];
	_ =	sdelay $0x3  }
0x9a: {  	_ =	strace s2  }
0x9b: {  	s2 =	sld [smem:$0x3FFD];
	_ =	sdelay $0x3  }
0x9c: {  	_ =	strace s2  }
0x9d: {  	_ =	strace $0x8FFFFFFF  }
0x9e: {  	s20 =	sld [smem:$0x3FDB];
	_ =	sdelay $0x1  }
0x9f: {  	s5 =	simm.s32 $_scs_section_size  }
0xa0: {  	s6 =	simm.s32 $_size__tile_overlayer_lowered;
	s7 =	simm.s32 $_tile_overlayer_lowered  }
0xa1: {  	s8 =	simm.s32 $0x1BFF;
	s21 =	sshll.u32 s7, $0x1;
	s5 =	sadd.s32 s5, s20  }
0xa2: {  	s22 =	simm.s32 $0x0;
	s6 =	sshll.u32 s6, $0x1;
	s7 =	sadd.s32 s21, s5  }
0xa3: {  	[timem:s22], [sflag:s8] =	dma.local [hbm:s7], s6  }
0xa4: {  	_ =	swait.ge [sflag:s8], s6  }
0xa5: {  	s6 =	ssub.s32 $0x0, s6;
	[sflag:s8] =	ssyncset.done $0x0  }
0xa6: {  	[sflag:s8] =	ssyncadd.s32 s6;
	_ =	sdelay $0x1  }
0xa7: {  	s23 =	simm.s32 $0x1B8B  }
0xa8: {  	_ =	swait.ge [sflag:s23], $0x1  }
0xa9: {  	[sflag:s23] =	ssyncset.done $0x0  }
0xaa: {  	[sflag:s23] =	ssyncadd.s32 $0xFFFFFFFF  }
0xab: {  	s6 =	sld [smem:$0x0]  }
0xac: {  	s7 =	sand.u32 $0xFFFFFFFE, s1  }
0xad: {  	p0 =	sne.s32 s1, s7  }
0xae: {  	s7 =	sshll.u32 @p0 s7, $0xE  }
0xaf: {  	s7 =	sadd.s32 @p0 $0x11B8D, s7;
	s8 =	sshll.u32 @p0 s6, $0x11  }
0xb0: {  	s7 =	sor.u32 @p0 s8, s7  }
0xb1: {  	[sflag:s7] =	ssyncadd.remote.s32 @p0 $0x1;
	_ =	sdelay $0x1  }
0xb2: {  	s7 =	simm.s32 @p0 $0x1B8D  }
0xb3: {  	_ =	swait.eq @p0 [sflag:s7], $0x1  }
0xb4: {  	[sflag:s7] =	ssyncadd.s32 @p0 $0xFFFFFFFF  }
0xb5: {  	s8 =	sshll.u32 @!p0 s1, $0xE  }
0xb6: {  	s8 =	sor.u32 @!p0 $0x4000, s8;
	s7 =	simm.s32 @!p0 $0x1B8D  }
0xb7: {  	s6 =	sshll.u32 @!p0 s6, $0x11;
	s8 =	sadd.s32 @!p0 $0x11B8D, s8;
	_ =	swait.eq @!p0 [sflag:s7], $0x1  }
0xb8: {  	s6 =	sor.u32 @!p0 s6, s8;
	[sflag:s7] =	ssyncadd.s32 @!p0 $0xFFFFFFFF  }
0xb9: {  	s25 =	simm.s32 $0x1B8E;
	s24 =	sld [smem:$0x3FFE];
	[sflag:s6] =	ssyncadd.remote.s32 @!p0 $0x1  }
0xba: {  	s26 =	simm.s32 $execute0_lowered;
	[smem:$0x3FD2] =	sst s25  }
0xbb: {  	s7 =	sshll.u32 s26, $0x1;
	_ =	strace $0x80000049;
	[dreg:$0x1] =	wrdreg $0xFFFFFFFF  }
0xbc: {  	s28 =	simm.s32 $_size_execute0_lowered;
	s5 =	sadd.s32 s5, s7;
	[dreg:$0x0] =	wrdreg $0x0  }
0xbd: {  	s7 =	sshll.u32 s28, $0x1;
	[dreg:$0x2] =	wrdreg s5  }
0xbe: {  	[dreg:$0x3] =	wrdreg s7  }
0xbf: {  	[dreg:$0x4] =	wrdreg $0xC0  }
0xc0: {  	_ =	task [dreg:s22], $0x5FFFF  }
0xc1: {  	[dreg:$0x1] =	wrdreg $0xFFFFFFFF  }
0xc2: {  	[dreg:$0x0] =	wrdreg $0x60  }
0xc3: {  	[dreg:$0x2] =	wrdreg s18  }
0xc4: {  	[dreg:$0x3] =	wrdreg s24  }
0xc5: {  	[dreg:$0x4] =	wrdreg s17  }
0xc6: {  	[dreg:$0x5] =	wrdreg $0x13C400  }
0xc7: {  	[dreg:$0x6] =	wrdreg $0xA  }
0xc8: {  	_ =	task.clear_ibuf [dreg:s22], $0x7FFFF;
	_ =	strace $0x90000049  }
0xc9: {  	s29 =	simm.s32 $0xA;
	_ =	strace $0x8000004B  }
0xca: {  	_ =	swait.ge [sflag:s29], $0x1  }
0xcb: {  	[sflag:s29] =	ssyncadd.s32 $0xFFFFFFFF  }
0xcc: {  	_ =	strace $0x9000004B  }
0xcd: {  	_ =	sfence  }
0xce: {  	s30 =	sld [smem:$0x0];
	_ =	sdelay $0x2  }
0xcf: {  	s31 =	sshll.u32 s1, $0xD;
	s1 =	sshrl.u32 s1, $0x2  }
0xd0: {  	s4 =	sand.u32 $0x4000, s31;
	s1 =	sadd.s32 s1, s30  }
0xd1: {  	s0 =	sor.u32 s4, s0;
	s1 =	sshll.u32 s1, $0x11  }
0xd2: {  	s0 =	sor.u32 s1, s0  }
0xd3: {  	s0 =	sadd.s32 $0x8F2B, s0  }
0xd4: {  	[sflag:s0] =	ssyncadd.remote.s32 $0x1  }
0xd5: {  	_ =	sfence.sel $0xFFFF  }
0xd6: {  	[dreg:$0x0] =	wrdreg $0xFFFFFFFF;
	(pc) =	sbr.abs _section_cstart, $3  }
0xd7: {  	[dreg:$0x1] =	wrdreg $0xFFFFFFFF  }
0xd8: {  	_ =	task.clear_ibuf [dreg:s22], $0x2FFFF;
	_ =	strace $0x9FFFFFFF  }
0xd9: {  	(tm) =	ssettm $0x7FFFFFFF  }
tec
execute0_lowered:
.L_overlay_start_1:
0x0: {  	(tag) =	ssettag $0x1  }
0x1: {  	s0 =	rddreg [dreg:$0x0]  }
0x2: {  	s1 =	rddreg [dreg:$0x1]  }
0x3: {  	s6 =	rddreg [dreg:$0x2]  }
0x4: {  	s2 =	rddreg [dreg:$0x3];
	s3 =	simm.s32 $0x0  }
0x5: {  	s13 =	stileid.u32;
	s4 =	srdreg.scid;
	s12 =	simm.s32 $0xA000  }
0x6: {  	s14 =	simm.s32 $0xBF40;
	s16 =	simm.s32 $0xDE80;
	s18 =	simm.s32 $0xFDC0  }
0x7: {  	s20 =	simm.s32 $0x11D00;
	s28 =	simm.s32 $0x4;
	s29 =	simm.s32 $0x5  }
0x8: {  	s30 =	simm.s32 $0x6;
	s31 =	simm.s32 $0x7;
	s5 =	smul.u32 $0xA00, s13  }
0x9: {  	[smem:$0x7FF] =	sst s3;
	s4 =	sand.u32 $0x1, s4;
	s9 =	smul.u32 $0x13880, s13  }
0xa: {  	s10 =	smul.u32 $0x9C40, s13;
	s26 =	sshll.u32 s13, $0x6;
	s13 =	simm.s32 $0x0  }
0xb: {  	_ =	strace $0x8000004A;
	s7 =	ssub.s32 $0x2, s4;
	s8 =	smul.u32 $0x13880, s4  }
0xc: {  	s11 =	sshll.u32 s4, $0x6;
	s1 =	sadd.s32 s5, s1;
	s22 =	sshrl.u32 s7, $0x1  }
0xd: {  	s23 =	sor.u32 s11, s9;
	s24 =	sadd.s32 s10, s2;
	s25 =	sshrl.u32 s10, $0x3  }
0xe: {  	s10 =	simm.s32 $0xB;
	s11 =	simm.s32 $0x7D;
	s9 =	simm.s32 $0x10  }
0xf: {  	s7 =	ssub.s32 s7, s22;
	s4 =	sadd.s32 $0x5600, s1;
	s5 =	sadd.s32 s0, s8  }
0x10: {  	s0 =	sshrl.u32 s23, $0x3;
	s22 =	sor.u32 $0x1C0B, s26;
	s23 =	sshrl.u32 s24, $0x3  }
0x11: {  	s24 =	simm.s32 $0x1;
	s26 =	simm.s32 $0x3;
	s1 =	simm.s32 $0x9  }
0x12: {  	s8 =	simm.s32 $0xA;
	s6 =	sadd.s32 s6, s0;
	s7 =	smax.u32 s7, $0x1  }
0x13: {  	s21 =	sadd.s32 s25, s5;
	s25 =	simm.s32 $0x2;
	s0 =	simm.s32 $0x8  }
.LBB2_1:
0x14: {  	s15 =	simm.s32 $0x5000;
	s17 =	simm.s32 $0x50000  }
0x15: {  	[tilespmem:s3], [sflag:$0xB] =	stream.strided.gather [hbm4b:s4+s15], $0xA000, s17, s15, $0x38;
	[tilespmem:$0x1D880] =	vst v63  }
0x16: {  	_ =	swait.ge [sflag:s10], $0xA000  }
0x17: {  	[sflag:s10] =	ssyncset.done $0x0  }
0x18: {  	[sflag:s10] =	ssyncadd.s32 $0xFFFF6000  }
0x19: {  	[tilespmem:s12], [sflag:$0x1] =	stream.indirect.gather [hbm4b:s5+s11], $0x40, s3, s11, $0xb8;
	[tilespmem:$0x1D880] =	vst v63  }
0x1a: {  	s19 =	simm.s32 $0x80  }
0x1b: {  	[tilespmem:s14], [sflag:$0x2] =	stream.indirect.gather [hbm4b:s5+s11], $0x40, s19, s11, $0xb8;
	[tilespmem:$0x1D880] =	vst v63  }
0x1c: {  	s17 =	simm.s32 $0x100  }
0x1d: {  	[tilespmem:s16], [sflag:$0x3] =	stream.indirect.gather [hbm4b:s5+s11], $0x40, s17, s11, $0xb8;
	[tilespmem:$0x1D880] =	vst v63  }
0x1e: {  	s19 =	simm.s32 $0x180  }
0x1f: {  	[tilespmem:s18], [sflag:$0x4] =	stream.indirect.gather [hbm4b:s5+s11], $0x40, s19, s11, $0xb8;
	[tilespmem:$0x1D880] =	vst v63  }
0x20: {  	s17 =	simm.s32 $0x200  }
0x21: {  	[tilespmem:s20], [sflag:$0x5] =	stream.indirect.gather [hbm4b:s5+s11], $0x40, s17, s11, $0xb8;
	[tilespmem:$0x1D880] =	vst v63  }
0x22: {  	[spmem:s23], [sflag:s22] =	dma.local [hbm:s21], $0x1388  }
0x23: {  	_ =	swait.ge [sflag:s10], $0x1388  }
0x24: {  	[sflag:s10] =	ssyncset.done $0x0  }
0x25: {  	[sflag:s10] =	ssyncadd.s32 $0xFFFFEC78  }
0x26: {  	[bflag:$0x0] =	sbarrier.arrive $0xFFFF  }
0x27: {  	_ =	swait.ge [sflag:s24], $0x1F40  }
0x28: {  	[sflag:s24] =	ssyncset.done $0x0  }
0x29: {  	s19 =	simm.s32 $0x5000;
	[sflag:s24] =	ssyncadd.s32 $0xFFFFE0C0  }
0x2a: {  	[spmem:s2] =	stream.indirect.scatter.add.f32 [tilespmem:s12], [sflag:$0x6], $0x40, s19, s11, $0xb8;
	[tilespmem:$0x1D880] =	vst v63  }
0x2b: {  	_ =	swait.ge [sflag:s25], $0x1F40  }
0x2c: {  	[sflag:s25] =	ssyncset.done $0x0  }
0x2d: {  	s17 =	simm.s32 $0x5080;
	[sflag:s25] =	ssyncadd.s32 $0xFFFFE0C0  }
0x2e: {  	[spmem:s2] =	stream.indirect.scatter.add.f32 [tilespmem:s14], [sflag:$0x7], $0x40, s17, s11, $0xb8;
	[tilespmem:$0x1D880] =	vst v63  }
0x2f: {  	_ =	swait.ge [sflag:s26], $0x1F40  }
0x30: {  	[sflag:s26] =	ssyncset.done $0x0  }
0x31: {  	s19 =	simm.s32 $0x5100;
	[sflag:s26] =	ssyncadd.s32 $0xFFFFE0C0  }
0x32: {  	[spmem:s2] =	stream.indirect.scatter.add.f32 [tilespmem:s16], [sflag:$0x8], $0x40, s19, s11, $0xb8;
	[tilespmem:$0x1D880] =	vst v63  }
0x33: {  	_ =	swait.ge [sflag:s28], $0x1F40  }
0x34: {  	[sflag:s28] =	ssyncset.done $0x0  }
0x35: {  	s17 =	simm.s32 $0x5180;
	[sflag:s28] =	ssyncadd.s32 $0xFFFFE0C0  }
0x36: {  	[spmem:s2] =	stream.indirect.scatter.add.f32 [tilespmem:s18], [sflag:$0x9], $0x40, s17, s11, $0xb8;
	[tilespmem:$0x1D880] =	vst v63  }
0x37: {  	_ =	swait.ge [sflag:s29], $0x1F40  }
0x38: {  	[sflag:s29] =	ssyncset.done $0x0  }
0x39: {  	s19 =	simm.s32 $0x5200;
	[sflag:s29] =	ssyncadd.s32 $0xFFFFE0C0  }
0x3a: {  	[spmem:s2] =	stream.indirect.scatter.add.f32 [tilespmem:s20], [sflag:$0xA], $0x40, s19, s11, $0xb8;
	[tilespmem:$0x1D880] =	vst v63  }
0x3b: {  	_ =	swait.ge [sflag:s30], $0x1F40  }
0x3c: {  	[sflag:s30] =	ssyncset.done $0x0  }
0x3d: {  	s17 =	simm.s32 $0x280;
	[sflag:s30] =	ssyncadd.s32 $0xFFFFE0C0  }
0x3e: {  	[tilespmem:s12], [sflag:$0x1] =	stream.indirect.gather [hbm4b:s5+s11], $0x40, s17, s11, $0xb8;
	[tilespmem:$0x1D880] =	vst v63  }
0x3f: {  	_ =	swait.ge [sflag:s31], $0x1F40  }
0x40: {  	[sflag:s31] =	ssyncset.done $0x0  }
0x41: {  	s19 =	simm.s32 $0x300;
	[sflag:s31] =	ssyncadd.s32 $0xFFFFE0C0  }
0x42: {  	[tilespmem:s14], [sflag:$0x2] =	stream.indirect.gather [hbm4b:s5+s11], $0x40, s19, s11, $0xb8;
	[tilespmem:$0x1D880] =	vst v63  }
0x43: {  	_ =	swait.ge [sflag:s0], $0x1F40  }
0x44: {  	[sflag:s0] =	ssyncset.done $0x0  }
0x45: {  	s17 =	simm.s32 $0x380;
	[sflag:s0] =	ssyncadd.s32 $0xFFFFE0C0  }
0x46: {  	[tilespmem:s16], [sflag:$0x3] =	stream.indirect.gather [hbm4b:s5+s11], $0x40, s17, s11, $0xb8;
	[tilespmem:$0x1D880] =	vst v63  }
0x47: {  	_ =	swait.ge [sflag:s1], $0x1F40  }
0x48: {  	[sflag:s1] =	ssyncset.done $0x0  }
0x49: {  	s19 =	simm.s32 $0x400;
	[sflag:s1] =	ssyncadd.s32 $0xFFFFE0C0  }
0x4a: {  	[tilespmem:s18], [sflag:$0x4] =	stream.indirect.gather [hbm4b:s5+s11], $0x40, s19, s11, $0xb8;
	[tilespmem:$0x1D880] =	vst v63  }
0x4b: {  	_ =	swait.ge [sflag:s8], $0x1F40  }
0x4c: {  	[sflag:s8] =	ssyncset.done $0x0  }
0x4d: {  	s15 =	simm.s32 $0xA00;
	s17 =	simm.s32 $0x480;
	[sflag:s8] =	ssyncadd.s32 $0xFFFFE0C0  }
.LBB2_2:
0x4e: {  	[tilespmem:s20], [sflag:$0x5] =	stream.indirect.gather [hbm4b:s5+s11], $0x40, s17, s11, $0xb8;
	[tilespmem:$0x1D880] =	vst v63  }
0x4f: {  	s17 =	smov.u32 s15  }
0x50: {  	p0 =	sne.s32 s15, $0x12C00;
	s15 =	sadd.s32 $0xA00, s15;
	_ =	swait.ge [sflag:s24], $0x1F40  }
0x51: {  	s17 =	sshra.s32 s17, $0x2;
	[sflag:s24] =	ssyncset.done $0x0  }
0x52: {  	s19 =	sadd.s32 $0x5000, s17;
	[sflag:s24] =	ssyncadd.s32 $0xFFFFE0C0  }
0x53: {  	[spmem:s2] =	stream.indirect.scatter.add.f32 [tilespmem:s12], [sflag:$0x6], $0x40, s19, s11, $0xb8;
	[tilespmem:$0x1D880] =	vst v63  }
0x54: {  	_ =	swait.ge [sflag:s25], $0x1F40  }
0x55: {  	[sflag:s25] =	ssyncset.done $0x0  }
0x56: {  	s19 =	sadd.s32 $0x5080, s17;
	[sflag:s25] =	ssyncadd.s32 $0xFFFFE0C0  }
0x57: {  	[spmem:s2] =	stream.indirect.scatter.add.f32 [tilespmem:s14], [sflag:$0x7], $0x40, s19, s11, $0xb8;
	[tilespmem:$0x1D880] =	vst v63  }
0x58: {  	_ =	swait.ge [sflag:s26], $0x1F40  }
0x59: {  	[sflag:s26] =	ssyncset.done $0x0  }
0x5a: {  	s19 =	sadd.s32 $0x5100, s17;
	[sflag:s26] =	ssyncadd.s32 $0xFFFFE0C0  }
0x5b: {  	[spmem:s2] =	stream.indirect.scatter.add.f32 [tilespmem:s16], [sflag:$0x8], $0x40, s19, s11, $0xb8;
	[tilespmem:$0x1D880] =	vst v63  }
0x5c: {  	_ =	swait.ge [sflag:s28], $0x1F40  }
0x5d: {  	[sflag:s28] =	ssyncset.done $0x0  }
0x5e: {  	s19 =	sadd.s32 $0x5180, s17;
	[sflag:s28] =	ssyncadd.s32 $0xFFFFE0C0  }
0x5f: {  	[spmem:s2] =	stream.indirect.scatter.add.f32 [tilespmem:s18], [sflag:$0x9], $0x40, s19, s11, $0xb8;
	[tilespmem:$0x1D880] =	vst v63  }
0x60: {  	_ =	swait.ge [sflag:s29], $0x1F40  }
0x61: {  	[sflag:s29] =	ssyncset.done $0x0  }
0x62: {  	s19 =	sadd.s32 $0x5200, s17;
	[sflag:s29] =	ssyncadd.s32 $0xFFFFE0C0  }
0x63: {  	[spmem:s2] =	stream.indirect.scatter.add.f32 [tilespmem:s20], [sflag:$0xA], $0x40, s19, s11, $0xb8;
	[tilespmem:$0x1D880] =	vst v63  }
0x64: {  	_ =	swait.ge [sflag:s30], $0x1F40  }
0x65: {  	[sflag:s30] =	ssyncset.done $0x0  }
0x66: {  	s19 =	sadd.s32 $0x280, s17;
	[sflag:s30] =	ssyncadd.s32 $0xFFFFE0C0  }
0x67: {  	[tilespmem:s12], [sflag:$0x1] =	stream.indirect.gather [hbm4b:s5+s11], $0x40, s19, s11, $0xb8;
	[tilespmem:$0x1D880] =	vst v63  }
0x68: {  	_ =	swait.ge [sflag:s31], $0x1F40  }
0x69: {  	[sflag:s31] =	ssyncset.done $0x0  }
0x6a: {  	s19 =	sadd.s32 $0x300, s17;
	[sflag:s31] =	ssyncadd.s32 $0xFFFFE0C0  }
0x6b: {  	[tilespmem:s14], [sflag:$0x2] =	stream.indirect.gather [hbm4b:s5+s11], $0x40, s19, s11, $0xb8;
	[tilespmem:$0x1D880] =	vst v63  }
0x6c: {  	_ =	swait.ge [sflag:s0], $0x1F40  }
0x6d: {  	[sflag:s0] =	ssyncset.done $0x0  }
0x6e: {  	s19 =	sadd.s32 $0x380, s17;
	[sflag:s0] =	ssyncadd.s32 $0xFFFFE0C0  }
0x6f: {  	[tilespmem:s16], [sflag:$0x3] =	stream.indirect.gather [hbm4b:s5+s11], $0x40, s19, s11, $0xb8;
	[tilespmem:$0x1D880] =	vst v63  }
0x70: {  	_ =	swait.ge [sflag:s1], $0x1F40  }
0x71: {  	[sflag:s1] =	ssyncset.done $0x0  }
.Ltmp0:
0x72: {  	s19 =	sadd.s32 $0x400, s17;
	[sflag:s1] =	ssyncadd.s32 $0xFFFFE0C0;
	(pc) =	sbr.rel @p0 .LBB2_2-.Ltmp0, $4  }
0x73: {  	[tilespmem:s18], [sflag:$0x4] =	stream.indirect.gather [hbm4b:s5+s11], $0x40, s19, s11, $0xb8;
	[tilespmem:$0x1D880] =	vst v63  }
0x74: {  	_ =	swait.ge [sflag:s8], $0x1F40  }
0x75: {  	[sflag:s8] =	ssyncset.done $0x0  }
0x76: {  	s17 =	sadd.s32 $0x480, s17;
	[sflag:s8] =	ssyncadd.s32 $0xFFFFE0C0  }
0x77: {  	[tilespmem:s20], [sflag:$0x5] =	stream.indirect.gather [hbm4b:s5+s11], $0x40, s17, s11, $0xb8;
	[tilespmem:$0x1D880] =	vst v63  }
0x78: {  	_ =	swait.ge [sflag:s24], $0x1F40  }
0x79: {  	[sflag:s24] =	ssyncset.done $0x0  }
0x7a: {  	s15 =	simm.s32 $0x9D80;
	[sflag:s24] =	ssyncadd.s32 $0xFFFFE0C0  }
0x7b: {  	[spmem:s2] =	stream.indirect.scatter.add.f32 [tilespmem:s12], [sflag:$0x6], $0x40, s15, s11, $0xb8;
	[tilespmem:$0x1D880] =	vst v63  }
0x7c: {  	_ =	swait.ge [sflag:s25], $0x1F40  }
0x7d: {  	[sflag:s25] =	ssyncset.done $0x0  }
0x7e: {  	s17 =	simm.s32 $0x9E00;
	[sflag:s25] =	ssyncadd.s32 $0xFFFFE0C0  }
0x7f: {  	[spmem:s2] =	stream.indirect.scatter.add.f32 [tilespmem:s14], [sflag:$0x7], $0x40, s17, s11, $0xb8;
	[tilespmem:$0x1D880] =	vst v63  }
0x80: {  	_ =	swait.ge [sflag:s26], $0x1F40  }
0x81: {  	[sflag:s26] =	ssyncset.done $0x0  }
0x82: {  	s19 =	simm.s32 $0x9E80;
	[sflag:s26] =	ssyncadd.s32 $0xFFFFE0C0  }
0x83: {  	[spmem:s2] =	stream.indirect.scatter.add.f32 [tilespmem:s16], [sflag:$0x8], $0x40, s19, s11, $0xb8;
	[tilespmem:$0x1D880] =	vst v63  }
0x84: {  	_ =	swait.ge [sflag:s28], $0x1F40  }
0x85: {  	[sflag:s28] =	ssyncset.done $0x0  }
0x86: {  	s17 =	simm.s32 $0x9F00;
	[sflag:s28] =	ssyncadd.s32 $0xFFFFE0C0  }
0x87: {  	[spmem:s2] =	stream.indirect.scatter.add.f32 [tilespmem:s18], [sflag:$0x9], $0x40, s17, s11, $0xb8;
	[tilespmem:$0x1D880] =	vst v63  }
0x88: {  	_ =	swait.ge [sflag:s29], $0x1F40  }
0x89: {  	[sflag:s29] =	ssyncset.done $0x0  }
0x8a: {  	s19 =	simm.s32 $0x9F80;
	[sflag:s29] =	ssyncadd.s32 $0xFFFFE0C0  }
0x8b: {  	[spmem:s2] =	stream.indirect.scatter.add.f32 [tilespmem:s20], [sflag:$0xA], $0x40, s19, s11, $0xb8;
	[tilespmem:$0x1D880] =	vst v63  }
0x8c: {  	_ =	swait.ge [sflag:s30], $0x1F40  }
0x8d: {  	[sflag:s30] =	ssyncset.done $0x0  }
0x8e: {  	[sflag:s30] =	ssyncadd.s32 $0xFFFFE0C0  }
0x8f: {  	_ =	swait.ge [sflag:s31], $0x1F40  }
0x90: {  	[sflag:s31] =	ssyncset.done $0x0  }
0x91: {  	[sflag:s31] =	ssyncadd.s32 $0xFFFFE0C0  }
0x92: {  	_ =	swait.ge [sflag:s0], $0x1F40  }
0x93: {  	[sflag:s0] =	ssyncset.done $0x0  }
0x94: {  	[sflag:s0] =	ssyncadd.s32 $0xFFFFE0C0  }
0x95: {  	_ =	swait.ge [sflag:s1], $0x1F40  }
0x96: {  	[sflag:s1] =	ssyncset.done $0x0  }
0x97: {  	[sflag:s1] =	ssyncadd.s32 $0xFFFFE0C0  }
0x98: {  	_ =	swait.ge [sflag:s8], $0x1F40  }
0x99: {  	s13 =	sadd.s32 $0x1, s13;
	[sflag:s8] =	ssyncset.done $0x0  }
0x9a: {  	p0 =	sne.s32 s13, s7;
	[sflag:s8] =	ssyncadd.s32 $0xFFFFE0C0  }
.Ltmp1:
0x9b: {  	[bflag:$0x0] =	sbarrier.arrive $0xFFFF;
	(pc) =	sbr.rel @p0 .LBB2_1-.Ltmp1, $4  }
0x9c: {  	[hbm:s6@s9], [sflag:s22] =	dma.strided [spmem:s23@s0], $0x1388, s24, $0x8   }
0x9d: {  	_ =	swait.ge [sflag:s10], $0x1388  }
0x9e: {  	[sflag:s10] =	ssyncset.done $0x0  }
0x9f: {  	[sflag:s10] =	ssyncadd.s32 $0xFFFFEC78  }
0xa0: {  	_ =	sfence.sel $0x180000  }
0xa1: {  	[bflag:$0x0] =	sbarrier.arrive $0xFFFF  }
0xa2: {  	_ =	strace $0x9000004A  }
0xa3: {  	s0 =	stileid.u32;
	[bflag:$0x2] =	sbarrier.arrive $0xFFFF  }
0xa4: {  	p0 =	sne.s32 s0, $0x0;
	s0 =	rddreg [dreg:$0x4]  }
0xa5: {  	s0 =	sadd.s32 @!p0 $0x100000, s0  }
0xa6: {  	[sflag:s0] =	ssyncadd.tile.s32 @!p0 $0x1;
	_ =	shalt  }
.Lfunc_end2:
_tile_overlayer_lowered:
.L_overlay_start_2:
0xa7: {  	(tag) =	ssettag $0x2  }
0xa8: {  	s0 =	rddreg [dreg:$0x0];
	s2 =	stileid.u32  }
0xa9: {  	s1 =	rddreg [dreg:$0x1];
	p0 =	sne.s32 s2, $0x0  }
0xaa: {  	s3 =	rddreg [dreg:$0x2];
	[bflag:$0x3] =	sbarrier.arrive $0xFFFF;
	s2 =	simm.s32 @!p0 $0x1C0B  }
0xab: {  	[timem:s3], [sflag:s2] =	dma.local @!p0 [hbm:s0], s1  }
0xac: {  	s0 =	simm.s32 @!p0 $0xB  }
0xad: {  	_ =	swait.ge @!p0 [sflag:s0], s1  }
0xae: {  	s1 =	ssub.s32 @!p0 $0x0, s1;
	[sflag:s0] =	ssyncset.done @!p0 $0x0  }
0xaf: {  	[sflag:s0] =	ssyncadd.s32 @!p0 s1  }
0xb0: {  	[bflag:$0x3] =	sbarrier.arrive $0xFFFF  }
0xb1: {  	_ =	shalt  }

// kernel: kernel.16.cloned.1.call-start
scs
__scs_entry_jumppad:
0x0: {  	(pc) =	sbr.rel $0x88, $3  }
0x1: {  	(tag) =	ssettag $0x0;
	lr =	simm.s32 $0x1  }
0x2: {  	[smem:$0x3F8F] =	sst lr;
	_ =	strace $0xD0000000  }
0x3: {  	_ = 	snop  }
0x4: {  	_ = 	snop  }
0x5: {  	_ = 	snop  }
0x6: {  	_ = 	snop  }
0x7: {  	_ = 	snop  }
__scs_overlays_trampoline_lowered:
0x8: {  	[smem:$0x3F9E] =	sst s0  }
0x9: {  	[smem:$0x3F9F] =	sst s1  }
0xa: {  	[smem:$0x3FA0] =	sst s2  }
0xb: {  	[smem:$0x3FA1] =	sst s3  }
0xc: {  	[smem:$0x3FA2] =	sst s4  }
0xd: {  	[smem:$0x3FA3] =	sst s5  }
0xe: {  	[smem:$0x3FA4] =	sst s6  }
0xf: {  	[smem:$0x3FA5] =	sst s7  }
0x10: {  	[smem:$0x3FA6] =	sst s8  }
0x11: {  	[smem:$0x3FA7] =	sst s9;
	s0 =	simm.s32 @!p0 $0x0  }
0x12: {  	s1 =	sld [smem:$0x3F8D];
	s0 =	simm.s32 @p0 $0x1  }
0x13: {  	[smem:$0x3FA8] =	sst s0;
	s0 =	simm.s32 @!p1 $0x0  }
0x14: {  	s2 =	sld [smem:$0x3F8C];
	s0 =	simm.s32 @p1 $0x1  }
0x15: {  	[smem:$0x3FA9] =	sst s0;
	s0 =	simm.s32 @!p2 $0x0  }
0x16: {  	s3 =	sld [smem:$0x3FDB];
	s0 =	simm.s32 @p2 $0x1  }
0x17: {  	s4 =	simm.s32 $0x1BF5;
	[smem:$0x3FAB] =	sst s0  }
0x18: {  	s0 =	sld [smem:$0x3F8E];
	_ =	swait.ge [sflag:s4], $0x0  }
0x19: {  	s7 =	sld [smem:$0x3F8F]  }
0x1a: {  	s8 =	sadd.s32 $0xFFFFE003, lr  }
0x1b: {  	s9 =	sadd.s32 $0xFFFFFEF7, lr;
	s5 =	simm.s32 $0xFFFFFFFF;
	p2 =	slt.u32 s8, $0xFFFFF086  }
0x1c: {  	p1 =	slt.u32 s9, $0xF7A;
	s5 =	simm.s32 @!p2 $0x0  }
0x1d: {  	s5 =	simm.s32 @p1 $0x1;
	p0 =	seq.s32 s7, s2  }
0x1e: {  	s7 =	smul.u32 @!p0 $0xF7A, s2;
	p2 =	seq.s32 @!p0 s5, $0x0  }
0x1f: {  	s9 =	smul.u32 $0xF7A, s1;
	s8 =	simm.s32 @!p0 $0x1BF5;
	p2 =	por !p2, p0  }
0x20: {  	[sflag:s8] =	ssyncset.s32 @!p0 $0xFFFFF086;
	s6 =	sadd.s32 @!p0 s3, s7;
	s7 =	simm.s32 @!p0 $0x108  }
0x21: {  	s3 =	sadd.s32 s3, s9;
	s6 =	sadd.s32 @!p0 $0x88, s6;
	s7 =	simm.s32 @p2 $0x1082  }
0x22: {  	[simem:s7], [sflag:s8] =	dma.local @!p0 [hbm:s6], $0xF7A  }
0x23: {  	s9 =	sor.u32 $0xD0000000, s2;
	s6 =	simm.s32 $0x108;
	_ =	swait.ge @!p0 [sflag:s8], $0x0  }
0x24: {  	s3 =	sadd.s32 $0x88, s3;
	s6 =	simm.s32 @!p1 $0x1082;
	[sflag:s4] =	ssyncset.s32 $0xFFFFF086  }
0x25: {  	[simem:s6], [sflag:s4] =	dma.local [hbm:s3], $0xF7A  }
0x26: {  	[smem:$0x3F8F] =	sst s1;
	(tag) =	ssettag s2;
	_ =	strace s9  }
0x27: {  	s1 =	sld [smem:$0x3F9F]  }
0x28: {  	s2 =	sld [smem:$0x3FA0]  }
0x29: {  	s4 =	sld [smem:$0x3FA2]  }
0x2a: {  	p0 =	seq.s32 s5, $0x0;
	s5 =	sld [smem:$0x3FA3]  }
0x2b: {  	s6 =	sld [smem:$0x3FA4]  }
0x2c: {  	s7 =	sld [smem:$0x3FA5]  }
0x2d: {  	s3 =	simm.s32 $0x108;
	s8 =	sld [smem:$0x3FA6]  }
0x2e: {  	s3 =	simm.s32 @!p0 $0x1082;
	s9 =	sld [smem:$0x3FA7]  }
0x2f: {  	lr =	sadd.s32 s0, s3;
	s0 =	sld [smem:$0x3F9E]  }
0x30: {  	s3 =	sld [smem:$0x3FA1]  }
0x31: {  	[smem:$0x3FAA] =	sst s10  }
0x32: {  	s10 =	sld [smem:$0x3FA8];
	_ =	sdelay $0x3  }
0x33: {  	p0 =	seq.s32 s10, $0x1;
	s10 =	sld [smem:$0x3FAA];
	_ =	sdelay $0x3  }
0x34: {  	[smem:$0x3FAA] =	sst s10  }
0x35: {  	s10 =	sld [smem:$0x3FA9];
	_ =	sdelay $0x3  }
0x36: {  	p1 =	seq.s32 s10, $0x1;
	s10 =	sld [smem:$0x3FAA];
	_ =	sdelay $0x3  }
0x37: {  	[smem:$0x3FAA] =	sst s10  }
0x38: {  	s10 =	sld [smem:$0x3FAB]  }
0x39: {  	_ = 	snop;
	(pc) =	sbr.ind lr, $3  }
0x3a: {  	_ = 	snop  }
0x3b: {  	_ = 	snop  }
0x3c: {  	p2 =	seq.s32 s10, $0x1;
	s10 =	sld [smem:$0x3FAA]  }
0x3d: {  	_ =	shalt  }
0x3e: {  	_ =	shalt  }
0x3f: {  	_ =	shalt  }
0x40: {  	_ =	shalt  }
0x41: {  	_ =	shalt  }
0x42: {  	_ =	shalt  }
0x43: {  	_ =	shalt  }
0x44: {  	_ =	shalt  }
0x45: {  	_ =	shalt  }
0x46: {  	_ =	shalt  }
0x47: {  	_ =	shalt  }
0x48: {  	_ =	shalt  }
0x49: {  	_ =	shalt  }
0x4a: {  	_ =	shalt  }
0x4b: {  	_ =	shalt  }
0x4c: {  	_ =	shalt  }
0x4d: {  	_ =	shalt  }
0x4e: {  	_ =	shalt  }
0x4f: {  	_ =	shalt  }
0x50: {  	_ =	shalt  }
0x51: {  	_ =	shalt  }
0x52: {  	_ =	shalt  }
0x53: {  	_ =	shalt  }
0x54: {  	_ =	shalt  }
0x55: {  	_ =	shalt  }
0x56: {  	_ =	shalt  }
0x57: {  	_ =	shalt  }
0x58: {  	_ =	shalt  }
0x59: {  	_ =	shalt  }
0x5a: {  	_ =	shalt  }
0x5b: {  	_ =	shalt  }
0x5c: {  	_ =	shalt  }
0x5d: {  	_ =	shalt  }
0x5e: {  	_ =	shalt  }
0x5f: {  	_ =	shalt  }
0x60: {  	_ =	shalt  }
0x61: {  	_ =	shalt  }
0x62: {  	_ =	shalt  }
0x63: {  	_ =	shalt  }
0x64: {  	_ =	shalt  }
0x65: {  	_ =	shalt  }
0x66: {  	_ =	shalt  }
0x67: {  	_ =	shalt  }
0x68: {  	_ =	shalt  }
0x69: {  	_ =	shalt  }
0x6a: {  	_ =	shalt  }
0x6b: {  	_ =	shalt  }
0x6c: {  	_ =	shalt  }
0x6d: {  	_ =	shalt  }
0x6e: {  	_ =	shalt  }
0x6f: {  	_ =	shalt  }
0x70: {  	_ =	shalt  }
0x71: {  	_ =	shalt  }
0x72: {  	_ =	shalt  }
0x73: {  	_ =	shalt  }
0x74: {  	_ =	shalt  }
0x75: {  	_ =	shalt  }
0x76: {  	_ =	shalt  }
0x77: {  	_ =	shalt  }
0x78: {  	_ =	shalt  }
0x79: {  	_ =	shalt  }
0x7a: {  	_ =	shalt  }
0x7b: {  	_ =	shalt  }
0x7c: {  	_ =	shalt  }
0x7d: {  	_ =	shalt  }
0x7e: {  	_ =	shalt  }
0x7f: {  	_ =	shalt  }
0x80: {  	_ =	shalt  }
0x81: {  	_ =	shalt  }
0x82: {  	_ =	shalt  }
0x83: {  	_ =	shalt  }
0x84: {  	_ =	shalt  }
0x85: {  	_ =	shalt  }
0x86: {  	_ =	shalt  }
0x87: {  	_ =	shalt  }
.Lfunc_end0:
.L_simem_size_0:
called_computation.2_lowered:
.L_overlay_start_0:
0x88: {  	s2 =	sld [smem:$0x3FD9]  }
0x89: {  	s3 =	sld [smem:$0x3FFE];
	_ =	sdelay $0x1  }
0x8a: {  	s1 =	srdreg.scid  }
0x8b: {  	s0 =	sand.u32 $0x1, s1  }
0x8c: {  	s14 =	sshll.u32 s0, $0xA;
	s2 =	sadd.s32 s3, s2  }
0x8d: {  	s2 =	sadd.s32 s2, s14  }
0x8e: {  	[smem:$0x3FB6] =	sst s2  }
0x8f: {  	_ = 	snop  }
0x90: {  	s2 =	sld [smem:$0x3FD0];
	_ =	sdelay $0x2  }
0x91: {  	s15 =	simm.s32 $0xB;
	s4 =	simm.s32 $0x10  }
0x92: {  	[smem:s4], [sflag:s15] =	dma.local [hbm:s2], $0x1  }
0x93: {  	_ =	swait.eq [sflag:s15], $0x1  }
0x94: {  	[sflag:s15] =	ssyncset.done $0x0  }
0x95: {  	s16 =	sld [smem:$0x11];
	[sflag:s15] =	ssyncadd.s32 $0xFFFFFFFF  }
0x96: {  	s17 =	sld [smem:$0x12];
	(tm) =	ssettm $0x1  }
0x97: {  	s18 =	sld [smem:$0x3FFB];
	_ =	sdelay $0x3  }
0x98: {  	_ =	strace s18  }
0x99: {  	s4 =	sld [smem:$0x3FFC];
	_ =	sdelay $0x3  }
0x9a: {  	_ =	strace s4  }
0x9b: {  	s4 =	sld [smem:$0x3FFD];
	_ =	sdelay $0x3  }
0x9c: {  	_ =	strace s4  }
0x9d: {  	_ =	strace $0x8FFFFFFF  }
0x9e: {  	s19 =	sld [smem:$0x3FDB];
	_ =	sdelay $0x1  }
0x9f: {  	s5 =	simm.s32 $_scs_section_size  }
0xa0: {  	s6 =	simm.s32 $_size__tile_overlayer_lowered;
	s7 =	simm.s32 $_tile_overlayer_lowered  }
0xa1: {  	s22 =	simm.s32 $0x1BFF;
	s21 =	sshll.u32 s7, $0x1;
	s4 =	sadd.s32 s5, s19  }
0xa2: {  	s8 =	simm.s32 $0x0;
	s20 =	sshll.u32 s6, $0x1;
	s6 =	sadd.s32 s21, s4  }
0xa3: {  	[timem:s8], [sflag:s22] =	dma.local [hbm:s6], s20  }
0xa4: {  	_ =	swait.ge [sflag:s22], s20  }
0xa5: {  	s5 =	ssub.s32 $0x0, s20;
	[sflag:s22] =	ssyncset.done $0x0  }
0xa6: {  	[sflag:s22] =	ssyncadd.s32 s5;
	_ =	sdelay $0x1  }
0xa7: {  	s23 =	simm.s32 $0x1B8B  }
0xa8: {  	_ =	swait.ge [sflag:s23], $0x1  }
0xa9: {  	[sflag:s23] =	ssyncset.done $0x0  }
0xaa: {  	s25 =	simm.s32 $0x1B8E;
	s24 =	sld [smem:$0x3FFE];
	[sflag:s23] =	ssyncadd.s32 $0xFFFFFFFF  }
0xab: {  	s26 =	simm.s32 $execute0_lowered;
	[smem:$0x3FD2] =	sst s25  }
0xac: {  	s6 =	sshll.u32 s26, $0x1;
	_ =	strace $0x8000004C;
	[dreg:$0x1] =	wrdreg $0xFFFFFFFF  }
0xad: {  	s28 =	simm.s32 $_size_execute0_lowered;
	s4 =	sadd.s32 s4, s6;
	[dreg:$0x0] =	wrdreg $0x0  }
0xae: {  	s6 =	sshll.u32 s28, $0x1;
	[dreg:$0x2] =	wrdreg s4  }
0xaf: {  	[dreg:$0x3] =	wrdreg s6  }
0xb0: {  	[dreg:$0x4] =	wrdreg $0xC0  }
0xb1: {  	_ =	task [dreg:s8], $0x5FFFF  }
0xb2: {  	[dreg:$0x1] =	wrdreg $0xFFFFFFFF  }
0xb3: {  	[dreg:$0x0] =	wrdreg $0x60  }
0xb4: {  	[dreg:$0x2] =	wrdreg s17  }
0xb5: {  	[dreg:$0x3] =	wrdreg s24  }
0xb6: {  	[dreg:$0x4] =	wrdreg s16  }
0xb7: {  	[dreg:$0x5] =	wrdreg $0x13C400  }
0xb8: {  	[dreg:$0x6] =	wrdreg $0x9  }
0xb9: {  	_ =	task.clear_ibuf [dreg:s8], $0x7FFFF;
	_ =	strace $0x9000004C  }
0xba: {  	s29 =	simm.s32 $0x9;
	_ =	strace $0x8000004E  }
0xbb: {  	_ =	swait.ge [sflag:s29], $0x1  }
0xbc: {  	[sflag:s29] =	ssyncadd.s32 $0xFFFFFFFF  }
0xbd: {  	_ =	strace $0x9000004E  }
0xbe: {  	_ =	sfence  }
0xbf: {  	s30 =	sld [smem:$0x0];
	_ =	sdelay $0x2  }
0xc0: {  	s31 =	sshll.u32 s1, $0xD;
	s1 =	sshrl.u32 s1, $0x2  }
0xc1: {  	s3 =	sand.u32 $0x4000, s31;
	s1 =	sadd.s32 s1, s30  }
0xc2: {  	s0 =	sor.u32 s3, s0;
	s1 =	sshll.u32 s1, $0x11  }
0xc3: {  	s0 =	sor.u32 s1, s0  }
0xc4: {  	s0 =	sadd.s32 $0x8F2B, s0  }
0xc5: {  	[sflag:s0] =	ssyncadd.remote.s32 $0x1  }
0xc6: {  	_ =	sfence.sel $0xFFFF  }
0xc7: {  	[dreg:$0x0] =	wrdreg $0xFFFFFFFF;
	(pc) =	sbr.abs _section_cstart, $3  }
0xc8: {  	[dreg:$0x1] =	wrdreg $0xFFFFFFFF  }
0xc9: {  	_ =	task.clear_ibuf [dreg:s8], $0x2FFFF;
	_ =	strace $0x9FFFFFFF  }
0xca: {  	(tm) =	ssettm $0x7FFFFFFF  }
0xcb: {  	_ =	shalt  }
tec
execute0_lowered:
.L_overlay_start_1:
0x0: {  	(tag) =	ssettag $0x1  }
0x1: {  	s0 =	rddreg [dreg:$0x0]  }
0x2: {  	s1 =	rddreg [dreg:$0x1]  }
0x3: {  	s6 =	rddreg [dreg:$0x2]  }
0x4: {  	s2 =	rddreg [dreg:$0x3];
	s3 =	simm.s32 $0x0  }
0x5: {  	s13 =	stileid.u32;
	s4 =	srdreg.scid;
	s12 =	simm.s32 $0xA000  }
0x6: {  	s14 =	simm.s32 $0xBF40;
	s16 =	simm.s32 $0xDE80;
	s18 =	simm.s32 $0xFDC0  }
0x7: {  	s20 =	simm.s32 $0x11D00;
	s28 =	simm.s32 $0x4;
	s29 =	simm.s32 $0x5  }
0x8: {  	s30 =	simm.s32 $0x6;
	s31 =	simm.s32 $0x7;
	s5 =	smul.u32 $0xA00, s13  }
0x9: {  	[smem:$0x7FF] =	sst s3;
	s4 =	sand.u32 $0x1, s4;
	s9 =	smul.u32 $0x13880, s13  }
0xa: {  	s10 =	smul.u32 $0x9C40, s13;
	s26 =	sshll.u32 s13, $0x6;
	s13 =	simm.s32 $0x0  }
0xb: {  	_ =	strace $0x8000004D;
	s7 =	ssub.s32 $0x2, s4;
	s8 =	smul.u32 $0x13880, s4  }
0xc: {  	s11 =	sshll.u32 s4, $0x6;
	s1 =	sadd.s32 s5, s1;
	s22 =	sshrl.u32 s7, $0x1  }
0xd: {  	s23 =	sor.u32 s11, s9;
	s24 =	sadd.s32 s10, s2;
	s25 =	sshrl.u32 s10, $0x3  }
0xe: {  	s10 =	simm.s32 $0xB;
	s11 =	simm.s32 $0x7D;
	s9 =	simm.s32 $0x10  }
0xf: {  	s7 =	ssub.s32 s7, s22;
	s4 =	sadd.s32 $0x5600, s1;
	s5 =	sadd.s32 s0, s8  }
0x10: {  	s0 =	sshrl.u32 s23, $0x3;
	s22 =	sor.u32 $0x1C0B, s26;
	s23 =	sshrl.u32 s24, $0x3  }
0x11: {  	s24 =	simm.s32 $0x1;
	s26 =	simm.s32 $0x3;
	s1 =	simm.s32 $0x9  }
0x12: {  	s8 =	simm.s32 $0xA;
	s6 =	sadd.s32 s6, s0;
	s7 =	smax.u32 s7, $0x1  }
0x13: {  	s21 =	sadd.s32 s25, s5;
	s25 =	simm.s32 $0x2;
	s0 =	simm.s32 $0x8  }
.LBB2_1:
0x14: {  	s15 =	simm.s32 $0x5000;
	s17 =	simm.s32 $0x50000  }
0x15: {  	[tilespmem:s3], [sflag:$0xB] =	stream.strided.gather [hbm4b:s4+s15], $0xA000, s17, s15, $0x38;
	[tilespmem:$0x1D880] =	vst v63  }
0x16: {  	_ =	swait.ge [sflag:s10], $0xA000  }
0x17: {  	[sflag:s10] =	ssyncset.done $0x0  }
0x18: {  	[sflag:s10] =	ssyncadd.s32 $0xFFFF6000  }
0x19: {  	[tilespmem:s12], [sflag:$0x1] =	stream.indirect.gather [hbm4b:s5+s11], $0x40, s3, s11, $0xb8;
	[tilespmem:$0x1D880] =	vst v63  }
0x1a: {  	s19 =	simm.s32 $0x80  }
0x1b: {  	[tilespmem:s14], [sflag:$0x2] =	stream.indirect.gather [hbm4b:s5+s11], $0x40, s19, s11, $0xb8;
	[tilespmem:$0x1D880] =	vst v63  }
0x1c: {  	s17 =	simm.s32 $0x100  }
0x1d: {  	[tilespmem:s16], [sflag:$0x3] =	stream.indirect.gather [hbm4b:s5+s11], $0x40, s17, s11, $0xb8;
	[tilespmem:$0x1D880] =	vst v63  }
0x1e: {  	s19 =	simm.s32 $0x180  }
0x1f: {  	[tilespmem:s18], [sflag:$0x4] =	stream.indirect.gather [hbm4b:s5+s11], $0x40, s19, s11, $0xb8;
	[tilespmem:$0x1D880] =	vst v63  }
0x20: {  	s17 =	simm.s32 $0x200  }
0x21: {  	[tilespmem:s20], [sflag:$0x5] =	stream.indirect.gather [hbm4b:s5+s11], $0x40, s17, s11, $0xb8;
	[tilespmem:$0x1D880] =	vst v63  }
0x22: {  	[spmem:s23], [sflag:s22] =	dma.local [hbm:s21], $0x1388  }
0x23: {  	_ =	swait.ge [sflag:s10], $0x1388  }
0x24: {  	[sflag:s10] =	ssyncset.done $0x0  }
0x25: {  	[sflag:s10] =	ssyncadd.s32 $0xFFFFEC78  }
0x26: {  	[bflag:$0x0] =	sbarrier.arrive $0xFFFF  }
0x27: {  	_ =	swait.ge [sflag:s24], $0x1F40  }
0x28: {  	[sflag:s24] =	ssyncset.done $0x0  }
0x29: {  	s19 =	simm.s32 $0x5000;
	[sflag:s24] =	ssyncadd.s32 $0xFFFFE0C0  }
0x2a: {  	[spmem:s2] =	stream.indirect.scatter.add.f32 [tilespmem:s12], [sflag:$0x6], $0x40, s19, s11, $0xb8;
	[tilespmem:$0x1D880] =	vst v63  }
0x2b: {  	_ =	swait.ge [sflag:s25], $0x1F40  }
0x2c: {  	[sflag:s25] =	ssyncset.done $0x0  }
0x2d: {  	s17 =	simm.s32 $0x5080;
	[sflag:s25] =	ssyncadd.s32 $0xFFFFE0C0  }
0x2e: {  	[spmem:s2] =	stream.indirect.scatter.add.f32 [tilespmem:s14], [sflag:$0x7], $0x40, s17, s11, $0xb8;
	[tilespmem:$0x1D880] =	vst v63  }
0x2f: {  	_ =	swait.ge [sflag:s26], $0x1F40  }
0x30: {  	[sflag:s26] =	ssyncset.done $0x0  }
0x31: {  	s19 =	simm.s32 $0x5100;
	[sflag:s26] =	ssyncadd.s32 $0xFFFFE0C0  }
0x32: {  	[spmem:s2] =	stream.indirect.scatter.add.f32 [tilespmem:s16], [sflag:$0x8], $0x40, s19, s11, $0xb8;
	[tilespmem:$0x1D880] =	vst v63  }
0x33: {  	_ =	swait.ge [sflag:s28], $0x1F40  }
0x34: {  	[sflag:s28] =	ssyncset.done $0x0  }
0x35: {  	s17 =	simm.s32 $0x5180;
	[sflag:s28] =	ssyncadd.s32 $0xFFFFE0C0  }
0x36: {  	[spmem:s2] =	stream.indirect.scatter.add.f32 [tilespmem:s18], [sflag:$0x9], $0x40, s17, s11, $0xb8;
	[tilespmem:$0x1D880] =	vst v63  }
0x37: {  	_ =	swait.ge [sflag:s29], $0x1F40  }
0x38: {  	[sflag:s29] =	ssyncset.done $0x0  }
0x39: {  	s19 =	simm.s32 $0x5200;
	[sflag:s29] =	ssyncadd.s32 $0xFFFFE0C0  }
0x3a: {  	[spmem:s2] =	stream.indirect.scatter.add.f32 [tilespmem:s20], [sflag:$0xA], $0x40, s19, s11, $0xb8;
	[tilespmem:$0x1D880] =	vst v63  }
0x3b: {  	_ =	swait.ge [sflag:s30], $0x1F40  }
0x3c: {  	[sflag:s30] =	ssyncset.done $0x0  }
0x3d: {  	s17 =	simm.s32 $0x280;
	[sflag:s30] =	ssyncadd.s32 $0xFFFFE0C0  }
0x3e: {  	[tilespmem:s12], [sflag:$0x1] =	stream.indirect.gather [hbm4b:s5+s11], $0x40, s17, s11, $0xb8;
	[tilespmem:$0x1D880] =	vst v63  }
0x3f: {  	_ =	swait.ge [sflag:s31], $0x1F40  }
0x40: {  	[sflag:s31] =	ssyncset.done $0x0  }
0x41: {  	s19 =	simm.s32 $0x300;
	[sflag:s31] =	ssyncadd.s32 $0xFFFFE0C0  }
0x42: {  	[tilespmem:s14], [sflag:$0x2] =	stream.indirect.gather [hbm4b:s5+s11], $0x40, s19, s11, $0xb8;
	[tilespmem:$0x1D880] =	vst v63  }
0x43: {  	_ =	swait.ge [sflag:s0], $0x1F40  }
0x44: {  	[sflag:s0] =	ssyncset.done $0x0  }
0x45: {  	s17 =	simm.s32 $0x380;
	[sflag:s0] =	ssyncadd.s32 $0xFFFFE0C0  }
0x46: {  	[tilespmem:s16], [sflag:$0x3] =	stream.indirect.gather [hbm4b:s5+s11], $0x40, s17, s11, $0xb8;
	[tilespmem:$0x1D880] =	vst v63  }
0x47: {  	_ =	swait.ge [sflag:s1], $0x1F40  }
0x48: {  	[sflag:s1] =	ssyncset.done $0x0  }
0x49: {  	s19 =	simm.s32 $0x400;
	[sflag:s1] =	ssyncadd.s32 $0xFFFFE0C0  }
0x4a: {  	[tilespmem:s18], [sflag:$0x4] =	stream.indirect.gather [hbm4b:s5+s11], $0x40, s19, s11, $0xb8;
	[tilespmem:$0x1D880] =	vst v63  }
0x4b: {  	_ =	swait.ge [sflag:s8], $0x1F40  }
0x4c: {  	[sflag:s8] =	ssyncset.done $0x0  }
0x4d: {  	s15 =	simm.s32 $0xA00;
	s17 =	simm.s32 $0x480;
	[sflag:s8] =	ssyncadd.s32 $0xFFFFE0C0  }
.LBB2_2:
0x4e: {  	[tilespmem:s20], [sflag:$0x5] =	stream.indirect.gather [hbm4b:s5+s11], $0x40, s17, s11, $0xb8;
	[tilespmem:$0x1D880] =	vst v63  }
0x4f: {  	s17 =	smov.u32 s15  }
0x50: {  	p0 =	sne.s32 s15, $0x12C00;
	s15 =	sadd.s32 $0xA00, s15;
	_ =	swait.ge [sflag:s24], $0x1F40  }
0x51: {  	s17 =	sshra.s32 s17, $0x2;
	[sflag:s24] =	ssyncset.done $0x0  }
0x52: {  	s19 =	sadd.s32 $0x5000, s17;
	[sflag:s24] =	ssyncadd.s32 $0xFFFFE0C0  }
0x53: {  	[spmem:s2] =	stream.indirect.scatter.add.f32 [tilespmem:s12], [sflag:$0x6], $0x40, s19, s11, $0xb8;
	[tilespmem:$0x1D880] =	vst v63  }
0x54: {  	_ =	swait.ge [sflag:s25], $0x1F40  }
0x55: {  	[sflag:s25] =	ssyncset.done $0x0  }
0x56: {  	s19 =	sadd.s32 $0x5080, s17;
	[sflag:s25] =	ssyncadd.s32 $0xFFFFE0C0  }
0x57: {  	[spmem:s2] =	stream.indirect.scatter.add.f32 [tilespmem:s14], [sflag:$0x7], $0x40, s19, s11, $0xb8;
	[tilespmem:$0x1D880] =	vst v63  }
0x58: {  	_ =	swait.ge [sflag:s26], $0x1F40  }
0x59: {  	[sflag:s26] =	ssyncset.done $0x0  }
0x5a: {  	s19 =	sadd.s32 $0x5100, s17;
	[sflag:s26] =	ssyncadd.s32 $0xFFFFE0C0  }
0x5b: {  	[spmem:s2] =	stream.indirect.scatter.add.f32 [tilespmem:s16], [sflag:$0x8], $0x40, s19, s11, $0xb8;
	[tilespmem:$0x1D880] =	vst v63  }
0x5c: {  	_ =	swait.ge [sflag:s28], $0x1F40  }
0x5d: {  	[sflag:s28] =	ssyncset.done $0x0  }
0x5e: {  	s19 =	sadd.s32 $0x5180, s17;
	[sflag:s28] =	ssyncadd.s32 $0xFFFFE0C0  }
0x5f: {  	[spmem:s2] =	stream.indirect.scatter.add.f32 [tilespmem:s18], [sflag:$0x9], $0x40, s19, s11, $0xb8;
	[tilespmem:$0x1D880] =	vst v63  }
0x60: {  	_ =	swait.ge [sflag:s29], $0x1F40  }
0x61: {  	[sflag:s29] =	ssyncset.done $0x0  }
0x62: {  	s19 =	sadd.s32 $0x5200, s17;
	[sflag:s29] =	ssyncadd.s32 $0xFFFFE0C0  }
0x63: {  	[spmem:s2] =	stream.indirect.scatter.add.f32 [tilespmem:s20], [sflag:$0xA], $0x40, s19, s11, $0xb8;
	[tilespmem:$0x1D880] =	vst v63  }
0x64: {  	_ =	swait.ge [sflag:s30], $0x1F40  }
0x65: {  	[sflag:s30] =	ssyncset.done $0x0  }
0x66: {  	s19 =	sadd.s32 $0x280, s17;
	[sflag:s30] =	ssyncadd.s32 $0xFFFFE0C0  }
0x67: {  	[tilespmem:s12], [sflag:$0x1] =	stream.indirect.gather [hbm4b:s5+s11], $0x40, s19, s11, $0xb8;
	[tilespmem:$0x1D880] =	vst v63  }
0x68: {  	_ =	swait.ge [sflag:s31], $0x1F40  }
0x69: {  	[sflag:s31] =	ssyncset.done $0x0  }
0x6a: {  	s19 =	sadd.s32 $0x300, s17;
	[sflag:s31] =	ssyncadd.s32 $0xFFFFE0C0  }
0x6b: {  	[tilespmem:s14], [sflag:$0x2] =	stream.indirect.gather [hbm4b:s5+s11], $0x40, s19, s11, $0xb8;
	[tilespmem:$0x1D880] =	vst v63  }
0x6c: {  	_ =	swait.ge [sflag:s0], $0x1F40  }
0x6d: {  	[sflag:s0] =	ssyncset.done $0x0  }
0x6e: {  	s19 =	sadd.s32 $0x380, s17;
	[sflag:s0] =	ssyncadd.s32 $0xFFFFE0C0  }
0x6f: {  	[tilespmem:s16], [sflag:$0x3] =	stream.indirect.gather [hbm4b:s5+s11], $0x40, s19, s11, $0xb8;
	[tilespmem:$0x1D880] =	vst v63  }
0x70: {  	_ =	swait.ge [sflag:s1], $0x1F40  }
0x71: {  	[sflag:s1] =	ssyncset.done $0x0  }
.Ltmp0:
0x72: {  	s19 =	sadd.s32 $0x400, s17;
	[sflag:s1] =	ssyncadd.s32 $0xFFFFE0C0;
	(pc) =	sbr.rel @p0 .LBB2_2-.Ltmp0, $4  }
0x73: {  	[tilespmem:s18], [sflag:$0x4] =	stream.indirect.gather [hbm4b:s5+s11], $0x40, s19, s11, $0xb8;
	[tilespmem:$0x1D880] =	vst v63  }
0x74: {  	_ =	swait.ge [sflag:s8], $0x1F40  }
0x75: {  	[sflag:s8] =	ssyncset.done $0x0  }
0x76: {  	s17 =	sadd.s32 $0x480, s17;
	[sflag:s8] =	ssyncadd.s32 $0xFFFFE0C0  }
0x77: {  	[tilespmem:s20], [sflag:$0x5] =	stream.indirect.gather [hbm4b:s5+s11], $0x40, s17, s11, $0xb8;
	[tilespmem:$0x1D880] =	vst v63  }
0x78: {  	_ =	swait.ge [sflag:s24], $0x1F40  }
0x79: {  	[sflag:s24] =	ssyncset.done $0x0  }
0x7a: {  	s15 =	simm.s32 $0x9D80;
	[sflag:s24] =	ssyncadd.s32 $0xFFFFE0C0  }
0x7b: {  	[spmem:s2] =	stream.indirect.scatter.add.f32 [tilespmem:s12], [sflag:$0x6], $0x40, s15, s11, $0xb8;
	[tilespmem:$0x1D880] =	vst v63  }
0x7c: {  	_ =	swait.ge [sflag:s25], $0x1F40  }
0x7d: {  	[sflag:s25] =	ssyncset.done $0x0  }
0x7e: {  	s17 =	simm.s32 $0x9E00;
	[sflag:s25] =	ssyncadd.s32 $0xFFFFE0C0  }
0x7f: {  	[spmem:s2] =	stream.indirect.scatter.add.f32 [tilespmem:s14], [sflag:$0x7], $0x40, s17, s11, $0xb8;
	[tilespmem:$0x1D880] =	vst v63  }
0x80: {  	_ =	swait.ge [sflag:s26], $0x1F40  }
0x81: {  	[sflag:s26] =	ssyncset.done $0x0  }
0x82: {  	s19 =	simm.s32 $0x9E80;
	[sflag:s26] =	ssyncadd.s32 $0xFFFFE0C0  }
0x83: {  	[spmem:s2] =	stream.indirect.scatter.add.f32 [tilespmem:s16], [sflag:$0x8], $0x40, s19, s11, $0xb8;
	[tilespmem:$0x1D880] =	vst v63  }
0x84: {  	_ =	swait.ge [sflag:s28], $0x1F40  }
0x85: {  	[sflag:s28] =	ssyncset.done $0x0  }
0x86: {  	s17 =	simm.s32 $0x9F00;
	[sflag:s28] =	ssyncadd.s32 $0xFFFFE0C0  }
0x87: {  	[spmem:s2] =	stream.indirect.scatter.add.f32 [tilespmem:s18], [sflag:$0x9], $0x40, s17, s11, $0xb8;
	[tilespmem:$0x1D880] =	vst v63  }
0x88: {  	_ =	swait.ge [sflag:s29], $0x1F40  }
0x89: {  	[sflag:s29] =	ssyncset.done $0x0  }
0x8a: {  	s19 =	simm.s32 $0x9F80;
	[sflag:s29] =	ssyncadd.s32 $0xFFFFE0C0  }
0x8b: {  	[spmem:s2] =	stream.indirect.scatter.add.f32 [tilespmem:s20], [sflag:$0xA], $0x40, s19, s11, $0xb8;
	[tilespmem:$0x1D880] =	vst v63  }
0x8c: {  	_ =	swait.ge [sflag:s30], $0x1F40  }
0x8d: {  	[sflag:s30] =	ssyncset.done $0x0  }
0x8e: {  	[sflag:s30] =	ssyncadd.s32 $0xFFFFE0C0  }
0x8f: {  	_ =	swait.ge [sflag:s31], $0x1F40  }
0x90: {  	[sflag:s31] =	ssyncset.done $0x0  }
0x91: {  	[sflag:s31] =	ssyncadd.s32 $0xFFFFE0C0  }
0x92: {  	_ =	swait.ge [sflag:s0], $0x1F40  }
0x93: {  	[sflag:s0] =	ssyncset.done $0x0  }
0x94: {  	[sflag:s0] =	ssyncadd.s32 $0xFFFFE0C0  }
0x95: {  	_ =	swait.ge [sflag:s1], $0x1F40  }
0x96: {  	[sflag:s1] =	ssyncset.done $0x0  }
0x97: {  	[sflag:s1] =	ssyncadd.s32 $0xFFFFE0C0  }
0x98: {  	_ =	swait.ge [sflag:s8], $0x1F40  }
0x99: {  	s13 =	sadd.s32 $0x1, s13;
	[sflag:s8] =	ssyncset.done $0x0  }
0x9a: {  	p0 =	sne.s32 s13, s7;
	[sflag:s8] =	ssyncadd.s32 $0xFFFFE0C0  }
.Ltmp1:
0x9b: {  	[bflag:$0x0] =	sbarrier.arrive $0xFFFF;
	(pc) =	sbr.rel @p0 .LBB2_1-.Ltmp1, $4  }
0x9c: {  	[hbm:s6@s9], [sflag:s22] =	dma.strided [spmem:s23@s0], $0x1388, s24, $0x8   }
0x9d: {  	_ =	swait.ge [sflag:s10], $0x1388  }
0x9e: {  	[sflag:s10] =	ssyncset.done $0x0  }
0x9f: {  	[sflag:s10] =	ssyncadd.s32 $0xFFFFEC78  }
0xa0: {  	_ =	sfence.sel $0x180000  }
0xa1: {  	[bflag:$0x0] =	sbarrier.arrive $0xFFFF  }
0xa2: {  	_ =	strace $0x9000004D  }
0xa3: {  	s0 =	stileid.u32;
	[bflag:$0x2] =	sbarrier.arrive $0xFFFF  }
0xa4: {  	p0 =	sne.s32 s0, $0x0;
	s0 =	rddreg [dreg:$0x4]  }
0xa5: {  	s0 =	sadd.s32 @!p0 $0x100000, s0  }
0xa6: {  	[sflag:s0] =	ssyncadd.tile.s32 @!p0 $0x1;
	_ =	shalt  }
.Lfunc_end2:
_tile_overlayer_lowered:
.L_overlay_start_2:
0xa7: {  	(tag) =	ssettag $0x2  }
0xa8: {  	s0 =	rddreg [dreg:$0x0];
	s2 =	stileid.u32  }
0xa9: {  	s1 =	rddreg [dreg:$0x1];
	p0 =	sne.s32 s2, $0x0  }
0xaa: {  	s3 =	rddreg [dreg:$0x2];
	[bflag:$0x3] =	sbarrier.arrive $0xFFFF;
	s2 =	simm.s32 @!p0 $0x1C0B  }
0xab: {  	[timem:s3], [sflag:s2] =	dma.local @!p0 [hbm:s0], s1  }
0xac: {  	s0 =	simm.s32 @!p0 $0xB  }
0xad: {  	_ =	swait.ge @!p0 [sflag:s0], s1  }
0xae: {  	s1 =	ssub.s32 @!p0 $0x0, s1;
	[sflag:s0] =	ssyncset.done @!p0 $0x0  }
0xaf: {  	[sflag:s0] =	ssyncadd.s32 @!p0 s1  }
0xb0: {  	[bflag:$0x3] =	sbarrier.arrive $0xFFFF  }
0xb1: {  	_ =	shalt  }

// kernel: kernel.19.cloned.1.call-start
scs
__scs_entry_jumppad:
0x0: {  	(pc) =	sbr.rel $0x88, $3  }
0x1: {  	(tag) =	ssettag $0x0;
	lr =	simm.s32 $0x1  }
0x2: {  	[smem:$0x3F8F] =	sst lr;
	_ =	strace $0xD0000000  }
0x3: {  	_ = 	snop  }
0x4: {  	_ = 	snop  }
0x5: {  	_ = 	snop  }
0x6: {  	_ = 	snop  }
0x7: {  	_ = 	snop  }
__scs_overlays_trampoline_lowered:
0x8: {  	[smem:$0x3F9E] =	sst s0  }
0x9: {  	[smem:$0x3F9F] =	sst s1  }
0xa: {  	[smem:$0x3FA0] =	sst s2  }
0xb: {  	[smem:$0x3FA1] =	sst s3  }
0xc: {  	[smem:$0x3FA2] =	sst s4  }
0xd: {  	[smem:$0x3FA3] =	sst s5  }
0xe: {  	[smem:$0x3FA4] =	sst s6  }
0xf: {  	[smem:$0x3FA5] =	sst s7  }
0x10: {  	[smem:$0x3FA6] =	sst s8  }
0x11: {  	[smem:$0x3FA7] =	sst s9;
	s0 =	simm.s32 @!p0 $0x0  }
0x12: {  	s1 =	sld [smem:$0x3F8D];
	s0 =	simm.s32 @p0 $0x1  }
0x13: {  	[smem:$0x3FA8] =	sst s0;
	s0 =	simm.s32 @!p1 $0x0  }
0x14: {  	s2 =	sld [smem:$0x3F8C];
	s0 =	simm.s32 @p1 $0x1  }
0x15: {  	[smem:$0x3FA9] =	sst s0;
	s0 =	simm.s32 @!p2 $0x0  }
0x16: {  	s3 =	sld [smem:$0x3FDB];
	s0 =	simm.s32 @p2 $0x1  }
0x17: {  	s4 =	simm.s32 $0x1BF5;
	[smem:$0x3FAB] =	sst s0  }
0x18: {  	s0 =	sld [smem:$0x3F8E];
	_ =	swait.ge [sflag:s4], $0x0  }
0x19: {  	s7 =	sld [smem:$0x3F8F]  }
0x1a: {  	s8 =	sadd.s32 $0xFFFFE003, lr  }
0x1b: {  	s9 =	sadd.s32 $0xFFFFFEF7, lr;
	s5 =	simm.s32 $0xFFFFFFFF;
	p2 =	slt.u32 s8, $0xFFFFF086  }
0x1c: {  	p1 =	slt.u32 s9, $0xF7A;
	s5 =	simm.s32 @!p2 $0x0  }
0x1d: {  	s5 =	simm.s32 @p1 $0x1;
	p0 =	seq.s32 s7, s2  }
0x1e: {  	s7 =	smul.u32 @!p0 $0xF7A, s2;
	p2 =	seq.s32 @!p0 s5, $0x0  }
0x1f: {  	s9 =	smul.u32 $0xF7A, s1;
	s8 =	simm.s32 @!p0 $0x1BF5;
	p2 =	por !p2, p0  }
0x20: {  	[sflag:s8] =	ssyncset.s32 @!p0 $0xFFFFF086;
	s6 =	sadd.s32 @!p0 s3, s7;
	s7 =	simm.s32 @!p0 $0x108  }
0x21: {  	s3 =	sadd.s32 s3, s9;
	s6 =	sadd.s32 @!p0 $0x88, s6;
	s7 =	simm.s32 @p2 $0x1082  }
0x22: {  	[simem:s7], [sflag:s8] =	dma.local @!p0 [hbm:s6], $0xF7A  }
0x23: {  	s9 =	sor.u32 $0xD0000000, s2;
	s6 =	simm.s32 $0x108;
	_ =	swait.ge @!p0 [sflag:s8], $0x0  }
0x24: {  	s3 =	sadd.s32 $0x88, s3;
	s6 =	simm.s32 @!p1 $0x1082;
	[sflag:s4] =	ssyncset.s32 $0xFFFFF086  }
0x25: {  	[simem:s6], [sflag:s4] =	dma.local [hbm:s3], $0xF7A  }
0x26: {  	[smem:$0x3F8F] =	sst s1;
	(tag) =	ssettag s2;
	_ =	strace s9  }
0x27: {  	s1 =	sld [smem:$0x3F9F]  }
0x28: {  	s2 =	sld [smem:$0x3FA0]  }
0x29: {  	s4 =	sld [smem:$0x3FA2]  }
0x2a: {  	p0 =	seq.s32 s5, $0x0;
	s5 =	sld [smem:$0x3FA3]  }
0x2b: {  	s6 =	sld [smem:$0x3FA4]  }
0x2c: {  	s7 =	sld [smem:$0x3FA5]  }
0x2d: {  	s3 =	simm.s32 $0x108;
	s8 =	sld [smem:$0x3FA6]  }
0x2e: {  	s3 =	simm.s32 @!p0 $0x1082;
	s9 =	sld [smem:$0x3FA7]  }
0x2f: {  	lr =	sadd.s32 s0, s3;
	s0 =	sld [smem:$0x3F9E]  }
0x30: {  	s3 =	sld [smem:$0x3FA1]  }
0x31: {  	[smem:$0x3FAA] =	sst s10  }
0x32: {  	s10 =	sld [smem:$0x3FA8];
	_ =	sdelay $0x3  }
0x33: {  	p0 =	seq.s32 s10, $0x1;
	s10 =	sld [smem:$0x3FAA];
	_ =	sdelay $0x3  }
0x34: {  	[smem:$0x3FAA] =	sst s10  }
0x35: {  	s10 =	sld [smem:$0x3FA9];
	_ =	sdelay $0x3  }
0x36: {  	p1 =	seq.s32 s10, $0x1;
	s10 =	sld [smem:$0x3FAA];
	_ =	sdelay $0x3  }
0x37: {  	[smem:$0x3FAA] =	sst s10  }
0x38: {  	s10 =	sld [smem:$0x3FAB]  }
0x39: {  	_ = 	snop;
	(pc) =	sbr.ind lr, $3  }
0x3a: {  	_ = 	snop  }
0x3b: {  	_ = 	snop  }
0x3c: {  	p2 =	seq.s32 s10, $0x1;
	s10 =	sld [smem:$0x3FAA]  }
0x3d: {  	_ =	shalt  }
0x3e: {  	_ =	shalt  }
0x3f: {  	_ =	shalt  }
0x40: {  	_ =	shalt  }
0x41: {  	_ =	shalt  }
0x42: {  	_ =	shalt  }
0x43: {  	_ =	shalt  }
0x44: {  	_ =	shalt  }
0x45: {  	_ =	shalt  }
0x46: {  	_ =	shalt  }
0x47: {  	_ =	shalt  }
0x48: {  	_ =	shalt  }
0x49: {  	_ =	shalt  }
0x4a: {  	_ =	shalt  }
0x4b: {  	_ =	shalt  }
0x4c: {  	_ =	shalt  }
0x4d: {  	_ =	shalt  }
0x4e: {  	_ =	shalt  }
0x4f: {  	_ =	shalt  }
0x50: {  	_ =	shalt  }
0x51: {  	_ =	shalt  }
0x52: {  	_ =	shalt  }
0x53: {  	_ =	shalt  }
0x54: {  	_ =	shalt  }
0x55: {  	_ =	shalt  }
0x56: {  	_ =	shalt  }
0x57: {  	_ =	shalt  }
0x58: {  	_ =	shalt  }
0x59: {  	_ =	shalt  }
0x5a: {  	_ =	shalt  }
0x5b: {  	_ =	shalt  }
0x5c: {  	_ =	shalt  }
0x5d: {  	_ =	shalt  }
0x5e: {  	_ =	shalt  }
0x5f: {  	_ =	shalt  }
0x60: {  	_ =	shalt  }
0x61: {  	_ =	shalt  }
0x62: {  	_ =	shalt  }
0x63: {  	_ =	shalt  }
0x64: {  	_ =	shalt  }
0x65: {  	_ =	shalt  }
0x66: {  	_ =	shalt  }
0x67: {  	_ =	shalt  }
0x68: {  	_ =	shalt  }
0x69: {  	_ =	shalt  }
0x6a: {  	_ =	shalt  }
0x6b: {  	_ =	shalt  }
0x6c: {  	_ =	shalt  }
0x6d: {  	_ =	shalt  }
0x6e: {  	_ =	shalt  }
0x6f: {  	_ =	shalt  }
0x70: {  	_ =	shalt  }
0x71: {  	_ =	shalt  }
0x72: {  	_ =	shalt  }
0x73: {  	_ =	shalt  }
0x74: {  	_ =	shalt  }
0x75: {  	_ =	shalt  }
0x76: {  	_ =	shalt  }
0x77: {  	_ =	shalt  }
0x78: {  	_ =	shalt  }
0x79: {  	_ =	shalt  }
0x7a: {  	_ =	shalt  }
0x7b: {  	_ =	shalt  }
0x7c: {  	_ =	shalt  }
0x7d: {  	_ =	shalt  }
0x7e: {  	_ =	shalt  }
0x7f: {  	_ =	shalt  }
0x80: {  	_ =	shalt  }
0x81: {  	_ =	shalt  }
0x82: {  	_ =	shalt  }
0x83: {  	_ =	shalt  }
0x84: {  	_ =	shalt  }
0x85: {  	_ =	shalt  }
0x86: {  	_ =	shalt  }
0x87: {  	_ =	shalt  }
.Lfunc_end0:
.L_simem_size_0:
called_computation.3_lowered:
.L_overlay_start_0:
0x88: {  	s2 =	sld [smem:$0x3FD9]  }
0x89: {  	s3 =	sld [smem:$0x3FFE];
	_ =	sdelay $0x1  }
0x8a: {  	s1 =	srdreg.scid  }
0x8b: {  	s0 =	sand.u32 $0x1, s1  }
0x8c: {  	s14 =	sshll.u32 s0, $0xA;
	s2 =	sadd.s32 s3, s2  }
0x8d: {  	s2 =	sadd.s32 s2, s14  }
0x8e: {  	[smem:$0x3FB6] =	sst s2  }
0x8f: {  	_ = 	snop  }
0x90: {  	s2 =	sld [smem:$0x3FD0];
	_ =	sdelay $0x2  }
0x91: {  	s15 =	simm.s32 $0xB;
	s4 =	simm.s32 $0x10  }
0x92: {  	[smem:s4], [sflag:s15] =	dma.local [hbm:s2], $0x1  }
0x93: {  	_ =	swait.eq [sflag:s15], $0x1  }
0x94: {  	[sflag:s15] =	ssyncset.done $0x0  }
0x95: {  	[sflag:s15] =	ssyncadd.s32 $0xFFFFFFFF  }
0x96: {  	s16 =	sld [smem:$0x12];
	(tm) =	ssettm $0x1  }
0x97: {  	s17 =	sld [smem:$0x3FFB];
	_ =	sdelay $0x3  }
0x98: {  	_ =	strace s17  }
0x99: {  	s3 =	sld [smem:$0x3FFC];
	_ =	sdelay $0x3  }
0x9a: {  	_ =	strace s3  }
0x9b: {  	s3 =	sld [smem:$0x3FFD];
	_ =	sdelay $0x3  }
0x9c: {  	_ =	strace s3  }
0x9d: {  	_ =	strace $0x8FFFFFFF  }
0x9e: {  	s18 =	sld [smem:$0x3FDB];
	_ =	sdelay $0x1  }
0x9f: {  	s19 =	simm.s32 $_scs_section_size  }
0xa0: {  	s5 =	simm.s32 $_size__tile_overlayer_lowered;
	s6 =	simm.s32 $_tile_overlayer_lowered  }
0xa1: {  	s22 =	simm.s32 $0x1BFF;
	s21 =	sshll.u32 s6, $0x1;
	s3 =	sadd.s32 s19, s18  }
0xa2: {  	s7 =	simm.s32 $0x0;
	s20 =	sshll.u32 s5, $0x1;
	s5 =	sadd.s32 s21, s3  }
0xa3: {  	[timem:s7], [sflag:s22] =	dma.local [hbm:s5], s20  }
0xa4: {  	_ =	swait.ge [sflag:s22], s20  }
0xa5: {  	s4 =	ssub.s32 $0x0, s20;
	[sflag:s22] =	ssyncset.done $0x0  }
0xa6: {  	[sflag:s22] =	ssyncadd.s32 s4;
	_ =	sdelay $0x1  }
0xa7: {  	s23 =	simm.s32 $0x1B8B  }
0xa8: {  	_ =	swait.ge [sflag:s23], $0x1  }
0xa9: {  	[sflag:s23] =	ssyncset.done $0x0  }
0xaa: {  	s25 =	simm.s32 $0x1B8E;
	s24 =	sld [smem:$0x3FFE];
	[sflag:s23] =	ssyncadd.s32 $0xFFFFFFFF  }
0xab: {  	s26 =	simm.s32 $execute0_lowered;
	[smem:$0x3FD2] =	sst s25  }
0xac: {  	s5 =	sshll.u32 s26, $0x1;
	_ =	strace $0x8000004F;
	[dreg:$0x1] =	wrdreg $0xFFFFFFFF  }
0xad: {  	s28 =	simm.s32 $_size_execute0_lowered;
	s3 =	sadd.s32 s3, s5;
	[dreg:$0x0] =	wrdreg $0x0  }
0xae: {  	s5 =	sshll.u32 s28, $0x1;
	[dreg:$0x2] =	wrdreg s3  }
0xaf: {  	[dreg:$0x3] =	wrdreg s5  }
0xb0: {  	[dreg:$0x4] =	wrdreg $0xC0  }
0xb1: {  	_ =	task [dreg:s7], $0x5FFFF  }
0xb2: {  	[dreg:$0x1] =	wrdreg $0xFFFFFFFF  }
0xb3: {  	[dreg:$0x0] =	wrdreg $0x60  }
0xb4: {  	[dreg:$0x2] =	wrdreg s16  }
0xb5: {  	[dreg:$0x3] =	wrdreg s24  }
0xb6: {  	[dreg:$0x4] =	wrdreg $0x13C400  }
0xb7: {  	[dreg:$0x5] =	wrdreg $0x9  }
0xb8: {  	_ =	task.clear_ibuf [dreg:s7], $0x6FFFF;
	_ =	strace $0x9000004F  }
0xb9: {  	s29 =	simm.s32 $0x9;
	_ =	strace $0x80000051  }
0xba: {  	_ =	swait.ge [sflag:s29], $0x1  }
0xbb: {  	[sflag:s29] =	ssyncadd.s32 $0xFFFFFFFF  }
0xbc: {  	_ =	strace $0x90000051  }
0xbd: {  	_ =	sfence  }
0xbe: {  	s30 =	sld [smem:$0x0];
	_ =	sdelay $0x2  }
0xbf: {  	s31 =	sshll.u32 s1, $0xD;
	s1 =	sshrl.u32 s1, $0x2  }
0xc0: {  	s3 =	sand.u32 $0x4000, s31;
	s1 =	sadd.s32 s1, s30  }
0xc1: {  	s0 =	sor.u32 s3, s0;
	s1 =	sshll.u32 s1, $0x11  }
0xc2: {  	s0 =	sor.u32 s1, s0  }
0xc3: {  	s0 =	sadd.s32 $0x8F2B, s0  }
0xc4: {  	[sflag:s0] =	ssyncadd.remote.s32 $0x1  }
0xc5: {  	_ =	sfence.sel $0xFFFF  }
0xc6: {  	[dreg:$0x0] =	wrdreg $0xFFFFFFFF;
	(pc) =	sbr.abs _section_cstart, $3  }
0xc7: {  	[dreg:$0x1] =	wrdreg $0xFFFFFFFF  }
0xc8: {  	_ =	task.clear_ibuf [dreg:s7], $0x2FFFF;
	_ =	strace $0x9FFFFFFF  }
0xc9: {  	(tm) =	ssettm $0x7FFFFFFF  }
tec
execute0_lowered:
.L_overlay_start_1:
0x0: {  	(tag) =	ssettag $0x1  }
0x1: {  	s0 =	rddreg [dreg:$0x0]  }
0x2: {  	s1 =	rddreg [dreg:$0x1]  }
0x3: {  	s2 =	rddreg [dreg:$0x2];
	s13 =	stileid.u32;
	s3 =	simm.s32 $0x0  }
0x4: {  	s5 =	srdreg.scid;
	s10 =	simm.s32 $0xB;
	s11 =	simm.s32 $0x7D  }
0x5: {  	s12 =	simm.s32 $0xA000;
	s14 =	simm.s32 $0xBF40;
	s16 =	simm.s32 $0xDE80  }
0x6: {  	s18 =	simm.s32 $0xFDC0;
	s20 =	simm.s32 $0x11D00;
	s28 =	simm.s32 $0x4  }
0x7: {  	s29 =	simm.s32 $0x5;
	s30 =	simm.s32 $0x6;
	s4 =	smul.u32 $0xA00, s13  }
0x8: {  	s31 =	simm.s32 $0x7;
	[smem:$0x7FF] =	sst s3;
	s6 =	smul.u32 $0x13880, s13  }
0x9: {  	s5 =	sand.u32 $0x1, s5;
	s9 =	smul.u32 $0x9C40, s13;
	s26 =	sshll.u32 s13, $0x6  }
0xa: {  	s13 =	simm.s32 $0x0;
	_ =	strace $0x80000050;
	s7 =	sshll.u32 s5, $0x6  }
0xb: {  	s23 =	ssub.s32 $0x2, s5;
	s5 =	smul.u32 $0x13880, s5;
	s22 =	sor.u32 $0x1C0B, s26  }
0xc: {  	s26 =	simm.s32 $0x3;
	s4 =	sadd.s32 s4, s1;
	s6 =	sor.u32 s7, s6  }
0xd: {  	s8 =	sshrl.u32 s23, $0x1;
	s24 =	sadd.s32 s9, s2;
	s25 =	sshrl.u32 s9, $0x3  }
0xe: {  	s9 =	simm.s32 $0x10;
	s6 =	sshrl.u32 s6, $0x3;
	s7 =	ssub.s32 s23, s8  }
0xf: {  	s4 =	sadd.s32 $0x5600, s4;
	s5 =	sadd.s32 s0, s5;
	s23 =	sshrl.u32 s24, $0x3  }
0x10: {  	s24 =	simm.s32 $0x1;
	s0 =	simm.s32 $0x8;
	s8 =	simm.s32 $0xA  }
0x11: {  	s1 =	sadd.s32 s6, s1;
	s7 =	smax.u32 s7, $0x1;
	s21 =	sadd.s32 s25, s5  }
0x12: {  	s25 =	simm.s32 $0x2;
	s6 =	sadd.s32 $0x67800, s1;
	s1 =	simm.s32 $0x9  }
.LBB2_1:
0x13: {  	s15 =	simm.s32 $0x5000;
	s17 =	simm.s32 $0x50000  }
0x14: {  	[tilespmem:s3], [sflag:$0xB] =	stream.strided.gather [hbm4b:s4+s15], $0xA000, s17, s15, $0x38;
	[tilespmem:$0x1D880] =	vst v63  }
0x15: {  	_ =	swait.ge [sflag:s10], $0xA000  }
0x16: {  	[sflag:s10] =	ssyncset.done $0x0  }
0x17: {  	[sflag:s10] =	ssyncadd.s32 $0xFFFF6000  }
0x18: {  	[tilespmem:s12], [sflag:$0x1] =	stream.indirect.gather [hbm4b:s5+s11], $0x40, s3, s11, $0xb8;
	[tilespmem:$0x1D880] =	vst v63  }
0x19: {  	s19 =	simm.s32 $0x80  }
0x1a: {  	[tilespmem:s14], [sflag:$0x2] =	stream.indirect.gather [hbm4b:s5+s11], $0x40, s19, s11, $0xb8;
	[tilespmem:$0x1D880] =	vst v63  }
0x1b: {  	s17 =	simm.s32 $0x100  }
0x1c: {  	[tilespmem:s16], [sflag:$0x3] =	stream.indirect.gather [hbm4b:s5+s11], $0x40, s17, s11, $0xb8;
	[tilespmem:$0x1D880] =	vst v63  }
0x1d: {  	s19 =	simm.s32 $0x180  }
0x1e: {  	[tilespmem:s18], [sflag:$0x4] =	stream.indirect.gather [hbm4b:s5+s11], $0x40, s19, s11, $0xb8;
	[tilespmem:$0x1D880] =	vst v63  }
0x1f: {  	s17 =	simm.s32 $0x200  }
0x20: {  	[tilespmem:s20], [sflag:$0x5] =	stream.indirect.gather [hbm4b:s5+s11], $0x40, s17, s11, $0xb8;
	[tilespmem:$0x1D880] =	vst v63  }
0x21: {  	[spmem:s23], [sflag:s22] =	dma.local [hbm:s21], $0x1388  }
0x22: {  	_ =	swait.ge [sflag:s10], $0x1388  }
0x23: {  	[sflag:s10] =	ssyncset.done $0x0  }
0x24: {  	[sflag:s10] =	ssyncadd.s32 $0xFFFFEC78  }
0x25: {  	[bflag:$0x0] =	sbarrier.arrive $0xFFFF  }
0x26: {  	_ =	swait.ge [sflag:s24], $0x1F40  }
0x27: {  	[sflag:s24] =	ssyncset.done $0x0  }
0x28: {  	s19 =	simm.s32 $0x5000;
	[sflag:s24] =	ssyncadd.s32 $0xFFFFE0C0  }
0x29: {  	[spmem:s2] =	stream.indirect.scatter.add.f32 [tilespmem:s12], [sflag:$0x6], $0x40, s19, s11, $0xb8;
	[tilespmem:$0x1D880] =	vst v63  }
0x2a: {  	_ =	swait.ge [sflag:s25], $0x1F40  }
0x2b: {  	[sflag:s25] =	ssyncset.done $0x0  }
0x2c: {  	s17 =	simm.s32 $0x5080;
	[sflag:s25] =	ssyncadd.s32 $0xFFFFE0C0  }
0x2d: {  	[spmem:s2] =	stream.indirect.scatter.add.f32 [tilespmem:s14], [sflag:$0x7], $0x40, s17, s11, $0xb8;
	[tilespmem:$0x1D880] =	vst v63  }
0x2e: {  	_ =	swait.ge [sflag:s26], $0x1F40  }
0x2f: {  	[sflag:s26] =	ssyncset.done $0x0  }
0x30: {  	s19 =	simm.s32 $0x5100;
	[sflag:s26] =	ssyncadd.s32 $0xFFFFE0C0  }
0x31: {  	[spmem:s2] =	stream.indirect.scatter.add.f32 [tilespmem:s16], [sflag:$0x8], $0x40, s19, s11, $0xb8;
	[tilespmem:$0x1D880] =	vst v63  }
0x32: {  	_ =	swait.ge [sflag:s28], $0x1F40  }
0x33: {  	[sflag:s28] =	ssyncset.done $0x0  }
0x34: {  	s17 =	simm.s32 $0x5180;
	[sflag:s28] =	ssyncadd.s32 $0xFFFFE0C0  }
0x35: {  	[spmem:s2] =	stream.indirect.scatter.add.f32 [tilespmem:s18], [sflag:$0x9], $0x40, s17, s11, $0xb8;
	[tilespmem:$0x1D880] =	vst v63  }
0x36: {  	_ =	swait.ge [sflag:s29], $0x1F40  }
0x37: {  	[sflag:s29] =	ssyncset.done $0x0  }
0x38: {  	s19 =	simm.s32 $0x5200;
	[sflag:s29] =	ssyncadd.s32 $0xFFFFE0C0  }
0x39: {  	[spmem:s2] =	stream.indirect.scatter.add.f32 [tilespmem:s20], [sflag:$0xA], $0x40, s19, s11, $0xb8;
	[tilespmem:$0x1D880] =	vst v63  }
0x3a: {  	_ =	swait.ge [sflag:s30], $0x1F40  }
0x3b: {  	[sflag:s30] =	ssyncset.done $0x0  }
0x3c: {  	s17 =	simm.s32 $0x280;
	[sflag:s30] =	ssyncadd.s32 $0xFFFFE0C0  }
0x3d: {  	[tilespmem:s12], [sflag:$0x1] =	stream.indirect.gather [hbm4b:s5+s11], $0x40, s17, s11, $0xb8;
	[tilespmem:$0x1D880] =	vst v63  }
0x3e: {  	_ =	swait.ge [sflag:s31], $0x1F40  }
0x3f: {  	[sflag:s31] =	ssyncset.done $0x0  }
0x40: {  	s19 =	simm.s32 $0x300;
	[sflag:s31] =	ssyncadd.s32 $0xFFFFE0C0  }
0x41: {  	[tilespmem:s14], [sflag:$0x2] =	stream.indirect.gather [hbm4b:s5+s11], $0x40, s19, s11, $0xb8;
	[tilespmem:$0x1D880] =	vst v63  }
0x42: {  	_ =	swait.ge [sflag:s0], $0x1F40  }
0x43: {  	[sflag:s0] =	ssyncset.done $0x0  }
0x44: {  	s17 =	simm.s32 $0x380;
	[sflag:s0] =	ssyncadd.s32 $0xFFFFE0C0  }
0x45: {  	[tilespmem:s16], [sflag:$0x3] =	stream.indirect.gather [hbm4b:s5+s11], $0x40, s17, s11, $0xb8;
	[tilespmem:$0x1D880] =	vst v63  }
0x46: {  	_ =	swait.ge [sflag:s1], $0x1F40  }
0x47: {  	[sflag:s1] =	ssyncset.done $0x0  }
0x48: {  	s19 =	simm.s32 $0x400;
	[sflag:s1] =	ssyncadd.s32 $0xFFFFE0C0  }
0x49: {  	[tilespmem:s18], [sflag:$0x4] =	stream.indirect.gather [hbm4b:s5+s11], $0x40, s19, s11, $0xb8;
	[tilespmem:$0x1D880] =	vst v63  }
0x4a: {  	_ =	swait.ge [sflag:s8], $0x1F40  }
0x4b: {  	[sflag:s8] =	ssyncset.done $0x0  }
0x4c: {  	s15 =	simm.s32 $0xA00;
	s17 =	simm.s32 $0x480;
	[sflag:s8] =	ssyncadd.s32 $0xFFFFE0C0  }
.LBB2_2:
0x4d: {  	[tilespmem:s20], [sflag:$0x5] =	stream.indirect.gather [hbm4b:s5+s11], $0x40, s17, s11, $0xb8;
	[tilespmem:$0x1D880] =	vst v63  }
0x4e: {  	s17 =	smov.u32 s15  }
0x4f: {  	p0 =	sne.s32 s15, $0x12C00;
	s15 =	sadd.s32 $0xA00, s15;
	_ =	swait.ge [sflag:s24], $0x1F40  }
0x50: {  	s17 =	sshra.s32 s17, $0x2;
	[sflag:s24] =	ssyncset.done $0x0  }
0x51: {  	s19 =	sadd.s32 $0x5000, s17;
	[sflag:s24] =	ssyncadd.s32 $0xFFFFE0C0  }
0x52: {  	[spmem:s2] =	stream.indirect.scatter.add.f32 [tilespmem:s12], [sflag:$0x6], $0x40, s19, s11, $0xb8;
	[tilespmem:$0x1D880] =	vst v63  }
0x53: {  	_ =	swait.ge [sflag:s25], $0x1F40  }
0x54: {  	[sflag:s25] =	ssyncset.done $0x0  }
0x55: {  	s19 =	sadd.s32 $0x5080, s17;
	[sflag:s25] =	ssyncadd.s32 $0xFFFFE0C0  }
0x56: {  	[spmem:s2] =	stream.indirect.scatter.add.f32 [tilespmem:s14], [sflag:$0x7], $0x40, s19, s11, $0xb8;
	[tilespmem:$0x1D880] =	vst v63  }
0x57: {  	_ =	swait.ge [sflag:s26], $0x1F40  }
0x58: {  	[sflag:s26] =	ssyncset.done $0x0  }
0x59: {  	s19 =	sadd.s32 $0x5100, s17;
	[sflag:s26] =	ssyncadd.s32 $0xFFFFE0C0  }
0x5a: {  	[spmem:s2] =	stream.indirect.scatter.add.f32 [tilespmem:s16], [sflag:$0x8], $0x40, s19, s11, $0xb8;
	[tilespmem:$0x1D880] =	vst v63  }
0x5b: {  	_ =	swait.ge [sflag:s28], $0x1F40  }
0x5c: {  	[sflag:s28] =	ssyncset.done $0x0  }
0x5d: {  	s19 =	sadd.s32 $0x5180, s17;
	[sflag:s28] =	ssyncadd.s32 $0xFFFFE0C0  }
0x5e: {  	[spmem:s2] =	stream.indirect.scatter.add.f32 [tilespmem:s18], [sflag:$0x9], $0x40, s19, s11, $0xb8;
	[tilespmem:$0x1D880] =	vst v63  }
0x5f: {  	_ =	swait.ge [sflag:s29], $0x1F40  }
0x60: {  	[sflag:s29] =	ssyncset.done $0x0  }
0x61: {  	s19 =	sadd.s32 $0x5200, s17;
	[sflag:s29] =	ssyncadd.s32 $0xFFFFE0C0  }
0x62: {  	[spmem:s2] =	stream.indirect.scatter.add.f32 [tilespmem:s20], [sflag:$0xA], $0x40, s19, s11, $0xb8;
	[tilespmem:$0x1D880] =	vst v63  }
0x63: {  	_ =	swait.ge [sflag:s30], $0x1F40  }
0x64: {  	[sflag:s30] =	ssyncset.done $0x0  }
0x65: {  	s19 =	sadd.s32 $0x280, s17;
	[sflag:s30] =	ssyncadd.s32 $0xFFFFE0C0  }
0x66: {  	[tilespmem:s12], [sflag:$0x1] =	stream.indirect.gather [hbm4b:s5+s11], $0x40, s19, s11, $0xb8;
	[tilespmem:$0x1D880] =	vst v63  }
0x67: {  	_ =	swait.ge [sflag:s31], $0x1F40  }
0x68: {  	[sflag:s31] =	ssyncset.done $0x0  }
0x69: {  	s19 =	sadd.s32 $0x300, s17;
	[sflag:s31] =	ssyncadd.s32 $0xFFFFE0C0  }
0x6a: {  	[tilespmem:s14], [sflag:$0x2] =	stream.indirect.gather [hbm4b:s5+s11], $0x40, s19, s11, $0xb8;
	[tilespmem:$0x1D880] =	vst v63  }
0x6b: {  	_ =	swait.ge [sflag:s0], $0x1F40  }
0x6c: {  	[sflag:s0] =	ssyncset.done $0x0  }
0x6d: {  	s19 =	sadd.s32 $0x380, s17;
	[sflag:s0] =	ssyncadd.s32 $0xFFFFE0C0  }
0x6e: {  	[tilespmem:s16], [sflag:$0x3] =	stream.indirect.gather [hbm4b:s5+s11], $0x40, s19, s11, $0xb8;
	[tilespmem:$0x1D880] =	vst v63  }
0x6f: {  	_ =	swait.ge [sflag:s1], $0x1F40  }
0x70: {  	[sflag:s1] =	ssyncset.done $0x0  }
.Ltmp0:
0x71: {  	s19 =	sadd.s32 $0x400, s17;
	[sflag:s1] =	ssyncadd.s32 $0xFFFFE0C0;
	(pc) =	sbr.rel @p0 .LBB2_2-.Ltmp0, $4  }
0x72: {  	[tilespmem:s18], [sflag:$0x4] =	stream.indirect.gather [hbm4b:s5+s11], $0x40, s19, s11, $0xb8;
	[tilespmem:$0x1D880] =	vst v63  }
0x73: {  	_ =	swait.ge [sflag:s8], $0x1F40  }
0x74: {  	[sflag:s8] =	ssyncset.done $0x0  }
0x75: {  	s17 =	sadd.s32 $0x480, s17;
	[sflag:s8] =	ssyncadd.s32 $0xFFFFE0C0  }
0x76: {  	[tilespmem:s20], [sflag:$0x5] =	stream.indirect.gather [hbm4b:s5+s11], $0x40, s17, s11, $0xb8;
	[tilespmem:$0x1D880] =	vst v63  }
0x77: {  	_ =	swait.ge [sflag:s24], $0x1F40  }
0x78: {  	[sflag:s24] =	ssyncset.done $0x0  }
0x79: {  	s15 =	simm.s32 $0x9D80;
	[sflag:s24] =	ssyncadd.s32 $0xFFFFE0C0  }
0x7a: {  	[spmem:s2] =	stream.indirect.scatter.add.f32 [tilespmem:s12], [sflag:$0x6], $0x40, s15, s11, $0xb8;
	[tilespmem:$0x1D880] =	vst v63  }
0x7b: {  	_ =	swait.ge [sflag:s25], $0x1F40  }
0x7c: {  	[sflag:s25] =	ssyncset.done $0x0  }
0x7d: {  	s17 =	simm.s32 $0x9E00;
	[sflag:s25] =	ssyncadd.s32 $0xFFFFE0C0  }
0x7e: {  	[spmem:s2] =	stream.indirect.scatter.add.f32 [tilespmem:s14], [sflag:$0x7], $0x40, s17, s11, $0xb8;
	[tilespmem:$0x1D880] =	vst v63  }
0x7f: {  	_ =	swait.ge [sflag:s26], $0x1F40  }
0x80: {  	[sflag:s26] =	ssyncset.done $0x0  }
0x81: {  	s19 =	simm.s32 $0x9E80;
	[sflag:s26] =	ssyncadd.s32 $0xFFFFE0C0  }
0x82: {  	[spmem:s2] =	stream.indirect.scatter.add.f32 [tilespmem:s16], [sflag:$0x8], $0x40, s19, s11, $0xb8;
	[tilespmem:$0x1D880] =	vst v63  }
0x83: {  	_ =	swait.ge [sflag:s28], $0x1F40  }
0x84: {  	[sflag:s28] =	ssyncset.done $0x0  }
0x85: {  	s17 =	simm.s32 $0x9F00;
	[sflag:s28] =	ssyncadd.s32 $0xFFFFE0C0  }
0x86: {  	[spmem:s2] =	stream.indirect.scatter.add.f32 [tilespmem:s18], [sflag:$0x9], $0x40, s17, s11, $0xb8;
	[tilespmem:$0x1D880] =	vst v63  }
0x87: {  	_ =	swait.ge [sflag:s29], $0x1F40  }
0x88: {  	[sflag:s29] =	ssyncset.done $0x0  }
0x89: {  	s19 =	simm.s32 $0x9F80;
	[sflag:s29] =	ssyncadd.s32 $0xFFFFE0C0  }
0x8a: {  	[spmem:s2] =	stream.indirect.scatter.add.f32 [tilespmem:s20], [sflag:$0xA], $0x40, s19, s11, $0xb8;
	[tilespmem:$0x1D880] =	vst v63  }
0x8b: {  	_ =	swait.ge [sflag:s30], $0x1F40  }
0x8c: {  	[sflag:s30] =	ssyncset.done $0x0  }
0x8d: {  	[sflag:s30] =	ssyncadd.s32 $0xFFFFE0C0  }
0x8e: {  	_ =	swait.ge [sflag:s31], $0x1F40  }
0x8f: {  	[sflag:s31] =	ssyncset.done $0x0  }
0x90: {  	[sflag:s31] =	ssyncadd.s32 $0xFFFFE0C0  }
0x91: {  	_ =	swait.ge [sflag:s0], $0x1F40  }
0x92: {  	[sflag:s0] =	ssyncset.done $0x0  }
0x93: {  	[sflag:s0] =	ssyncadd.s32 $0xFFFFE0C0  }
0x94: {  	_ =	swait.ge [sflag:s1], $0x1F40  }
0x95: {  	[sflag:s1] =	ssyncset.done $0x0  }
0x96: {  	[sflag:s1] =	ssyncadd.s32 $0xFFFFE0C0  }
0x97: {  	_ =	swait.ge [sflag:s8], $0x1F40  }
0x98: {  	s13 =	sadd.s32 $0x1, s13;
	[sflag:s8] =	ssyncset.done $0x0  }
0x99: {  	p0 =	sne.s32 s13, s7;
	[sflag:s8] =	ssyncadd.s32 $0xFFFFE0C0  }
.Ltmp1:
0x9a: {  	[bflag:$0x0] =	sbarrier.arrive $0xFFFF;
	(pc) =	sbr.rel @p0 .LBB2_1-.Ltmp1, $4  }
0x9b: {  	[hbm:s6@s9], [sflag:s22] =	dma.strided [spmem:s23@s0], $0x1388, s24, $0x8   }
0x9c: {  	_ =	swait.ge [sflag:s10], $0x1388  }
0x9d: {  	[sflag:s10] =	ssyncset.done $0x0  }
0x9e: {  	[sflag:s10] =	ssyncadd.s32 $0xFFFFEC78  }
0x9f: {  	_ =	sfence.sel $0x180000  }
0xa0: {  	[bflag:$0x0] =	sbarrier.arrive $0xFFFF  }
0xa1: {  	_ =	strace $0x90000050  }
0xa2: {  	s0 =	stileid.u32;
	[bflag:$0x2] =	sbarrier.arrive $0xFFFF  }
0xa3: {  	p0 =	sne.s32 s0, $0x0;
	s0 =	rddreg [dreg:$0x3]  }
0xa4: {  	s0 =	sadd.s32 @!p0 $0x100000, s0  }
0xa5: {  	[sflag:s0] =	ssyncadd.tile.s32 @!p0 $0x1;
	_ =	shalt  }
.Lfunc_end2:
_tile_overlayer_lowered:
.L_overlay_start_2:
0xa6: {  	(tag) =	ssettag $0x2  }
0xa7: {  	s0 =	rddreg [dreg:$0x0];
	s2 =	stileid.u32  }
0xa8: {  	s1 =	rddreg [dreg:$0x1];
	p0 =	sne.s32 s2, $0x0  }
0xa9: {  	s3 =	rddreg [dreg:$0x2];
	[bflag:$0x3] =	sbarrier.arrive $0xFFFF;
	s2 =	simm.s32 @!p0 $0x1C0B  }
0xaa: {  	[timem:s3], [sflag:s2] =	dma.local @!p0 [hbm:s0], s1  }
0xab: {  	s0 =	simm.s32 @!p0 $0xB  }
0xac: {  	_ =	swait.ge @!p0 [sflag:s0], s1  }
0xad: {  	s1 =	ssub.s32 @!p0 $0x0, s1;
	[sflag:s0] =	ssyncset.done @!p0 $0x0  }
0xae: {  	[sflag:s0] =	ssyncadd.s32 @!p0 s1  }
0xaf: {  	[bflag:$0x3] =	sbarrier.arrive $0xFFFF  }
0xb0: {  	_ =	shalt  }

</sc_bundles>
